<compile_context>
chip_gen: v7x
topology: tpu7x:2x2x1
jax: 0.10.2.dev20260603
libtpu: 0.0.44.dev20260713+nightly
codegen_flags: <defaults>
</compile_context>

<pallas_src>
import functools

import jax
import jax.numpy as jnp
from jax import lax
from jax.experimental import pallas as pl
from jax.experimental.pallas import tpu as pltpu
from jax.experimental.pallas import tpu_sc as plsc

N_NODES = 50000
EMBED_DIM = 512
NUM_GRAPHS = 100
MAX_NODES = 512
GPAD = 128
BLK = 5120
NBP = 10
SIMS_LEN = NBP * BLK

_HI = jax.lax.Precision.HIGHEST


def _tc_body(batch_ref, x_ref, ga_ref, w1_ref, b1_ref, w2_ref, b2_ref,
             temp_ref, sims_ref, starts_ref, pn_scr, pnsq_scr, cnt_scr):
    i = pl.program_id(0)
    nb = pl.num_programs(0)

    @pl.when(i == 0)
    def _init():
        h = lax.dot_general(ga_ref[...], w1_ref[...], (((1,), (1,)), ((), ())),
                            preferred_element_type=jnp.float32, precision=_HI)
        h = jnp.maximum(h + b1_ref[...], 0.0)
        pn = lax.dot_general(h, w2_ref[...], (((1,), (1,)), ((), ())),
                             preferred_element_type=jnp.float32, precision=_HI)
        pn = pn + b2_ref[...]
        pn_scr[0:NUM_GRAPHS, :] = pn
        pnsq_scr[...] = jnp.broadcast_to(
            jnp.pad(jnp.sum(pn * pn, axis=1, keepdims=True),
                    ((0, GPAD - NUM_GRAPHS), (0, 0))), (GPAD, GPAD))
        cnt_scr[...] = jnp.zeros((GPAD, GPAD), jnp.float32)

    xb = x_ref[...]
    bb = batch_ref[...].reshape(1, BLK)
    xb_bf = xb.astype(jnp.bfloat16)
    pn_bf = pn_scr[...].astype(jnp.bfloat16)
    dots = lax.dot_general(pn_bf, xb_bf, (((1,), (1,)), ((), ())),
                           preferred_element_type=jnp.float32)
    xsq = lax.dot_general(jnp.ones((1, EMBED_DIM), jnp.bfloat16),
                          xb_bf * xb_bf, (((1,), (1,)), ((), ())),
                          preferred_element_type=jnp.float32)
    giota = lax.broadcasted_iota(jnp.int32, (GPAD, BLK), 0)
    niota = lax.broadcasted_iota(jnp.int32, (1, BLK), 1) + i * BLK
    oh = (giota == bb) & (niota < N_NODES)
    contrib = jnp.where(oh, pnsq_scr[:, 0:1] - 2.0 * dots, 0.0)
    d2 = xsq + jnp.sum(contrib, axis=0, keepdims=True)
    inv_t = 1.0 / temp_ref[0, 0]
    sims_ref[...] = (-jnp.sqrt(jnp.maximum(d2, 0.0)) * inv_t).reshape(BLK)
    cnt_scr[...] += jnp.broadcast_to(
        jnp.sum(oh.astype(jnp.float32), axis=1, keepdims=True), (GPAD, GPAD))

    @pl.when(i == nb - 1)
    def _fin():
        r = lax.broadcasted_iota(jnp.int32, (GPAD, GPAD), 0)
        c = lax.broadcasted_iota(jnp.int32, (GPAD, GPAD), 1)
        lt = (c < r).astype(jnp.float32)
        starts = lax.dot_general(lt, cnt_scr[...], (((1,), (0,)), ((), ())),
                                 preferred_element_type=jnp.float32,
                                 precision=_HI)
        starts_ref[...] = jnp.round(starts).astype(jnp.int32)


def _tc_stage(batch, x, graph_attr, W1, b1r, W2, b2r, temp2, interpret=False):
    return pl.pallas_call(
        _tc_body,
        grid=(NBP,),
        in_specs=[
            pl.BlockSpec((BLK,), lambda i: (i,)),
            pl.BlockSpec((BLK, EMBED_DIM), lambda i: (i, 0)),
            pl.BlockSpec((NUM_GRAPHS, EMBED_DIM), lambda i: (0, 0)),
            pl.BlockSpec((EMBED_DIM, EMBED_DIM), lambda i: (0, 0)),
            pl.BlockSpec((1, EMBED_DIM), lambda i: (0, 0)),
            pl.BlockSpec((EMBED_DIM, EMBED_DIM), lambda i: (0, 0)),
            pl.BlockSpec((1, EMBED_DIM), lambda i: (0, 0)),
            pl.BlockSpec((1, 1), lambda i: (0, 0)),
        ],
        out_specs=[
            pl.BlockSpec((BLK,), lambda i: (i,)),
            pl.BlockSpec((GPAD, GPAD), lambda i: (0, 0)),
        ],
        out_shape=[
            jax.ShapeDtypeStruct((SIMS_LEN,), jnp.float32),
            jax.ShapeDtypeStruct((GPAD, GPAD), jnp.int32),
        ],
        scratch_shapes=[
            pltpu.VMEM((GPAD, EMBED_DIM), jnp.float32),
            pltpu.VMEM((GPAD, GPAD), jnp.float32),
            pltpu.VMEM((GPAD, GPAD), jnp.float32),
        ],
        compiler_params=pltpu.CompilerParams(
            dimension_semantics=("arbitrary",)),
        interpret=interpret,
    )(batch, x, graph_attr, W1, b1r, W2, b2r, temp2)


_NCHUNK = MAX_NODES // 16
_ROW_SRC = MAX_NODES + 16
_MAXROWS = 4


def _sc_body(sims_hbm, starts_hbm, out_hbm, swin, rowsrc, rowbuf, sem):
    wid = lax.axis_index("s") * 2 + lax.axis_index("c")
    g0 = wid * 3 + jnp.minimum(wid, 4)
    r0 = pl.multiple_of((g0 // 8) * 8, 8)
    d0 = g0 - r0
    pltpu.sync_copy(starts_hbm.at[pl.ds(r0, 16)], swin)
    iota = lax.iota(jnp.int32, 16)
    svals = [swin[d0 + k, pl.ds(0, 16)][0] for k in range(_MAXROWS + 1)]
    offs, cnts, copies = [], [], []
    for k in range(_MAXROWS):
        s_k = svals[k]
        base = pl.multiple_of((s_k // 16) * 16, 16)
        offs.append(s_k - base)
        cnts.append(svals[k + 1] - s_k)
        copies.append(pltpu.async_copy(
            sims_hbm.at[pl.ds(base, _ROW_SRC)],
            rowsrc.at[pl.ds(k * _ROW_SRC, _ROW_SRC)], sem))
    for cp in copies:
        cp.wait()
    for k in range(_MAXROWS):
        off, c_k = offs[k], cnts[k]
        for cidx in range(_NCHUNK):
            jv = iota + (cidx * 16)
            val = rowsrc[pl.ds((k * _ROW_SRC) + off + (cidx * 16), 16)]
            rowbuf[k, pl.ds(cidx * 16, 16)] = jnp.where(
                jv < c_k, val, jnp.float32(-1e9))
    for k in range(_MAXROWS - 1):
        pltpu.sync_copy(rowbuf.at[k],
                        out_hbm.at[pl.ds((g0 + k) * MAX_NODES, MAX_NODES)])

    @pl.when(wid < 4)
    def _last_row():
        k = _MAXROWS - 1
        pltpu.sync_copy(rowbuf.at[k],
                        out_hbm.at[pl.ds((g0 + k) * MAX_NODES, MAX_NODES)])


@functools.lru_cache(maxsize=1)
def _sc_scatter_fn():
    return pl.kernel(
        _sc_body,
        out_type=jax.ShapeDtypeStruct((NUM_GRAPHS * MAX_NODES,), jnp.float32),
        mesh=plsc.VectorSubcoreMesh(core_axis_name="c", subcore_axis_name="s"),
        scratch_types=[
            pltpu.VMEM((16, GPAD), jnp.int32),
            pltpu.VMEM((_MAXROWS * _ROW_SRC,), jnp.float32),
            pltpu.VMEM((_MAXROWS, MAX_NODES), jnp.float32),
            pltpu.SemaphoreType.DMA,
        ],
    )


def kernel(x, graph_attr, batch, W1, b1, W2, b2, temp):
    temp2 = jnp.reshape(temp, (1, 1)).astype(jnp.float32)
    b1r = b1.reshape(1, EMBED_DIM)
    b2r = b2.reshape(1, EMBED_DIM)
    sims, starts_m = _tc_stage(batch, x, graph_attr, W1, b1r, W2, b2r, temp2)
    dense = _sc_scatter_fn()(sims, starts_m)
    return dense.reshape(NUM_GRAPHS, MAX_NODES, 1)

# --- scband reference (transcript-rebuilt; emitter-appended) ---
"""Pipeline reference for scband-proto-action-network-56942676410978 (READ-ONLY COPY).

The authoritative reference and input builder live on the scoring server;
editing this copy changes nothing except your own understanding.
"""

import jax, jax.numpy as jnp
import numpy as np

EMBED_DIM = 512
MAX_NODES = 512
NUM_GRAPHS = 100
N_NODES = 50000


def setup_inputs(seed: int = 0) -> dict:
    key = jax.random.key(seed)
    k1, k2, k3, k4, k5, k6, k7 = jax.random.split(key, 7)
    x = jax.random.normal(k1, (N_NODES, EMBED_DIM), dtype=jnp.float32)
    graph_attr = jax.random.normal(k2, (NUM_GRAPHS, EMBED_DIM), dtype=jnp.float32)
    batch = jnp.sort(jax.random.randint(k3, (N_NODES,), 0, NUM_GRAPHS, dtype=jnp.int32))
    scale = 1.0 / np.sqrt(EMBED_DIM)
    W1 = jax.random.uniform(k4, (EMBED_DIM, EMBED_DIM), minval=-scale, maxval=scale, dtype=jnp.float32)
    b1 = jax.random.uniform(k5, (EMBED_DIM,), minval=-scale, maxval=scale, dtype=jnp.float32)
    W2 = jax.random.uniform(k6, (EMBED_DIM, EMBED_DIM), minval=-scale, maxval=scale, dtype=jnp.float32)
    b2 = jax.random.uniform(k7, (EMBED_DIM,), minval=-scale, maxval=scale, dtype=jnp.float32)
    temp = jnp.array(1.0, dtype=jnp.float32)
    return {"x": x, "graph_attr": graph_attr, "batch": batch, "W1": W1, "b1": b1, "W2": W2, "b2": b2, "temp": temp}


def reference(x, graph_attr, batch, W1, b1, W2, b2, temp):
    # action_predictor: Linear -> ReLU -> Linear (action_predictor_layers=2)
    h = graph_attr @ W1.T + b1
    h = jax.nn.relu(h)
    pn_output = h @ W2.T + b2  # [NUM_GRAPHS, EMBED_DIM]
    # per-node euclidean similarity to its graph's predicted prototype
    target = jnp.take(pn_output, batch, axis=0)  # [N_NODES, EMBED_DIM]
    diff = x - target
    sims = -jnp.sqrt(jnp.sum(diff * diff, axis=-1))  # -cdist, p=2
    sims = sims / temp
    # to_dense_batch with fill_value=-1e9, max_num_nodes=MAX_NODES
    counts = jnp.bincount(batch, length=NUM_GRAPHS)
    starts = jnp.concatenate([jnp.zeros((1,), dtype=counts.dtype), jnp.cumsum(counts)[:-1]])
    pos = jnp.arange(N_NODES, dtype=jnp.int32) - jnp.take(starts, batch).astype(jnp.int32)
    dense = jnp.full((NUM_GRAPHS, MAX_NODES, 1), -1e9, dtype=jnp.float32)
    dense = dense.at[batch, pos, 0].set(sims)
    return dense

if __name__ == "__main__":
    import jax
    _d = setup_inputs()
    print(jax.jit(kernel)(*tuple(_d.values())))

</pallas_src>

<mosaic_0001>
#map = affine_map<(d0, d1) -> (0)>
#map1 = affine_map<(d0, d1) -> (0, 0)>
module attributes {stable_mosaic.version = 14 : i64} {
  func.func @_sc_body(%arg0: i32, %arg1: i32, %arg2: memref<51200xf32, #tpu.memory_space<hbm>>, %arg3: memref<128x128xi32, #tpu.memory_space<hbm>>, %arg4: memref<51200xf32, #tpu.memory_space<hbm>>, %arg5: memref<16x128xi32, #tpu.memory_space<vmem>>, %arg6: memref<2112xf32, #tpu.memory_space<vmem>>, %arg7: memref<4x512xf32, #tpu.memory_space<vmem>>, %arg8: memref<!tpu.dma_semaphore, #tpu.memory_space<semaphore_mem>>) attributes {dimension_semantics = [#tpu.dimension_semantics<core_parallel>, #tpu.dimension_semantics<subcore_parallel>], iteration_bounds = array<i64: 2, 16>, scalar_prefetch = 0 : i64, scratch_operands = 4 : i64, tpu.core_type = #tpu.core_type<sc_vector_subcore>, window_params = [{transform_indices = #map}, {transform_indices = #map1}, {transform_indices = #map}]} {
    %mul3A = arith.constant 2 : i32
    %mul3A_0 = arith.muli %arg1, %mul3A : i32
    %add3A = arith.addi %mul3A_0, %arg0 : i32
    %mul3A_1 = arith.constant 3 : i32
    %mul3A_2 = arith.muli %add3A, %mul3A_1 : i32
    %min3A = arith.constant 4 : i32
    %min3A_3 = arith.minsi %add3A, %min3A : i32
    %add3A_4 = arith.addi %mul3A_2, %min3A_3 : i32
    %jit3A = arith.constant 8 : i32
    %div3A = arith.divsi %add3A_4, %jit3A : i32
    %sign3A = arith.constant 0 : i32
    %sign3A_5 = arith.cmpi sgt, %add3A_4, %sign3A : i32
    %sign3A_6 = arith.extui %sign3A_5 : i1 to i32
    %sign3A_7 = arith.constant 0 : i32
    %sign3A_8 = arith.cmpi slt, %add3A_4, %sign3A_7 : i32
    %sign3A_9 = arith.extui %sign3A_8 : i1 to i32
    %sign3A_10 = arith.subi %sign3A_6, %sign3A_9 : i32
    %sign3A_11 = arith.constant 0 : i32
    %sign3A_12 = arith.cmpi sgt, %jit3A, %sign3A_11 : i32
    %sign3A_13 = arith.extui %sign3A_12 : i1 to i32
    %sign3A_14 = arith.constant 0 : i32
    %sign3A_15 = arith.cmpi slt, %jit3A, %sign3A_14 : i32
    %sign3A_16 = arith.extui %sign3A_15 : i1 to i32
    %sign3A_17 = arith.subi %sign3A_13, %sign3A_16 : i32
    %ne3A = arith.cmpi ne, %sign3A_10, %sign3A_17 : i32
    %rem3A = arith.remsi %add3A_4, %jit3A : i32
    %ne3A_18 = arith.constant 0 : i32
    %ne3A_19 = arith.cmpi ne, %rem3A, %ne3A_18 : i32
    %and3A = arith.andi %ne3A, %ne3A_19 : i1
    %sub3A = arith.constant 1 : i32
    %sub3A_20 = arith.subi %div3A, %sub3A : i32
    %select_n3A = arith.select %and3A, %sub3A_20, %div3A : i32
    %mul3A_21 = arith.constant 8 : i32
    %mul3A_22 = arith.muli %select_n3A, %mul3A_21 : i32
    %multiple_of3A = tpu.assume_multiple %mul3A_22, 8 : i32
    %sub3A_23 = arith.subi %add3A_4, %multiple_of3A : i32
    "tpu.region"() ({
      %run_scoped3A_2925 = tpu.sem_alloc : memref<!tpu.dma_semaphore, #tpu.memory_space<semaphore_mem>>
      %dma_start3A_2926 = arith.constant 0 : i32
      %dma_start3A_2927 = tpu.memref_slice %arg3[%multiple_of3A, %dma_start3A_2926] : memref<128x128xi32, #tpu.memory_space<hbm>> -> memref<16x128xi32, #tpu.memory_space<hbm>>
      %dma_start3A_2928 = arith.constant 0 : i32
      %dma_start3A_2929 = tpu.memref_slice %arg3[%multiple_of3A, %dma_start3A_2928] : memref<128x128xi32, #tpu.memory_space<hbm>> -> memref<16x128xi32, #tpu.memory_space<hbm>>
      tpu.enqueue_dma source(%dma_start3A_2929 : memref<16x128xi32, #tpu.memory_space<hbm>>) target(%arg5 : memref<16x128xi32, #tpu.memory_space<vmem>>) target_semaphore(%run_scoped3A_2925 : memref<!tpu.dma_semaphore, #tpu.memory_space<semaphore_mem>>)
      %dma_wait3A_2930 = arith.constant 0 : i32
      %dma_wait3A_2931 = tpu.memref_slice %arg3[%multiple_of3A, %dma_wait3A_2930] : memref<128x128xi32, #tpu.memory_space<hbm>> -> memref<16x128xi32, #tpu.memory_space<hbm>>
      %dma_wait3A_2932 = arith.constant 0 : i32
      %dma_wait3A_2933 = tpu.memref_slice %arg3[%multiple_of3A, %dma_wait3A_2932] : memref<128x128xi32, #tpu.memory_space<hbm>> -> memref<16x128xi32, #tpu.memory_space<hbm>>
      tpu.wait_dma2 semaphore(%run_scoped3A_2925 : memref<!tpu.dma_semaphore, #tpu.memory_space<semaphore_mem>>) src(%dma_wait3A_2933 : memref<16x128xi32, #tpu.memory_space<hbm>>) dst(%arg5 : memref<16x128xi32, #tpu.memory_space<vmem>>)
      tpu.yield
    }) : () -> ()
    %iota3A = tpu.iota {dimensions = array<i32: 0>} : vector<16xi32>
    %add3A_24 = arith.constant 0 : i32
    %add3A_25 = arith.addi %sub3A_23, %add3A_24 : i32
    %get3A = arith.index_cast %add3A_25 : i32 to index
    %get3A_26 = arith.constant 0 : index
    %get3A_27 = tpu.vector_load %arg5[%get3A, %get3A_26] {strides = array<i32>} : memref<16x128xi32, #tpu.memory_space<vmem>>, vector<1x16xi32>,
    %get3A_28 = vector.shape_cast %get3A_27 : vector<1x16xi32> to vector<16xi32>
    %slice3A = vector.extract_strided_slice %get3A_28 {offsets = [0], sizes = [1], strides = [1]} : vector<16xi32> to vector<1xi32>
    %squeeze3A = vector.extract %slice3A[0] : i32 from vector<1xi32>
    %add3A_29 = arith.constant 1 : i32
    %add3A_30 = arith.addi %sub3A_23, %add3A_29 : i32
    %get3A_31 = arith.index_cast %add3A_30 : i32 to index
    %get3A_32 = arith.constant 0 : index
    %get3A_33 = tpu.vector_load %arg5[%get3A_31, %get3A_32] {strides = array<i32>} : memref<16x128xi32, #tpu.memory_space<vmem>>, vector<1x16xi32>,
    %get3A_34 = vector.shape_cast %get3A_33 : vector<1x16xi32> to vector<16xi32>
    %slice3A_35 = vector.extract_strided_slice %get3A_34 {offsets = [0], sizes = [1], strides = [1]} : vector<16xi32> to vector<1xi32>
    %squeeze3A_36 = vector.extract %slice3A_35[0] : i32 from vector<1xi32>
    %add3A_37 = arith.constant 2 : i32
    %add3A_38 = arith.addi %sub3A_23, %add3A_37 : i32
    %get3A_39 = arith.index_cast %add3A_38 : i32 to index
    %get3A_40 = arith.constant 0 : index
    %get3A_41 = tpu.vector_load %arg5[%get3A_39, %get3A_40] {strides = array<i32>} : memref<16x128xi32, #tpu.memory_space<vmem>>, vector<1x16xi32>,
    %get3A_42 = vector.shape_cast %get3A_41 : vector<1x16xi32> to vector<16xi32>
    %slice3A_43 = vector.extract_strided_slice %get3A_42 {offsets = [0], sizes = [1], strides = [1]} : vector<16xi32> to vector<1xi32>
    %squeeze3A_44 = vector.extract %slice3A_43[0] : i32 from vector<1xi32>
    %add3A_45 = arith.constant 3 : i32
    %add3A_46 = arith.addi %sub3A_23, %add3A_45 : i32
    %get3A_47 = arith.index_cast %add3A_46 : i32 to index
    %get3A_48 = arith.constant 0 : index
    %get3A_49 = tpu.vector_load %arg5[%get3A_47, %get3A_48] {strides = array<i32>} : memref<16x128xi32, #tpu.memory_space<vmem>>, vector<1x16xi32>,
    %get3A_50 = vector.shape_cast %get3A_49 : vector<1x16xi32> to vector<16xi32>
    %slice3A_51 = vector.extract_strided_slice %get3A_50 {offsets = [0], sizes = [1], strides = [1]} : vector<16xi32> to vector<1xi32>
    %squeeze3A_52 = vector.extract %slice3A_51[0] : i32 from vector<1xi32>
    %add3A_53 = arith.constant 4 : i32
    %add3A_54 = arith.addi %sub3A_23, %add3A_53 : i32
    %get3A_55 = arith.index_cast %add3A_54 : i32 to index
    %get3A_56 = arith.constant 0 : index
    %get3A_57 = tpu.vector_load %arg5[%get3A_55, %get3A_56] {strides = array<i32>} : memref<16x128xi32, #tpu.memory_space<vmem>>, vector<1x16xi32>,
    %get3A_58 = vector.shape_cast %get3A_57 : vector<1x16xi32> to vector<16xi32>
    %slice3A_59 = vector.extract_strided_slice %get3A_58 {offsets = [0], sizes = [1], strides = [1]} : vector<16xi32> to vector<1xi32>
    %squeeze3A_60 = vector.extract %slice3A_59[0] : i32 from vector<1xi32>
    %jit3A_61 = arith.constant 16 : i32
    %div3A_62 = arith.divsi %squeeze3A, %jit3A_61 : i32
    %sign3A_63 = arith.constant 0 : i32
    %sign3A_64 = arith.cmpi sgt, %squeeze3A, %sign3A_63 : i32
    %sign3A_65 = arith.extui %sign3A_64 : i1 to i32
    %sign3A_66 = arith.constant 0 : i32
    %sign3A_67 = arith.cmpi slt, %squeeze3A, %sign3A_66 : i32
    %sign3A_68 = arith.extui %sign3A_67 : i1 to i32
    %sign3A_69 = arith.subi %sign3A_65, %sign3A_68 : i32
    %sign3A_70 = arith.constant 0 : i32
    %sign3A_71 = arith.cmpi sgt, %jit3A_61, %sign3A_70 : i32
    %sign3A_72 = arith.extui %sign3A_71 : i1 to i32
    %sign3A_73 = arith.constant 0 : i32
    %sign3A_74 = arith.cmpi slt, %jit3A_61, %sign3A_73 : i32
    %sign3A_75 = arith.extui %sign3A_74 : i1 to i32
    %sign3A_76 = arith.subi %sign3A_72, %sign3A_75 : i32
    %ne3A_77 = arith.cmpi ne, %sign3A_69, %sign3A_76 : i32
    %rem3A_78 = arith.remsi %squeeze3A, %jit3A_61 : i32
    %ne3A_79 = arith.constant 0 : i32
    %ne3A_80 = arith.cmpi ne, %rem3A_78, %ne3A_79 : i32
    %and3A_81 = arith.andi %ne3A_77, %ne3A_80 : i1
    %sub3A_82 = arith.constant 1 : i32
    %sub3A_83 = arith.subi %div3A_62, %sub3A_82 : i32
    %select_n3A_84 = arith.select %and3A_81, %sub3A_83, %div3A_62 : i32
    %mul3A_85 = arith.constant 16 : i32
    %mul3A_86 = arith.muli %select_n3A_84, %mul3A_85 : i32
    %multiple_of3A_87 = tpu.assume_multiple %mul3A_86, 16 : i32
    %sub3A_88 = arith.subi %squeeze3A, %multiple_of3A_87 : i32
    %sub3A_89 = arith.subi %squeeze3A_36, %squeeze3A : i32
    %dma_start3A = arith.constant 0 : i32
    %dma_start3A_90 = tpu.memref_slice %arg6[%dma_start3A] : memref<2112xf32, #tpu.memory_space<vmem>> -> memref<528xf32, #tpu.memory_space<vmem>>
    %dma_start3A_91 = tpu.memref_slice %arg2[%multiple_of3A_87] : memref<51200xf32, #tpu.memory_space<hbm>> -> memref<528xf32, #tpu.memory_space<hbm>>
    %dma_start3A_92 = arith.constant 0 : i32
    %dma_start3A_93 = tpu.memref_slice %arg6[%dma_start3A_92] : memref<2112xf32, #tpu.memory_space<vmem>> -> memref<528xf32, #tpu.memory_space<vmem>>
    %dma_start3A_94 = tpu.memref_slice %arg2[%multiple_of3A_87] : memref<51200xf32, #tpu.memory_space<hbm>> -> memref<528xf32, #tpu.memory_space<hbm>>
    tpu.enqueue_dma source(%dma_start3A_94 : memref<528xf32, #tpu.memory_space<hbm>>) target(%dma_start3A_93 : memref<528xf32, #tpu.memory_space<vmem>>) target_semaphore(%arg8 : memref<!tpu.dma_semaphore, #tpu.memory_space<semaphore_mem>>)
    %jit3A_95 = arith.constant 16 : i32
    %div3A_96 = arith.divsi %squeeze3A_36, %jit3A_95 : i32
    %sign3A_97 = arith.constant 0 : i32
    %sign3A_98 = arith.cmpi sgt, %squeeze3A_36, %sign3A_97 : i32
    %sign3A_99 = arith.extui %sign3A_98 : i1 to i32
    %sign3A_100 = arith.constant 0 : i32
    %sign3A_101 = arith.cmpi slt, %squeeze3A_36, %sign3A_100 : i32
    %sign3A_102 = arith.extui %sign3A_101 : i1 to i32
    %sign3A_103 = arith.subi %sign3A_99, %sign3A_102 : i32
    %sign3A_104 = arith.constant 0 : i32
    %sign3A_105 = arith.cmpi sgt, %jit3A_95, %sign3A_104 : i32
    %sign3A_106 = arith.extui %sign3A_105 : i1 to i32
    %sign3A_107 = arith.constant 0 : i32
    %sign3A_108 = arith.cmpi slt, %jit3A_95, %sign3A_107 : i32
    %sign3A_109 = arith.extui %sign3A_108 : i1 to i32
    %sign3A_110 = arith.subi %sign3A_106, %sign3A_109 : i32
    %ne3A_111 = arith.cmpi ne, %sign3A_103, %sign3A_110 : i32
    %rem3A_112 = arith.remsi %squeeze3A_36, %jit3A_95 : i32
    %ne3A_113 = arith.constant 0 : i32
    %ne3A_114 = arith.cmpi ne, %rem3A_112, %ne3A_113 : i32
    %and3A_115 = arith.andi %ne3A_111, %ne3A_114 : i1
    %sub3A_116 = arith.constant 1 : i32
    %sub3A_117 = arith.subi %div3A_96, %sub3A_116 : i32
    %select_n3A_118 = arith.select %and3A_115, %sub3A_117, %div3A_96 : i32
    %mul3A_119 = arith.constant 16 : i32
    %mul3A_120 = arith.muli %select_n3A_118, %mul3A_119 : i32
    %multiple_of3A_121 = tpu.assume_multiple %mul3A_120, 16 : i32
    %sub3A_122 = arith.subi %squeeze3A_36, %multiple_of3A_121 : i32
    %sub3A_123 = arith.subi %squeeze3A_44, %squeeze3A_36 : i32
    %dma_start3A_124 = arith.constant 528 : i32
    %dma_start3A_125 = tpu.memref_slice %arg6[%dma_start3A_124] : memref<2112xf32, #tpu.memory_space<vmem>> -> memref<528xf32, #tpu.memory_space<vmem>>
    %dma_start3A_126 = tpu.memref_slice %arg2[%multiple_of3A_121] : memref<51200xf32, #tpu.memory_space<hbm>> -> memref<528xf32, #tpu.memory_space<hbm>>
    %dma_start3A_127 = arith.constant 528 : i32
    %dma_start3A_128 = tpu.memref_slice %arg6[%dma_start3A_127] : memref<2112xf32, #tpu.memory_space<vmem>> -> memref<528xf32, #tpu.memory_space<vmem>>
    %dma_start3A_129 = tpu.memref_slice %arg2[%multiple_of3A_121] : memref<51200xf32, #tpu.memory_space<hbm>> -> memref<528xf32, #tpu.memory_space<hbm>>
    tpu.enqueue_dma source(%dma_start3A_129 : memref<528xf32, #tpu.memory_space<hbm>>) target(%dma_start3A_128 : memref<528xf32, #tpu.memory_space<vmem>>) target_semaphore(%arg8 : memref<!tpu.dma_semaphore, #tpu.memory_space<semaphore_mem>>)
    %jit3A_130 = arith.constant 16 : i32
    %div3A_131 = arith.divsi %squeeze3A_44, %jit3A_130 : i32
    %sign3A_132 = arith.constant 0 : i32
    %sign3A_133 = arith.cmpi sgt, %squeeze3A_44, %sign3A_132 : i32
    %sign3A_134 = arith.extui %sign3A_133 : i1 to i32
    %sign3A_135 = arith.constant 0 : i32
    %sign3A_136 = arith.cmpi slt, %squeeze3A_44, %sign3A_135 : i32
    %sign3A_137 = arith.extui %sign3A_136 : i1 to i32
    %sign3A_138 = arith.subi %sign3A_134, %sign3A_137 : i32
    %sign3A_139 = arith.constant 0 : i32
    %sign3A_140 = arith.cmpi sgt, %jit3A_130, %sign3A_139 : i32
    %sign3A_141 = arith.extui %sign3A_140 : i1 to i32
    %sign3A_142 = arith.constant 0 : i32
    %sign3A_143 = arith.cmpi slt, %jit3A_130, %sign3A_142 : i32
    %sign3A_144 = arith.extui %sign3A_143 : i1 to i32
    %sign3A_145 = arith.subi %sign3A_141, %sign3A_144 : i32
    %ne3A_146 = arith.cmpi ne, %sign3A_138, %sign3A_145 : i32
    %rem3A_147 = arith.remsi %squeeze3A_44, %jit3A_130 : i32
    %ne3A_148 = arith.constant 0 : i32
    %ne3A_149 = arith.cmpi ne, %rem3A_147, %ne3A_148 : i32
    %and3A_150 = arith.andi %ne3A_146, %ne3A_149 : i1
    %sub3A_151 = arith.constant 1 : i32
    %sub3A_152 = arith.subi %div3A_131, %sub3A_151 : i32
    %select_n3A_153 = arith.select %and3A_150, %sub3A_152, %div3A_131 : i32
    %mul3A_154 = arith.constant 16 : i32
    %mul3A_155 = arith.muli %select_n3A_153, %mul3A_154 : i32
    %multiple_of3A_156 = tpu.assume_multiple %mul3A_155, 16 : i32
    %sub3A_157 = arith.subi %squeeze3A_44, %multiple_of3A_156 : i32
    %sub3A_158 = arith.subi %squeeze3A_52, %squeeze3A_44 : i32
    %dma_start3A_159 = arith.constant 1056 : i32
    %dma_start3A_160 = tpu.memref_slice %arg6[%dma_start3A_159] : memref<2112xf32, #tpu.memory_space<vmem>> -> memref<528xf32, #tpu.memory_space<vmem>>
    %dma_start3A_161 = tpu.memref_slice %arg2[%multiple_of3A_156] : memref<51200xf32, #tpu.memory_space<hbm>> -> memref<528xf32, #tpu.memory_space<hbm>>
    %dma_start3A_162 = arith.constant 1056 : i32
    %dma_start3A_163 = tpu.memref_slice %arg6[%dma_start3A_162] : memref<2112xf32, #tpu.memory_space<vmem>> -> memref<528xf32, #tpu.memory_space<vmem>>
    %dma_start3A_164 = tpu.memref_slice %arg2[%multiple_of3A_156] : memref<51200xf32, #tpu.memory_space<hbm>> -> memref<528xf32, #tpu.memory_space<hbm>>
    tpu.enqueue_dma source(%dma_start3A_164 : memref<528xf32, #tpu.memory_space<hbm>>) target(%dma_start3A_163 : memref<528xf32, #tpu.memory_space<vmem>>) target_semaphore(%arg8 : memref<!tpu.dma_semaphore, #tpu.memory_space<semaphore_mem>>)
    %jit3A_165 = arith.constant 16 : i32
    %div3A_166 = arith.divsi %squeeze3A_52, %jit3A_165 : i32
    %sign3A_167 = arith.constant 0 : i32
    %sign3A_168 = arith.cmpi sgt, %squeeze3A_52, %sign3A_167 : i32
    %sign3A_169 = arith.extui %sign3A_168 : i1 to i32
    %sign3A_170 = arith.constant 0 : i32
    %sign3A_171 = arith.cmpi slt, %squeeze3A_52, %sign3A_170 : i32
    %sign3A_172 = arith.extui %sign3A_171 : i1 to i32
    %sign3A_173 = arith.subi %sign3A_169, %sign3A_172 : i32
    %sign3A_174 = arith.constant 0 : i32
    %sign3A_175 = arith.cmpi sgt, %jit3A_165, %sign3A_174 : i32
    %sign3A_176 = arith.extui %sign3A_175 : i1 to i32
    %sign3A_177 = arith.constant 0 : i32
    %sign3A_178 = arith.cmpi slt, %jit3A_165, %sign3A_177 : i32
    %sign3A_179 = arith.extui %sign3A_178 : i1 to i32
    %sign3A_180 = arith.subi %sign3A_176, %sign3A_179 : i32
    %ne3A_181 = arith.cmpi ne, %sign3A_173, %sign3A_180 : i32
    %rem3A_182 = arith.remsi %squeeze3A_52, %jit3A_165 : i32
    %ne3A_183 = arith.constant 0 : i32
    %ne3A_184 = arith.cmpi ne, %rem3A_182, %ne3A_183 : i32
    %and3A_185 = arith.andi %ne3A_181, %ne3A_184 : i1
    %sub3A_186 = arith.constant 1 : i32
    %sub3A_187 = arith.subi %div3A_166, %sub3A_186 : i32
    %select_n3A_188 = arith.select %and3A_185, %sub3A_187, %div3A_166 : i32
    %mul3A_189 = arith.constant 16 : i32
    %mul3A_190 = arith.muli %select_n3A_188, %mul3A_189 : i32
    %multiple_of3A_191 = tpu.assume_multiple %mul3A_190, 16 : i32
    %sub3A_192 = arith.subi %squeeze3A_52, %multiple_of3A_191 : i32
    %sub3A_193 = arith.subi %squeeze3A_60, %squeeze3A_52 : i32
    %dma_start3A_194 = arith.constant 1584 : i32
    %dma_start3A_195 = tpu.memref_slice %arg6[%dma_start3A_194] : memref<2112xf32, #tpu.memory_space<vmem>> -> memref<528xf32, #tpu.memory_space<vmem>>
    %dma_start3A_196 = tpu.memref_slice %arg2[%multiple_of3A_191] : memref<51200xf32, #tpu.memory_space<hbm>> -> memref<528xf32, #tpu.memory_space<hbm>>
    %dma_start3A_197 = arith.constant 1584 : i32
    %dma_start3A_198 = tpu.memref_slice %arg6[%dma_start3A_197] : memref<2112xf32, #tpu.memory_space<vmem>> -> memref<528xf32, #tpu.memory_space<vmem>>
    %dma_start3A_199 = tpu.memref_slice %arg2[%multiple_of3A_191] : memref<51200xf32, #tpu.memory_space<hbm>> -> memref<528xf32, #tpu.memory_space<hbm>>
    tpu.enqueue_dma source(%dma_start3A_199 : memref<528xf32, #tpu.memory_space<hbm>>) target(%dma_start3A_198 : memref<528xf32, #tpu.memory_space<vmem>>) target_semaphore(%arg8 : memref<!tpu.dma_semaphore, #tpu.memory_space<semaphore_mem>>)
    %dma_wait3A = arith.constant 0 : i32
    %dma_wait3A_200 = tpu.memref_slice %arg6[%dma_wait3A] : memref<2112xf32, #tpu.memory_space<vmem>> -> memref<528xf32, #tpu.memory_space<vmem>>
    %dma_wait3A_201 = tpu.memref_slice %arg2[%multiple_of3A_87] : memref<51200xf32, #tpu.memory_space<hbm>> -> memref<528xf32, #tpu.memory_space<hbm>>
    %dma_wait3A_202 = arith.constant 0 : i32
    %dma_wait3A_203 = tpu.memref_slice %arg6[%dma_wait3A_202] : memref<2112xf32, #tpu.memory_space<vmem>> -> memref<528xf32, #tpu.memory_space<vmem>>
    %dma_wait3A_204 = tpu.memref_slice %arg2[%multiple_of3A_87] : memref<51200xf32, #tpu.memory_space<hbm>> -> memref<528xf32, #tpu.memory_space<hbm>>
    tpu.wait_dma2 semaphore(%arg8 : memref<!tpu.dma_semaphore, #tpu.memory_space<semaphore_mem>>) src(%dma_wait3A_204 : memref<528xf32, #tpu.memory_space<hbm>>) dst(%dma_wait3A_203 : memref<528xf32, #tpu.memory_space<vmem>>)
    %dma_wait3A_205 = arith.constant 528 : i32
    %dma_wait3A_206 = tpu.memref_slice %arg6[%dma_wait3A_205] : memref<2112xf32, #tpu.memory_space<vmem>> -> memref<528xf32, #tpu.memory_space<vmem>>
    %dma_wait3A_207 = tpu.memref_slice %arg2[%multiple_of3A_121] : memref<51200xf32, #tpu.memory_space<hbm>> -> memref<528xf32, #tpu.memory_space<hbm>>
    %dma_wait3A_208 = arith.constant 528 : i32
    %dma_wait3A_209 = tpu.memref_slice %arg6[%dma_wait3A_208] : memref<2112xf32, #tpu.memory_space<vmem>> -> memref<528xf32, #tpu.memory_space<vmem>>
    %dma_wait3A_210 = tpu.memref_slice %arg2[%multiple_of3A_121] : memref<51200xf32, #tpu.memory_space<hbm>> -> memref<528xf32, #tpu.memory_space<hbm>>
    tpu.wait_dma2 semaphore(%arg8 : memref<!tpu.dma_semaphore, #tpu.memory_space<semaphore_mem>>) src(%dma_wait3A_210 : memref<528xf32, #tpu.memory_space<hbm>>) dst(%dma_wait3A_209 : memref<528xf32, #tpu.memory_space<vmem>>)
    %dma_wait3A_211 = arith.constant 1056 : i32
    %dma_wait3A_212 = tpu.memref_slice %arg6[%dma_wait3A_211] : memref<2112xf32, #tpu.memory_space<vmem>> -> memref<528xf32, #tpu.memory_space<vmem>>
    %dma_wait3A_213 = tpu.memref_slice %arg2[%multiple_of3A_156] : memref<51200xf32, #tpu.memory_space<hbm>> -> memref<528xf32, #tpu.memory_space<hbm>>
    %dma_wait3A_214 = arith.constant 1056 : i32
    %dma_wait3A_215 = tpu.memref_slice %arg6[%dma_wait3A_214] : memref<2112xf32, #tpu.memory_space<vmem>> -> memref<528xf32, #tpu.memory_space<vmem>>
    %dma_wait3A_216 = tpu.memref_slice %arg2[%multiple_of3A_156] : memref<51200xf32, #tpu.memory_space<hbm>> -> memref<528xf32, #tpu.memory_space<hbm>>
    tpu.wait_dma2 semaphore(%arg8 : memref<!tpu.dma_semaphore, #tpu.memory_space<semaphore_mem>>) src(%dma_wait3A_216 : memref<528xf32, #tpu.memory_space<hbm>>) dst(%dma_wait3A_215 : memref<528xf32, #tpu.memory_space<vmem>>)
    %dma_wait3A_217 = arith.constant 1584 : i32
    %dma_wait3A_218 = tpu.memref_slice %arg6[%dma_wait3A_217] : memref<2112xf32, #tpu.memory_space<vmem>> -> memref<528xf32, #tpu.memory_space<vmem>>
    %dma_wait3A_219 = tpu.memref_slice %arg2[%multiple_of3A_191] : memref<51200xf32, #tpu.memory_space<hbm>> -> memref<528xf32, #tpu.memory_space<hbm>>
    %dma_wait3A_220 = arith.constant 1584 : i32
    %dma_wait3A_221 = tpu.memref_slice %arg6[%dma_wait3A_220] : memref<2112xf32, #tpu.memory_space<vmem>> -> memref<528xf32, #tpu.memory_space<vmem>>
    %dma_wait3A_222 = tpu.memref_slice %arg2[%multiple_of3A_191] : memref<51200xf32, #tpu.memory_space<hbm>> -> memref<528xf32, #tpu.memory_space<hbm>>
    tpu.wait_dma2 semaphore(%arg8 : memref<!tpu.dma_semaphore, #tpu.memory_space<semaphore_mem>>) src(%dma_wait3A_222 : memref<528xf32, #tpu.memory_space<hbm>>) dst(%dma_wait3A_221 : memref<528xf32, #tpu.memory_space<vmem>>)
    %add3A_223 = arith.constant 0 : i32
    %add3A_224 = vector.broadcast %add3A_223 : i32 to vector<16xi32>
    %add3A_225 = arith.addi %iota3A, %add3A_224 : vector<16xi32>
    %add3A_226 = arith.constant 0 : i32
    %add3A_227 = arith.addi %add3A_226, %sub3A_88 : i32
    %add3A_228 = arith.constant 0 : i32
    %add3A_229 = arith.addi %add3A_227, %add3A_228 : i32
    %get3A_230 = arith.index_cast %add3A_229 : i32 to index
    %get3A_231 = tpu.vector_load %arg6[%get3A_230] {strides = array<i32>} : memref<2112xf32, #tpu.memory_space<vmem>>, vector<16xf32>,
    %get3A_232 = vector.shape_cast %get3A_231 : vector<16xf32> to vector<16xf32>
    %lt3A = vector.broadcast %sub3A_89 : i32 to vector<16xi32>
    %lt3A_233 = arith.cmpi slt, %add3A_225, %lt3A : vector<16xi32>
    %jit3A_234 = arith.constant -1.000000e+09 : f32
    %broadcast_in_dim3A = vector.broadcast %jit3A_234 : f32 to vector<16xf32>
    %select_n3A_235 = arith.select %lt3A_233, %get3A_232, %broadcast_in_dim3A : vector<16xi1>, vector<16xf32>
    %swap3A = arith.constant 0 : i32
    %swap3A_236 = arith.index_cast %swap3A : i32 to index
    %swap3A_237 = arith.constant 0 : index
    %swap3A_238 = tpu.vector_load %arg7[%swap3A_236, %swap3A_237] {strides = array<i32>} : memref<4x512xf32, #tpu.memory_space<vmem>>, vector<1x16xf32>,
    %swap3A_239 = vector.shape_cast %swap3A_238 : vector<1x16xf32> to vector<16xf32>
    %swap3A_240 = vector.shape_cast %select_n3A_235 : vector<16xf32> to vector<1x16xf32>
    tpu.vector_store %arg7[%swap3A_236, %swap3A_237], %swap3A_240 {strides = array<i32>} : memref<4x512xf32, #tpu.memory_space<vmem>>, vector<1x16xf32>,
    %add3A_241 = arith.constant 16 : i32
    %add3A_242 = vector.broadcast %add3A_241 : i32 to vector<16xi32>
    %add3A_243 = arith.addi %iota3A, %add3A_242 : vector<16xi32>
    %add3A_244 = arith.constant 0 : i32
    %add3A_245 = arith.addi %add3A_244, %sub3A_88 : i32
    %add3A_246 = arith.constant 16 : i32
    %add3A_247 = arith.addi %add3A_245, %add3A_246 : i32
    %get3A_248 = arith.index_cast %add3A_247 : i32 to index
    %get3A_249 = tpu.vector_load %arg6[%get3A_248] {strides = array<i32>} : memref<2112xf32, #tpu.memory_space<vmem>>, vector<16xf32>,
    %get3A_250 = vector.shape_cast %get3A_249 : vector<16xf32> to vector<16xf32>
    %lt3A_251 = vector.broadcast %sub3A_89 : i32 to vector<16xi32>
    %lt3A_252 = arith.cmpi slt, %add3A_243, %lt3A_251 : vector<16xi32>
    %jit3A_253 = arith.constant -1.000000e+09 : f32
    %broadcast_in_dim3A_254 = vector.broadcast %jit3A_253 : f32 to vector<16xf32>
    %select_n3A_255 = arith.select %lt3A_252, %get3A_250, %broadcast_in_dim3A_254 : vector<16xi1>, vector<16xf32>
    %swap3A_256 = arith.constant 0 : i32
    %swap3A_257 = arith.index_cast %swap3A_256 : i32 to index
    %swap3A_258 = arith.constant 16 : index
    %swap3A_259 = tpu.vector_load %arg7[%swap3A_257, %swap3A_258] {strides = array<i32>} : memref<4x512xf32, #tpu.memory_space<vmem>>, vector<1x16xf32>,
    %swap3A_260 = vector.shape_cast %swap3A_259 : vector<1x16xf32> to vector<16xf32>
    %swap3A_261 = vector.shape_cast %select_n3A_255 : vector<16xf32> to vector<1x16xf32>
    tpu.vector_store %arg7[%swap3A_257, %swap3A_258], %swap3A_261 {strides = array<i32>} : memref<4x512xf32, #tpu.memory_space<vmem>>, vector<1x16xf32>,
    %add3A_262 = arith.constant 32 : i32
    %add3A_263 = vector.broadcast %add3A_262 : i32 to vector<16xi32>
    %add3A_264 = arith.addi %iota3A, %add3A_263 : vector<16xi32>
    %add3A_265 = arith.constant 0 : i32
    %add3A_266 = arith.addi %add3A_265, %sub3A_88 : i32
    %add3A_267 = arith.constant 32 : i32
    %add3A_268 = arith.addi %add3A_266, %add3A_267 : i32
    %get3A_269 = arith.index_cast %add3A_268 : i32 to index
    %get3A_270 = tpu.vector_load %arg6[%get3A_269] {strides = array<i32>} : memref<2112xf32, #tpu.memory_space<vmem>>, vector<16xf32>,
    %get3A_271 = vector.shape_cast %get3A_270 : vector<16xf32> to vector<16xf32>
    %lt3A_272 = vector.broadcast %sub3A_89 : i32 to vector<16xi32>
    %lt3A_273 = arith.cmpi slt, %add3A_264, %lt3A_272 : vector<16xi32>
    %jit3A_274 = arith.constant -1.000000e+09 : f32
    %broadcast_in_dim3A_275 = vector.broadcast %jit3A_274 : f32 to vector<16xf32>
    %select_n3A_276 = arith.select %lt3A_273, %get3A_271, %broadcast_in_dim3A_275 : vector<16xi1>, vector<16xf32>
    %swap3A_277 = arith.constant 0 : i32
    %swap3A_278 = arith.index_cast %swap3A_277 : i32 to index
    %swap3A_279 = arith.constant 32 : index
    %swap3A_280 = tpu.vector_load %arg7[%swap3A_278, %swap3A_279] {strides = array<i32>} : memref<4x512xf32, #tpu.memory_space<vmem>>, vector<1x16xf32>,
    %swap3A_281 = vector.shape_cast %swap3A_280 : vector<1x16xf32> to vector<16xf32>
    %swap3A_282 = vector.shape_cast %select_n3A_276 : vector<16xf32> to vector<1x16xf32>
    tpu.vector_store %arg7[%swap3A_278, %swap3A_279], %swap3A_282 {strides = array<i32>} : memref<4x512xf32, #tpu.memory_space<vmem>>, vector<1x16xf32>,
    %add3A_283 = arith.constant 48 : i32
    %add3A_284 = vector.broadcast %add3A_283 : i32 to vector<16xi32>
    %add3A_285 = arith.addi %iota3A, %add3A_284 : vector<16xi32>
    %add3A_286 = arith.constant 0 : i32
    %add3A_287 = arith.addi %add3A_286, %sub3A_88 : i32
    %add3A_288 = arith.constant 48 : i32
    %add3A_289 = arith.addi %add3A_287, %add3A_288 : i32
    %get3A_290 = arith.index_cast %add3A_289 : i32 to index
    %get3A_291 = tpu.vector_load %arg6[%get3A_290] {strides = array<i32>} : memref<2112xf32, #tpu.memory_space<vmem>>, vector<16xf32>,
    %get3A_292 = vector.shape_cast %get3A_291 : vector<16xf32> to vector<16xf32>
    %lt3A_293 = vector.broadcast %sub3A_89 : i32 to vector<16xi32>
    %lt3A_294 = arith.cmpi slt, %add3A_285, %lt3A_293 : vector<16xi32>
    %jit3A_295 = arith.constant -1.000000e+09 : f32
    %broadcast_in_dim3A_296 = vector.broadcast %jit3A_295 : f32 to vector<16xf32>
    %select_n3A_297 = arith.select %lt3A_294, %get3A_292, %broadcast_in_dim3A_296 : vector<16xi1>, vector<16xf32>
    %swap3A_298 = arith.constant 0 : i32
    %swap3A_299 = arith.index_cast %swap3A_298 : i32 to index
    %swap3A_300 = arith.constant 48 : index
    %swap3A_301 = tpu.vector_load %arg7[%swap3A_299, %swap3A_300] {strides = array<i32>} : memref<4x512xf32, #tpu.memory_space<vmem>>, vector<1x16xf32>,
    %swap3A_302 = vector.shape_cast %swap3A_301 : vector<1x16xf32> to vector<16xf32>
    %swap3A_303 = vector.shape_cast %select_n3A_297 : vector<16xf32> to vector<1x16xf32>
    tpu.vector_store %arg7[%swap3A_299, %swap3A_300], %swap3A_303 {strides = array<i32>} : memref<4x512xf32, #tpu.memory_space<vmem>>, vector<1x16xf32>,
    %add3A_304 = arith.constant 64 : i32
    %add3A_305 = vector.broadcast %add3A_304 : i32 to vector<16xi32>
    %add3A_306 = arith.addi %iota3A, %add3A_305 : vector<16xi32>
    %add3A_307 = arith.constant 0 : i32
    %add3A_308 = arith.addi %add3A_307, %sub3A_88 : i32
    %add3A_309 = arith.constant 64 : i32
    %add3A_310 = arith.addi %add3A_308, %add3A_309 : i32
    %get3A_311 = arith.index_cast %add3A_310 : i32 to index
    %get3A_312 = tpu.vector_load %arg6[%get3A_311] {strides = array<i32>} : memref<2112xf32, #tpu.memory_space<vmem>>, vector<16xf32>,
    %get3A_313 = vector.shape_cast %get3A_312 : vector<16xf32> to vector<16xf32>
    %lt3A_314 = vector.broadcast %sub3A_89 : i32 to vector<16xi32>
    %lt3A_315 = arith.cmpi slt, %add3A_306, %lt3A_314 : vector<16xi32>
    %jit3A_316 = arith.constant -1.000000e+09 : f32
    %broadcast_in_dim3A_317 = vector.broadcast %jit3A_316 : f32 to vector<16xf32>
    %select_n3A_318 = arith.select %lt3A_315, %get3A_313, %broadcast_in_dim3A_317 : vector<16xi1>, vector<16xf32>
    %swap3A_319 = arith.constant 0 : i32
    %swap3A_320 = arith.index_cast %swap3A_319 : i32 to index
    %swap3A_321 = arith.constant 64 : index
    %swap3A_322 = tpu.vector_load %arg7[%swap3A_320, %swap3A_321] {strides = array<i32>} : memref<4x512xf32, #tpu.memory_space<vmem>>, vector<1x16xf32>,
    %swap3A_323 = vector.shape_cast %swap3A_322 : vector<1x16xf32> to vector<16xf32>
    %swap3A_324 = vector.shape_cast %select_n3A_318 : vector<16xf32> to vector<1x16xf32>
    tpu.vector_store %arg7[%swap3A_320, %swap3A_321], %swap3A_324 {strides = array<i32>} : memref<4x512xf32, #tpu.memory_space<vmem>>, vector<1x16xf32>,
    %add3A_325 = arith.constant 80 : i32
    %add3A_326 = vector.broadcast %add3A_325 : i32 to vector<16xi32>
    %add3A_327 = arith.addi %iota3A, %add3A_326 : vector<16xi32>
    %add3A_328 = arith.constant 0 : i32
    %add3A_329 = arith.addi %add3A_328, %sub3A_88 : i32
    %add3A_330 = arith.constant 80 : i32
    %add3A_331 = arith.addi %add3A_329, %add3A_330 : i32
    %get3A_332 = arith.index_cast %add3A_331 : i32 to index
    %get3A_333 = tpu.vector_load %arg6[%get3A_332] {strides = array<i32>} : memref<2112xf32, #tpu.memory_space<vmem>>, vector<16xf32>,
    %get3A_334 = vector.shape_cast %get3A_333 : vector<16xf32> to vector<16xf32>
    %lt3A_335 = vector.broadcast %sub3A_89 : i32 to vector<16xi32>
    %lt3A_336 = arith.cmpi slt, %add3A_327, %lt3A_335 : vector<16xi32>
    %jit3A_337 = arith.constant -1.000000e+09 : f32
    %broadcast_in_dim3A_338 = vector.broadcast %jit3A_337 : f32 to vector<16xf32>
    %select_n3A_339 = arith.select %lt3A_336, %get3A_334, %broadcast_in_dim3A_338 : vector<16xi1>, vector<16xf32>
    %swap3A_340 = arith.constant 0 : i32
    %swap3A_341 = arith.index_cast %swap3A_340 : i32 to index
    %swap3A_342 = arith.constant 80 : index
    %swap3A_343 = tpu.vector_load %arg7[%swap3A_341, %swap3A_342] {strides = array<i32>} : memref<4x512xf32, #tpu.memory_space<vmem>>, vector<1x16xf32>,
    %swap3A_344 = vector.shape_cast %swap3A_343 : vector<1x16xf32> to vector<16xf32>
    %swap3A_345 = vector.shape_cast %select_n3A_339 : vector<16xf32> to vector<1x16xf32>
    tpu.vector_store %arg7[%swap3A_341, %swap3A_342], %swap3A_345 {strides = array<i32>} : memref<4x512xf32, #tpu.memory_space<vmem>>, vector<1x16xf32>,
    %add3A_346 = arith.constant 96 : i32
    %add3A_347 = vector.broadcast %add3A_346 : i32 to vector<16xi32>
    %add3A_348 = arith.addi %iota3A, %add3A_347 : vector<16xi32>
    %add3A_349 = arith.constant 0 : i32
    %add3A_350 = arith.addi %add3A_349, %sub3A_88 : i32
    %add3A_351 = arith.constant 96 : i32
    %add3A_352 = arith.addi %add3A_350, %add3A_351 : i32
    %get3A_353 = arith.index_cast %add3A_352 : i32 to index
    %get3A_354 = tpu.vector_load %arg6[%get3A_353] {strides = array<i32>} : memref<2112xf32, #tpu.memory_space<vmem>>, vector<16xf32>,
    %get3A_355 = vector.shape_cast %get3A_354 : vector<16xf32> to vector<16xf32>
    %lt3A_356 = vector.broadcast %sub3A_89 : i32 to vector<16xi32>
    %lt3A_357 = arith.cmpi slt, %add3A_348, %lt3A_356 : vector<16xi32>
    %jit3A_358 = arith.constant -1.000000e+09 : f32
    %broadcast_in_dim3A_359 = vector.broadcast %jit3A_358 : f32 to vector<16xf32>
    %select_n3A_360 = arith.select %lt3A_357, %get3A_355, %broadcast_in_dim3A_359 : vector<16xi1>, vector<16xf32>
    %swap3A_361 = arith.constant 0 : i32
    %swap3A_362 = arith.index_cast %swap3A_361 : i32 to index
    %swap3A_363 = arith.constant 96 : index
    %swap3A_364 = tpu.vector_load %arg7[%swap3A_362, %swap3A_363] {strides = array<i32>} : memref<4x512xf32, #tpu.memory_space<vmem>>, vector<1x16xf32>,
    %swap3A_365 = vector.shape_cast %swap3A_364 : vector<1x16xf32> to vector<16xf32>
    %swap3A_366 = vector.shape_cast %select_n3A_360 : vector<16xf32> to vector<1x16xf32>
    tpu.vector_store %arg7[%swap3A_362, %swap3A_363], %swap3A_366 {strides = array<i32>} : memref<4x512xf32, #tpu.memory_space<vmem>>, vector<1x16xf32>,
    %add3A_367 = arith.constant 112 : i32
    %add3A_368 = vector.broadcast %add3A_367 : i32 to vector<16xi32>
    %add3A_369 = arith.addi %iota3A, %add3A_368 : vector<16xi32>
    %add3A_370 = arith.constant 0 : i32
    %add3A_371 = arith.addi %add3A_370, %sub3A_88 : i32
    %add3A_372 = arith.constant 112 : i32
    %add3A_373 = arith.addi %add3A_371, %add3A_372 : i32
    %get3A_374 = arith.index_cast %add3A_373 : i32 to index
    %get3A_375 = tpu.vector_load %arg6[%get3A_374] {strides = array<i32>} : memref<2112xf32, #tpu.memory_space<vmem>>, vector<16xf32>,
    %get3A_376 = vector.shape_cast %get3A_375 : vector<16xf32> to vector<16xf32>
    %lt3A_377 = vector.broadcast %sub3A_89 : i32 to vector<16xi32>
    %lt3A_378 = arith.cmpi slt, %add3A_369, %lt3A_377 : vector<16xi32>
    %jit3A_379 = arith.constant -1.000000e+09 : f32
    %broadcast_in_dim3A_380 = vector.broadcast %jit3A_379 : f32 to vector<16xf32>
    %select_n3A_381 = arith.select %lt3A_378, %get3A_376, %broadcast_in_dim3A_380 : vector<16xi1>, vector<16xf32>
    %swap3A_382 = arith.constant 0 : i32
    %swap3A_383 = arith.index_cast %swap3A_382 : i32 to index
    %swap3A_384 = arith.constant 112 : index
    %swap3A_385 = tpu.vector_load %arg7[%swap3A_383, %swap3A_384] {strides = array<i32>} : memref<4x512xf32, #tpu.memory_space<vmem>>, vector<1x16xf32>,
    %swap3A_386 = vector.shape_cast %swap3A_385 : vector<1x16xf32> to vector<16xf32>
    %swap3A_387 = vector.shape_cast %select_n3A_381 : vector<16xf32> to vector<1x16xf32>
    tpu.vector_store %arg7[%swap3A_383, %swap3A_384], %swap3A_387 {strides = array<i32>} : memref<4x512xf32, #tpu.memory_space<vmem>>, vector<1x16xf32>,
    %add3A_388 = arith.constant 128 : i32
    %add3A_389 = vector.broadcast %add3A_388 : i32 to vector<16xi32>
    %add3A_390 = arith.addi %iota3A, %add3A_389 : vector<16xi32>
    %add3A_391 = arith.constant 0 : i32
    %add3A_392 = arith.addi %add3A_391, %sub3A_88 : i32
    %add3A_393 = arith.constant 128 : i32
    %add3A_394 = arith.addi %add3A_392, %add3A_393 : i32
    %get3A_395 = arith.index_cast %add3A_394 : i32 to index
    %get3A_396 = tpu.vector_load %arg6[%get3A_395] {strides = array<i32>} : memref<2112xf32, #tpu.memory_space<vmem>>, vector<16xf32>,
    %get3A_397 = vector.shape_cast %get3A_396 : vector<16xf32> to vector<16xf32>
    %lt3A_398 = vector.broadcast %sub3A_89 : i32 to vector<16xi32>
    %lt3A_399 = arith.cmpi slt, %add3A_390, %lt3A_398 : vector<16xi32>
    %jit3A_400 = arith.constant -1.000000e+09 : f32
    %broadcast_in_dim3A_401 = vector.broadcast %jit3A_400 : f32 to vector<16xf32>
    %select_n3A_402 = arith.select %lt3A_399, %get3A_397, %broadcast_in_dim3A_401 : vector<16xi1>, vector<16xf32>
    %swap3A_403 = arith.constant 0 : i32
    %swap3A_404 = arith.index_cast %swap3A_403 : i32 to index
    %swap3A_405 = arith.constant 128 : index
    %swap3A_406 = tpu.vector_load %arg7[%swap3A_404, %swap3A_405] {strides = array<i32>} : memref<4x512xf32, #tpu.memory_space<vmem>>, vector<1x16xf32>,
    %swap3A_407 = vector.shape_cast %swap3A_406 : vector<1x16xf32> to vector<16xf32>
    %swap3A_408 = vector.shape_cast %select_n3A_402 : vector<16xf32> to vector<1x16xf32>
    tpu.vector_store %arg7[%swap3A_404, %swap3A_405], %swap3A_408 {strides = array<i32>} : memref<4x512xf32, #tpu.memory_space<vmem>>, vector<1x16xf32>,
    %add3A_409 = arith.constant 144 : i32
    %add3A_410 = vector.broadcast %add3A_409 : i32 to vector<16xi32>
    %add3A_411 = arith.addi %iota3A, %add3A_410 : vector<16xi32>
    %add3A_412 = arith.constant 0 : i32
    %add3A_413 = arith.addi %add3A_412, %sub3A_88 : i32
    %add3A_414 = arith.constant 144 : i32
    %add3A_415 = arith.addi %add3A_413, %add3A_414 : i32
    %get3A_416 = arith.index_cast %add3A_415 : i32 to index
    %get3A_417 = tpu.vector_load %arg6[%get3A_416] {strides = array<i32>} : memref<2112xf32, #tpu.memory_space<vmem>>, vector<16xf32>,
    %get3A_418 = vector.shape_cast %get3A_417 : vector<16xf32> to vector<16xf32>
    %lt3A_419 = vector.broadcast %sub3A_89 : i32 to vector<16xi32>
    %lt3A_420 = arith.cmpi slt, %add3A_411, %lt3A_419 : vector<16xi32>
    %jit3A_421 = arith.constant -1.000000e+09 : f32
    %broadcast_in_dim3A_422 = vector.broadcast %jit3A_421 : f32 to vector<16xf32>
    %select_n3A_423 = arith.select %lt3A_420, %get3A_418, %broadcast_in_dim3A_422 : vector<16xi1>, vector<16xf32>
    %swap3A_424 = arith.constant 0 : i32
    %swap3A_425 = arith.index_cast %swap3A_424 : i32 to index
    %swap3A_426 = arith.constant 144 : index
    %swap3A_427 = tpu.vector_load %arg7[%swap3A_425, %swap3A_426] {strides = array<i32>} : memref<4x512xf32, #tpu.memory_space<vmem>>, vector<1x16xf32>,
    %swap3A_428 = vector.shape_cast %swap3A_427 : vector<1x16xf32> to vector<16xf32>
    %swap3A_429 = vector.shape_cast %select_n3A_423 : vector<16xf32> to vector<1x16xf32>
    tpu.vector_store %arg7[%swap3A_425, %swap3A_426], %swap3A_429 {strides = array<i32>} : memref<4x512xf32, #tpu.memory_space<vmem>>, vector<1x16xf32>,
    %add3A_430 = arith.constant 160 : i32
    %add3A_431 = vector.broadcast %add3A_430 : i32 to vector<16xi32>
    %add3A_432 = arith.addi %iota3A, %add3A_431 : vector<16xi32>
    %add3A_433 = arith.constant 0 : i32
    %add3A_434 = arith.addi %add3A_433, %sub3A_88 : i32
    %add3A_435 = arith.constant 160 : i32
    %add3A_436 = arith.addi %add3A_434, %add3A_435 : i32
    %get3A_437 = arith.index_cast %add3A_436 : i32 to index
    %get3A_438 = tpu.vector_load %arg6[%get3A_437] {strides = array<i32>} : memref<2112xf32, #tpu.memory_space<vmem>>, vector<16xf32>,
    %get3A_439 = vector.shape_cast %get3A_438 : vector<16xf32> to vector<16xf32>
    %lt3A_440 = vector.broadcast %sub3A_89 : i32 to vector<16xi32>
    %lt3A_441 = arith.cmpi slt, %add3A_432, %lt3A_440 : vector<16xi32>
    %jit3A_442 = arith.constant -1.000000e+09 : f32
    %broadcast_in_dim3A_443 = vector.broadcast %jit3A_442 : f32 to vector<16xf32>
    %select_n3A_444 = arith.select %lt3A_441, %get3A_439, %broadcast_in_dim3A_443 : vector<16xi1>, vector<16xf32>
    %swap3A_445 = arith.constant 0 : i32
    %swap3A_446 = arith.index_cast %swap3A_445 : i32 to index
    %swap3A_447 = arith.constant 160 : index
    %swap3A_448 = tpu.vector_load %arg7[%swap3A_446, %swap3A_447] {strides = array<i32>} : memref<4x512xf32, #tpu.memory_space<vmem>>, vector<1x16xf32>,
    %swap3A_449 = vector.shape_cast %swap3A_448 : vector<1x16xf32> to vector<16xf32>
    %swap3A_450 = vector.shape_cast %select_n3A_444 : vector<16xf32> to vector<1x16xf32>
    tpu.vector_store %arg7[%swap3A_446, %swap3A_447], %swap3A_450 {strides = array<i32>} : memref<4x512xf32, #tpu.memory_space<vmem>>, vector<1x16xf32>,
    %add3A_451 = arith.constant 176 : i32
    %add3A_452 = vector.broadcast %add3A_451 : i32 to vector<16xi32>
    %add3A_453 = arith.addi %iota3A, %add3A_452 : vector<16xi32>
    %add3A_454 = arith.constant 0 : i32
    %add3A_455 = arith.addi %add3A_454, %sub3A_88 : i32
    %add3A_456 = arith.constant 176 : i32
    %add3A_457 = arith.addi %add3A_455, %add3A_456 : i32
    %get3A_458 = arith.index_cast %add3A_457 : i32 to index
    %get3A_459 = tpu.vector_load %arg6[%get3A_458] {strides = array<i32>} : memref<2112xf32, #tpu.memory_space<vmem>>, vector<16xf32>,
    %get3A_460 = vector.shape_cast %get3A_459 : vector<16xf32> to vector<16xf32>
    %lt3A_461 = vector.broadcast %sub3A_89 : i32 to vector<16xi32>
    %lt3A_462 = arith.cmpi slt, %add3A_453, %lt3A_461 : vector<16xi32>
    %jit3A_463 = arith.constant -1.000000e+09 : f32
    %broadcast_in_dim3A_464 = vector.broadcast %jit3A_463 : f32 to vector<16xf32>
    %select_n3A_465 = arith.select %lt3A_462, %get3A_460, %broadcast_in_dim3A_464 : vector<16xi1>, vector<16xf32>
    %swap3A_466 = arith.constant 0 : i32
    %swap3A_467 = arith.index_cast %swap3A_466 : i32 to index
    %swap3A_468 = arith.constant 176 : index
    %swap3A_469 = tpu.vector_load %arg7[%swap3A_467, %swap3A_468] {strides = array<i32>} : memref<4x512xf32, #tpu.memory_space<vmem>>, vector<1x16xf32>,
    %swap3A_470 = vector.shape_cast %swap3A_469 : vector<1x16xf32> to vector<16xf32>
    %swap3A_471 = vector.shape_cast %select_n3A_465 : vector<16xf32> to vector<1x16xf32>
    tpu.vector_store %arg7[%swap3A_467, %swap3A_468], %swap3A_471 {strides = array<i32>} : memref<4x512xf32, #tpu.memory_space<vmem>>, vector<1x16xf32>,
    %add3A_472 = arith.constant 192 : i32
    %add3A_473 = vector.broadcast %add3A_472 : i32 to vector<16xi32>
    %add3A_474 = arith.addi %iota3A, %add3A_473 : vector<16xi32>
    %add3A_475 = arith.constant 0 : i32
    %add3A_476 = arith.addi %add3A_475, %sub3A_88 : i32
    %add3A_477 = arith.constant 192 : i32
    %add3A_478 = arith.addi %add3A_476, %add3A_477 : i32
    %get3A_479 = arith.index_cast %add3A_478 : i32 to index
    %get3A_480 = tpu.vector_load %arg6[%get3A_479] {strides = array<i32>} : memref<2112xf32, #tpu.memory_space<vmem>>, vector<16xf32>,
    %get3A_481 = vector.shape_cast %get3A_480 : vector<16xf32> to vector<16xf32>
    %lt3A_482 = vector.broadcast %sub3A_89 : i32 to vector<16xi32>
    %lt3A_483 = arith.cmpi slt, %add3A_474, %lt3A_482 : vector<16xi32>
    %jit3A_484 = arith.constant -1.000000e+09 : f32
    %broadcast_in_dim3A_485 = vector.broadcast %jit3A_484 : f32 to vector<16xf32>
    %select_n3A_486 = arith.select %lt3A_483, %get3A_481, %broadcast_in_dim3A_485 : vector<16xi1>, vector<16xf32>
    %swap3A_487 = arith.constant 0 : i32
    %swap3A_488 = arith.index_cast %swap3A_487 : i32 to index
    %swap3A_489 = arith.constant 192 : index
    %swap3A_490 = tpu.vector_load %arg7[%swap3A_488, %swap3A_489] {strides = array<i32>} : memref<4x512xf32, #tpu.memory_space<vmem>>, vector<1x16xf32>,
    %swap3A_491 = vector.shape_cast %swap3A_490 : vector<1x16xf32> to vector<16xf32>
    %swap3A_492 = vector.shape_cast %select_n3A_486 : vector<16xf32> to vector<1x16xf32>
    tpu.vector_store %arg7[%swap3A_488, %swap3A_489], %swap3A_492 {strides = array<i32>} : memref<4x512xf32, #tpu.memory_space<vmem>>, vector<1x16xf32>,
    %add3A_493 = arith.constant 208 : i32
    %add3A_494 = vector.broadcast %add3A_493 : i32 to vector<16xi32>
    %add3A_495 = arith.addi %iota3A, %add3A_494 : vector<16xi32>
    %add3A_496 = arith.constant 0 : i32
    %add3A_497 = arith.addi %add3A_496, %sub3A_88 : i32
    %add3A_498 = arith.constant 208 : i32
    %add3A_499 = arith.addi %add3A_497, %add3A_498 : i32
    %get3A_500 = arith.index_cast %add3A_499 : i32 to index
    %get3A_501 = tpu.vector_load %arg6[%get3A_500] {strides = array<i32>} : memref<2112xf32, #tpu.memory_space<vmem>>, vector<16xf32>,
    %get3A_502 = vector.shape_cast %get3A_501 : vector<16xf32> to vector<16xf32>
    %lt3A_503 = vector.broadcast %sub3A_89 : i32 to vector<16xi32>
    %lt3A_504 = arith.cmpi slt, %add3A_495, %lt3A_503 : vector<16xi32>
    %jit3A_505 = arith.constant -1.000000e+09 : f32
    %broadcast_in_dim3A_506 = vector.broadcast %jit3A_505 : f32 to vector<16xf32>
    %select_n3A_507 = arith.select %lt3A_504, %get3A_502, %broadcast_in_dim3A_506 : vector<16xi1>, vector<16xf32>
    %swap3A_508 = arith.constant 0 : i32
    %swap3A_509 = arith.index_cast %swap3A_508 : i32 to index
    %swap3A_510 = arith.constant 208 : index
    %swap3A_511 = tpu.vector_load %arg7[%swap3A_509, %swap3A_510] {strides = array<i32>} : memref<4x512xf32, #tpu.memory_space<vmem>>, vector<1x16xf32>,
    %swap3A_512 = vector.shape_cast %swap3A_511 : vector<1x16xf32> to vector<16xf32>
    %swap3A_513 = vector.shape_cast %select_n3A_507 : vector<16xf32> to vector<1x16xf32>
    tpu.vector_store %arg7[%swap3A_509, %swap3A_510], %swap3A_513 {strides = array<i32>} : memref<4x512xf32, #tpu.memory_space<vmem>>, vector<1x16xf32>,
    %add3A_514 = arith.constant 224 : i32
    %add3A_515 = vector.broadcast %add3A_514 : i32 to vector<16xi32>
    %add3A_516 = arith.addi %iota3A, %add3A_515 : vector<16xi32>
    %add3A_517 = arith.constant 0 : i32
    %add3A_518 = arith.addi %add3A_517, %sub3A_88 : i32
    %add3A_519 = arith.constant 224 : i32
    %add3A_520 = arith.addi %add3A_518, %add3A_519 : i32
    %get3A_521 = arith.index_cast %add3A_520 : i32 to index
    %get3A_522 = tpu.vector_load %arg6[%get3A_521] {strides = array<i32>} : memref<2112xf32, #tpu.memory_space<vmem>>, vector<16xf32>,
    %get3A_523 = vector.shape_cast %get3A_522 : vector<16xf32> to vector<16xf32>
    %lt3A_524 = vector.broadcast %sub3A_89 : i32 to vector<16xi32>
    %lt3A_525 = arith.cmpi slt, %add3A_516, %lt3A_524 : vector<16xi32>
    %jit3A_526 = arith.constant -1.000000e+09 : f32
    %broadcast_in_dim3A_527 = vector.broadcast %jit3A_526 : f32 to vector<16xf32>
    %select_n3A_528 = arith.select %lt3A_525, %get3A_523, %broadcast_in_dim3A_527 : vector<16xi1>, vector<16xf32>
    %swap3A_529 = arith.constant 0 : i32
    %swap3A_530 = arith.index_cast %swap3A_529 : i32 to index
    %swap3A_531 = arith.constant 224 : index
    %swap3A_532 = tpu.vector_load %arg7[%swap3A_530, %swap3A_531] {strides = array<i32>} : memref<4x512xf32, #tpu.memory_space<vmem>>, vector<1x16xf32>,
    %swap3A_533 = vector.shape_cast %swap3A_532 : vector<1x16xf32> to vector<16xf32>
    %swap3A_534 = vector.shape_cast %select_n3A_528 : vector<16xf32> to vector<1x16xf32>
    tpu.vector_store %arg7[%swap3A_530, %swap3A_531], %swap3A_534 {strides = array<i32>} : memref<4x512xf32, #tpu.memory_space<vmem>>, vector<1x16xf32>,
    %add3A_535 = arith.constant 240 : i32
    %add3A_536 = vector.broadcast %add3A_535 : i32 to vector<16xi32>
    %add3A_537 = arith.addi %iota3A, %add3A_536 : vector<16xi32>
    %add3A_538 = arith.constant 0 : i32
    %add3A_539 = arith.addi %add3A_538, %sub3A_88 : i32
    %add3A_540 = arith.constant 240 : i32
    %add3A_541 = arith.addi %add3A_539, %add3A_540 : i32
    %get3A_542 = arith.index_cast %add3A_541 : i32 to index
    %get3A_543 = tpu.vector_load %arg6[%get3A_542] {strides = array<i32>} : memref<2112xf32, #tpu.memory_space<vmem>>, vector<16xf32>,
    %get3A_544 = vector.shape_cast %get3A_543 : vector<16xf32> to vector<16xf32>
    %lt3A_545 = vector.broadcast %sub3A_89 : i32 to vector<16xi32>
    %lt3A_546 = arith.cmpi slt, %add3A_537, %lt3A_545 : vector<16xi32>
    %jit3A_547 = arith.constant -1.000000e+09 : f32
    %broadcast_in_dim3A_548 = vector.broadcast %jit3A_547 : f32 to vector<16xf32>
    %select_n3A_549 = arith.select %lt3A_546, %get3A_544, %broadcast_in_dim3A_548 : vector<16xi1>, vector<16xf32>
    %swap3A_550 = arith.constant 0 : i32
    %swap3A_551 = arith.index_cast %swap3A_550 : i32 to index
    %swap3A_552 = arith.constant 240 : index
    %swap3A_553 = tpu.vector_load %arg7[%swap3A_551, %swap3A_552] {strides = array<i32>} : memref<4x512xf32, #tpu.memory_space<vmem>>, vector<1x16xf32>,
    %swap3A_554 = vector.shape_cast %swap3A_553 : vector<1x16xf32> to vector<16xf32>
    %swap3A_555 = vector.shape_cast %select_n3A_549 : vector<16xf32> to vector<1x16xf32>
    tpu.vector_store %arg7[%swap3A_551, %swap3A_552], %swap3A_555 {strides = array<i32>} : memref<4x512xf32, #tpu.memory_space<vmem>>, vector<1x16xf32>,
    %add3A_556 = arith.constant 256 : i32
    %add3A_557 = vector.broadcast %add3A_556 : i32 to vector<16xi32>
    %add3A_558 = arith.addi %iota3A, %add3A_557 : vector<16xi32>
    %add3A_559 = arith.constant 0 : i32
    %add3A_560 = arith.addi %add3A_559, %sub3A_88 : i32
    %add3A_561 = arith.constant 256 : i32
    %add3A_562 = arith.addi %add3A_560, %add3A_561 : i32
    %get3A_563 = arith.index_cast %add3A_562 : i32 to index
    %get3A_564 = tpu.vector_load %arg6[%get3A_563] {strides = array<i32>} : memref<2112xf32, #tpu.memory_space<vmem>>, vector<16xf32>,
    %get3A_565 = vector.shape_cast %get3A_564 : vector<16xf32> to vector<16xf32>
    %lt3A_566 = vector.broadcast %sub3A_89 : i32 to vector<16xi32>
    %lt3A_567 = arith.cmpi slt, %add3A_558, %lt3A_566 : vector<16xi32>
    %jit3A_568 = arith.constant -1.000000e+09 : f32
    %broadcast_in_dim3A_569 = vector.broadcast %jit3A_568 : f32 to vector<16xf32>
    %select_n3A_570 = arith.select %lt3A_567, %get3A_565, %broadcast_in_dim3A_569 : vector<16xi1>, vector<16xf32>
    %swap3A_571 = arith.constant 0 : i32
    %swap3A_572 = arith.index_cast %swap3A_571 : i32 to index
    %swap3A_573 = arith.constant 256 : index
    %swap3A_574 = tpu.vector_load %arg7[%swap3A_572, %swap3A_573] {strides = array<i32>} : memref<4x512xf32, #tpu.memory_space<vmem>>, vector<1x16xf32>,
    %swap3A_575 = vector.shape_cast %swap3A_574 : vector<1x16xf32> to vector<16xf32>
    %swap3A_576 = vector.shape_cast %select_n3A_570 : vector<16xf32> to vector<1x16xf32>
    tpu.vector_store %arg7[%swap3A_572, %swap3A_573], %swap3A_576 {strides = array<i32>} : memref<4x512xf32, #tpu.memory_space<vmem>>, vector<1x16xf32>,
    %add3A_577 = arith.constant 272 : i32
    %add3A_578 = vector.broadcast %add3A_577 : i32 to vector<16xi32>
    %add3A_579 = arith.addi %iota3A, %add3A_578 : vector<16xi32>
    %add3A_580 = arith.constant 0 : i32
    %add3A_581 = arith.addi %add3A_580, %sub3A_88 : i32
    %add3A_582 = arith.constant 272 : i32
    %add3A_583 = arith.addi %add3A_581, %add3A_582 : i32
    %get3A_584 = arith.index_cast %add3A_583 : i32 to index
    %get3A_585 = tpu.vector_load %arg6[%get3A_584] {strides = array<i32>} : memref<2112xf32, #tpu.memory_space<vmem>>, vector<16xf32>,
    %get3A_586 = vector.shape_cast %get3A_585 : vector<16xf32> to vector<16xf32>
    %lt3A_587 = vector.broadcast %sub3A_89 : i32 to vector<16xi32>
    %lt3A_588 = arith.cmpi slt, %add3A_579, %lt3A_587 : vector<16xi32>
    %jit3A_589 = arith.constant -1.000000e+09 : f32
    %broadcast_in_dim3A_590 = vector.broadcast %jit3A_589 : f32 to vector<16xf32>
    %select_n3A_591 = arith.select %lt3A_588, %get3A_586, %broadcast_in_dim3A_590 : vector<16xi1>, vector<16xf32>
    %swap3A_592 = arith.constant 0 : i32
    %swap3A_593 = arith.index_cast %swap3A_592 : i32 to index
    %swap3A_594 = arith.constant 272 : index
    %swap3A_595 = tpu.vector_load %arg7[%swap3A_593, %swap3A_594] {strides = array<i32>} : memref<4x512xf32, #tpu.memory_space<vmem>>, vector<1x16xf32>,
    %swap3A_596 = vector.shape_cast %swap3A_595 : vector<1x16xf32> to vector<16xf32>
    %swap3A_597 = vector.shape_cast %select_n3A_591 : vector<16xf32> to vector<1x16xf32>
    tpu.vector_store %arg7[%swap3A_593, %swap3A_594], %swap3A_597 {strides = array<i32>} : memref<4x512xf32, #tpu.memory_space<vmem>>, vector<1x16xf32>,
    %add3A_598 = arith.constant 288 : i32
    %add3A_599 = vector.broadcast %add3A_598 : i32 to vector<16xi32>
    %add3A_600 = arith.addi %iota3A, %add3A_599 : vector<16xi32>
    %add3A_601 = arith.constant 0 : i32
    %add3A_602 = arith.addi %add3A_601, %sub3A_88 : i32
    %add3A_603 = arith.constant 288 : i32
    %add3A_604 = arith.addi %add3A_602, %add3A_603 : i32
    %get3A_605 = arith.index_cast %add3A_604 : i32 to index
    %get3A_606 = tpu.vector_load %arg6[%get3A_605] {strides = array<i32>} : memref<2112xf32, #tpu.memory_space<vmem>>, vector<16xf32>,
    %get3A_607 = vector.shape_cast %get3A_606 : vector<16xf32> to vector<16xf32>
    %lt3A_608 = vector.broadcast %sub3A_89 : i32 to vector<16xi32>
    %lt3A_609 = arith.cmpi slt, %add3A_600, %lt3A_608 : vector<16xi32>
    %jit3A_610 = arith.constant -1.000000e+09 : f32
    %broadcast_in_dim3A_611 = vector.broadcast %jit3A_610 : f32 to vector<16xf32>
    %select_n3A_612 = arith.select %lt3A_609, %get3A_607, %broadcast_in_dim3A_611 : vector<16xi1>, vector<16xf32>
    %swap3A_613 = arith.constant 0 : i32
    %swap3A_614 = arith.index_cast %swap3A_613 : i32 to index
    %swap3A_615 = arith.constant 288 : index
    %swap3A_616 = tpu.vector_load %arg7[%swap3A_614, %swap3A_615] {strides = array<i32>} : memref<4x512xf32, #tpu.memory_space<vmem>>, vector<1x16xf32>,
    %swap3A_617 = vector.shape_cast %swap3A_616 : vector<1x16xf32> to vector<16xf32>
    %swap3A_618 = vector.shape_cast %select_n3A_612 : vector<16xf32> to vector<1x16xf32>
    tpu.vector_store %arg7[%swap3A_614, %swap3A_615], %swap3A_618 {strides = array<i32>} : memref<4x512xf32, #tpu.memory_space<vmem>>, vector<1x16xf32>,
    %add3A_619 = arith.constant 304 : i32
    %add3A_620 = vector.broadcast %add3A_619 : i32 to vector<16xi32>
    %add3A_621 = arith.addi %iota3A, %add3A_620 : vector<16xi32>
    %add3A_622 = arith.constant 0 : i32
    %add3A_623 = arith.addi %add3A_622, %sub3A_88 : i32
    %add3A_624 = arith.constant 304 : i32
    %add3A_625 = arith.addi %add3A_623, %add3A_624 : i32
    %get3A_626 = arith.index_cast %add3A_625 : i32 to index
    %get3A_627 = tpu.vector_load %arg6[%get3A_626] {strides = array<i32>} : memref<2112xf32, #tpu.memory_space<vmem>>, vector<16xf32>,
    %get3A_628 = vector.shape_cast %get3A_627 : vector<16xf32> to vector<16xf32>
    %lt3A_629 = vector.broadcast %sub3A_89 : i32 to vector<16xi32>
    %lt3A_630 = arith.cmpi slt, %add3A_621, %lt3A_629 : vector<16xi32>
    %jit3A_631 = arith.constant -1.000000e+09 : f32
    %broadcast_in_dim3A_632 = vector.broadcast %jit3A_631 : f32 to vector<16xf32>
    %select_n3A_633 = arith.select %lt3A_630, %get3A_628, %broadcast_in_dim3A_632 : vector<16xi1>, vector<16xf32>
    %swap3A_634 = arith.constant 0 : i32
    %swap3A_635 = arith.index_cast %swap3A_634 : i32 to index
    %swap3A_636 = arith.constant 304 : index
    %swap3A_637 = tpu.vector_load %arg7[%swap3A_635, %swap3A_636] {strides = array<i32>} : memref<4x512xf32, #tpu.memory_space<vmem>>, vector<1x16xf32>,
    %swap3A_638 = vector.shape_cast %swap3A_637 : vector<1x16xf32> to vector<16xf32>
    %swap3A_639 = vector.shape_cast %select_n3A_633 : vector<16xf32> to vector<1x16xf32>
    tpu.vector_store %arg7[%swap3A_635, %swap3A_636], %swap3A_639 {strides = array<i32>} : memref<4x512xf32, #tpu.memory_space<vmem>>, vector<1x16xf32>,
    %add3A_640 = arith.constant 320 : i32
    %add3A_641 = vector.broadcast %add3A_640 : i32 to vector<16xi32>
    %add3A_642 = arith.addi %iota3A, %add3A_641 : vector<16xi32>
    %add3A_643 = arith.constant 0 : i32
    %add3A_644 = arith.addi %add3A_643, %sub3A_88 : i32
    %add3A_645 = arith.constant 320 : i32
    %add3A_646 = arith.addi %add3A_644, %add3A_645 : i32
    %get3A_647 = arith.index_cast %add3A_646 : i32 to index
    %get3A_648 = tpu.vector_load %arg6[%get3A_647] {strides = array<i32>} : memref<2112xf32, #tpu.memory_space<vmem>>, vector<16xf32>,
    %get3A_649 = vector.shape_cast %get3A_648 : vector<16xf32> to vector<16xf32>
    %lt3A_650 = vector.broadcast %sub3A_89 : i32 to vector<16xi32>
    %lt3A_651 = arith.cmpi slt, %add3A_642, %lt3A_650 : vector<16xi32>
    %jit3A_652 = arith.constant -1.000000e+09 : f32
    %broadcast_in_dim3A_653 = vector.broadcast %jit3A_652 : f32 to vector<16xf32>
    %select_n3A_654 = arith.select %lt3A_651, %get3A_649, %broadcast_in_dim3A_653 : vector<16xi1>, vector<16xf32>
    %swap3A_655 = arith.constant 0 : i32
    %swap3A_656 = arith.index_cast %swap3A_655 : i32 to index
    %swap3A_657 = arith.constant 320 : index
    %swap3A_658 = tpu.vector_load %arg7[%swap3A_656, %swap3A_657] {strides = array<i32>} : memref<4x512xf32, #tpu.memory_space<vmem>>, vector<1x16xf32>,
    %swap3A_659 = vector.shape_cast %swap3A_658 : vector<1x16xf32> to vector<16xf32>
    %swap3A_660 = vector.shape_cast %select_n3A_654 : vector<16xf32> to vector<1x16xf32>
    tpu.vector_store %arg7[%swap3A_656, %swap3A_657], %swap3A_660 {strides = array<i32>} : memref<4x512xf32, #tpu.memory_space<vmem>>, vector<1x16xf32>,
    %add3A_661 = arith.constant 336 : i32
    %add3A_662 = vector.broadcast %add3A_661 : i32 to vector<16xi32>
    %add3A_663 = arith.addi %iota3A, %add3A_662 : vector<16xi32>
    %add3A_664 = arith.constant 0 : i32
    %add3A_665 = arith.addi %add3A_664, %sub3A_88 : i32
    %add3A_666 = arith.constant 336 : i32
    %add3A_667 = arith.addi %add3A_665, %add3A_666 : i32
    %get3A_668 = arith.index_cast %add3A_667 : i32 to index
    %get3A_669 = tpu.vector_load %arg6[%get3A_668] {strides = array<i32>} : memref<2112xf32, #tpu.memory_space<vmem>>, vector<16xf32>,
    %get3A_670 = vector.shape_cast %get3A_669 : vector<16xf32> to vector<16xf32>
    %lt3A_671 = vector.broadcast %sub3A_89 : i32 to vector<16xi32>
    %lt3A_672 = arith.cmpi slt, %add3A_663, %lt3A_671 : vector<16xi32>
    %jit3A_673 = arith.constant -1.000000e+09 : f32
    %broadcast_in_dim3A_674 = vector.broadcast %jit3A_673 : f32 to vector<16xf32>
    %select_n3A_675 = arith.select %lt3A_672, %get3A_670, %broadcast_in_dim3A_674 : vector<16xi1>, vector<16xf32>
    %swap3A_676 = arith.constant 0 : i32
    %swap3A_677 = arith.index_cast %swap3A_676 : i32 to index
    %swap3A_678 = arith.constant 336 : index
    %swap3A_679 = tpu.vector_load %arg7[%swap3A_677, %swap3A_678] {strides = array<i32>} : memref<4x512xf32, #tpu.memory_space<vmem>>, vector<1x16xf32>,
    %swap3A_680 = vector.shape_cast %swap3A_679 : vector<1x16xf32> to vector<16xf32>
    %swap3A_681 = vector.shape_cast %select_n3A_675 : vector<16xf32> to vector<1x16xf32>
    tpu.vector_store %arg7[%swap3A_677, %swap3A_678], %swap3A_681 {strides = array<i32>} : memref<4x512xf32, #tpu.memory_space<vmem>>, vector<1x16xf32>,
    %add3A_682 = arith.constant 352 : i32
    %add3A_683 = vector.broadcast %add3A_682 : i32 to vector<16xi32>
    %add3A_684 = arith.addi %iota3A, %add3A_683 : vector<16xi32>
    %add3A_685 = arith.constant 0 : i32
    %add3A_686 = arith.addi %add3A_685, %sub3A_88 : i32
    %add3A_687 = arith.constant 352 : i32
    %add3A_688 = arith.addi %add3A_686, %add3A_687 : i32
    %get3A_689 = arith.index_cast %add3A_688 : i32 to index
    %get3A_690 = tpu.vector_load %arg6[%get3A_689] {strides = array<i32>} : memref<2112xf32, #tpu.memory_space<vmem>>, vector<16xf32>,
    %get3A_691 = vector.shape_cast %get3A_690 : vector<16xf32> to vector<16xf32>
    %lt3A_692 = vector.broadcast %sub3A_89 : i32 to vector<16xi32>
    %lt3A_693 = arith.cmpi slt, %add3A_684, %lt3A_692 : vector<16xi32>
    %jit3A_694 = arith.constant -1.000000e+09 : f32
    %broadcast_in_dim3A_695 = vector.broadcast %jit3A_694 : f32 to vector<16xf32>
    %select_n3A_696 = arith.select %lt3A_693, %get3A_691, %broadcast_in_dim3A_695 : vector<16xi1>, vector<16xf32>
    %swap3A_697 = arith.constant 0 : i32
    %swap3A_698 = arith.index_cast %swap3A_697 : i32 to index
    %swap3A_699 = arith.constant 352 : index
    %swap3A_700 = tpu.vector_load %arg7[%swap3A_698, %swap3A_699] {strides = array<i32>} : memref<4x512xf32, #tpu.memory_space<vmem>>, vector<1x16xf32>,
    %swap3A_701 = vector.shape_cast %swap3A_700 : vector<1x16xf32> to vector<16xf32>
    %swap3A_702 = vector.shape_cast %select_n3A_696 : vector<16xf32> to vector<1x16xf32>
    tpu.vector_store %arg7[%swap3A_698, %swap3A_699], %swap3A_702 {strides = array<i32>} : memref<4x512xf32, #tpu.memory_space<vmem>>, vector<1x16xf32>,
    %add3A_703 = arith.constant 368 : i32
    %add3A_704 = vector.broadcast %add3A_703 : i32 to vector<16xi32>
    %add3A_705 = arith.addi %iota3A, %add3A_704 : vector<16xi32>
    %add3A_706 = arith.constant 0 : i32
    %add3A_707 = arith.addi %add3A_706, %sub3A_88 : i32
    %add3A_708 = arith.constant 368 : i32
    %add3A_709 = arith.addi %add3A_707, %add3A_708 : i32
    %get3A_710 = arith.index_cast %add3A_709 : i32 to index
    %get3A_711 = tpu.vector_load %arg6[%get3A_710] {strides = array<i32>} : memref<2112xf32, #tpu.memory_space<vmem>>, vector<16xf32>,
    %get3A_712 = vector.shape_cast %get3A_711 : vector<16xf32> to vector<16xf32>
    %lt3A_713 = vector.broadcast %sub3A_89 : i32 to vector<16xi32>
    %lt3A_714 = arith.cmpi slt, %add3A_705, %lt3A_713 : vector<16xi32>
    %jit3A_715 = arith.constant -1.000000e+09 : f32
    %broadcast_in_dim3A_716 = vector.broadcast %jit3A_715 : f32 to vector<16xf32>
    %select_n3A_717 = arith.select %lt3A_714, %get3A_712, %broadcast_in_dim3A_716 : vector<16xi1>, vector<16xf32>
    %swap3A_718 = arith.constant 0 : i32
    %swap3A_719 = arith.index_cast %swap3A_718 : i32 to index
    %swap3A_720 = arith.constant 368 : index
    %swap3A_721 = tpu.vector_load %arg7[%swap3A_719, %swap3A_720] {strides = array<i32>} : memref<4x512xf32, #tpu.memory_space<vmem>>, vector<1x16xf32>,
    %swap3A_722 = vector.shape_cast %swap3A_721 : vector<1x16xf32> to vector<16xf32>
    %swap3A_723 = vector.shape_cast %select_n3A_717 : vector<16xf32> to vector<1x16xf32>
    tpu.vector_store %arg7[%swap3A_719, %swap3A_720], %swap3A_723 {strides = array<i32>} : memref<4x512xf32, #tpu.memory_space<vmem>>, vector<1x16xf32>,
    %add3A_724 = arith.constant 384 : i32
    %add3A_725 = vector.broadcast %add3A_724 : i32 to vector<16xi32>
    %add3A_726 = arith.addi %iota3A, %add3A_725 : vector<16xi32>
    %add3A_727 = arith.constant 0 : i32
    %add3A_728 = arith.addi %add3A_727, %sub3A_88 : i32
    %add3A_729 = arith.constant 384 : i32
    %add3A_730 = arith.addi %add3A_728, %add3A_729 : i32
    %get3A_731 = arith.index_cast %add3A_730 : i32 to index
    %get3A_732 = tpu.vector_load %arg6[%get3A_731] {strides = array<i32>} : memref<2112xf32, #tpu.memory_space<vmem>>, vector<16xf32>,
    %get3A_733 = vector.shape_cast %get3A_732 : vector<16xf32> to vector<16xf32>
    %lt3A_734 = vector.broadcast %sub3A_89 : i32 to vector<16xi32>
    %lt3A_735 = arith.cmpi slt, %add3A_726, %lt3A_734 : vector<16xi32>
    %jit3A_736 = arith.constant -1.000000e+09 : f32
    %broadcast_in_dim3A_737 = vector.broadcast %jit3A_736 : f32 to vector<16xf32>
    %select_n3A_738 = arith.select %lt3A_735, %get3A_733, %broadcast_in_dim3A_737 : vector<16xi1>, vector<16xf32>
    %swap3A_739 = arith.constant 0 : i32
    %swap3A_740 = arith.index_cast %swap3A_739 : i32 to index
    %swap3A_741 = arith.constant 384 : index
    %swap3A_742 = tpu.vector_load %arg7[%swap3A_740, %swap3A_741] {strides = array<i32>} : memref<4x512xf32, #tpu.memory_space<vmem>>, vector<1x16xf32>,
    %swap3A_743 = vector.shape_cast %swap3A_742 : vector<1x16xf32> to vector<16xf32>
    %swap3A_744 = vector.shape_cast %select_n3A_738 : vector<16xf32> to vector<1x16xf32>
    tpu.vector_store %arg7[%swap3A_740, %swap3A_741], %swap3A_744 {strides = array<i32>} : memref<4x512xf32, #tpu.memory_space<vmem>>, vector<1x16xf32>,
    %add3A_745 = arith.constant 400 : i32
    %add3A_746 = vector.broadcast %add3A_745 : i32 to vector<16xi32>
    %add3A_747 = arith.addi %iota3A, %add3A_746 : vector<16xi32>
    %add3A_748 = arith.constant 0 : i32
    %add3A_749 = arith.addi %add3A_748, %sub3A_88 : i32
    %add3A_750 = arith.constant 400 : i32
    %add3A_751 = arith.addi %add3A_749, %add3A_750 : i32
    %get3A_752 = arith.index_cast %add3A_751 : i32 to index
    %get3A_753 = tpu.vector_load %arg6[%get3A_752] {strides = array<i32>} : memref<2112xf32, #tpu.memory_space<vmem>>, vector<16xf32>,
    %get3A_754 = vector.shape_cast %get3A_753 : vector<16xf32> to vector<16xf32>
    %lt3A_755 = vector.broadcast %sub3A_89 : i32 to vector<16xi32>
    %lt3A_756 = arith.cmpi slt, %add3A_747, %lt3A_755 : vector<16xi32>
    %jit3A_757 = arith.constant -1.000000e+09 : f32
    %broadcast_in_dim3A_758 = vector.broadcast %jit3A_757 : f32 to vector<16xf32>
    %select_n3A_759 = arith.select %lt3A_756, %get3A_754, %broadcast_in_dim3A_758 : vector<16xi1>, vector<16xf32>
    %swap3A_760 = arith.constant 0 : i32
    %swap3A_761 = arith.index_cast %swap3A_760 : i32 to index
    %swap3A_762 = arith.constant 400 : index
    %swap3A_763 = tpu.vector_load %arg7[%swap3A_761, %swap3A_762] {strides = array<i32>} : memref<4x512xf32, #tpu.memory_space<vmem>>, vector<1x16xf32>,
    %swap3A_764 = vector.shape_cast %swap3A_763 : vector<1x16xf32> to vector<16xf32>
    %swap3A_765 = vector.shape_cast %select_n3A_759 : vector<16xf32> to vector<1x16xf32>
    tpu.vector_store %arg7[%swap3A_761, %swap3A_762], %swap3A_765 {strides = array<i32>} : memref<4x512xf32, #tpu.memory_space<vmem>>, vector<1x16xf32>,
    %add3A_766 = arith.constant 416 : i32
    %add3A_767 = vector.broadcast %add3A_766 : i32 to vector<16xi32>
    %add3A_768 = arith.addi %iota3A, %add3A_767 : vector<16xi32>
    %add3A_769 = arith.constant 0 : i32
    %add3A_770 = arith.addi %add3A_769, %sub3A_88 : i32
    %add3A_771 = arith.constant 416 : i32
    %add3A_772 = arith.addi %add3A_770, %add3A_771 : i32
    %get3A_773 = arith.index_cast %add3A_772 : i32 to index
    %get3A_774 = tpu.vector_load %arg6[%get3A_773] {strides = array<i32>} : memref<2112xf32, #tpu.memory_space<vmem>>, vector<16xf32>,
    %get3A_775 = vector.shape_cast %get3A_774 : vector<16xf32> to vector<16xf32>
    %lt3A_776 = vector.broadcast %sub3A_89 : i32 to vector<16xi32>
    %lt3A_777 = arith.cmpi slt, %add3A_768, %lt3A_776 : vector<16xi32>
    %jit3A_778 = arith.constant -1.000000e+09 : f32
    %broadcast_in_dim3A_779 = vector.broadcast %jit3A_778 : f32 to vector<16xf32>
    %select_n3A_780 = arith.select %lt3A_777, %get3A_775, %broadcast_in_dim3A_779 : vector<16xi1>, vector<16xf32>
    %swap3A_781 = arith.constant 0 : i32
    %swap3A_782 = arith.index_cast %swap3A_781 : i32 to index
    %swap3A_783 = arith.constant 416 : index
    %swap3A_784 = tpu.vector_load %arg7[%swap3A_782, %swap3A_783] {strides = array<i32>} : memref<4x512xf32, #tpu.memory_space<vmem>>, vector<1x16xf32>,
    %swap3A_785 = vector.shape_cast %swap3A_784 : vector<1x16xf32> to vector<16xf32>
    %swap3A_786 = vector.shape_cast %select_n3A_780 : vector<16xf32> to vector<1x16xf32>
    tpu.vector_store %arg7[%swap3A_782, %swap3A_783], %swap3A_786 {strides = array<i32>} : memref<4x512xf32, #tpu.memory_space<vmem>>, vector<1x16xf32>,
    %add3A_787 = arith.constant 432 : i32
    %add3A_788 = vector.broadcast %add3A_787 : i32 to vector<16xi32>
    %add3A_789 = arith.addi %iota3A, %add3A_788 : vector<16xi32>
    %add3A_790 = arith.constant 0 : i32
    %add3A_791 = arith.addi %add3A_790, %sub3A_88 : i32
    %add3A_792 = arith.constant 432 : i32
    %add3A_793 = arith.addi %add3A_791, %add3A_792 : i32
    %get3A_794 = arith.index_cast %add3A_793 : i32 to index
    %get3A_795 = tpu.vector_load %arg6[%get3A_794] {strides = array<i32>} : memref<2112xf32, #tpu.memory_space<vmem>>, vector<16xf32>,
    %get3A_796 = vector.shape_cast %get3A_795 : vector<16xf32> to vector<16xf32>
    %lt3A_797 = vector.broadcast %sub3A_89 : i32 to vector<16xi32>
    %lt3A_798 = arith.cmpi slt, %add3A_789, %lt3A_797 : vector<16xi32>
    %jit3A_799 = arith.constant -1.000000e+09 : f32
    %broadcast_in_dim3A_800 = vector.broadcast %jit3A_799 : f32 to vector<16xf32>
    %select_n3A_801 = arith.select %lt3A_798, %get3A_796, %broadcast_in_dim3A_800 : vector<16xi1>, vector<16xf32>
    %swap3A_802 = arith.constant 0 : i32
    %swap3A_803 = arith.index_cast %swap3A_802 : i32 to index
    %swap3A_804 = arith.constant 432 : index
    %swap3A_805 = tpu.vector_load %arg7[%swap3A_803, %swap3A_804] {strides = array<i32>} : memref<4x512xf32, #tpu.memory_space<vmem>>, vector<1x16xf32>,
    %swap3A_806 = vector.shape_cast %swap3A_805 : vector<1x16xf32> to vector<16xf32>
    %swap3A_807 = vector.shape_cast %select_n3A_801 : vector<16xf32> to vector<1x16xf32>
    tpu.vector_store %arg7[%swap3A_803, %swap3A_804], %swap3A_807 {strides = array<i32>} : memref<4x512xf32, #tpu.memory_space<vmem>>, vector<1x16xf32>,
    %add3A_808 = arith.constant 448 : i32
    %add3A_809 = vector.broadcast %add3A_808 : i32 to vector<16xi32>
    %add3A_810 = arith.addi %iota3A, %add3A_809 : vector<16xi32>
    %add3A_811 = arith.constant 0 : i32
    %add3A_812 = arith.addi %add3A_811, %sub3A_88 : i32
    %add3A_813 = arith.constant 448 : i32
    %add3A_814 = arith.addi %add3A_812, %add3A_813 : i32
    %get3A_815 = arith.index_cast %add3A_814 : i32 to index
    %get3A_816 = tpu.vector_load %arg6[%get3A_815] {strides = array<i32>} : memref<2112xf32, #tpu.memory_space<vmem>>, vector<16xf32>,
    %get3A_817 = vector.shape_cast %get3A_816 : vector<16xf32> to vector<16xf32>
    %lt3A_818 = vector.broadcast %sub3A_89 : i32 to vector<16xi32>
    %lt3A_819 = arith.cmpi slt, %add3A_810, %lt3A_818 : vector<16xi32>
    %jit3A_820 = arith.constant -1.000000e+09 : f32
    %broadcast_in_dim3A_821 = vector.broadcast %jit3A_820 : f32 to vector<16xf32>
    %select_n3A_822 = arith.select %lt3A_819, %get3A_817, %broadcast_in_dim3A_821 : vector<16xi1>, vector<16xf32>
    %swap3A_823 = arith.constant 0 : i32
    %swap3A_824 = arith.index_cast %swap3A_823 : i32 to index
    %swap3A_825 = arith.constant 448 : index
    %swap3A_826 = tpu.vector_load %arg7[%swap3A_824, %swap3A_825] {strides = array<i32>} : memref<4x512xf32, #tpu.memory_space<vmem>>, vector<1x16xf32>,
    %swap3A_827 = vector.shape_cast %swap3A_826 : vector<1x16xf32> to vector<16xf32>
    %swap3A_828 = vector.shape_cast %select_n3A_822 : vector<16xf32> to vector<1x16xf32>
    tpu.vector_store %arg7[%swap3A_824, %swap3A_825], %swap3A_828 {strides = array<i32>} : memref<4x512xf32, #tpu.memory_space<vmem>>, vector<1x16xf32>,
    %add3A_829 = arith.constant 464 : i32
    %add3A_830 = vector.broadcast %add3A_829 : i32 to vector<16xi32>
    %add3A_831 = arith.addi %iota3A, %add3A_830 : vector<16xi32>
    %add3A_832 = arith.constant 0 : i32
    %add3A_833 = arith.addi %add3A_832, %sub3A_88 : i32
    %add3A_834 = arith.constant 464 : i32
    %add3A_835 = arith.addi %add3A_833, %add3A_834 : i32
    %get3A_836 = arith.index_cast %add3A_835 : i32 to index
    %get3A_837 = tpu.vector_load %arg6[%get3A_836] {strides = array<i32>} : memref<2112xf32, #tpu.memory_space<vmem>>, vector<16xf32>,
    %get3A_838 = vector.shape_cast %get3A_837 : vector<16xf32> to vector<16xf32>
    %lt3A_839 = vector.broadcast %sub3A_89 : i32 to vector<16xi32>
    %lt3A_840 = arith.cmpi slt, %add3A_831, %lt3A_839 : vector<16xi32>
    %jit3A_841 = arith.constant -1.000000e+09 : f32
    %broadcast_in_dim3A_842 = vector.broadcast %jit3A_841 : f32 to vector<16xf32>
    %select_n3A_843 = arith.select %lt3A_840, %get3A_838, %broadcast_in_dim3A_842 : vector<16xi1>, vector<16xf32>
    %swap3A_844 = arith.constant 0 : i32
    %swap3A_845 = arith.index_cast %swap3A_844 : i32 to index
    %swap3A_846 = arith.constant 464 : index
    %swap3A_847 = tpu.vector_load %arg7[%swap3A_845, %swap3A_846] {strides = array<i32>} : memref<4x512xf32, #tpu.memory_space<vmem>>, vector<1x16xf32>,
    %swap3A_848 = vector.shape_cast %swap3A_847 : vector<1x16xf32> to vector<16xf32>
    %swap3A_849 = vector.shape_cast %select_n3A_843 : vector<16xf32> to vector<1x16xf32>
    tpu.vector_store %arg7[%swap3A_845, %swap3A_846], %swap3A_849 {strides = array<i32>} : memref<4x512xf32, #tpu.memory_space<vmem>>, vector<1x16xf32>,
    %add3A_850 = arith.constant 480 : i32
    %add3A_851 = vector.broadcast %add3A_850 : i32 to vector<16xi32>
    %add3A_852 = arith.addi %iota3A, %add3A_851 : vector<16xi32>
    %add3A_853 = arith.constant 0 : i32
    %add3A_854 = arith.addi %add3A_853, %sub3A_88 : i32
    %add3A_855 = arith.constant 480 : i32
    %add3A_856 = arith.addi %add3A_854, %add3A_855 : i32
    %get3A_857 = arith.index_cast %add3A_856 : i32 to index
    %get3A_858 = tpu.vector_load %arg6[%get3A_857] {strides = array<i32>} : memref<2112xf32, #tpu.memory_space<vmem>>, vector<16xf32>,
    %get3A_859 = vector.shape_cast %get3A_858 : vector<16xf32> to vector<16xf32>
    %lt3A_860 = vector.broadcast %sub3A_89 : i32 to vector<16xi32>
    %lt3A_861 = arith.cmpi slt, %add3A_852, %lt3A_860 : vector<16xi32>
    %jit3A_862 = arith.constant -1.000000e+09 : f32
    %broadcast_in_dim3A_863 = vector.broadcast %jit3A_862 : f32 to vector<16xf32>
    %select_n3A_864 = arith.select %lt3A_861, %get3A_859, %broadcast_in_dim3A_863 : vector<16xi1>, vector<16xf32>
    %swap3A_865 = arith.constant 0 : i32
    %swap3A_866 = arith.index_cast %swap3A_865 : i32 to index
    %swap3A_867 = arith.constant 480 : index
    %swap3A_868 = tpu.vector_load %arg7[%swap3A_866, %swap3A_867] {strides = array<i32>} : memref<4x512xf32, #tpu.memory_space<vmem>>, vector<1x16xf32>,
    %swap3A_869 = vector.shape_cast %swap3A_868 : vector<1x16xf32> to vector<16xf32>
    %swap3A_870 = vector.shape_cast %select_n3A_864 : vector<16xf32> to vector<1x16xf32>
    tpu.vector_store %arg7[%swap3A_866, %swap3A_867], %swap3A_870 {strides = array<i32>} : memref<4x512xf32, #tpu.memory_space<vmem>>, vector<1x16xf32>,
    %add3A_871 = arith.constant 496 : i32
    %add3A_872 = vector.broadcast %add3A_871 : i32 to vector<16xi32>
    %add3A_873 = arith.addi %iota3A, %add3A_872 : vector<16xi32>
    %add3A_874 = arith.constant 0 : i32
    %add3A_875 = arith.addi %add3A_874, %sub3A_88 : i32
    %add3A_876 = arith.constant 496 : i32
    %add3A_877 = arith.addi %add3A_875, %add3A_876 : i32
    %get3A_878 = arith.index_cast %add3A_877 : i32 to index
    %get3A_879 = tpu.vector_load %arg6[%get3A_878] {strides = array<i32>} : memref<2112xf32, #tpu.memory_space<vmem>>, vector<16xf32>,
    %get3A_880 = vector.shape_cast %get3A_879 : vector<16xf32> to vector<16xf32>
    %lt3A_881 = vector.broadcast %sub3A_89 : i32 to vector<16xi32>
    %lt3A_882 = arith.cmpi slt, %add3A_873, %lt3A_881 : vector<16xi32>
    %jit3A_883 = arith.constant -1.000000e+09 : f32
    %broadcast_in_dim3A_884 = vector.broadcast %jit3A_883 : f32 to vector<16xf32>
    %select_n3A_885 = arith.select %lt3A_882, %get3A_880, %broadcast_in_dim3A_884 : vector<16xi1>, vector<16xf32>
    %swap3A_886 = arith.constant 0 : i32
    %swap3A_887 = arith.index_cast %swap3A_886 : i32 to index
    %swap3A_888 = arith.constant 496 : index
    %swap3A_889 = tpu.vector_load %arg7[%swap3A_887, %swap3A_888] {strides = array<i32>} : memref<4x512xf32, #tpu.memory_space<vmem>>, vector<1x16xf32>,
    %swap3A_890 = vector.shape_cast %swap3A_889 : vector<1x16xf32> to vector<16xf32>
    %swap3A_891 = vector.shape_cast %select_n3A_885 : vector<16xf32> to vector<1x16xf32>
    tpu.vector_store %arg7[%swap3A_887, %swap3A_888], %swap3A_891 {strides = array<i32>} : memref<4x512xf32, #tpu.memory_space<vmem>>, vector<1x16xf32>,
    %add3A_892 = arith.constant 0 : i32
    %add3A_893 = vector.broadcast %add3A_892 : i32 to vector<16xi32>
    %add3A_894 = arith.addi %iota3A, %add3A_893 : vector<16xi32>
    %add3A_895 = arith.constant 528 : i32
    %add3A_896 = arith.addi %add3A_895, %sub3A_122 : i32
    %add3A_897 = arith.constant 0 : i32
    %add3A_898 = arith.addi %add3A_896, %add3A_897 : i32
    %get3A_899 = arith.index_cast %add3A_898 : i32 to index
    %get3A_900 = tpu.vector_load %arg6[%get3A_899] {strides = array<i32>} : memref<2112xf32, #tpu.memory_space<vmem>>, vector<16xf32>,
    %get3A_901 = vector.shape_cast %get3A_900 : vector<16xf32> to vector<16xf32>
    %lt3A_902 = vector.broadcast %sub3A_123 : i32 to vector<16xi32>
    %lt3A_903 = arith.cmpi slt, %add3A_894, %lt3A_902 : vector<16xi32>
    %jit3A_904 = arith.constant -1.000000e+09 : f32
    %broadcast_in_dim3A_905 = vector.broadcast %jit3A_904 : f32 to vector<16xf32>
    %select_n3A_906 = arith.select %lt3A_903, %get3A_901, %broadcast_in_dim3A_905 : vector<16xi1>, vector<16xf32>
    %swap3A_907 = arith.constant 1 : i32
    %swap3A_908 = arith.index_cast %swap3A_907 : i32 to index
    %swap3A_909 = arith.constant 0 : index
    %swap3A_910 = tpu.vector_load %arg7[%swap3A_908, %swap3A_909] {strides = array<i32>} : memref<4x512xf32, #tpu.memory_space<vmem>>, vector<1x16xf32>,
    %swap3A_911 = vector.shape_cast %swap3A_910 : vector<1x16xf32> to vector<16xf32>
    %swap3A_912 = vector.shape_cast %select_n3A_906 : vector<16xf32> to vector<1x16xf32>
    tpu.vector_store %arg7[%swap3A_908, %swap3A_909], %swap3A_912 {strides = array<i32>} : memref<4x512xf32, #tpu.memory_space<vmem>>, vector<1x16xf32>,
    %add3A_913 = arith.constant 16 : i32
    %add3A_914 = vector.broadcast %add3A_913 : i32 to vector<16xi32>
    %add3A_915 = arith.addi %iota3A, %add3A_914 : vector<16xi32>
    %add3A_916 = arith.constant 528 : i32
    %add3A_917 = arith.addi %add3A_916, %sub3A_122 : i32
    %add3A_918 = arith.constant 16 : i32
    %add3A_919 = arith.addi %add3A_917, %add3A_918 : i32
    %get3A_920 = arith.index_cast %add3A_919 : i32 to index
    %get3A_921 = tpu.vector_load %arg6[%get3A_920] {strides = array<i32>} : memref<2112xf32, #tpu.memory_space<vmem>>, vector<16xf32>,
    %get3A_922 = vector.shape_cast %get3A_921 : vector<16xf32> to vector<16xf32>
    %lt3A_923 = vector.broadcast %sub3A_123 : i32 to vector<16xi32>
    %lt3A_924 = arith.cmpi slt, %add3A_915, %lt3A_923 : vector<16xi32>
    %jit3A_925 = arith.constant -1.000000e+09 : f32
    %broadcast_in_dim3A_926 = vector.broadcast %jit3A_925 : f32 to vector<16xf32>
    %select_n3A_927 = arith.select %lt3A_924, %get3A_922, %broadcast_in_dim3A_926 : vector<16xi1>, vector<16xf32>
    %swap3A_928 = arith.constant 1 : i32
    %swap3A_929 = arith.index_cast %swap3A_928 : i32 to index
    %swap3A_930 = arith.constant 16 : index
    %swap3A_931 = tpu.vector_load %arg7[%swap3A_929, %swap3A_930] {strides = array<i32>} : memref<4x512xf32, #tpu.memory_space<vmem>>, vector<1x16xf32>,
    %swap3A_932 = vector.shape_cast %swap3A_931 : vector<1x16xf32> to vector<16xf32>
    %swap3A_933 = vector.shape_cast %select_n3A_927 : vector<16xf32> to vector<1x16xf32>
    tpu.vector_store %arg7[%swap3A_929, %swap3A_930], %swap3A_933 {strides = array<i32>} : memref<4x512xf32, #tpu.memory_space<vmem>>, vector<1x16xf32>,
    %add3A_934 = arith.constant 32 : i32
    %add3A_935 = vector.broadcast %add3A_934 : i32 to vector<16xi32>
    %add3A_936 = arith.addi %iota3A, %add3A_935 : vector<16xi32>
    %add3A_937 = arith.constant 528 : i32
    %add3A_938 = arith.addi %add3A_937, %sub3A_122 : i32
    %add3A_939 = arith.constant 32 : i32
    %add3A_940 = arith.addi %add3A_938, %add3A_939 : i32
    %get3A_941 = arith.index_cast %add3A_940 : i32 to index
    %get3A_942 = tpu.vector_load %arg6[%get3A_941] {strides = array<i32>} : memref<2112xf32, #tpu.memory_space<vmem>>, vector<16xf32>,
    %get3A_943 = vector.shape_cast %get3A_942 : vector<16xf32> to vector<16xf32>
    %lt3A_944 = vector.broadcast %sub3A_123 : i32 to vector<16xi32>
    %lt3A_945 = arith.cmpi slt, %add3A_936, %lt3A_944 : vector<16xi32>
    %jit3A_946 = arith.constant -1.000000e+09 : f32
    %broadcast_in_dim3A_947 = vector.broadcast %jit3A_946 : f32 to vector<16xf32>
    %select_n3A_948 = arith.select %lt3A_945, %get3A_943, %broadcast_in_dim3A_947 : vector<16xi1>, vector<16xf32>
    %swap3A_949 = arith.constant 1 : i32
    %swap3A_950 = arith.index_cast %swap3A_949 : i32 to index
    %swap3A_951 = arith.constant 32 : index
    %swap3A_952 = tpu.vector_load %arg7[%swap3A_950, %swap3A_951] {strides = array<i32>} : memref<4x512xf32, #tpu.memory_space<vmem>>, vector<1x16xf32>,
    %swap3A_953 = vector.shape_cast %swap3A_952 : vector<1x16xf32> to vector<16xf32>
    %swap3A_954 = vector.shape_cast %select_n3A_948 : vector<16xf32> to vector<1x16xf32>
    tpu.vector_store %arg7[%swap3A_950, %swap3A_951], %swap3A_954 {strides = array<i32>} : memref<4x512xf32, #tpu.memory_space<vmem>>, vector<1x16xf32>,
    %add3A_955 = arith.constant 48 : i32
    %add3A_956 = vector.broadcast %add3A_955 : i32 to vector<16xi32>
    %add3A_957 = arith.addi %iota3A, %add3A_956 : vector<16xi32>
    %add3A_958 = arith.constant 528 : i32
    %add3A_959 = arith.addi %add3A_958, %sub3A_122 : i32
    %add3A_960 = arith.constant 48 : i32
    %add3A_961 = arith.addi %add3A_959, %add3A_960 : i32
    %get3A_962 = arith.index_cast %add3A_961 : i32 to index
    %get3A_963 = tpu.vector_load %arg6[%get3A_962] {strides = array<i32>} : memref<2112xf32, #tpu.memory_space<vmem>>, vector<16xf32>,
    %get3A_964 = vector.shape_cast %get3A_963 : vector<16xf32> to vector<16xf32>
    %lt3A_965 = vector.broadcast %sub3A_123 : i32 to vector<16xi32>
    %lt3A_966 = arith.cmpi slt, %add3A_957, %lt3A_965 : vector<16xi32>
    %jit3A_967 = arith.constant -1.000000e+09 : f32
    %broadcast_in_dim3A_968 = vector.broadcast %jit3A_967 : f32 to vector<16xf32>
    %select_n3A_969 = arith.select %lt3A_966, %get3A_964, %broadcast_in_dim3A_968 : vector<16xi1>, vector<16xf32>
    %swap3A_970 = arith.constant 1 : i32
    %swap3A_971 = arith.index_cast %swap3A_970 : i32 to index
    %swap3A_972 = arith.constant 48 : index
    %swap3A_973 = tpu.vector_load %arg7[%swap3A_971, %swap3A_972] {strides = array<i32>} : memref<4x512xf32, #tpu.memory_space<vmem>>, vector<1x16xf32>,
    %swap3A_974 = vector.shape_cast %swap3A_973 : vector<1x16xf32> to vector<16xf32>
    %swap3A_975 = vector.shape_cast %select_n3A_969 : vector<16xf32> to vector<1x16xf32>
    tpu.vector_store %arg7[%swap3A_971, %swap3A_972], %swap3A_975 {strides = array<i32>} : memref<4x512xf32, #tpu.memory_space<vmem>>, vector<1x16xf32>,
    %add3A_976 = arith.constant 64 : i32
    %add3A_977 = vector.broadcast %add3A_976 : i32 to vector<16xi32>
    %add3A_978 = arith.addi %iota3A, %add3A_977 : vector<16xi32>
    %add3A_979 = arith.constant 528 : i32
    %add3A_980 = arith.addi %add3A_979, %sub3A_122 : i32
    %add3A_981 = arith.constant 64 : i32
    %add3A_982 = arith.addi %add3A_980, %add3A_981 : i32
    %get3A_983 = arith.index_cast %add3A_982 : i32 to index
    %get3A_984 = tpu.vector_load %arg6[%get3A_983] {strides = array<i32>} : memref<2112xf32, #tpu.memory_space<vmem>>, vector<16xf32>,
    %get3A_985 = vector.shape_cast %get3A_984 : vector<16xf32> to vector<16xf32>
    %lt3A_986 = vector.broadcast %sub3A_123 : i32 to vector<16xi32>
    %lt3A_987 = arith.cmpi slt, %add3A_978, %lt3A_986 : vector<16xi32>
    %jit3A_988 = arith.constant -1.000000e+09 : f32
    %broadcast_in_dim3A_989 = vector.broadcast %jit3A_988 : f32 to vector<16xf32>
    %select_n3A_990 = arith.select %lt3A_987, %get3A_985, %broadcast_in_dim3A_989 : vector<16xi1>, vector<16xf32>
    %swap3A_991 = arith.constant 1 : i32
    %swap3A_992 = arith.index_cast %swap3A_991 : i32 to index
    %swap3A_993 = arith.constant 64 : index
    %swap3A_994 = tpu.vector_load %arg7[%swap3A_992, %swap3A_993] {strides = array<i32>} : memref<4x512xf32, #tpu.memory_space<vmem>>, vector<1x16xf32>,
    %swap3A_995 = vector.shape_cast %swap3A_994 : vector<1x16xf32> to vector<16xf32>
    %swap3A_996 = vector.shape_cast %select_n3A_990 : vector<16xf32> to vector<1x16xf32>
    tpu.vector_store %arg7[%swap3A_992, %swap3A_993], %swap3A_996 {strides = array<i32>} : memref<4x512xf32, #tpu.memory_space<vmem>>, vector<1x16xf32>,
    %add3A_997 = arith.constant 80 : i32
    %add3A_998 = vector.broadcast %add3A_997 : i32 to vector<16xi32>
    %add3A_999 = arith.addi %iota3A, %add3A_998 : vector<16xi32>
    %add3A_1000 = arith.constant 528 : i32
    %add3A_1001 = arith.addi %add3A_1000, %sub3A_122 : i32
    %add3A_1002 = arith.constant 80 : i32
    %add3A_1003 = arith.addi %add3A_1001, %add3A_1002 : i32
    %get3A_1004 = arith.index_cast %add3A_1003 : i32 to index
    %get3A_1005 = tpu.vector_load %arg6[%get3A_1004] {strides = array<i32>} : memref<2112xf32, #tpu.memory_space<vmem>>, vector<16xf32>,
    %get3A_1006 = vector.shape_cast %get3A_1005 : vector<16xf32> to vector<16xf32>
    %lt3A_1007 = vector.broadcast %sub3A_123 : i32 to vector<16xi32>
    %lt3A_1008 = arith.cmpi slt, %add3A_999, %lt3A_1007 : vector<16xi32>
    %jit3A_1009 = arith.constant -1.000000e+09 : f32
    %broadcast_in_dim3A_1010 = vector.broadcast %jit3A_1009 : f32 to vector<16xf32>
    %select_n3A_1011 = arith.select %lt3A_1008, %get3A_1006, %broadcast_in_dim3A_1010 : vector<16xi1>, vector<16xf32>
    %swap3A_1012 = arith.constant 1 : i32
    %swap3A_1013 = arith.index_cast %swap3A_1012 : i32 to index
    %swap3A_1014 = arith.constant 80 : index
    %swap3A_1015 = tpu.vector_load %arg7[%swap3A_1013, %swap3A_1014] {strides = array<i32>} : memref<4x512xf32, #tpu.memory_space<vmem>>, vector<1x16xf32>,
    %swap3A_1016 = vector.shape_cast %swap3A_1015 : vector<1x16xf32> to vector<16xf32>
    %swap3A_1017 = vector.shape_cast %select_n3A_1011 : vector<16xf32> to vector<1x16xf32>
    tpu.vector_store %arg7[%swap3A_1013, %swap3A_1014], %swap3A_1017 {strides = array<i32>} : memref<4x512xf32, #tpu.memory_space<vmem>>, vector<1x16xf32>,
    %add3A_1018 = arith.constant 96 : i32
    %add3A_1019 = vector.broadcast %add3A_1018 : i32 to vector<16xi32>
    %add3A_1020 = arith.addi %iota3A, %add3A_1019 : vector<16xi32>
    %add3A_1021 = arith.constant 528 : i32
    %add3A_1022 = arith.addi %add3A_1021, %sub3A_122 : i32
    %add3A_1023 = arith.constant 96 : i32
    %add3A_1024 = arith.addi %add3A_1022, %add3A_1023 : i32
    %get3A_1025 = arith.index_cast %add3A_1024 : i32 to index
    %get3A_1026 = tpu.vector_load %arg6[%get3A_1025] {strides = array<i32>} : memref<2112xf32, #tpu.memory_space<vmem>>, vector<16xf32>,
    %get3A_1027 = vector.shape_cast %get3A_1026 : vector<16xf32> to vector<16xf32>
    %lt3A_1028 = vector.broadcast %sub3A_123 : i32 to vector<16xi32>
    %lt3A_1029 = arith.cmpi slt, %add3A_1020, %lt3A_1028 : vector<16xi32>
    %jit3A_1030 = arith.constant -1.000000e+09 : f32
    %broadcast_in_dim3A_1031 = vector.broadcast %jit3A_1030 : f32 to vector<16xf32>
    %select_n3A_1032 = arith.select %lt3A_1029, %get3A_1027, %broadcast_in_dim3A_1031 : vector<16xi1>, vector<16xf32>
    %swap3A_1033 = arith.constant 1 : i32
    %swap3A_1034 = arith.index_cast %swap3A_1033 : i32 to index
    %swap3A_1035 = arith.constant 96 : index
    %swap3A_1036 = tpu.vector_load %arg7[%swap3A_1034, %swap3A_1035] {strides = array<i32>} : memref<4x512xf32, #tpu.memory_space<vmem>>, vector<1x16xf32>,
    %swap3A_1037 = vector.shape_cast %swap3A_1036 : vector<1x16xf32> to vector<16xf32>
    %swap3A_1038 = vector.shape_cast %select_n3A_1032 : vector<16xf32> to vector<1x16xf32>
    tpu.vector_store %arg7[%swap3A_1034, %swap3A_1035], %swap3A_1038 {strides = array<i32>} : memref<4x512xf32, #tpu.memory_space<vmem>>, vector<1x16xf32>,
    %add3A_1039 = arith.constant 112 : i32
    %add3A_1040 = vector.broadcast %add3A_1039 : i32 to vector<16xi32>
    %add3A_1041 = arith.addi %iota3A, %add3A_1040 : vector<16xi32>
    %add3A_1042 = arith.constant 528 : i32
    %add3A_1043 = arith.addi %add3A_1042, %sub3A_122 : i32
    %add3A_1044 = arith.constant 112 : i32
    %add3A_1045 = arith.addi %add3A_1043, %add3A_1044 : i32
    %get3A_1046 = arith.index_cast %add3A_1045 : i32 to index
    %get3A_1047 = tpu.vector_load %arg6[%get3A_1046] {strides = array<i32>} : memref<2112xf32, #tpu.memory_space<vmem>>, vector<16xf32>,
    %get3A_1048 = vector.shape_cast %get3A_1047 : vector<16xf32> to vector<16xf32>
    %lt3A_1049 = vector.broadcast %sub3A_123 : i32 to vector<16xi32>
    %lt3A_1050 = arith.cmpi slt, %add3A_1041, %lt3A_1049 : vector<16xi32>
    %jit3A_1051 = arith.constant -1.000000e+09 : f32
    %broadcast_in_dim3A_1052 = vector.broadcast %jit3A_1051 : f32 to vector<16xf32>
    %select_n3A_1053 = arith.select %lt3A_1050, %get3A_1048, %broadcast_in_dim3A_1052 : vector<16xi1>, vector<16xf32>
    %swap3A_1054 = arith.constant 1 : i32
    %swap3A_1055 = arith.index_cast %swap3A_1054 : i32 to index
    %swap3A_1056 = arith.constant 112 : index
    %swap3A_1057 = tpu.vector_load %arg7[%swap3A_1055, %swap3A_1056] {strides = array<i32>} : memref<4x512xf32, #tpu.memory_space<vmem>>, vector<1x16xf32>,
    %swap3A_1058 = vector.shape_cast %swap3A_1057 : vector<1x16xf32> to vector<16xf32>
    %swap3A_1059 = vector.shape_cast %select_n3A_1053 : vector<16xf32> to vector<1x16xf32>
    tpu.vector_store %arg7[%swap3A_1055, %swap3A_1056], %swap3A_1059 {strides = array<i32>} : memref<4x512xf32, #tpu.memory_space<vmem>>, vector<1x16xf32>,
    %add3A_1060 = arith.constant 128 : i32
    %add3A_1061 = vector.broadcast %add3A_1060 : i32 to vector<16xi32>
    %add3A_1062 = arith.addi %iota3A, %add3A_1061 : vector<16xi32>
    %add3A_1063 = arith.constant 528 : i32
    %add3A_1064 = arith.addi %add3A_1063, %sub3A_122 : i32
    %add3A_1065 = arith.constant 128 : i32
    %add3A_1066 = arith.addi %add3A_1064, %add3A_1065 : i32
    %get3A_1067 = arith.index_cast %add3A_1066 : i32 to index
    %get3A_1068 = tpu.vector_load %arg6[%get3A_1067] {strides = array<i32>} : memref<2112xf32, #tpu.memory_space<vmem>>, vector<16xf32>,
    %get3A_1069 = vector.shape_cast %get3A_1068 : vector<16xf32> to vector<16xf32>
    %lt3A_1070 = vector.broadcast %sub3A_123 : i32 to vector<16xi32>
    %lt3A_1071 = arith.cmpi slt, %add3A_1062, %lt3A_1070 : vector<16xi32>
    %jit3A_1072 = arith.constant -1.000000e+09 : f32
    %broadcast_in_dim3A_1073 = vector.broadcast %jit3A_1072 : f32 to vector<16xf32>
    %select_n3A_1074 = arith.select %lt3A_1071, %get3A_1069, %broadcast_in_dim3A_1073 : vector<16xi1>, vector<16xf32>
    %swap3A_1075 = arith.constant 1 : i32
    %swap3A_1076 = arith.index_cast %swap3A_1075 : i32 to index
    %swap3A_1077 = arith.constant 128 : index
    %swap3A_1078 = tpu.vector_load %arg7[%swap3A_1076, %swap3A_1077] {strides = array<i32>} : memref<4x512xf32, #tpu.memory_space<vmem>>, vector<1x16xf32>,
    %swap3A_1079 = vector.shape_cast %swap3A_1078 : vector<1x16xf32> to vector<16xf32>
    %swap3A_1080 = vector.shape_cast %select_n3A_1074 : vector<16xf32> to vector<1x16xf32>
    tpu.vector_store %arg7[%swap3A_1076, %swap3A_1077], %swap3A_1080 {strides = array<i32>} : memref<4x512xf32, #tpu.memory_space<vmem>>, vector<1x16xf32>,
    %add3A_1081 = arith.constant 144 : i32
    %add3A_1082 = vector.broadcast %add3A_1081 : i32 to vector<16xi32>
    %add3A_1083 = arith.addi %iota3A, %add3A_1082 : vector<16xi32>
    %add3A_1084 = arith.constant 528 : i32
    %add3A_1085 = arith.addi %add3A_1084, %sub3A_122 : i32
    %add3A_1086 = arith.constant 144 : i32
    %add3A_1087 = arith.addi %add3A_1085, %add3A_1086 : i32
    %get3A_1088 = arith.index_cast %add3A_1087 : i32 to index
    %get3A_1089 = tpu.vector_load %arg6[%get3A_1088] {strides = array<i32>} : memref<2112xf32, #tpu.memory_space<vmem>>, vector<16xf32>,
    %get3A_1090 = vector.shape_cast %get3A_1089 : vector<16xf32> to vector<16xf32>
    %lt3A_1091 = vector.broadcast %sub3A_123 : i32 to vector<16xi32>
    %lt3A_1092 = arith.cmpi slt, %add3A_1083, %lt3A_1091 : vector<16xi32>
    %jit3A_1093 = arith.constant -1.000000e+09 : f32
    %broadcast_in_dim3A_1094 = vector.broadcast %jit3A_1093 : f32 to vector<16xf32>
    %select_n3A_1095 = arith.select %lt3A_1092, %get3A_1090, %broadcast_in_dim3A_1094 : vector<16xi1>, vector<16xf32>
    %swap3A_1096 = arith.constant 1 : i32
    %swap3A_1097 = arith.index_cast %swap3A_1096 : i32 to index
    %swap3A_1098 = arith.constant 144 : index
    %swap3A_1099 = tpu.vector_load %arg7[%swap3A_1097, %swap3A_1098] {strides = array<i32>} : memref<4x512xf32, #tpu.memory_space<vmem>>, vector<1x16xf32>,
    %swap3A_1100 = vector.shape_cast %swap3A_1099 : vector<1x16xf32> to vector<16xf32>
    %swap3A_1101 = vector.shape_cast %select_n3A_1095 : vector<16xf32> to vector<1x16xf32>
    tpu.vector_store %arg7[%swap3A_1097, %swap3A_1098], %swap3A_1101 {strides = array<i32>} : memref<4x512xf32, #tpu.memory_space<vmem>>, vector<1x16xf32>,
    %add3A_1102 = arith.constant 160 : i32
    %add3A_1103 = vector.broadcast %add3A_1102 : i32 to vector<16xi32>
    %add3A_1104 = arith.addi %iota3A, %add3A_1103 : vector<16xi32>
    %add3A_1105 = arith.constant 528 : i32
    %add3A_1106 = arith.addi %add3A_1105, %sub3A_122 : i32
    %add3A_1107 = arith.constant 160 : i32
    %add3A_1108 = arith.addi %add3A_1106, %add3A_1107 : i32
    %get3A_1109 = arith.index_cast %add3A_1108 : i32 to index
    %get3A_1110 = tpu.vector_load %arg6[%get3A_1109] {strides = array<i32>} : memref<2112xf32, #tpu.memory_space<vmem>>, vector<16xf32>,
    %get3A_1111 = vector.shape_cast %get3A_1110 : vector<16xf32> to vector<16xf32>
    %lt3A_1112 = vector.broadcast %sub3A_123 : i32 to vector<16xi32>
    %lt3A_1113 = arith.cmpi slt, %add3A_1104, %lt3A_1112 : vector<16xi32>
    %jit3A_1114 = arith.constant -1.000000e+09 : f32
    %broadcast_in_dim3A_1115 = vector.broadcast %jit3A_1114 : f32 to vector<16xf32>
    %select_n3A_1116 = arith.select %lt3A_1113, %get3A_1111, %broadcast_in_dim3A_1115 : vector<16xi1>, vector<16xf32>
    %swap3A_1117 = arith.constant 1 : i32
    %swap3A_1118 = arith.index_cast %swap3A_1117 : i32 to index
    %swap3A_1119 = arith.constant 160 : index
    %swap3A_1120 = tpu.vector_load %arg7[%swap3A_1118, %swap3A_1119] {strides = array<i32>} : memref<4x512xf32, #tpu.memory_space<vmem>>, vector<1x16xf32>,
    %swap3A_1121 = vector.shape_cast %swap3A_1120 : vector<1x16xf32> to vector<16xf32>
    %swap3A_1122 = vector.shape_cast %select_n3A_1116 : vector<16xf32> to vector<1x16xf32>
    tpu.vector_store %arg7[%swap3A_1118, %swap3A_1119], %swap3A_1122 {strides = array<i32>} : memref<4x512xf32, #tpu.memory_space<vmem>>, vector<1x16xf32>,
    %add3A_1123 = arith.constant 176 : i32
    %add3A_1124 = vector.broadcast %add3A_1123 : i32 to vector<16xi32>
    %add3A_1125 = arith.addi %iota3A, %add3A_1124 : vector<16xi32>
    %add3A_1126 = arith.constant 528 : i32
    %add3A_1127 = arith.addi %add3A_1126, %sub3A_122 : i32
    %add3A_1128 = arith.constant 176 : i32
    %add3A_1129 = arith.addi %add3A_1127, %add3A_1128 : i32
    %get3A_1130 = arith.index_cast %add3A_1129 : i32 to index
    %get3A_1131 = tpu.vector_load %arg6[%get3A_1130] {strides = array<i32>} : memref<2112xf32, #tpu.memory_space<vmem>>, vector<16xf32>,
    %get3A_1132 = vector.shape_cast %get3A_1131 : vector<16xf32> to vector<16xf32>
    %lt3A_1133 = vector.broadcast %sub3A_123 : i32 to vector<16xi32>
    %lt3A_1134 = arith.cmpi slt, %add3A_1125, %lt3A_1133 : vector<16xi32>
    %jit3A_1135 = arith.constant -1.000000e+09 : f32
    %broadcast_in_dim3A_1136 = vector.broadcast %jit3A_1135 : f32 to vector<16xf32>
    %select_n3A_1137 = arith.select %lt3A_1134, %get3A_1132, %broadcast_in_dim3A_1136 : vector<16xi1>, vector<16xf32>
    %swap3A_1138 = arith.constant 1 : i32
    %swap3A_1139 = arith.index_cast %swap3A_1138 : i32 to index
    %swap3A_1140 = arith.constant 176 : index
    %swap3A_1141 = tpu.vector_load %arg7[%swap3A_1139, %swap3A_1140] {strides = array<i32>} : memref<4x512xf32, #tpu.memory_space<vmem>>, vector<1x16xf32>,
    %swap3A_1142 = vector.shape_cast %swap3A_1141 : vector<1x16xf32> to vector<16xf32>
    %swap3A_1143 = vector.shape_cast %select_n3A_1137 : vector<16xf32> to vector<1x16xf32>
    tpu.vector_store %arg7[%swap3A_1139, %swap3A_1140], %swap3A_1143 {strides = array<i32>} : memref<4x512xf32, #tpu.memory_space<vmem>>, vector<1x16xf32>,
    %add3A_1144 = arith.constant 192 : i32
    %add3A_1145 = vector.broadcast %add3A_1144 : i32 to vector<16xi32>
    %add3A_1146 = arith.addi %iota3A, %add3A_1145 : vector<16xi32>
    %add3A_1147 = arith.constant 528 : i32
    %add3A_1148 = arith.addi %add3A_1147, %sub3A_122 : i32
    %add3A_1149 = arith.constant 192 : i32
    %add3A_1150 = arith.addi %add3A_1148, %add3A_1149 : i32
    %get3A_1151 = arith.index_cast %add3A_1150 : i32 to index
    %get3A_1152 = tpu.vector_load %arg6[%get3A_1151] {strides = array<i32>} : memref<2112xf32, #tpu.memory_space<vmem>>, vector<16xf32>,
    %get3A_1153 = vector.shape_cast %get3A_1152 : vector<16xf32> to vector<16xf32>
    %lt3A_1154 = vector.broadcast %sub3A_123 : i32 to vector<16xi32>
    %lt3A_1155 = arith.cmpi slt, %add3A_1146, %lt3A_1154 : vector<16xi32>
    %jit3A_1156 = arith.constant -1.000000e+09 : f32
    %broadcast_in_dim3A_1157 = vector.broadcast %jit3A_1156 : f32 to vector<16xf32>
    %select_n3A_1158 = arith.select %lt3A_1155, %get3A_1153, %broadcast_in_dim3A_1157 : vector<16xi1>, vector<16xf32>
    %swap3A_1159 = arith.constant 1 : i32
    %swap3A_1160 = arith.index_cast %swap3A_1159 : i32 to index
    %swap3A_1161 = arith.constant 192 : index
    %swap3A_1162 = tpu.vector_load %arg7[%swap3A_1160, %swap3A_1161] {strides = array<i32>} : memref<4x512xf32, #tpu.memory_space<vmem>>, vector<1x16xf32>,
    %swap3A_1163 = vector.shape_cast %swap3A_1162 : vector<1x16xf32> to vector<16xf32>
    %swap3A_1164 = vector.shape_cast %select_n3A_1158 : vector<16xf32> to vector<1x16xf32>
    tpu.vector_store %arg7[%swap3A_1160, %swap3A_1161], %swap3A_1164 {strides = array<i32>} : memref<4x512xf32, #tpu.memory_space<vmem>>, vector<1x16xf32>,
    %add3A_1165 = arith.constant 208 : i32
    %add3A_1166 = vector.broadcast %add3A_1165 : i32 to vector<16xi32>
    %add3A_1167 = arith.addi %iota3A, %add3A_1166 : vector<16xi32>
    %add3A_1168 = arith.constant 528 : i32
    %add3A_1169 = arith.addi %add3A_1168, %sub3A_122 : i32
    %add3A_1170 = arith.constant 208 : i32
    %add3A_1171 = arith.addi %add3A_1169, %add3A_1170 : i32
    %get3A_1172 = arith.index_cast %add3A_1171 : i32 to index
    %get3A_1173 = tpu.vector_load %arg6[%get3A_1172] {strides = array<i32>} : memref<2112xf32, #tpu.memory_space<vmem>>, vector<16xf32>,
    %get3A_1174 = vector.shape_cast %get3A_1173 : vector<16xf32> to vector<16xf32>
    %lt3A_1175 = vector.broadcast %sub3A_123 : i32 to vector<16xi32>
    %lt3A_1176 = arith.cmpi slt, %add3A_1167, %lt3A_1175 : vector<16xi32>
    %jit3A_1177 = arith.constant -1.000000e+09 : f32
    %broadcast_in_dim3A_1178 = vector.broadcast %jit3A_1177 : f32 to vector<16xf32>
    %select_n3A_1179 = arith.select %lt3A_1176, %get3A_1174, %broadcast_in_dim3A_1178 : vector<16xi1>, vector<16xf32>
    %swap3A_1180 = arith.constant 1 : i32
    %swap3A_1181 = arith.index_cast %swap3A_1180 : i32 to index
    %swap3A_1182 = arith.constant 208 : index
    %swap3A_1183 = tpu.vector_load %arg7[%swap3A_1181, %swap3A_1182] {strides = array<i32>} : memref<4x512xf32, #tpu.memory_space<vmem>>, vector<1x16xf32>,
    %swap3A_1184 = vector.shape_cast %swap3A_1183 : vector<1x16xf32> to vector<16xf32>
    %swap3A_1185 = vector.shape_cast %select_n3A_1179 : vector<16xf32> to vector<1x16xf32>
    tpu.vector_store %arg7[%swap3A_1181, %swap3A_1182], %swap3A_1185 {strides = array<i32>} : memref<4x512xf32, #tpu.memory_space<vmem>>, vector<1x16xf32>,
    %add3A_1186 = arith.constant 224 : i32
    %add3A_1187 = vector.broadcast %add3A_1186 : i32 to vector<16xi32>
    %add3A_1188 = arith.addi %iota3A, %add3A_1187 : vector<16xi32>
    %add3A_1189 = arith.constant 528 : i32
    %add3A_1190 = arith.addi %add3A_1189, %sub3A_122 : i32
    %add3A_1191 = arith.constant 224 : i32
    %add3A_1192 = arith.addi %add3A_1190, %add3A_1191 : i32
    %get3A_1193 = arith.index_cast %add3A_1192 : i32 to index
    %get3A_1194 = tpu.vector_load %arg6[%get3A_1193] {strides = array<i32>} : memref<2112xf32, #tpu.memory_space<vmem>>, vector<16xf32>,
    %get3A_1195 = vector.shape_cast %get3A_1194 : vector<16xf32> to vector<16xf32>
    %lt3A_1196 = vector.broadcast %sub3A_123 : i32 to vector<16xi32>
    %lt3A_1197 = arith.cmpi slt, %add3A_1188, %lt3A_1196 : vector<16xi32>
    %jit3A_1198 = arith.constant -1.000000e+09 : f32
    %broadcast_in_dim3A_1199 = vector.broadcast %jit3A_1198 : f32 to vector<16xf32>
    %select_n3A_1200 = arith.select %lt3A_1197, %get3A_1195, %broadcast_in_dim3A_1199 : vector<16xi1>, vector<16xf32>
    %swap3A_1201 = arith.constant 1 : i32
    %swap3A_1202 = arith.index_cast %swap3A_1201 : i32 to index
    %swap3A_1203 = arith.constant 224 : index
    %swap3A_1204 = tpu.vector_load %arg7[%swap3A_1202, %swap3A_1203] {strides = array<i32>} : memref<4x512xf32, #tpu.memory_space<vmem>>, vector<1x16xf32>,
    %swap3A_1205 = vector.shape_cast %swap3A_1204 : vector<1x16xf32> to vector<16xf32>
    %swap3A_1206 = vector.shape_cast %select_n3A_1200 : vector<16xf32> to vector<1x16xf32>
    tpu.vector_store %arg7[%swap3A_1202, %swap3A_1203], %swap3A_1206 {strides = array<i32>} : memref<4x512xf32, #tpu.memory_space<vmem>>, vector<1x16xf32>,
    %add3A_1207 = arith.constant 240 : i32
    %add3A_1208 = vector.broadcast %add3A_1207 : i32 to vector<16xi32>
    %add3A_1209 = arith.addi %iota3A, %add3A_1208 : vector<16xi32>
    %add3A_1210 = arith.constant 528 : i32
    %add3A_1211 = arith.addi %add3A_1210, %sub3A_122 : i32
    %add3A_1212 = arith.constant 240 : i32
    %add3A_1213 = arith.addi %add3A_1211, %add3A_1212 : i32
    %get3A_1214 = arith.index_cast %add3A_1213 : i32 to index
    %get3A_1215 = tpu.vector_load %arg6[%get3A_1214] {strides = array<i32>} : memref<2112xf32, #tpu.memory_space<vmem>>, vector<16xf32>,
    %get3A_1216 = vector.shape_cast %get3A_1215 : vector<16xf32> to vector<16xf32>
    %lt3A_1217 = vector.broadcast %sub3A_123 : i32 to vector<16xi32>
    %lt3A_1218 = arith.cmpi slt, %add3A_1209, %lt3A_1217 : vector<16xi32>
    %jit3A_1219 = arith.constant -1.000000e+09 : f32
    %broadcast_in_dim3A_1220 = vector.broadcast %jit3A_1219 : f32 to vector<16xf32>
    %select_n3A_1221 = arith.select %lt3A_1218, %get3A_1216, %broadcast_in_dim3A_1220 : vector<16xi1>, vector<16xf32>
    %swap3A_1222 = arith.constant 1 : i32
    %swap3A_1223 = arith.index_cast %swap3A_1222 : i32 to index
    %swap3A_1224 = arith.constant 240 : index
    %swap3A_1225 = tpu.vector_load %arg7[%swap3A_1223, %swap3A_1224] {strides = array<i32>} : memref<4x512xf32, #tpu.memory_space<vmem>>, vector<1x16xf32>,
    %swap3A_1226 = vector.shape_cast %swap3A_1225 : vector<1x16xf32> to vector<16xf32>
    %swap3A_1227 = vector.shape_cast %select_n3A_1221 : vector<16xf32> to vector<1x16xf32>
    tpu.vector_store %arg7[%swap3A_1223, %swap3A_1224], %swap3A_1227 {strides = array<i32>} : memref<4x512xf32, #tpu.memory_space<vmem>>, vector<1x16xf32>,
    %add3A_1228 = arith.constant 256 : i32
    %add3A_1229 = vector.broadcast %add3A_1228 : i32 to vector<16xi32>
    %add3A_1230 = arith.addi %iota3A, %add3A_1229 : vector<16xi32>
    %add3A_1231 = arith.constant 528 : i32
    %add3A_1232 = arith.addi %add3A_1231, %sub3A_122 : i32
    %add3A_1233 = arith.constant 256 : i32
    %add3A_1234 = arith.addi %add3A_1232, %add3A_1233 : i32
    %get3A_1235 = arith.index_cast %add3A_1234 : i32 to index
    %get3A_1236 = tpu.vector_load %arg6[%get3A_1235] {strides = array<i32>} : memref<2112xf32, #tpu.memory_space<vmem>>, vector<16xf32>,
    %get3A_1237 = vector.shape_cast %get3A_1236 : vector<16xf32> to vector<16xf32>
    %lt3A_1238 = vector.broadcast %sub3A_123 : i32 to vector<16xi32>
    %lt3A_1239 = arith.cmpi slt, %add3A_1230, %lt3A_1238 : vector<16xi32>
    %jit3A_1240 = arith.constant -1.000000e+09 : f32
    %broadcast_in_dim3A_1241 = vector.broadcast %jit3A_1240 : f32 to vector<16xf32>
    %select_n3A_1242 = arith.select %lt3A_1239, %get3A_1237, %broadcast_in_dim3A_1241 : vector<16xi1>, vector<16xf32>
    %swap3A_1243 = arith.constant 1 : i32
    %swap3A_1244 = arith.index_cast %swap3A_1243 : i32 to index
    %swap3A_1245 = arith.constant 256 : index
    %swap3A_1246 = tpu.vector_load %arg7[%swap3A_1244, %swap3A_1245] {strides = array<i32>} : memref<4x512xf32, #tpu.memory_space<vmem>>, vector<1x16xf32>,
    %swap3A_1247 = vector.shape_cast %swap3A_1246 : vector<1x16xf32> to vector<16xf32>
    %swap3A_1248 = vector.shape_cast %select_n3A_1242 : vector<16xf32> to vector<1x16xf32>
    tpu.vector_store %arg7[%swap3A_1244, %swap3A_1245], %swap3A_1248 {strides = array<i32>} : memref<4x512xf32, #tpu.memory_space<vmem>>, vector<1x16xf32>,
    %add3A_1249 = arith.constant 272 : i32
    %add3A_1250 = vector.broadcast %add3A_1249 : i32 to vector<16xi32>
    %add3A_1251 = arith.addi %iota3A, %add3A_1250 : vector<16xi32>
    %add3A_1252 = arith.constant 528 : i32
    %add3A_1253 = arith.addi %add3A_1252, %sub3A_122 : i32
    %add3A_1254 = arith.constant 272 : i32
    %add3A_1255 = arith.addi %add3A_1253, %add3A_1254 : i32
    %get3A_1256 = arith.index_cast %add3A_1255 : i32 to index
    %get3A_1257 = tpu.vector_load %arg6[%get3A_1256] {strides = array<i32>} : memref<2112xf32, #tpu.memory_space<vmem>>, vector<16xf32>,
    %get3A_1258 = vector.shape_cast %get3A_1257 : vector<16xf32> to vector<16xf32>
    %lt3A_1259 = vector.broadcast %sub3A_123 : i32 to vector<16xi32>
    %lt3A_1260 = arith.cmpi slt, %add3A_1251, %lt3A_1259 : vector<16xi32>
    %jit3A_1261 = arith.constant -1.000000e+09 : f32
    %broadcast_in_dim3A_1262 = vector.broadcast %jit3A_1261 : f32 to vector<16xf32>
    %select_n3A_1263 = arith.select %lt3A_1260, %get3A_1258, %broadcast_in_dim3A_1262 : vector<16xi1>, vector<16xf32>
    %swap3A_1264 = arith.constant 1 : i32
    %swap3A_1265 = arith.index_cast %swap3A_1264 : i32 to index
    %swap3A_1266 = arith.constant 272 : index
    %swap3A_1267 = tpu.vector_load %arg7[%swap3A_1265, %swap3A_1266] {strides = array<i32>} : memref<4x512xf32, #tpu.memory_space<vmem>>, vector<1x16xf32>,
    %swap3A_1268 = vector.shape_cast %swap3A_1267 : vector<1x16xf32> to vector<16xf32>
    %swap3A_1269 = vector.shape_cast %select_n3A_1263 : vector<16xf32> to vector<1x16xf32>
    tpu.vector_store %arg7[%swap3A_1265, %swap3A_1266], %swap3A_1269 {strides = array<i32>} : memref<4x512xf32, #tpu.memory_space<vmem>>, vector<1x16xf32>,
    %add3A_1270 = arith.constant 288 : i32
    %add3A_1271 = vector.broadcast %add3A_1270 : i32 to vector<16xi32>
    %add3A_1272 = arith.addi %iota3A, %add3A_1271 : vector<16xi32>
    %add3A_1273 = arith.constant 528 : i32
    %add3A_1274 = arith.addi %add3A_1273, %sub3A_122 : i32
    %add3A_1275 = arith.constant 288 : i32
    %add3A_1276 = arith.addi %add3A_1274, %add3A_1275 : i32
    %get3A_1277 = arith.index_cast %add3A_1276 : i32 to index
    %get3A_1278 = tpu.vector_load %arg6[%get3A_1277] {strides = array<i32>} : memref<2112xf32, #tpu.memory_space<vmem>>, vector<16xf32>,
    %get3A_1279 = vector.shape_cast %get3A_1278 : vector<16xf32> to vector<16xf32>
    %lt3A_1280 = vector.broadcast %sub3A_123 : i32 to vector<16xi32>
    %lt3A_1281 = arith.cmpi slt, %add3A_1272, %lt3A_1280 : vector<16xi32>
    %jit3A_1282 = arith.constant -1.000000e+09 : f32
    %broadcast_in_dim3A_1283 = vector.broadcast %jit3A_1282 : f32 to vector<16xf32>
    %select_n3A_1284 = arith.select %lt3A_1281, %get3A_1279, %broadcast_in_dim3A_1283 : vector<16xi1>, vector<16xf32>
    %swap3A_1285 = arith.constant 1 : i32
    %swap3A_1286 = arith.index_cast %swap3A_1285 : i32 to index
    %swap3A_1287 = arith.constant 288 : index
    %swap3A_1288 = tpu.vector_load %arg7[%swap3A_1286, %swap3A_1287] {strides = array<i32>} : memref<4x512xf32, #tpu.memory_space<vmem>>, vector<1x16xf32>,
    %swap3A_1289 = vector.shape_cast %swap3A_1288 : vector<1x16xf32> to vector<16xf32>
    %swap3A_1290 = vector.shape_cast %select_n3A_1284 : vector<16xf32> to vector<1x16xf32>
    tpu.vector_store %arg7[%swap3A_1286, %swap3A_1287], %swap3A_1290 {strides = array<i32>} : memref<4x512xf32, #tpu.memory_space<vmem>>, vector<1x16xf32>,
    %add3A_1291 = arith.constant 304 : i32
    %add3A_1292 = vector.broadcast %add3A_1291 : i32 to vector<16xi32>
    %add3A_1293 = arith.addi %iota3A, %add3A_1292 : vector<16xi32>
    %add3A_1294 = arith.constant 528 : i32
    %add3A_1295 = arith.addi %add3A_1294, %sub3A_122 : i32
    %add3A_1296 = arith.constant 304 : i32
    %add3A_1297 = arith.addi %add3A_1295, %add3A_1296 : i32
    %get3A_1298 = arith.index_cast %add3A_1297 : i32 to index
    %get3A_1299 = tpu.vector_load %arg6[%get3A_1298] {strides = array<i32>} : memref<2112xf32, #tpu.memory_space<vmem>>, vector<16xf32>,
    %get3A_1300 = vector.shape_cast %get3A_1299 : vector<16xf32> to vector<16xf32>
    %lt3A_1301 = vector.broadcast %sub3A_123 : i32 to vector<16xi32>
    %lt3A_1302 = arith.cmpi slt, %add3A_1293, %lt3A_1301 : vector<16xi32>
    %jit3A_1303 = arith.constant -1.000000e+09 : f32
    %broadcast_in_dim3A_1304 = vector.broadcast %jit3A_1303 : f32 to vector<16xf32>
    %select_n3A_1305 = arith.select %lt3A_1302, %get3A_1300, %broadcast_in_dim3A_1304 : vector<16xi1>, vector<16xf32>
    %swap3A_1306 = arith.constant 1 : i32
    %swap3A_1307 = arith.index_cast %swap3A_1306 : i32 to index
    %swap3A_1308 = arith.constant 304 : index
    %swap3A_1309 = tpu.vector_load %arg7[%swap3A_1307, %swap3A_1308] {strides = array<i32>} : memref<4x512xf32, #tpu.memory_space<vmem>>, vector<1x16xf32>,
    %swap3A_1310 = vector.shape_cast %swap3A_1309 : vector<1x16xf32> to vector<16xf32>
    %swap3A_1311 = vector.shape_cast %select_n3A_1305 : vector<16xf32> to vector<1x16xf32>
    tpu.vector_store %arg7[%swap3A_1307, %swap3A_1308], %swap3A_1311 {strides = array<i32>} : memref<4x512xf32, #tpu.memory_space<vmem>>, vector<1x16xf32>,
    %add3A_1312 = arith.constant 320 : i32
    %add3A_1313 = vector.broadcast %add3A_1312 : i32 to vector<16xi32>
    %add3A_1314 = arith.addi %iota3A, %add3A_1313 : vector<16xi32>
    %add3A_1315 = arith.constant 528 : i32
    %add3A_1316 = arith.addi %add3A_1315, %sub3A_122 : i32
    %add3A_1317 = arith.constant 320 : i32
    %add3A_1318 = arith.addi %add3A_1316, %add3A_1317 : i32
    %get3A_1319 = arith.index_cast %add3A_1318 : i32 to index
    %get3A_1320 = tpu.vector_load %arg6[%get3A_1319] {strides = array<i32>} : memref<2112xf32, #tpu.memory_space<vmem>>, vector<16xf32>,
    %get3A_1321 = vector.shape_cast %get3A_1320 : vector<16xf32> to vector<16xf32>
    %lt3A_1322 = vector.broadcast %sub3A_123 : i32 to vector<16xi32>
    %lt3A_1323 = arith.cmpi slt, %add3A_1314, %lt3A_1322 : vector<16xi32>
    %jit3A_1324 = arith.constant -1.000000e+09 : f32
    %broadcast_in_dim3A_1325 = vector.broadcast %jit3A_1324 : f32 to vector<16xf32>
    %select_n3A_1326 = arith.select %lt3A_1323, %get3A_1321, %broadcast_in_dim3A_1325 : vector<16xi1>, vector<16xf32>
    %swap3A_1327 = arith.constant 1 : i32
    %swap3A_1328 = arith.index_cast %swap3A_1327 : i32 to index
    %swap3A_1329 = arith.constant 320 : index
    %swap3A_1330 = tpu.vector_load %arg7[%swap3A_1328, %swap3A_1329] {strides = array<i32>} : memref<4x512xf32, #tpu.memory_space<vmem>>, vector<1x16xf32>,
    %swap3A_1331 = vector.shape_cast %swap3A_1330 : vector<1x16xf32> to vector<16xf32>
    %swap3A_1332 = vector.shape_cast %select_n3A_1326 : vector<16xf32> to vector<1x16xf32>
    tpu.vector_store %arg7[%swap3A_1328, %swap3A_1329], %swap3A_1332 {strides = array<i32>} : memref<4x512xf32, #tpu.memory_space<vmem>>, vector<1x16xf32>,
    %add3A_1333 = arith.constant 336 : i32
    %add3A_1334 = vector.broadcast %add3A_1333 : i32 to vector<16xi32>
    %add3A_1335 = arith.addi %iota3A, %add3A_1334 : vector<16xi32>
    %add3A_1336 = arith.constant 528 : i32
    %add3A_1337 = arith.addi %add3A_1336, %sub3A_122 : i32
    %add3A_1338 = arith.constant 336 : i32
    %add3A_1339 = arith.addi %add3A_1337, %add3A_1338 : i32
    %get3A_1340 = arith.index_cast %add3A_1339 : i32 to index
    %get3A_1341 = tpu.vector_load %arg6[%get3A_1340] {strides = array<i32>} : memref<2112xf32, #tpu.memory_space<vmem>>, vector<16xf32>,
    %get3A_1342 = vector.shape_cast %get3A_1341 : vector<16xf32> to vector<16xf32>
    %lt3A_1343 = vector.broadcast %sub3A_123 : i32 to vector<16xi32>
    %lt3A_1344 = arith.cmpi slt, %add3A_1335, %lt3A_1343 : vector<16xi32>
    %jit3A_1345 = arith.constant -1.000000e+09 : f32
    %broadcast_in_dim3A_1346 = vector.broadcast %jit3A_1345 : f32 to vector<16xf32>
    %select_n3A_1347 = arith.select %lt3A_1344, %get3A_1342, %broadcast_in_dim3A_1346 : vector<16xi1>, vector<16xf32>
    %swap3A_1348 = arith.constant 1 : i32
    %swap3A_1349 = arith.index_cast %swap3A_1348 : i32 to index
    %swap3A_1350 = arith.constant 336 : index
    %swap3A_1351 = tpu.vector_load %arg7[%swap3A_1349, %swap3A_1350] {strides = array<i32>} : memref<4x512xf32, #tpu.memory_space<vmem>>, vector<1x16xf32>,
    %swap3A_1352 = vector.shape_cast %swap3A_1351 : vector<1x16xf32> to vector<16xf32>
    %swap3A_1353 = vector.shape_cast %select_n3A_1347 : vector<16xf32> to vector<1x16xf32>
    tpu.vector_store %arg7[%swap3A_1349, %swap3A_1350], %swap3A_1353 {strides = array<i32>} : memref<4x512xf32, #tpu.memory_space<vmem>>, vector<1x16xf32>,
    %add3A_1354 = arith.constant 352 : i32
    %add3A_1355 = vector.broadcast %add3A_1354 : i32 to vector<16xi32>
    %add3A_1356 = arith.addi %iota3A, %add3A_1355 : vector<16xi32>
    %add3A_1357 = arith.constant 528 : i32
    %add3A_1358 = arith.addi %add3A_1357, %sub3A_122 : i32
    %add3A_1359 = arith.constant 352 : i32
    %add3A_1360 = arith.addi %add3A_1358, %add3A_1359 : i32
    %get3A_1361 = arith.index_cast %add3A_1360 : i32 to index
    %get3A_1362 = tpu.vector_load %arg6[%get3A_1361] {strides = array<i32>} : memref<2112xf32, #tpu.memory_space<vmem>>, vector<16xf32>,
    %get3A_1363 = vector.shape_cast %get3A_1362 : vector<16xf32> to vector<16xf32>
    %lt3A_1364 = vector.broadcast %sub3A_123 : i32 to vector<16xi32>
    %lt3A_1365 = arith.cmpi slt, %add3A_1356, %lt3A_1364 : vector<16xi32>
    %jit3A_1366 = arith.constant -1.000000e+09 : f32
    %broadcast_in_dim3A_1367 = vector.broadcast %jit3A_1366 : f32 to vector<16xf32>
    %select_n3A_1368 = arith.select %lt3A_1365, %get3A_1363, %broadcast_in_dim3A_1367 : vector<16xi1>, vector<16xf32>
    %swap3A_1369 = arith.constant 1 : i32
    %swap3A_1370 = arith.index_cast %swap3A_1369 : i32 to index
    %swap3A_1371 = arith.constant 352 : index
    %swap3A_1372 = tpu.vector_load %arg7[%swap3A_1370, %swap3A_1371] {strides = array<i32>} : memref<4x512xf32, #tpu.memory_space<vmem>>, vector<1x16xf32>,
    %swap3A_1373 = vector.shape_cast %swap3A_1372 : vector<1x16xf32> to vector<16xf32>
    %swap3A_1374 = vector.shape_cast %select_n3A_1368 : vector<16xf32> to vector<1x16xf32>
    tpu.vector_store %arg7[%swap3A_1370, %swap3A_1371], %swap3A_1374 {strides = array<i32>} : memref<4x512xf32, #tpu.memory_space<vmem>>, vector<1x16xf32>,
    %add3A_1375 = arith.constant 368 : i32
    %add3A_1376 = vector.broadcast %add3A_1375 : i32 to vector<16xi32>
    %add3A_1377 = arith.addi %iota3A, %add3A_1376 : vector<16xi32>
    %add3A_1378 = arith.constant 528 : i32
    %add3A_1379 = arith.addi %add3A_1378, %sub3A_122 : i32
    %add3A_1380 = arith.constant 368 : i32
    %add3A_1381 = arith.addi %add3A_1379, %add3A_1380 : i32
    %get3A_1382 = arith.index_cast %add3A_1381 : i32 to index
    %get3A_1383 = tpu.vector_load %arg6[%get3A_1382] {strides = array<i32>} : memref<2112xf32, #tpu.memory_space<vmem>>, vector<16xf32>,
    %get3A_1384 = vector.shape_cast %get3A_1383 : vector<16xf32> to vector<16xf32>
    %lt3A_1385 = vector.broadcast %sub3A_123 : i32 to vector<16xi32>
    %lt3A_1386 = arith.cmpi slt, %add3A_1377, %lt3A_1385 : vector<16xi32>
    %jit3A_1387 = arith.constant -1.000000e+09 : f32
    %broadcast_in_dim3A_1388 = vector.broadcast %jit3A_1387 : f32 to vector<16xf32>
    %select_n3A_1389 = arith.select %lt3A_1386, %get3A_1384, %broadcast_in_dim3A_1388 : vector<16xi1>, vector<16xf32>
    %swap3A_1390 = arith.constant 1 : i32
    %swap3A_1391 = arith.index_cast %swap3A_1390 : i32 to index
    %swap3A_1392 = arith.constant 368 : index
    %swap3A_1393 = tpu.vector_load %arg7[%swap3A_1391, %swap3A_1392] {strides = array<i32>} : memref<4x512xf32, #tpu.memory_space<vmem>>, vector<1x16xf32>,
    %swap3A_1394 = vector.shape_cast %swap3A_1393 : vector<1x16xf32> to vector<16xf32>
    %swap3A_1395 = vector.shape_cast %select_n3A_1389 : vector<16xf32> to vector<1x16xf32>
    tpu.vector_store %arg7[%swap3A_1391, %swap3A_1392], %swap3A_1395 {strides = array<i32>} : memref<4x512xf32, #tpu.memory_space<vmem>>, vector<1x16xf32>,
    %add3A_1396 = arith.constant 384 : i32
    %add3A_1397 = vector.broadcast %add3A_1396 : i32 to vector<16xi32>
    %add3A_1398 = arith.addi %iota3A, %add3A_1397 : vector<16xi32>
    %add3A_1399 = arith.constant 528 : i32
    %add3A_1400 = arith.addi %add3A_1399, %sub3A_122 : i32
    %add3A_1401 = arith.constant 384 : i32
    %add3A_1402 = arith.addi %add3A_1400, %add3A_1401 : i32
    %get3A_1403 = arith.index_cast %add3A_1402 : i32 to index
    %get3A_1404 = tpu.vector_load %arg6[%get3A_1403] {strides = array<i32>} : memref<2112xf32, #tpu.memory_space<vmem>>, vector<16xf32>,
    %get3A_1405 = vector.shape_cast %get3A_1404 : vector<16xf32> to vector<16xf32>
    %lt3A_1406 = vector.broadcast %sub3A_123 : i32 to vector<16xi32>
    %lt3A_1407 = arith.cmpi slt, %add3A_1398, %lt3A_1406 : vector<16xi32>
    %jit3A_1408 = arith.constant -1.000000e+09 : f32
    %broadcast_in_dim3A_1409 = vector.broadcast %jit3A_1408 : f32 to vector<16xf32>
    %select_n3A_1410 = arith.select %lt3A_1407, %get3A_1405, %broadcast_in_dim3A_1409 : vector<16xi1>, vector<16xf32>
    %swap3A_1411 = arith.constant 1 : i32
    %swap3A_1412 = arith.index_cast %swap3A_1411 : i32 to index
    %swap3A_1413 = arith.constant 384 : index
    %swap3A_1414 = tpu.vector_load %arg7[%swap3A_1412, %swap3A_1413] {strides = array<i32>} : memref<4x512xf32, #tpu.memory_space<vmem>>, vector<1x16xf32>,
    %swap3A_1415 = vector.shape_cast %swap3A_1414 : vector<1x16xf32> to vector<16xf32>
    %swap3A_1416 = vector.shape_cast %select_n3A_1410 : vector<16xf32> to vector<1x16xf32>
    tpu.vector_store %arg7[%swap3A_1412, %swap3A_1413], %swap3A_1416 {strides = array<i32>} : memref<4x512xf32, #tpu.memory_space<vmem>>, vector<1x16xf32>,
    %add3A_1417 = arith.constant 400 : i32
    %add3A_1418 = vector.broadcast %add3A_1417 : i32 to vector<16xi32>
    %add3A_1419 = arith.addi %iota3A, %add3A_1418 : vector<16xi32>
    %add3A_1420 = arith.constant 528 : i32
    %add3A_1421 = arith.addi %add3A_1420, %sub3A_122 : i32
    %add3A_1422 = arith.constant 400 : i32
    %add3A_1423 = arith.addi %add3A_1421, %add3A_1422 : i32
    %get3A_1424 = arith.index_cast %add3A_1423 : i32 to index
    %get3A_1425 = tpu.vector_load %arg6[%get3A_1424] {strides = array<i32>} : memref<2112xf32, #tpu.memory_space<vmem>>, vector<16xf32>,
    %get3A_1426 = vector.shape_cast %get3A_1425 : vector<16xf32> to vector<16xf32>
    %lt3A_1427 = vector.broadcast %sub3A_123 : i32 to vector<16xi32>
    %lt3A_1428 = arith.cmpi slt, %add3A_1419, %lt3A_1427 : vector<16xi32>
    %jit3A_1429 = arith.constant -1.000000e+09 : f32
    %broadcast_in_dim3A_1430 = vector.broadcast %jit3A_1429 : f32 to vector<16xf32>
    %select_n3A_1431 = arith.select %lt3A_1428, %get3A_1426, %broadcast_in_dim3A_1430 : vector<16xi1>, vector<16xf32>
    %swap3A_1432 = arith.constant 1 : i32
    %swap3A_1433 = arith.index_cast %swap3A_1432 : i32 to index
    %swap3A_1434 = arith.constant 400 : index
    %swap3A_1435 = tpu.vector_load %arg7[%swap3A_1433, %swap3A_1434] {strides = array<i32>} : memref<4x512xf32, #tpu.memory_space<vmem>>, vector<1x16xf32>,
    %swap3A_1436 = vector.shape_cast %swap3A_1435 : vector<1x16xf32> to vector<16xf32>
    %swap3A_1437 = vector.shape_cast %select_n3A_1431 : vector<16xf32> to vector<1x16xf32>
    tpu.vector_store %arg7[%swap3A_1433, %swap3A_1434], %swap3A_1437 {strides = array<i32>} : memref<4x512xf32, #tpu.memory_space<vmem>>, vector<1x16xf32>,
    %add3A_1438 = arith.constant 416 : i32
    %add3A_1439 = vector.broadcast %add3A_1438 : i32 to vector<16xi32>
    %add3A_1440 = arith.addi %iota3A, %add3A_1439 : vector<16xi32>
    %add3A_1441 = arith.constant 528 : i32
    %add3A_1442 = arith.addi %add3A_1441, %sub3A_122 : i32
    %add3A_1443 = arith.constant 416 : i32
    %add3A_1444 = arith.addi %add3A_1442, %add3A_1443 : i32
    %get3A_1445 = arith.index_cast %add3A_1444 : i32 to index
    %get3A_1446 = tpu.vector_load %arg6[%get3A_1445] {strides = array<i32>} : memref<2112xf32, #tpu.memory_space<vmem>>, vector<16xf32>,
    %get3A_1447 = vector.shape_cast %get3A_1446 : vector<16xf32> to vector<16xf32>
    %lt3A_1448 = vector.broadcast %sub3A_123 : i32 to vector<16xi32>
    %lt3A_1449 = arith.cmpi slt, %add3A_1440, %lt3A_1448 : vector<16xi32>
    %jit3A_1450 = arith.constant -1.000000e+09 : f32
    %broadcast_in_dim3A_1451 = vector.broadcast %jit3A_1450 : f32 to vector<16xf32>
    %select_n3A_1452 = arith.select %lt3A_1449, %get3A_1447, %broadcast_in_dim3A_1451 : vector<16xi1>, vector<16xf32>
    %swap3A_1453 = arith.constant 1 : i32
    %swap3A_1454 = arith.index_cast %swap3A_1453 : i32 to index
    %swap3A_1455 = arith.constant 416 : index
    %swap3A_1456 = tpu.vector_load %arg7[%swap3A_1454, %swap3A_1455] {strides = array<i32>} : memref<4x512xf32, #tpu.memory_space<vmem>>, vector<1x16xf32>,
    %swap3A_1457 = vector.shape_cast %swap3A_1456 : vector<1x16xf32> to vector<16xf32>
    %swap3A_1458 = vector.shape_cast %select_n3A_1452 : vector<16xf32> to vector<1x16xf32>
    tpu.vector_store %arg7[%swap3A_1454, %swap3A_1455], %swap3A_1458 {strides = array<i32>} : memref<4x512xf32, #tpu.memory_space<vmem>>, vector<1x16xf32>,
    %add3A_1459 = arith.constant 432 : i32
    %add3A_1460 = vector.broadcast %add3A_1459 : i32 to vector<16xi32>
    %add3A_1461 = arith.addi %iota3A, %add3A_1460 : vector<16xi32>
    %add3A_1462 = arith.constant 528 : i32
    %add3A_1463 = arith.addi %add3A_1462, %sub3A_122 : i32
    %add3A_1464 = arith.constant 432 : i32
    %add3A_1465 = arith.addi %add3A_1463, %add3A_1464 : i32
    %get3A_1466 = arith.index_cast %add3A_1465 : i32 to index
    %get3A_1467 = tpu.vector_load %arg6[%get3A_1466] {strides = array<i32>} : memref<2112xf32, #tpu.memory_space<vmem>>, vector<16xf32>,
    %get3A_1468 = vector.shape_cast %get3A_1467 : vector<16xf32> to vector<16xf32>
    %lt3A_1469 = vector.broadcast %sub3A_123 : i32 to vector<16xi32>
    %lt3A_1470 = arith.cmpi slt, %add3A_1461, %lt3A_1469 : vector<16xi32>
    %jit3A_1471 = arith.constant -1.000000e+09 : f32
    %broadcast_in_dim3A_1472 = vector.broadcast %jit3A_1471 : f32 to vector<16xf32>
    %select_n3A_1473 = arith.select %lt3A_1470, %get3A_1468, %broadcast_in_dim3A_1472 : vector<16xi1>, vector<16xf32>
    %swap3A_1474 = arith.constant 1 : i32
    %swap3A_1475 = arith.index_cast %swap3A_1474 : i32 to index
    %swap3A_1476 = arith.constant 432 : index
    %swap3A_1477 = tpu.vector_load %arg7[%swap3A_1475, %swap3A_1476] {strides = array<i32>} : memref<4x512xf32, #tpu.memory_space<vmem>>, vector<1x16xf32>,
    %swap3A_1478 = vector.shape_cast %swap3A_1477 : vector<1x16xf32> to vector<16xf32>
    %swap3A_1479 = vector.shape_cast %select_n3A_1473 : vector<16xf32> to vector<1x16xf32>
    tpu.vector_store %arg7[%swap3A_1475, %swap3A_1476], %swap3A_1479 {strides = array<i32>} : memref<4x512xf32, #tpu.memory_space<vmem>>, vector<1x16xf32>,
    %add3A_1480 = arith.constant 448 : i32
    %add3A_1481 = vector.broadcast %add3A_1480 : i32 to vector<16xi32>
    %add3A_1482 = arith.addi %iota3A, %add3A_1481 : vector<16xi32>
    %add3A_1483 = arith.constant 528 : i32
    %add3A_1484 = arith.addi %add3A_1483, %sub3A_122 : i32
    %add3A_1485 = arith.constant 448 : i32
    %add3A_1486 = arith.addi %add3A_1484, %add3A_1485 : i32
    %get3A_1487 = arith.index_cast %add3A_1486 : i32 to index
    %get3A_1488 = tpu.vector_load %arg6[%get3A_1487] {strides = array<i32>} : memref<2112xf32, #tpu.memory_space<vmem>>, vector<16xf32>,
    %get3A_1489 = vector.shape_cast %get3A_1488 : vector<16xf32> to vector<16xf32>
    %lt3A_1490 = vector.broadcast %sub3A_123 : i32 to vector<16xi32>
    %lt3A_1491 = arith.cmpi slt, %add3A_1482, %lt3A_1490 : vector<16xi32>
    %jit3A_1492 = arith.constant -1.000000e+09 : f32
    %broadcast_in_dim3A_1493 = vector.broadcast %jit3A_1492 : f32 to vector<16xf32>
    %select_n3A_1494 = arith.select %lt3A_1491, %get3A_1489, %broadcast_in_dim3A_1493 : vector<16xi1>, vector<16xf32>
    %swap3A_1495 = arith.constant 1 : i32
    %swap3A_1496 = arith.index_cast %swap3A_1495 : i32 to index
    %swap3A_1497 = arith.constant 448 : index
    %swap3A_1498 = tpu.vector_load %arg7[%swap3A_1496, %swap3A_1497] {strides = array<i32>} : memref<4x512xf32, #tpu.memory_space<vmem>>, vector<1x16xf32>,
    %swap3A_1499 = vector.shape_cast %swap3A_1498 : vector<1x16xf32> to vector<16xf32>
    %swap3A_1500 = vector.shape_cast %select_n3A_1494 : vector<16xf32> to vector<1x16xf32>
    tpu.vector_store %arg7[%swap3A_1496, %swap3A_1497], %swap3A_1500 {strides = array<i32>} : memref<4x512xf32, #tpu.memory_space<vmem>>, vector<1x16xf32>,
    %add3A_1501 = arith.constant 464 : i32
    %add3A_1502 = vector.broadcast %add3A_1501 : i32 to vector<16xi32>
    %add3A_1503 = arith.addi %iota3A, %add3A_1502 : vector<16xi32>
    %add3A_1504 = arith.constant 528 : i32
    %add3A_1505 = arith.addi %add3A_1504, %sub3A_122 : i32
    %add3A_1506 = arith.constant 464 : i32
    %add3A_1507 = arith.addi %add3A_1505, %add3A_1506 : i32
    %get3A_1508 = arith.index_cast %add3A_1507 : i32 to index
    %get3A_1509 = tpu.vector_load %arg6[%get3A_1508] {strides = array<i32>} : memref<2112xf32, #tpu.memory_space<vmem>>, vector<16xf32>,
    %get3A_1510 = vector.shape_cast %get3A_1509 : vector<16xf32> to vector<16xf32>
    %lt3A_1511 = vector.broadcast %sub3A_123 : i32 to vector<16xi32>
    %lt3A_1512 = arith.cmpi slt, %add3A_1503, %lt3A_1511 : vector<16xi32>
    %jit3A_1513 = arith.constant -1.000000e+09 : f32
    %broadcast_in_dim3A_1514 = vector.broadcast %jit3A_1513 : f32 to vector<16xf32>
    %select_n3A_1515 = arith.select %lt3A_1512, %get3A_1510, %broadcast_in_dim3A_1514 : vector<16xi1>, vector<16xf32>
    %swap3A_1516 = arith.constant 1 : i32
    %swap3A_1517 = arith.index_cast %swap3A_1516 : i32 to index
    %swap3A_1518 = arith.constant 464 : index
    %swap3A_1519 = tpu.vector_load %arg7[%swap3A_1517, %swap3A_1518] {strides = array<i32>} : memref<4x512xf32, #tpu.memory_space<vmem>>, vector<1x16xf32>,
    %swap3A_1520 = vector.shape_cast %swap3A_1519 : vector<1x16xf32> to vector<16xf32>
    %swap3A_1521 = vector.shape_cast %select_n3A_1515 : vector<16xf32> to vector<1x16xf32>
    tpu.vector_store %arg7[%swap3A_1517, %swap3A_1518], %swap3A_1521 {strides = array<i32>} : memref<4x512xf32, #tpu.memory_space<vmem>>, vector<1x16xf32>,
    %add3A_1522 = arith.constant 480 : i32
    %add3A_1523 = vector.broadcast %add3A_1522 : i32 to vector<16xi32>
    %add3A_1524 = arith.addi %iota3A, %add3A_1523 : vector<16xi32>
    %add3A_1525 = arith.constant 528 : i32
    %add3A_1526 = arith.addi %add3A_1525, %sub3A_122 : i32
    %add3A_1527 = arith.constant 480 : i32
    %add3A_1528 = arith.addi %add3A_1526, %add3A_1527 : i32
    %get3A_1529 = arith.index_cast %add3A_1528 : i32 to index
    %get3A_1530 = tpu.vector_load %arg6[%get3A_1529] {strides = array<i32>} : memref<2112xf32, #tpu.memory_space<vmem>>, vector<16xf32>,
    %get3A_1531 = vector.shape_cast %get3A_1530 : vector<16xf32> to vector<16xf32>
    %lt3A_1532 = vector.broadcast %sub3A_123 : i32 to vector<16xi32>
    %lt3A_1533 = arith.cmpi slt, %add3A_1524, %lt3A_1532 : vector<16xi32>
    %jit3A_1534 = arith.constant -1.000000e+09 : f32
    %broadcast_in_dim3A_1535 = vector.broadcast %jit3A_1534 : f32 to vector<16xf32>
    %select_n3A_1536 = arith.select %lt3A_1533, %get3A_1531, %broadcast_in_dim3A_1535 : vector<16xi1>, vector<16xf32>
    %swap3A_1537 = arith.constant 1 : i32
    %swap3A_1538 = arith.index_cast %swap3A_1537 : i32 to index
    %swap3A_1539 = arith.constant 480 : index
    %swap3A_1540 = tpu.vector_load %arg7[%swap3A_1538, %swap3A_1539] {strides = array<i32>} : memref<4x512xf32, #tpu.memory_space<vmem>>, vector<1x16xf32>,
    %swap3A_1541 = vector.shape_cast %swap3A_1540 : vector<1x16xf32> to vector<16xf32>
    %swap3A_1542 = vector.shape_cast %select_n3A_1536 : vector<16xf32> to vector<1x16xf32>
    tpu.vector_store %arg7[%swap3A_1538, %swap3A_1539], %swap3A_1542 {strides = array<i32>} : memref<4x512xf32, #tpu.memory_space<vmem>>, vector<1x16xf32>,
    %add3A_1543 = arith.constant 496 : i32
    %add3A_1544 = vector.broadcast %add3A_1543 : i32 to vector<16xi32>
    %add3A_1545 = arith.addi %iota3A, %add3A_1544 : vector<16xi32>
    %add3A_1546 = arith.constant 528 : i32
    %add3A_1547 = arith.addi %add3A_1546, %sub3A_122 : i32
    %add3A_1548 = arith.constant 496 : i32
    %add3A_1549 = arith.addi %add3A_1547, %add3A_1548 : i32
    %get3A_1550 = arith.index_cast %add3A_1549 : i32 to index
    %get3A_1551 = tpu.vector_load %arg6[%get3A_1550] {strides = array<i32>} : memref<2112xf32, #tpu.memory_space<vmem>>, vector<16xf32>,
    %get3A_1552 = vector.shape_cast %get3A_1551 : vector<16xf32> to vector<16xf32>
    %lt3A_1553 = vector.broadcast %sub3A_123 : i32 to vector<16xi32>
    %lt3A_1554 = arith.cmpi slt, %add3A_1545, %lt3A_1553 : vector<16xi32>
    %jit3A_1555 = arith.constant -1.000000e+09 : f32
    %broadcast_in_dim3A_1556 = vector.broadcast %jit3A_1555 : f32 to vector<16xf32>
    %select_n3A_1557 = arith.select %lt3A_1554, %get3A_1552, %broadcast_in_dim3A_1556 : vector<16xi1>, vector<16xf32>
    %swap3A_1558 = arith.constant 1 : i32
    %swap3A_1559 = arith.index_cast %swap3A_1558 : i32 to index
    %swap3A_1560 = arith.constant 496 : index
    %swap3A_1561 = tpu.vector_load %arg7[%swap3A_1559, %swap3A_1560] {strides = array<i32>} : memref<4x512xf32, #tpu.memory_space<vmem>>, vector<1x16xf32>,
    %swap3A_1562 = vector.shape_cast %swap3A_1561 : vector<1x16xf32> to vector<16xf32>
    %swap3A_1563 = vector.shape_cast %select_n3A_1557 : vector<16xf32> to vector<1x16xf32>
    tpu.vector_store %arg7[%swap3A_1559, %swap3A_1560], %swap3A_1563 {strides = array<i32>} : memref<4x512xf32, #tpu.memory_space<vmem>>, vector<1x16xf32>,
    %add3A_1564 = arith.constant 0 : i32
    %add3A_1565 = vector.broadcast %add3A_1564 : i32 to vector<16xi32>
    %add3A_1566 = arith.addi %iota3A, %add3A_1565 : vector<16xi32>
    %add3A_1567 = arith.constant 1056 : i32
    %add3A_1568 = arith.addi %add3A_1567, %sub3A_157 : i32
    %add3A_1569 = arith.constant 0 : i32
    %add3A_1570 = arith.addi %add3A_1568, %add3A_1569 : i32
    %get3A_1571 = arith.index_cast %add3A_1570 : i32 to index
    %get3A_1572 = tpu.vector_load %arg6[%get3A_1571] {strides = array<i32>} : memref<2112xf32, #tpu.memory_space<vmem>>, vector<16xf32>,
    %get3A_1573 = vector.shape_cast %get3A_1572 : vector<16xf32> to vector<16xf32>
    %lt3A_1574 = vector.broadcast %sub3A_158 : i32 to vector<16xi32>
    %lt3A_1575 = arith.cmpi slt, %add3A_1566, %lt3A_1574 : vector<16xi32>
    %jit3A_1576 = arith.constant -1.000000e+09 : f32
    %broadcast_in_dim3A_1577 = vector.broadcast %jit3A_1576 : f32 to vector<16xf32>
    %select_n3A_1578 = arith.select %lt3A_1575, %get3A_1573, %broadcast_in_dim3A_1577 : vector<16xi1>, vector<16xf32>
    %swap3A_1579 = arith.constant 2 : i32
    %swap3A_1580 = arith.index_cast %swap3A_1579 : i32 to index
    %swap3A_1581 = arith.constant 0 : index
    %swap3A_1582 = tpu.vector_load %arg7[%swap3A_1580, %swap3A_1581] {strides = array<i32>} : memref<4x512xf32, #tpu.memory_space<vmem>>, vector<1x16xf32>,
    %swap3A_1583 = vector.shape_cast %swap3A_1582 : vector<1x16xf32> to vector<16xf32>
    %swap3A_1584 = vector.shape_cast %select_n3A_1578 : vector<16xf32> to vector<1x16xf32>
    tpu.vector_store %arg7[%swap3A_1580, %swap3A_1581], %swap3A_1584 {strides = array<i32>} : memref<4x512xf32, #tpu.memory_space<vmem>>, vector<1x16xf32>,
    %add3A_1585 = arith.constant 16 : i32
    %add3A_1586 = vector.broadcast %add3A_1585 : i32 to vector<16xi32>
    %add3A_1587 = arith.addi %iota3A, %add3A_1586 : vector<16xi32>
    %add3A_1588 = arith.constant 1056 : i32
    %add3A_1589 = arith.addi %add3A_1588, %sub3A_157 : i32
    %add3A_1590 = arith.constant 16 : i32
    %add3A_1591 = arith.addi %add3A_1589, %add3A_1590 : i32
    %get3A_1592 = arith.index_cast %add3A_1591 : i32 to index
    %get3A_1593 = tpu.vector_load %arg6[%get3A_1592] {strides = array<i32>} : memref<2112xf32, #tpu.memory_space<vmem>>, vector<16xf32>,
    %get3A_1594 = vector.shape_cast %get3A_1593 : vector<16xf32> to vector<16xf32>
    %lt3A_1595 = vector.broadcast %sub3A_158 : i32 to vector<16xi32>
    %lt3A_1596 = arith.cmpi slt, %add3A_1587, %lt3A_1595 : vector<16xi32>
    %jit3A_1597 = arith.constant -1.000000e+09 : f32
    %broadcast_in_dim3A_1598 = vector.broadcast %jit3A_1597 : f32 to vector<16xf32>
    %select_n3A_1599 = arith.select %lt3A_1596, %get3A_1594, %broadcast_in_dim3A_1598 : vector<16xi1>, vector<16xf32>
    %swap3A_1600 = arith.constant 2 : i32
    %swap3A_1601 = arith.index_cast %swap3A_1600 : i32 to index
    %swap3A_1602 = arith.constant 16 : index
    %swap3A_1603 = tpu.vector_load %arg7[%swap3A_1601, %swap3A_1602] {strides = array<i32>} : memref<4x512xf32, #tpu.memory_space<vmem>>, vector<1x16xf32>,
    %swap3A_1604 = vector.shape_cast %swap3A_1603 : vector<1x16xf32> to vector<16xf32>
    %swap3A_1605 = vector.shape_cast %select_n3A_1599 : vector<16xf32> to vector<1x16xf32>
    tpu.vector_store %arg7[%swap3A_1601, %swap3A_1602], %swap3A_1605 {strides = array<i32>} : memref<4x512xf32, #tpu.memory_space<vmem>>, vector<1x16xf32>,
    %add3A_1606 = arith.constant 32 : i32
    %add3A_1607 = vector.broadcast %add3A_1606 : i32 to vector<16xi32>
    %add3A_1608 = arith.addi %iota3A, %add3A_1607 : vector<16xi32>
    %add3A_1609 = arith.constant 1056 : i32
    %add3A_1610 = arith.addi %add3A_1609, %sub3A_157 : i32
    %add3A_1611 = arith.constant 32 : i32
    %add3A_1612 = arith.addi %add3A_1610, %add3A_1611 : i32
    %get3A_1613 = arith.index_cast %add3A_1612 : i32 to index
    %get3A_1614 = tpu.vector_load %arg6[%get3A_1613] {strides = array<i32>} : memref<2112xf32, #tpu.memory_space<vmem>>, vector<16xf32>,
    %get3A_1615 = vector.shape_cast %get3A_1614 : vector<16xf32> to vector<16xf32>
    %lt3A_1616 = vector.broadcast %sub3A_158 : i32 to vector<16xi32>
    %lt3A_1617 = arith.cmpi slt, %add3A_1608, %lt3A_1616 : vector<16xi32>
    %jit3A_1618 = arith.constant -1.000000e+09 : f32
    %broadcast_in_dim3A_1619 = vector.broadcast %jit3A_1618 : f32 to vector<16xf32>
    %select_n3A_1620 = arith.select %lt3A_1617, %get3A_1615, %broadcast_in_dim3A_1619 : vector<16xi1>, vector<16xf32>
    %swap3A_1621 = arith.constant 2 : i32
    %swap3A_1622 = arith.index_cast %swap3A_1621 : i32 to index
    %swap3A_1623 = arith.constant 32 : index
    %swap3A_1624 = tpu.vector_load %arg7[%swap3A_1622, %swap3A_1623] {strides = array<i32>} : memref<4x512xf32, #tpu.memory_space<vmem>>, vector<1x16xf32>,
    %swap3A_1625 = vector.shape_cast %swap3A_1624 : vector<1x16xf32> to vector<16xf32>
    %swap3A_1626 = vector.shape_cast %select_n3A_1620 : vector<16xf32> to vector<1x16xf32>
    tpu.vector_store %arg7[%swap3A_1622, %swap3A_1623], %swap3A_1626 {strides = array<i32>} : memref<4x512xf32, #tpu.memory_space<vmem>>, vector<1x16xf32>,
    %add3A_1627 = arith.constant 48 : i32
    %add3A_1628 = vector.broadcast %add3A_1627 : i32 to vector<16xi32>
    %add3A_1629 = arith.addi %iota3A, %add3A_1628 : vector<16xi32>
    %add3A_1630 = arith.constant 1056 : i32
    %add3A_1631 = arith.addi %add3A_1630, %sub3A_157 : i32
    %add3A_1632 = arith.constant 48 : i32
    %add3A_1633 = arith.addi %add3A_1631, %add3A_1632 : i32
    %get3A_1634 = arith.index_cast %add3A_1633 : i32 to index
    %get3A_1635 = tpu.vector_load %arg6[%get3A_1634] {strides = array<i32>} : memref<2112xf32, #tpu.memory_space<vmem>>, vector<16xf32>,
    %get3A_1636 = vector.shape_cast %get3A_1635 : vector<16xf32> to vector<16xf32>
    %lt3A_1637 = vector.broadcast %sub3A_158 : i32 to vector<16xi32>
    %lt3A_1638 = arith.cmpi slt, %add3A_1629, %lt3A_1637 : vector<16xi32>
    %jit3A_1639 = arith.constant -1.000000e+09 : f32
    %broadcast_in_dim3A_1640 = vector.broadcast %jit3A_1639 : f32 to vector<16xf32>
    %select_n3A_1641 = arith.select %lt3A_1638, %get3A_1636, %broadcast_in_dim3A_1640 : vector<16xi1>, vector<16xf32>
    %swap3A_1642 = arith.constant 2 : i32
    %swap3A_1643 = arith.index_cast %swap3A_1642 : i32 to index
    %swap3A_1644 = arith.constant 48 : index
    %swap3A_1645 = tpu.vector_load %arg7[%swap3A_1643, %swap3A_1644] {strides = array<i32>} : memref<4x512xf32, #tpu.memory_space<vmem>>, vector<1x16xf32>,
    %swap3A_1646 = vector.shape_cast %swap3A_1645 : vector<1x16xf32> to vector<16xf32>
    %swap3A_1647 = vector.shape_cast %select_n3A_1641 : vector<16xf32> to vector<1x16xf32>
    tpu.vector_store %arg7[%swap3A_1643, %swap3A_1644], %swap3A_1647 {strides = array<i32>} : memref<4x512xf32, #tpu.memory_space<vmem>>, vector<1x16xf32>,
    %add3A_1648 = arith.constant 64 : i32
    %add3A_1649 = vector.broadcast %add3A_1648 : i32 to vector<16xi32>
    %add3A_1650 = arith.addi %iota3A, %add3A_1649 : vector<16xi32>
    %add3A_1651 = arith.constant 1056 : i32
    %add3A_1652 = arith.addi %add3A_1651, %sub3A_157 : i32
    %add3A_1653 = arith.constant 64 : i32
    %add3A_1654 = arith.addi %add3A_1652, %add3A_1653 : i32
    %get3A_1655 = arith.index_cast %add3A_1654 : i32 to index
    %get3A_1656 = tpu.vector_load %arg6[%get3A_1655] {strides = array<i32>} : memref<2112xf32, #tpu.memory_space<vmem>>, vector<16xf32>,
    %get3A_1657 = vector.shape_cast %get3A_1656 : vector<16xf32> to vector<16xf32>
    %lt3A_1658 = vector.broadcast %sub3A_158 : i32 to vector<16xi32>
    %lt3A_1659 = arith.cmpi slt, %add3A_1650, %lt3A_1658 : vector<16xi32>
    %jit3A_1660 = arith.constant -1.000000e+09 : f32
    %broadcast_in_dim3A_1661 = vector.broadcast %jit3A_1660 : f32 to vector<16xf32>
    %select_n3A_1662 = arith.select %lt3A_1659, %get3A_1657, %broadcast_in_dim3A_1661 : vector<16xi1>, vector<16xf32>
    %swap3A_1663 = arith.constant 2 : i32
    %swap3A_1664 = arith.index_cast %swap3A_1663 : i32 to index
    %swap3A_1665 = arith.constant 64 : index
    %swap3A_1666 = tpu.vector_load %arg7[%swap3A_1664, %swap3A_1665] {strides = array<i32>} : memref<4x512xf32, #tpu.memory_space<vmem>>, vector<1x16xf32>,
    %swap3A_1667 = vector.shape_cast %swap3A_1666 : vector<1x16xf32> to vector<16xf32>
    %swap3A_1668 = vector.shape_cast %select_n3A_1662 : vector<16xf32> to vector<1x16xf32>
    tpu.vector_store %arg7[%swap3A_1664, %swap3A_1665], %swap3A_1668 {strides = array<i32>} : memref<4x512xf32, #tpu.memory_space<vmem>>, vector<1x16xf32>,
    %add3A_1669 = arith.constant 80 : i32
    %add3A_1670 = vector.broadcast %add3A_1669 : i32 to vector<16xi32>
    %add3A_1671 = arith.addi %iota3A, %add3A_1670 : vector<16xi32>
    %add3A_1672 = arith.constant 1056 : i32
    %add3A_1673 = arith.addi %add3A_1672, %sub3A_157 : i32
    %add3A_1674 = arith.constant 80 : i32
    %add3A_1675 = arith.addi %add3A_1673, %add3A_1674 : i32
    %get3A_1676 = arith.index_cast %add3A_1675 : i32 to index
    %get3A_1677 = tpu.vector_load %arg6[%get3A_1676] {strides = array<i32>} : memref<2112xf32, #tpu.memory_space<vmem>>, vector<16xf32>,
    %get3A_1678 = vector.shape_cast %get3A_1677 : vector<16xf32> to vector<16xf32>
    %lt3A_1679 = vector.broadcast %sub3A_158 : i32 to vector<16xi32>
    %lt3A_1680 = arith.cmpi slt, %add3A_1671, %lt3A_1679 : vector<16xi32>
    %jit3A_1681 = arith.constant -1.000000e+09 : f32
    %broadcast_in_dim3A_1682 = vector.broadcast %jit3A_1681 : f32 to vector<16xf32>
    %select_n3A_1683 = arith.select %lt3A_1680, %get3A_1678, %broadcast_in_dim3A_1682 : vector<16xi1>, vector<16xf32>
    %swap3A_1684 = arith.constant 2 : i32
    %swap3A_1685 = arith.index_cast %swap3A_1684 : i32 to index
    %swap3A_1686 = arith.constant 80 : index
    %swap3A_1687 = tpu.vector_load %arg7[%swap3A_1685, %swap3A_1686] {strides = array<i32>} : memref<4x512xf32, #tpu.memory_space<vmem>>, vector<1x16xf32>,
    %swap3A_1688 = vector.shape_cast %swap3A_1687 : vector<1x16xf32> to vector<16xf32>
    %swap3A_1689 = vector.shape_cast %select_n3A_1683 : vector<16xf32> to vector<1x16xf32>
    tpu.vector_store %arg7[%swap3A_1685, %swap3A_1686], %swap3A_1689 {strides = array<i32>} : memref<4x512xf32, #tpu.memory_space<vmem>>, vector<1x16xf32>,
    %add3A_1690 = arith.constant 96 : i32
    %add3A_1691 = vector.broadcast %add3A_1690 : i32 to vector<16xi32>
    %add3A_1692 = arith.addi %iota3A, %add3A_1691 : vector<16xi32>
    %add3A_1693 = arith.constant 1056 : i32
    %add3A_1694 = arith.addi %add3A_1693, %sub3A_157 : i32
    %add3A_1695 = arith.constant 96 : i32
    %add3A_1696 = arith.addi %add3A_1694, %add3A_1695 : i32
    %get3A_1697 = arith.index_cast %add3A_1696 : i32 to index
    %get3A_1698 = tpu.vector_load %arg6[%get3A_1697] {strides = array<i32>} : memref<2112xf32, #tpu.memory_space<vmem>>, vector<16xf32>,
    %get3A_1699 = vector.shape_cast %get3A_1698 : vector<16xf32> to vector<16xf32>
    %lt3A_1700 = vector.broadcast %sub3A_158 : i32 to vector<16xi32>
    %lt3A_1701 = arith.cmpi slt, %add3A_1692, %lt3A_1700 : vector<16xi32>
    %jit3A_1702 = arith.constant -1.000000e+09 : f32
    %broadcast_in_dim3A_1703 = vector.broadcast %jit3A_1702 : f32 to vector<16xf32>
    %select_n3A_1704 = arith.select %lt3A_1701, %get3A_1699, %broadcast_in_dim3A_1703 : vector<16xi1>, vector<16xf32>
    %swap3A_1705 = arith.constant 2 : i32
    %swap3A_1706 = arith.index_cast %swap3A_1705 : i32 to index
    %swap3A_1707 = arith.constant 96 : index
    %swap3A_1708 = tpu.vector_load %arg7[%swap3A_1706, %swap3A_1707] {strides = array<i32>} : memref<4x512xf32, #tpu.memory_space<vmem>>, vector<1x16xf32>,
    %swap3A_1709 = vector.shape_cast %swap3A_1708 : vector<1x16xf32> to vector<16xf32>
    %swap3A_1710 = vector.shape_cast %select_n3A_1704 : vector<16xf32> to vector<1x16xf32>
    tpu.vector_store %arg7[%swap3A_1706, %swap3A_1707], %swap3A_1710 {strides = array<i32>} : memref<4x512xf32, #tpu.memory_space<vmem>>, vector<1x16xf32>,
    %add3A_1711 = arith.constant 112 : i32
    %add3A_1712 = vector.broadcast %add3A_1711 : i32 to vector<16xi32>
    %add3A_1713 = arith.addi %iota3A, %add3A_1712 : vector<16xi32>
    %add3A_1714 = arith.constant 1056 : i32
    %add3A_1715 = arith.addi %add3A_1714, %sub3A_157 : i32
    %add3A_1716 = arith.constant 112 : i32
    %add3A_1717 = arith.addi %add3A_1715, %add3A_1716 : i32
    %get3A_1718 = arith.index_cast %add3A_1717 : i32 to index
    %get3A_1719 = tpu.vector_load %arg6[%get3A_1718] {strides = array<i32>} : memref<2112xf32, #tpu.memory_space<vmem>>, vector<16xf32>,
    %get3A_1720 = vector.shape_cast %get3A_1719 : vector<16xf32> to vector<16xf32>
    %lt3A_1721 = vector.broadcast %sub3A_158 : i32 to vector<16xi32>
    %lt3A_1722 = arith.cmpi slt, %add3A_1713, %lt3A_1721 : vector<16xi32>
    %jit3A_1723 = arith.constant -1.000000e+09 : f32
    %broadcast_in_dim3A_1724 = vector.broadcast %jit3A_1723 : f32 to vector<16xf32>
    %select_n3A_1725 = arith.select %lt3A_1722, %get3A_1720, %broadcast_in_dim3A_1724 : vector<16xi1>, vector<16xf32>
    %swap3A_1726 = arith.constant 2 : i32
    %swap3A_1727 = arith.index_cast %swap3A_1726 : i32 to index
    %swap3A_1728 = arith.constant 112 : index
    %swap3A_1729 = tpu.vector_load %arg7[%swap3A_1727, %swap3A_1728] {strides = array<i32>} : memref<4x512xf32, #tpu.memory_space<vmem>>, vector<1x16xf32>,
    %swap3A_1730 = vector.shape_cast %swap3A_1729 : vector<1x16xf32> to vector<16xf32>
    %swap3A_1731 = vector.shape_cast %select_n3A_1725 : vector<16xf32> to vector<1x16xf32>
    tpu.vector_store %arg7[%swap3A_1727, %swap3A_1728], %swap3A_1731 {strides = array<i32>} : memref<4x512xf32, #tpu.memory_space<vmem>>, vector<1x16xf32>,
    %add3A_1732 = arith.constant 128 : i32
    %add3A_1733 = vector.broadcast %add3A_1732 : i32 to vector<16xi32>
    %add3A_1734 = arith.addi %iota3A, %add3A_1733 : vector<16xi32>
    %add3A_1735 = arith.constant 1056 : i32
    %add3A_1736 = arith.addi %add3A_1735, %sub3A_157 : i32
    %add3A_1737 = arith.constant 128 : i32
    %add3A_1738 = arith.addi %add3A_1736, %add3A_1737 : i32
    %get3A_1739 = arith.index_cast %add3A_1738 : i32 to index
    %get3A_1740 = tpu.vector_load %arg6[%get3A_1739] {strides = array<i32>} : memref<2112xf32, #tpu.memory_space<vmem>>, vector<16xf32>,
    %get3A_1741 = vector.shape_cast %get3A_1740 : vector<16xf32> to vector<16xf32>
    %lt3A_1742 = vector.broadcast %sub3A_158 : i32 to vector<16xi32>
    %lt3A_1743 = arith.cmpi slt, %add3A_1734, %lt3A_1742 : vector<16xi32>
    %jit3A_1744 = arith.constant -1.000000e+09 : f32
    %broadcast_in_dim3A_1745 = vector.broadcast %jit3A_1744 : f32 to vector<16xf32>
    %select_n3A_1746 = arith.select %lt3A_1743, %get3A_1741, %broadcast_in_dim3A_1745 : vector<16xi1>, vector<16xf32>
    %swap3A_1747 = arith.constant 2 : i32
    %swap3A_1748 = arith.index_cast %swap3A_1747 : i32 to index
    %swap3A_1749 = arith.constant 128 : index
    %swap3A_1750 = tpu.vector_load %arg7[%swap3A_1748, %swap3A_1749] {strides = array<i32>} : memref<4x512xf32, #tpu.memory_space<vmem>>, vector<1x16xf32>,
    %swap3A_1751 = vector.shape_cast %swap3A_1750 : vector<1x16xf32> to vector<16xf32>
    %swap3A_1752 = vector.shape_cast %select_n3A_1746 : vector<16xf32> to vector<1x16xf32>
    tpu.vector_store %arg7[%swap3A_1748, %swap3A_1749], %swap3A_1752 {strides = array<i32>} : memref<4x512xf32, #tpu.memory_space<vmem>>, vector<1x16xf32>,
    %add3A_1753 = arith.constant 144 : i32
    %add3A_1754 = vector.broadcast %add3A_1753 : i32 to vector<16xi32>
    %add3A_1755 = arith.addi %iota3A, %add3A_1754 : vector<16xi32>
    %add3A_1756 = arith.constant 1056 : i32
    %add3A_1757 = arith.addi %add3A_1756, %sub3A_157 : i32
    %add3A_1758 = arith.constant 144 : i32
    %add3A_1759 = arith.addi %add3A_1757, %add3A_1758 : i32
    %get3A_1760 = arith.index_cast %add3A_1759 : i32 to index
    %get3A_1761 = tpu.vector_load %arg6[%get3A_1760] {strides = array<i32>} : memref<2112xf32, #tpu.memory_space<vmem>>, vector<16xf32>,
    %get3A_1762 = vector.shape_cast %get3A_1761 : vector<16xf32> to vector<16xf32>
    %lt3A_1763 = vector.broadcast %sub3A_158 : i32 to vector<16xi32>
    %lt3A_1764 = arith.cmpi slt, %add3A_1755, %lt3A_1763 : vector<16xi32>
    %jit3A_1765 = arith.constant -1.000000e+09 : f32
    %broadcast_in_dim3A_1766 = vector.broadcast %jit3A_1765 : f32 to vector<16xf32>
    %select_n3A_1767 = arith.select %lt3A_1764, %get3A_1762, %broadcast_in_dim3A_1766 : vector<16xi1>, vector<16xf32>
    %swap3A_1768 = arith.constant 2 : i32
    %swap3A_1769 = arith.index_cast %swap3A_1768 : i32 to index
    %swap3A_1770 = arith.constant 144 : index
    %swap3A_1771 = tpu.vector_load %arg7[%swap3A_1769, %swap3A_1770] {strides = array<i32>} : memref<4x512xf32, #tpu.memory_space<vmem>>, vector<1x16xf32>,
    %swap3A_1772 = vector.shape_cast %swap3A_1771 : vector<1x16xf32> to vector<16xf32>
    %swap3A_1773 = vector.shape_cast %select_n3A_1767 : vector<16xf32> to vector<1x16xf32>
    tpu.vector_store %arg7[%swap3A_1769, %swap3A_1770], %swap3A_1773 {strides = array<i32>} : memref<4x512xf32, #tpu.memory_space<vmem>>, vector<1x16xf32>,
    %add3A_1774 = arith.constant 160 : i32
    %add3A_1775 = vector.broadcast %add3A_1774 : i32 to vector<16xi32>
    %add3A_1776 = arith.addi %iota3A, %add3A_1775 : vector<16xi32>
    %add3A_1777 = arith.constant 1056 : i32
    %add3A_1778 = arith.addi %add3A_1777, %sub3A_157 : i32
    %add3A_1779 = arith.constant 160 : i32
    %add3A_1780 = arith.addi %add3A_1778, %add3A_1779 : i32
    %get3A_1781 = arith.index_cast %add3A_1780 : i32 to index
    %get3A_1782 = tpu.vector_load %arg6[%get3A_1781] {strides = array<i32>} : memref<2112xf32, #tpu.memory_space<vmem>>, vector<16xf32>,
    %get3A_1783 = vector.shape_cast %get3A_1782 : vector<16xf32> to vector<16xf32>
    %lt3A_1784 = vector.broadcast %sub3A_158 : i32 to vector<16xi32>
    %lt3A_1785 = arith.cmpi slt, %add3A_1776, %lt3A_1784 : vector<16xi32>
    %jit3A_1786 = arith.constant -1.000000e+09 : f32
    %broadcast_in_dim3A_1787 = vector.broadcast %jit3A_1786 : f32 to vector<16xf32>
    %select_n3A_1788 = arith.select %lt3A_1785, %get3A_1783, %broadcast_in_dim3A_1787 : vector<16xi1>, vector<16xf32>
    %swap3A_1789 = arith.constant 2 : i32
    %swap3A_1790 = arith.index_cast %swap3A_1789 : i32 to index
    %swap3A_1791 = arith.constant 160 : index
    %swap3A_1792 = tpu.vector_load %arg7[%swap3A_1790, %swap3A_1791] {strides = array<i32>} : memref<4x512xf32, #tpu.memory_space<vmem>>, vector<1x16xf32>,
    %swap3A_1793 = vector.shape_cast %swap3A_1792 : vector<1x16xf32> to vector<16xf32>
    %swap3A_1794 = vector.shape_cast %select_n3A_1788 : vector<16xf32> to vector<1x16xf32>
    tpu.vector_store %arg7[%swap3A_1790, %swap3A_1791], %swap3A_1794 {strides = array<i32>} : memref<4x512xf32, #tpu.memory_space<vmem>>, vector<1x16xf32>,
    %add3A_1795 = arith.constant 176 : i32
    %add3A_1796 = vector.broadcast %add3A_1795 : i32 to vector<16xi32>
    %add3A_1797 = arith.addi %iota3A, %add3A_1796 : vector<16xi32>
    %add3A_1798 = arith.constant 1056 : i32
    %add3A_1799 = arith.addi %add3A_1798, %sub3A_157 : i32
    %add3A_1800 = arith.constant 176 : i32
    %add3A_1801 = arith.addi %add3A_1799, %add3A_1800 : i32
    %get3A_1802 = arith.index_cast %add3A_1801 : i32 to index
    %get3A_1803 = tpu.vector_load %arg6[%get3A_1802] {strides = array<i32>} : memref<2112xf32, #tpu.memory_space<vmem>>, vector<16xf32>,
    %get3A_1804 = vector.shape_cast %get3A_1803 : vector<16xf32> to vector<16xf32>
    %lt3A_1805 = vector.broadcast %sub3A_158 : i32 to vector<16xi32>
    %lt3A_1806 = arith.cmpi slt, %add3A_1797, %lt3A_1805 : vector<16xi32>
    %jit3A_1807 = arith.constant -1.000000e+09 : f32
    %broadcast_in_dim3A_1808 = vector.broadcast %jit3A_1807 : f32 to vector<16xf32>
    %select_n3A_1809 = arith.select %lt3A_1806, %get3A_1804, %broadcast_in_dim3A_1808 : vector<16xi1>, vector<16xf32>
    %swap3A_1810 = arith.constant 2 : i32
    %swap3A_1811 = arith.index_cast %swap3A_1810 : i32 to index
    %swap3A_1812 = arith.constant 176 : index
    %swap3A_1813 = tpu.vector_load %arg7[%swap3A_1811, %swap3A_1812] {strides = array<i32>} : memref<4x512xf32, #tpu.memory_space<vmem>>, vector<1x16xf32>,
    %swap3A_1814 = vector.shape_cast %swap3A_1813 : vector<1x16xf32> to vector<16xf32>
    %swap3A_1815 = vector.shape_cast %select_n3A_1809 : vector<16xf32> to vector<1x16xf32>
    tpu.vector_store %arg7[%swap3A_1811, %swap3A_1812], %swap3A_1815 {strides = array<i32>} : memref<4x512xf32, #tpu.memory_space<vmem>>, vector<1x16xf32>,
    %add3A_1816 = arith.constant 192 : i32
    %add3A_1817 = vector.broadcast %add3A_1816 : i32 to vector<16xi32>
    %add3A_1818 = arith.addi %iota3A, %add3A_1817 : vector<16xi32>
    %add3A_1819 = arith.constant 1056 : i32
    %add3A_1820 = arith.addi %add3A_1819, %sub3A_157 : i32
    %add3A_1821 = arith.constant 192 : i32
    %add3A_1822 = arith.addi %add3A_1820, %add3A_1821 : i32
    %get3A_1823 = arith.index_cast %add3A_1822 : i32 to index
    %get3A_1824 = tpu.vector_load %arg6[%get3A_1823] {strides = array<i32>} : memref<2112xf32, #tpu.memory_space<vmem>>, vector<16xf32>,
    %get3A_1825 = vector.shape_cast %get3A_1824 : vector<16xf32> to vector<16xf32>
    %lt3A_1826 = vector.broadcast %sub3A_158 : i32 to vector<16xi32>
    %lt3A_1827 = arith.cmpi slt, %add3A_1818, %lt3A_1826 : vector<16xi32>
    %jit3A_1828 = arith.constant -1.000000e+09 : f32
    %broadcast_in_dim3A_1829 = vector.broadcast %jit3A_1828 : f32 to vector<16xf32>
    %select_n3A_1830 = arith.select %lt3A_1827, %get3A_1825, %broadcast_in_dim3A_1829 : vector<16xi1>, vector<16xf32>
    %swap3A_1831 = arith.constant 2 : i32
    %swap3A_1832 = arith.index_cast %swap3A_1831 : i32 to index
    %swap3A_1833 = arith.constant 192 : index
    %swap3A_1834 = tpu.vector_load %arg7[%swap3A_1832, %swap3A_1833] {strides = array<i32>} : memref<4x512xf32, #tpu.memory_space<vmem>>, vector<1x16xf32>,
    %swap3A_1835 = vector.shape_cast %swap3A_1834 : vector<1x16xf32> to vector<16xf32>
    %swap3A_1836 = vector.shape_cast %select_n3A_1830 : vector<16xf32> to vector<1x16xf32>
    tpu.vector_store %arg7[%swap3A_1832, %swap3A_1833], %swap3A_1836 {strides = array<i32>} : memref<4x512xf32, #tpu.memory_space<vmem>>, vector<1x16xf32>,
    %add3A_1837 = arith.constant 208 : i32
    %add3A_1838 = vector.broadcast %add3A_1837 : i32 to vector<16xi32>
    %add3A_1839 = arith.addi %iota3A, %add3A_1838 : vector<16xi32>
    %add3A_1840 = arith.constant 1056 : i32
    %add3A_1841 = arith.addi %add3A_1840, %sub3A_157 : i32
    %add3A_1842 = arith.constant 208 : i32
    %add3A_1843 = arith.addi %add3A_1841, %add3A_1842 : i32
    %get3A_1844 = arith.index_cast %add3A_1843 : i32 to index
    %get3A_1845 = tpu.vector_load %arg6[%get3A_1844] {strides = array<i32>} : memref<2112xf32, #tpu.memory_space<vmem>>, vector<16xf32>,
    %get3A_1846 = vector.shape_cast %get3A_1845 : vector<16xf32> to vector<16xf32>
    %lt3A_1847 = vector.broadcast %sub3A_158 : i32 to vector<16xi32>
    %lt3A_1848 = arith.cmpi slt, %add3A_1839, %lt3A_1847 : vector<16xi32>
    %jit3A_1849 = arith.constant -1.000000e+09 : f32
    %broadcast_in_dim3A_1850 = vector.broadcast %jit3A_1849 : f32 to vector<16xf32>
    %select_n3A_1851 = arith.select %lt3A_1848, %get3A_1846, %broadcast_in_dim3A_1850 : vector<16xi1>, vector<16xf32>
    %swap3A_1852 = arith.constant 2 : i32
    %swap3A_1853 = arith.index_cast %swap3A_1852 : i32 to index
    %swap3A_1854 = arith.constant 208 : index
    %swap3A_1855 = tpu.vector_load %arg7[%swap3A_1853, %swap3A_1854] {strides = array<i32>} : memref<4x512xf32, #tpu.memory_space<vmem>>, vector<1x16xf32>,
    %swap3A_1856 = vector.shape_cast %swap3A_1855 : vector<1x16xf32> to vector<16xf32>
    %swap3A_1857 = vector.shape_cast %select_n3A_1851 : vector<16xf32> to vector<1x16xf32>
    tpu.vector_store %arg7[%swap3A_1853, %swap3A_1854], %swap3A_1857 {strides = array<i32>} : memref<4x512xf32, #tpu.memory_space<vmem>>, vector<1x16xf32>,
    %add3A_1858 = arith.constant 224 : i32
    %add3A_1859 = vector.broadcast %add3A_1858 : i32 to vector<16xi32>
    %add3A_1860 = arith.addi %iota3A, %add3A_1859 : vector<16xi32>
    %add3A_1861 = arith.constant 1056 : i32
    %add3A_1862 = arith.addi %add3A_1861, %sub3A_157 : i32
    %add3A_1863 = arith.constant 224 : i32
    %add3A_1864 = arith.addi %add3A_1862, %add3A_1863 : i32
    %get3A_1865 = arith.index_cast %add3A_1864 : i32 to index
    %get3A_1866 = tpu.vector_load %arg6[%get3A_1865] {strides = array<i32>} : memref<2112xf32, #tpu.memory_space<vmem>>, vector<16xf32>,
    %get3A_1867 = vector.shape_cast %get3A_1866 : vector<16xf32> to vector<16xf32>
    %lt3A_1868 = vector.broadcast %sub3A_158 : i32 to vector<16xi32>
    %lt3A_1869 = arith.cmpi slt, %add3A_1860, %lt3A_1868 : vector<16xi32>
    %jit3A_1870 = arith.constant -1.000000e+09 : f32
    %broadcast_in_dim3A_1871 = vector.broadcast %jit3A_1870 : f32 to vector<16xf32>
    %select_n3A_1872 = arith.select %lt3A_1869, %get3A_1867, %broadcast_in_dim3A_1871 : vector<16xi1>, vector<16xf32>
    %swap3A_1873 = arith.constant 2 : i32
    %swap3A_1874 = arith.index_cast %swap3A_1873 : i32 to index
    %swap3A_1875 = arith.constant 224 : index
    %swap3A_1876 = tpu.vector_load %arg7[%swap3A_1874, %swap3A_1875] {strides = array<i32>} : memref<4x512xf32, #tpu.memory_space<vmem>>, vector<1x16xf32>,
    %swap3A_1877 = vector.shape_cast %swap3A_1876 : vector<1x16xf32> to vector<16xf32>
    %swap3A_1878 = vector.shape_cast %select_n3A_1872 : vector<16xf32> to vector<1x16xf32>
    tpu.vector_store %arg7[%swap3A_1874, %swap3A_1875], %swap3A_1878 {strides = array<i32>} : memref<4x512xf32, #tpu.memory_space<vmem>>, vector<1x16xf32>,
    %add3A_1879 = arith.constant 240 : i32
    %add3A_1880 = vector.broadcast %add3A_1879 : i32 to vector<16xi32>
    %add3A_1881 = arith.addi %iota3A, %add3A_1880 : vector<16xi32>
    %add3A_1882 = arith.constant 1056 : i32
    %add3A_1883 = arith.addi %add3A_1882, %sub3A_157 : i32
    %add3A_1884 = arith.constant 240 : i32
    %add3A_1885 = arith.addi %add3A_1883, %add3A_1884 : i32
    %get3A_1886 = arith.index_cast %add3A_1885 : i32 to index
    %get3A_1887 = tpu.vector_load %arg6[%get3A_1886] {strides = array<i32>} : memref<2112xf32, #tpu.memory_space<vmem>>, vector<16xf32>,
    %get3A_1888 = vector.shape_cast %get3A_1887 : vector<16xf32> to vector<16xf32>
    %lt3A_1889 = vector.broadcast %sub3A_158 : i32 to vector<16xi32>
    %lt3A_1890 = arith.cmpi slt, %add3A_1881, %lt3A_1889 : vector<16xi32>
    %jit3A_1891 = arith.constant -1.000000e+09 : f32
    %broadcast_in_dim3A_1892 = vector.broadcast %jit3A_1891 : f32 to vector<16xf32>
    %select_n3A_1893 = arith.select %lt3A_1890, %get3A_1888, %broadcast_in_dim3A_1892 : vector<16xi1>, vector<16xf32>
    %swap3A_1894 = arith.constant 2 : i32
    %swap3A_1895 = arith.index_cast %swap3A_1894 : i32 to index
    %swap3A_1896 = arith.constant 240 : index
    %swap3A_1897 = tpu.vector_load %arg7[%swap3A_1895, %swap3A_1896] {strides = array<i32>} : memref<4x512xf32, #tpu.memory_space<vmem>>, vector<1x16xf32>,
    %swap3A_1898 = vector.shape_cast %swap3A_1897 : vector<1x16xf32> to vector<16xf32>
    %swap3A_1899 = vector.shape_cast %select_n3A_1893 : vector<16xf32> to vector<1x16xf32>
    tpu.vector_store %arg7[%swap3A_1895, %swap3A_1896], %swap3A_1899 {strides = array<i32>} : memref<4x512xf32, #tpu.memory_space<vmem>>, vector<1x16xf32>,
    %add3A_1900 = arith.constant 256 : i32
    %add3A_1901 = vector.broadcast %add3A_1900 : i32 to vector<16xi32>
    %add3A_1902 = arith.addi %iota3A, %add3A_1901 : vector<16xi32>
    %add3A_1903 = arith.constant 1056 : i32
    %add3A_1904 = arith.addi %add3A_1903, %sub3A_157 : i32
    %add3A_1905 = arith.constant 256 : i32
    %add3A_1906 = arith.addi %add3A_1904, %add3A_1905 : i32
    %get3A_1907 = arith.index_cast %add3A_1906 : i32 to index
    %get3A_1908 = tpu.vector_load %arg6[%get3A_1907] {strides = array<i32>} : memref<2112xf32, #tpu.memory_space<vmem>>, vector<16xf32>,
    %get3A_1909 = vector.shape_cast %get3A_1908 : vector<16xf32> to vector<16xf32>
    %lt3A_1910 = vector.broadcast %sub3A_158 : i32 to vector<16xi32>
    %lt3A_1911 = arith.cmpi slt, %add3A_1902, %lt3A_1910 : vector<16xi32>
    %jit3A_1912 = arith.constant -1.000000e+09 : f32
    %broadcast_in_dim3A_1913 = vector.broadcast %jit3A_1912 : f32 to vector<16xf32>
    %select_n3A_1914 = arith.select %lt3A_1911, %get3A_1909, %broadcast_in_dim3A_1913 : vector<16xi1>, vector<16xf32>
    %swap3A_1915 = arith.constant 2 : i32
    %swap3A_1916 = arith.index_cast %swap3A_1915 : i32 to index
    %swap3A_1917 = arith.constant 256 : index
    %swap3A_1918 = tpu.vector_load %arg7[%swap3A_1916, %swap3A_1917] {strides = array<i32>} : memref<4x512xf32, #tpu.memory_space<vmem>>, vector<1x16xf32>,
    %swap3A_1919 = vector.shape_cast %swap3A_1918 : vector<1x16xf32> to vector<16xf32>
    %swap3A_1920 = vector.shape_cast %select_n3A_1914 : vector<16xf32> to vector<1x16xf32>
    tpu.vector_store %arg7[%swap3A_1916, %swap3A_1917], %swap3A_1920 {strides = array<i32>} : memref<4x512xf32, #tpu.memory_space<vmem>>, vector<1x16xf32>,
    %add3A_1921 = arith.constant 272 : i32
    %add3A_1922 = vector.broadcast %add3A_1921 : i32 to vector<16xi32>
    %add3A_1923 = arith.addi %iota3A, %add3A_1922 : vector<16xi32>
    %add3A_1924 = arith.constant 1056 : i32
    %add3A_1925 = arith.addi %add3A_1924, %sub3A_157 : i32
    %add3A_1926 = arith.constant 272 : i32
    %add3A_1927 = arith.addi %add3A_1925, %add3A_1926 : i32
    %get3A_1928 = arith.index_cast %add3A_1927 : i32 to index
    %get3A_1929 = tpu.vector_load %arg6[%get3A_1928] {strides = array<i32>} : memref<2112xf32, #tpu.memory_space<vmem>>, vector<16xf32>,
    %get3A_1930 = vector.shape_cast %get3A_1929 : vector<16xf32> to vector<16xf32>
    %lt3A_1931 = vector.broadcast %sub3A_158 : i32 to vector<16xi32>
    %lt3A_1932 = arith.cmpi slt, %add3A_1923, %lt3A_1931 : vector<16xi32>
    %jit3A_1933 = arith.constant -1.000000e+09 : f32
    %broadcast_in_dim3A_1934 = vector.broadcast %jit3A_1933 : f32 to vector<16xf32>
    %select_n3A_1935 = arith.select %lt3A_1932, %get3A_1930, %broadcast_in_dim3A_1934 : vector<16xi1>, vector<16xf32>
    %swap3A_1936 = arith.constant 2 : i32
    %swap3A_1937 = arith.index_cast %swap3A_1936 : i32 to index
    %swap3A_1938 = arith.constant 272 : index
    %swap3A_1939 = tpu.vector_load %arg7[%swap3A_1937, %swap3A_1938] {strides = array<i32>} : memref<4x512xf32, #tpu.memory_space<vmem>>, vector<1x16xf32>,
    %swap3A_1940 = vector.shape_cast %swap3A_1939 : vector<1x16xf32> to vector<16xf32>
    %swap3A_1941 = vector.shape_cast %select_n3A_1935 : vector<16xf32> to vector<1x16xf32>
    tpu.vector_store %arg7[%swap3A_1937, %swap3A_1938], %swap3A_1941 {strides = array<i32>} : memref<4x512xf32, #tpu.memory_space<vmem>>, vector<1x16xf32>,
    %add3A_1942 = arith.constant 288 : i32
    %add3A_1943 = vector.broadcast %add3A_1942 : i32 to vector<16xi32>
    %add3A_1944 = arith.addi %iota3A, %add3A_1943 : vector<16xi32>
    %add3A_1945 = arith.constant 1056 : i32
    %add3A_1946 = arith.addi %add3A_1945, %sub3A_157 : i32
    %add3A_1947 = arith.constant 288 : i32
    %add3A_1948 = arith.addi %add3A_1946, %add3A_1947 : i32
    %get3A_1949 = arith.index_cast %add3A_1948 : i32 to index
    %get3A_1950 = tpu.vector_load %arg6[%get3A_1949] {strides = array<i32>} : memref<2112xf32, #tpu.memory_space<vmem>>, vector<16xf32>,
    %get3A_1951 = vector.shape_cast %get3A_1950 : vector<16xf32> to vector<16xf32>
    %lt3A_1952 = vector.broadcast %sub3A_158 : i32 to vector<16xi32>
    %lt3A_1953 = arith.cmpi slt, %add3A_1944, %lt3A_1952 : vector<16xi32>
    %jit3A_1954 = arith.constant -1.000000e+09 : f32
    %broadcast_in_dim3A_1955 = vector.broadcast %jit3A_1954 : f32 to vector<16xf32>
    %select_n3A_1956 = arith.select %lt3A_1953, %get3A_1951, %broadcast_in_dim3A_1955 : vector<16xi1>, vector<16xf32>
    %swap3A_1957 = arith.constant 2 : i32
    %swap3A_1958 = arith.index_cast %swap3A_1957 : i32 to index
    %swap3A_1959 = arith.constant 288 : index
    %swap3A_1960 = tpu.vector_load %arg7[%swap3A_1958, %swap3A_1959] {strides = array<i32>} : memref<4x512xf32, #tpu.memory_space<vmem>>, vector<1x16xf32>,
    %swap3A_1961 = vector.shape_cast %swap3A_1960 : vector<1x16xf32> to vector<16xf32>
    %swap3A_1962 = vector.shape_cast %select_n3A_1956 : vector<16xf32> to vector<1x16xf32>
    tpu.vector_store %arg7[%swap3A_1958, %swap3A_1959], %swap3A_1962 {strides = array<i32>} : memref<4x512xf32, #tpu.memory_space<vmem>>, vector<1x16xf32>,
    %add3A_1963 = arith.constant 304 : i32
    %add3A_1964 = vector.broadcast %add3A_1963 : i32 to vector<16xi32>
    %add3A_1965 = arith.addi %iota3A, %add3A_1964 : vector<16xi32>
    %add3A_1966 = arith.constant 1056 : i32
    %add3A_1967 = arith.addi %add3A_1966, %sub3A_157 : i32
    %add3A_1968 = arith.constant 304 : i32
    %add3A_1969 = arith.addi %add3A_1967, %add3A_1968 : i32
    %get3A_1970 = arith.index_cast %add3A_1969 : i32 to index
    %get3A_1971 = tpu.vector_load %arg6[%get3A_1970] {strides = array<i32>} : memref<2112xf32, #tpu.memory_space<vmem>>, vector<16xf32>,
    %get3A_1972 = vector.shape_cast %get3A_1971 : vector<16xf32> to vector<16xf32>
    %lt3A_1973 = vector.broadcast %sub3A_158 : i32 to vector<16xi32>
    %lt3A_1974 = arith.cmpi slt, %add3A_1965, %lt3A_1973 : vector<16xi32>
    %jit3A_1975 = arith.constant -1.000000e+09 : f32
    %broadcast_in_dim3A_1976 = vector.broadcast %jit3A_1975 : f32 to vector<16xf32>
    %select_n3A_1977 = arith.select %lt3A_1974, %get3A_1972, %broadcast_in_dim3A_1976 : vector<16xi1>, vector<16xf32>
    %swap3A_1978 = arith.constant 2 : i32
    %swap3A_1979 = arith.index_cast %swap3A_1978 : i32 to index
    %swap3A_1980 = arith.constant 304 : index
    %swap3A_1981 = tpu.vector_load %arg7[%swap3A_1979, %swap3A_1980] {strides = array<i32>} : memref<4x512xf32, #tpu.memory_space<vmem>>, vector<1x16xf32>,
    %swap3A_1982 = vector.shape_cast %swap3A_1981 : vector<1x16xf32> to vector<16xf32>
    %swap3A_1983 = vector.shape_cast %select_n3A_1977 : vector<16xf32> to vector<1x16xf32>
    tpu.vector_store %arg7[%swap3A_1979, %swap3A_1980], %swap3A_1983 {strides = array<i32>} : memref<4x512xf32, #tpu.memory_space<vmem>>, vector<1x16xf32>,
    %add3A_1984 = arith.constant 320 : i32
    %add3A_1985 = vector.broadcast %add3A_1984 : i32 to vector<16xi32>
    %add3A_1986 = arith.addi %iota3A, %add3A_1985 : vector<16xi32>
    %add3A_1987 = arith.constant 1056 : i32
    %add3A_1988 = arith.addi %add3A_1987, %sub3A_157 : i32
    %add3A_1989 = arith.constant 320 : i32
    %add3A_1990 = arith.addi %add3A_1988, %add3A_1989 : i32
    %get3A_1991 = arith.index_cast %add3A_1990 : i32 to index
    %get3A_1992 = tpu.vector_load %arg6[%get3A_1991] {strides = array<i32>} : memref<2112xf32, #tpu.memory_space<vmem>>, vector<16xf32>,
    %get3A_1993 = vector.shape_cast %get3A_1992 : vector<16xf32> to vector<16xf32>
    %lt3A_1994 = vector.broadcast %sub3A_158 : i32 to vector<16xi32>
    %lt3A_1995 = arith.cmpi slt, %add3A_1986, %lt3A_1994 : vector<16xi32>
    %jit3A_1996 = arith.constant -1.000000e+09 : f32
    %broadcast_in_dim3A_1997 = vector.broadcast %jit3A_1996 : f32 to vector<16xf32>
    %select_n3A_1998 = arith.select %lt3A_1995, %get3A_1993, %broadcast_in_dim3A_1997 : vector<16xi1>, vector<16xf32>
    %swap3A_1999 = arith.constant 2 : i32
    %swap3A_2000 = arith.index_cast %swap3A_1999 : i32 to index
    %swap3A_2001 = arith.constant 320 : index
    %swap3A_2002 = tpu.vector_load %arg7[%swap3A_2000, %swap3A_2001] {strides = array<i32>} : memref<4x512xf32, #tpu.memory_space<vmem>>, vector<1x16xf32>,
    %swap3A_2003 = vector.shape_cast %swap3A_2002 : vector<1x16xf32> to vector<16xf32>
    %swap3A_2004 = vector.shape_cast %select_n3A_1998 : vector<16xf32> to vector<1x16xf32>
    tpu.vector_store %arg7[%swap3A_2000, %swap3A_2001], %swap3A_2004 {strides = array<i32>} : memref<4x512xf32, #tpu.memory_space<vmem>>, vector<1x16xf32>,
    %add3A_2005 = arith.constant 336 : i32
    %add3A_2006 = vector.broadcast %add3A_2005 : i32 to vector<16xi32>
    %add3A_2007 = arith.addi %iota3A, %add3A_2006 : vector<16xi32>
    %add3A_2008 = arith.constant 1056 : i32
    %add3A_2009 = arith.addi %add3A_2008, %sub3A_157 : i32
    %add3A_2010 = arith.constant 336 : i32
    %add3A_2011 = arith.addi %add3A_2009, %add3A_2010 : i32
    %get3A_2012 = arith.index_cast %add3A_2011 : i32 to index
    %get3A_2013 = tpu.vector_load %arg6[%get3A_2012] {strides = array<i32>} : memref<2112xf32, #tpu.memory_space<vmem>>, vector<16xf32>,
    %get3A_2014 = vector.shape_cast %get3A_2013 : vector<16xf32> to vector<16xf32>
    %lt3A_2015 = vector.broadcast %sub3A_158 : i32 to vector<16xi32>
    %lt3A_2016 = arith.cmpi slt, %add3A_2007, %lt3A_2015 : vector<16xi32>
    %jit3A_2017 = arith.constant -1.000000e+09 : f32
    %broadcast_in_dim3A_2018 = vector.broadcast %jit3A_2017 : f32 to vector<16xf32>
    %select_n3A_2019 = arith.select %lt3A_2016, %get3A_2014, %broadcast_in_dim3A_2018 : vector<16xi1>, vector<16xf32>
    %swap3A_2020 = arith.constant 2 : i32
    %swap3A_2021 = arith.index_cast %swap3A_2020 : i32 to index
    %swap3A_2022 = arith.constant 336 : index
    %swap3A_2023 = tpu.vector_load %arg7[%swap3A_2021, %swap3A_2022] {strides = array<i32>} : memref<4x512xf32, #tpu.memory_space<vmem>>, vector<1x16xf32>,
    %swap3A_2024 = vector.shape_cast %swap3A_2023 : vector<1x16xf32> to vector<16xf32>
    %swap3A_2025 = vector.shape_cast %select_n3A_2019 : vector<16xf32> to vector<1x16xf32>
    tpu.vector_store %arg7[%swap3A_2021, %swap3A_2022], %swap3A_2025 {strides = array<i32>} : memref<4x512xf32, #tpu.memory_space<vmem>>, vector<1x16xf32>,
    %add3A_2026 = arith.constant 352 : i32
    %add3A_2027 = vector.broadcast %add3A_2026 : i32 to vector<16xi32>
    %add3A_2028 = arith.addi %iota3A, %add3A_2027 : vector<16xi32>
    %add3A_2029 = arith.constant 1056 : i32
    %add3A_2030 = arith.addi %add3A_2029, %sub3A_157 : i32
    %add3A_2031 = arith.constant 352 : i32
    %add3A_2032 = arith.addi %add3A_2030, %add3A_2031 : i32
    %get3A_2033 = arith.index_cast %add3A_2032 : i32 to index
    %get3A_2034 = tpu.vector_load %arg6[%get3A_2033] {strides = array<i32>} : memref<2112xf32, #tpu.memory_space<vmem>>, vector<16xf32>,
    %get3A_2035 = vector.shape_cast %get3A_2034 : vector<16xf32> to vector<16xf32>
    %lt3A_2036 = vector.broadcast %sub3A_158 : i32 to vector<16xi32>
    %lt3A_2037 = arith.cmpi slt, %add3A_2028, %lt3A_2036 : vector<16xi32>
    %jit3A_2038 = arith.constant -1.000000e+09 : f32
    %broadcast_in_dim3A_2039 = vector.broadcast %jit3A_2038 : f32 to vector<16xf32>
    %select_n3A_2040 = arith.select %lt3A_2037, %get3A_2035, %broadcast_in_dim3A_2039 : vector<16xi1>, vector<16xf32>
    %swap3A_2041 = arith.constant 2 : i32
    %swap3A_2042 = arith.index_cast %swap3A_2041 : i32 to index
    %swap3A_2043 = arith.constant 352 : index
    %swap3A_2044 = tpu.vector_load %arg7[%swap3A_2042, %swap3A_2043] {strides = array<i32>} : memref<4x512xf32, #tpu.memory_space<vmem>>, vector<1x16xf32>,
    %swap3A_2045 = vector.shape_cast %swap3A_2044 : vector<1x16xf32> to vector<16xf32>
    %swap3A_2046 = vector.shape_cast %select_n3A_2040 : vector<16xf32> to vector<1x16xf32>
    tpu.vector_store %arg7[%swap3A_2042, %swap3A_2043], %swap3A_2046 {strides = array<i32>} : memref<4x512xf32, #tpu.memory_space<vmem>>, vector<1x16xf32>,
    %add3A_2047 = arith.constant 368 : i32
    %add3A_2048 = vector.broadcast %add3A_2047 : i32 to vector<16xi32>
    %add3A_2049 = arith.addi %iota3A, %add3A_2048 : vector<16xi32>
    %add3A_2050 = arith.constant 1056 : i32
    %add3A_2051 = arith.addi %add3A_2050, %sub3A_157 : i32
    %add3A_2052 = arith.constant 368 : i32
    %add3A_2053 = arith.addi %add3A_2051, %add3A_2052 : i32
    %get3A_2054 = arith.index_cast %add3A_2053 : i32 to index
    %get3A_2055 = tpu.vector_load %arg6[%get3A_2054] {strides = array<i32>} : memref<2112xf32, #tpu.memory_space<vmem>>, vector<16xf32>,
    %get3A_2056 = vector.shape_cast %get3A_2055 : vector<16xf32> to vector<16xf32>
    %lt3A_2057 = vector.broadcast %sub3A_158 : i32 to vector<16xi32>
    %lt3A_2058 = arith.cmpi slt, %add3A_2049, %lt3A_2057 : vector<16xi32>
    %jit3A_2059 = arith.constant -1.000000e+09 : f32
    %broadcast_in_dim3A_2060 = vector.broadcast %jit3A_2059 : f32 to vector<16xf32>
    %select_n3A_2061 = arith.select %lt3A_2058, %get3A_2056, %broadcast_in_dim3A_2060 : vector<16xi1>, vector<16xf32>
    %swap3A_2062 = arith.constant 2 : i32
    %swap3A_2063 = arith.index_cast %swap3A_2062 : i32 to index
    %swap3A_2064 = arith.constant 368 : index
    %swap3A_2065 = tpu.vector_load %arg7[%swap3A_2063, %swap3A_2064] {strides = array<i32>} : memref<4x512xf32, #tpu.memory_space<vmem>>, vector<1x16xf32>,
    %swap3A_2066 = vector.shape_cast %swap3A_2065 : vector<1x16xf32> to vector<16xf32>
    %swap3A_2067 = vector.shape_cast %select_n3A_2061 : vector<16xf32> to vector<1x16xf32>
    tpu.vector_store %arg7[%swap3A_2063, %swap3A_2064], %swap3A_2067 {strides = array<i32>} : memref<4x512xf32, #tpu.memory_space<vmem>>, vector<1x16xf32>,
    %add3A_2068 = arith.constant 384 : i32
    %add3A_2069 = vector.broadcast %add3A_2068 : i32 to vector<16xi32>
    %add3A_2070 = arith.addi %iota3A, %add3A_2069 : vector<16xi32>
    %add3A_2071 = arith.constant 1056 : i32
    %add3A_2072 = arith.addi %add3A_2071, %sub3A_157 : i32
    %add3A_2073 = arith.constant 384 : i32
    %add3A_2074 = arith.addi %add3A_2072, %add3A_2073 : i32
    %get3A_2075 = arith.index_cast %add3A_2074 : i32 to index
    %get3A_2076 = tpu.vector_load %arg6[%get3A_2075] {strides = array<i32>} : memref<2112xf32, #tpu.memory_space<vmem>>, vector<16xf32>,
    %get3A_2077 = vector.shape_cast %get3A_2076 : vector<16xf32> to vector<16xf32>
    %lt3A_2078 = vector.broadcast %sub3A_158 : i32 to vector<16xi32>
    %lt3A_2079 = arith.cmpi slt, %add3A_2070, %lt3A_2078 : vector<16xi32>
    %jit3A_2080 = arith.constant -1.000000e+09 : f32
    %broadcast_in_dim3A_2081 = vector.broadcast %jit3A_2080 : f32 to vector<16xf32>
    %select_n3A_2082 = arith.select %lt3A_2079, %get3A_2077, %broadcast_in_dim3A_2081 : vector<16xi1>, vector<16xf32>
    %swap3A_2083 = arith.constant 2 : i32
    %swap3A_2084 = arith.index_cast %swap3A_2083 : i32 to index
    %swap3A_2085 = arith.constant 384 : index
    %swap3A_2086 = tpu.vector_load %arg7[%swap3A_2084, %swap3A_2085] {strides = array<i32>} : memref<4x512xf32, #tpu.memory_space<vmem>>, vector<1x16xf32>,
    %swap3A_2087 = vector.shape_cast %swap3A_2086 : vector<1x16xf32> to vector<16xf32>
    %swap3A_2088 = vector.shape_cast %select_n3A_2082 : vector<16xf32> to vector<1x16xf32>
    tpu.vector_store %arg7[%swap3A_2084, %swap3A_2085], %swap3A_2088 {strides = array<i32>} : memref<4x512xf32, #tpu.memory_space<vmem>>, vector<1x16xf32>,
    %add3A_2089 = arith.constant 400 : i32
    %add3A_2090 = vector.broadcast %add3A_2089 : i32 to vector<16xi32>
    %add3A_2091 = arith.addi %iota3A, %add3A_2090 : vector<16xi32>
    %add3A_2092 = arith.constant 1056 : i32
    %add3A_2093 = arith.addi %add3A_2092, %sub3A_157 : i32
    %add3A_2094 = arith.constant 400 : i32
    %add3A_2095 = arith.addi %add3A_2093, %add3A_2094 : i32
    %get3A_2096 = arith.index_cast %add3A_2095 : i32 to index
    %get3A_2097 = tpu.vector_load %arg6[%get3A_2096] {strides = array<i32>} : memref<2112xf32, #tpu.memory_space<vmem>>, vector<16xf32>,
    %get3A_2098 = vector.shape_cast %get3A_2097 : vector<16xf32> to vector<16xf32>
    %lt3A_2099 = vector.broadcast %sub3A_158 : i32 to vector<16xi32>
    %lt3A_2100 = arith.cmpi slt, %add3A_2091, %lt3A_2099 : vector<16xi32>
    %jit3A_2101 = arith.constant -1.000000e+09 : f32
    %broadcast_in_dim3A_2102 = vector.broadcast %jit3A_2101 : f32 to vector<16xf32>
    %select_n3A_2103 = arith.select %lt3A_2100, %get3A_2098, %broadcast_in_dim3A_2102 : vector<16xi1>, vector<16xf32>
    %swap3A_2104 = arith.constant 2 : i32
    %swap3A_2105 = arith.index_cast %swap3A_2104 : i32 to index
    %swap3A_2106 = arith.constant 400 : index
    %swap3A_2107 = tpu.vector_load %arg7[%swap3A_2105, %swap3A_2106] {strides = array<i32>} : memref<4x512xf32, #tpu.memory_space<vmem>>, vector<1x16xf32>,
    %swap3A_2108 = vector.shape_cast %swap3A_2107 : vector<1x16xf32> to vector<16xf32>
    %swap3A_2109 = vector.shape_cast %select_n3A_2103 : vector<16xf32> to vector<1x16xf32>
    tpu.vector_store %arg7[%swap3A_2105, %swap3A_2106], %swap3A_2109 {strides = array<i32>} : memref<4x512xf32, #tpu.memory_space<vmem>>, vector<1x16xf32>,
    %add3A_2110 = arith.constant 416 : i32
    %add3A_2111 = vector.broadcast %add3A_2110 : i32 to vector<16xi32>
    %add3A_2112 = arith.addi %iota3A, %add3A_2111 : vector<16xi32>
    %add3A_2113 = arith.constant 1056 : i32
    %add3A_2114 = arith.addi %add3A_2113, %sub3A_157 : i32
    %add3A_2115 = arith.constant 416 : i32
    %add3A_2116 = arith.addi %add3A_2114, %add3A_2115 : i32
    %get3A_2117 = arith.index_cast %add3A_2116 : i32 to index
    %get3A_2118 = tpu.vector_load %arg6[%get3A_2117] {strides = array<i32>} : memref<2112xf32, #tpu.memory_space<vmem>>, vector<16xf32>,
    %get3A_2119 = vector.shape_cast %get3A_2118 : vector<16xf32> to vector<16xf32>
    %lt3A_2120 = vector.broadcast %sub3A_158 : i32 to vector<16xi32>
    %lt3A_2121 = arith.cmpi slt, %add3A_2112, %lt3A_2120 : vector<16xi32>
    %jit3A_2122 = arith.constant -1.000000e+09 : f32
    %broadcast_in_dim3A_2123 = vector.broadcast %jit3A_2122 : f32 to vector<16xf32>
    %select_n3A_2124 = arith.select %lt3A_2121, %get3A_2119, %broadcast_in_dim3A_2123 : vector<16xi1>, vector<16xf32>
    %swap3A_2125 = arith.constant 2 : i32
    %swap3A_2126 = arith.index_cast %swap3A_2125 : i32 to index
    %swap3A_2127 = arith.constant 416 : index
    %swap3A_2128 = tpu.vector_load %arg7[%swap3A_2126, %swap3A_2127] {strides = array<i32>} : memref<4x512xf32, #tpu.memory_space<vmem>>, vector<1x16xf32>,
    %swap3A_2129 = vector.shape_cast %swap3A_2128 : vector<1x16xf32> to vector<16xf32>
    %swap3A_2130 = vector.shape_cast %select_n3A_2124 : vector<16xf32> to vector<1x16xf32>
    tpu.vector_store %arg7[%swap3A_2126, %swap3A_2127], %swap3A_2130 {strides = array<i32>} : memref<4x512xf32, #tpu.memory_space<vmem>>, vector<1x16xf32>,
    %add3A_2131 = arith.constant 432 : i32
    %add3A_2132 = vector.broadcast %add3A_2131 : i32 to vector<16xi32>
    %add3A_2133 = arith.addi %iota3A, %add3A_2132 : vector<16xi32>
    %add3A_2134 = arith.constant 1056 : i32
    %add3A_2135 = arith.addi %add3A_2134, %sub3A_157 : i32
    %add3A_2136 = arith.constant 432 : i32
    %add3A_2137 = arith.addi %add3A_2135, %add3A_2136 : i32
    %get3A_2138 = arith.index_cast %add3A_2137 : i32 to index
    %get3A_2139 = tpu.vector_load %arg6[%get3A_2138] {strides = array<i32>} : memref<2112xf32, #tpu.memory_space<vmem>>, vector<16xf32>,
    %get3A_2140 = vector.shape_cast %get3A_2139 : vector<16xf32> to vector<16xf32>
    %lt3A_2141 = vector.broadcast %sub3A_158 : i32 to vector<16xi32>
    %lt3A_2142 = arith.cmpi slt, %add3A_2133, %lt3A_2141 : vector<16xi32>
    %jit3A_2143 = arith.constant -1.000000e+09 : f32
    %broadcast_in_dim3A_2144 = vector.broadcast %jit3A_2143 : f32 to vector<16xf32>
    %select_n3A_2145 = arith.select %lt3A_2142, %get3A_2140, %broadcast_in_dim3A_2144 : vector<16xi1>, vector<16xf32>
    %swap3A_2146 = arith.constant 2 : i32
    %swap3A_2147 = arith.index_cast %swap3A_2146 : i32 to index
    %swap3A_2148 = arith.constant 432 : index
    %swap3A_2149 = tpu.vector_load %arg7[%swap3A_2147, %swap3A_2148] {strides = array<i32>} : memref<4x512xf32, #tpu.memory_space<vmem>>, vector<1x16xf32>,
    %swap3A_2150 = vector.shape_cast %swap3A_2149 : vector<1x16xf32> to vector<16xf32>
    %swap3A_2151 = vector.shape_cast %select_n3A_2145 : vector<16xf32> to vector<1x16xf32>
    tpu.vector_store %arg7[%swap3A_2147, %swap3A_2148], %swap3A_2151 {strides = array<i32>} : memref<4x512xf32, #tpu.memory_space<vmem>>, vector<1x16xf32>,
    %add3A_2152 = arith.constant 448 : i32
    %add3A_2153 = vector.broadcast %add3A_2152 : i32 to vector<16xi32>
    %add3A_2154 = arith.addi %iota3A, %add3A_2153 : vector<16xi32>
    %add3A_2155 = arith.constant 1056 : i32
    %add3A_2156 = arith.addi %add3A_2155, %sub3A_157 : i32
    %add3A_2157 = arith.constant 448 : i32
    %add3A_2158 = arith.addi %add3A_2156, %add3A_2157 : i32
    %get3A_2159 = arith.index_cast %add3A_2158 : i32 to index
    %get3A_2160 = tpu.vector_load %arg6[%get3A_2159] {strides = array<i32>} : memref<2112xf32, #tpu.memory_space<vmem>>, vector<16xf32>,
    %get3A_2161 = vector.shape_cast %get3A_2160 : vector<16xf32> to vector<16xf32>
    %lt3A_2162 = vector.broadcast %sub3A_158 : i32 to vector<16xi32>
    %lt3A_2163 = arith.cmpi slt, %add3A_2154, %lt3A_2162 : vector<16xi32>
    %jit3A_2164 = arith.constant -1.000000e+09 : f32
    %broadcast_in_dim3A_2165 = vector.broadcast %jit3A_2164 : f32 to vector<16xf32>
    %select_n3A_2166 = arith.select %lt3A_2163, %get3A_2161, %broadcast_in_dim3A_2165 : vector<16xi1>, vector<16xf32>
    %swap3A_2167 = arith.constant 2 : i32
    %swap3A_2168 = arith.index_cast %swap3A_2167 : i32 to index
    %swap3A_2169 = arith.constant 448 : index
    %swap3A_2170 = tpu.vector_load %arg7[%swap3A_2168, %swap3A_2169] {strides = array<i32>} : memref<4x512xf32, #tpu.memory_space<vmem>>, vector<1x16xf32>,
    %swap3A_2171 = vector.shape_cast %swap3A_2170 : vector<1x16xf32> to vector<16xf32>
    %swap3A_2172 = vector.shape_cast %select_n3A_2166 : vector<16xf32> to vector<1x16xf32>
    tpu.vector_store %arg7[%swap3A_2168, %swap3A_2169], %swap3A_2172 {strides = array<i32>} : memref<4x512xf32, #tpu.memory_space<vmem>>, vector<1x16xf32>,
    %add3A_2173 = arith.constant 464 : i32
    %add3A_2174 = vector.broadcast %add3A_2173 : i32 to vector<16xi32>
    %add3A_2175 = arith.addi %iota3A, %add3A_2174 : vector<16xi32>
    %add3A_2176 = arith.constant 1056 : i32
    %add3A_2177 = arith.addi %add3A_2176, %sub3A_157 : i32
    %add3A_2178 = arith.constant 464 : i32
    %add3A_2179 = arith.addi %add3A_2177, %add3A_2178 : i32
    %get3A_2180 = arith.index_cast %add3A_2179 : i32 to index
    %get3A_2181 = tpu.vector_load %arg6[%get3A_2180] {strides = array<i32>} : memref<2112xf32, #tpu.memory_space<vmem>>, vector<16xf32>,
    %get3A_2182 = vector.shape_cast %get3A_2181 : vector<16xf32> to vector<16xf32>
    %lt3A_2183 = vector.broadcast %sub3A_158 : i32 to vector<16xi32>
    %lt3A_2184 = arith.cmpi slt, %add3A_2175, %lt3A_2183 : vector<16xi32>
    %jit3A_2185 = arith.constant -1.000000e+09 : f32
    %broadcast_in_dim3A_2186 = vector.broadcast %jit3A_2185 : f32 to vector<16xf32>
    %select_n3A_2187 = arith.select %lt3A_2184, %get3A_2182, %broadcast_in_dim3A_2186 : vector<16xi1>, vector<16xf32>
    %swap3A_2188 = arith.constant 2 : i32
    %swap3A_2189 = arith.index_cast %swap3A_2188 : i32 to index
    %swap3A_2190 = arith.constant 464 : index
    %swap3A_2191 = tpu.vector_load %arg7[%swap3A_2189, %swap3A_2190] {strides = array<i32>} : memref<4x512xf32, #tpu.memory_space<vmem>>, vector<1x16xf32>,
    %swap3A_2192 = vector.shape_cast %swap3A_2191 : vector<1x16xf32> to vector<16xf32>
    %swap3A_2193 = vector.shape_cast %select_n3A_2187 : vector<16xf32> to vector<1x16xf32>
    tpu.vector_store %arg7[%swap3A_2189, %swap3A_2190], %swap3A_2193 {strides = array<i32>} : memref<4x512xf32, #tpu.memory_space<vmem>>, vector<1x16xf32>,
    %add3A_2194 = arith.constant 480 : i32
    %add3A_2195 = vector.broadcast %add3A_2194 : i32 to vector<16xi32>
    %add3A_2196 = arith.addi %iota3A, %add3A_2195 : vector<16xi32>
    %add3A_2197 = arith.constant 1056 : i32
    %add3A_2198 = arith.addi %add3A_2197, %sub3A_157 : i32
    %add3A_2199 = arith.constant 480 : i32
    %add3A_2200 = arith.addi %add3A_2198, %add3A_2199 : i32
    %get3A_2201 = arith.index_cast %add3A_2200 : i32 to index
    %get3A_2202 = tpu.vector_load %arg6[%get3A_2201] {strides = array<i32>} : memref<2112xf32, #tpu.memory_space<vmem>>, vector<16xf32>,
    %get3A_2203 = vector.shape_cast %get3A_2202 : vector<16xf32> to vector<16xf32>
    %lt3A_2204 = vector.broadcast %sub3A_158 : i32 to vector<16xi32>
    %lt3A_2205 = arith.cmpi slt, %add3A_2196, %lt3A_2204 : vector<16xi32>
    %jit3A_2206 = arith.constant -1.000000e+09 : f32
    %broadcast_in_dim3A_2207 = vector.broadcast %jit3A_2206 : f32 to vector<16xf32>
    %select_n3A_2208 = arith.select %lt3A_2205, %get3A_2203, %broadcast_in_dim3A_2207 : vector<16xi1>, vector<16xf32>
    %swap3A_2209 = arith.constant 2 : i32
    %swap3A_2210 = arith.index_cast %swap3A_2209 : i32 to index
    %swap3A_2211 = arith.constant 480 : index
    %swap3A_2212 = tpu.vector_load %arg7[%swap3A_2210, %swap3A_2211] {strides = array<i32>} : memref<4x512xf32, #tpu.memory_space<vmem>>, vector<1x16xf32>,
    %swap3A_2213 = vector.shape_cast %swap3A_2212 : vector<1x16xf32> to vector<16xf32>
    %swap3A_2214 = vector.shape_cast %select_n3A_2208 : vector<16xf32> to vector<1x16xf32>
    tpu.vector_store %arg7[%swap3A_2210, %swap3A_2211], %swap3A_2214 {strides = array<i32>} : memref<4x512xf32, #tpu.memory_space<vmem>>, vector<1x16xf32>,
    %add3A_2215 = arith.constant 496 : i32
    %add3A_2216 = vector.broadcast %add3A_2215 : i32 to vector<16xi32>
    %add3A_2217 = arith.addi %iota3A, %add3A_2216 : vector<16xi32>
    %add3A_2218 = arith.constant 1056 : i32
    %add3A_2219 = arith.addi %add3A_2218, %sub3A_157 : i32
    %add3A_2220 = arith.constant 496 : i32
    %add3A_2221 = arith.addi %add3A_2219, %add3A_2220 : i32
    %get3A_2222 = arith.index_cast %add3A_2221 : i32 to index
    %get3A_2223 = tpu.vector_load %arg6[%get3A_2222] {strides = array<i32>} : memref<2112xf32, #tpu.memory_space<vmem>>, vector<16xf32>,
    %get3A_2224 = vector.shape_cast %get3A_2223 : vector<16xf32> to vector<16xf32>
    %lt3A_2225 = vector.broadcast %sub3A_158 : i32 to vector<16xi32>
    %lt3A_2226 = arith.cmpi slt, %add3A_2217, %lt3A_2225 : vector<16xi32>
    %jit3A_2227 = arith.constant -1.000000e+09 : f32
    %broadcast_in_dim3A_2228 = vector.broadcast %jit3A_2227 : f32 to vector<16xf32>
    %select_n3A_2229 = arith.select %lt3A_2226, %get3A_2224, %broadcast_in_dim3A_2228 : vector<16xi1>, vector<16xf32>
    %swap3A_2230 = arith.constant 2 : i32
    %swap3A_2231 = arith.index_cast %swap3A_2230 : i32 to index
    %swap3A_2232 = arith.constant 496 : index
    %swap3A_2233 = tpu.vector_load %arg7[%swap3A_2231, %swap3A_2232] {strides = array<i32>} : memref<4x512xf32, #tpu.memory_space<vmem>>, vector<1x16xf32>,
    %swap3A_2234 = vector.shape_cast %swap3A_2233 : vector<1x16xf32> to vector<16xf32>
    %swap3A_2235 = vector.shape_cast %select_n3A_2229 : vector<16xf32> to vector<1x16xf32>
    tpu.vector_store %arg7[%swap3A_2231, %swap3A_2232], %swap3A_2235 {strides = array<i32>} : memref<4x512xf32, #tpu.memory_space<vmem>>, vector<1x16xf32>,
    %add3A_2236 = arith.constant 0 : i32
    %add3A_2237 = vector.broadcast %add3A_2236 : i32 to vector<16xi32>
    %add3A_2238 = arith.addi %iota3A, %add3A_2237 : vector<16xi32>
    %add3A_2239 = arith.constant 1584 : i32
    %add3A_2240 = arith.addi %add3A_2239, %sub3A_192 : i32
    %add3A_2241 = arith.constant 0 : i32
    %add3A_2242 = arith.addi %add3A_2240, %add3A_2241 : i32
    %get3A_2243 = arith.index_cast %add3A_2242 : i32 to index
    %get3A_2244 = tpu.vector_load %arg6[%get3A_2243] {strides = array<i32>} : memref<2112xf32, #tpu.memory_space<vmem>>, vector<16xf32>,
    %get3A_2245 = vector.shape_cast %get3A_2244 : vector<16xf32> to vector<16xf32>
    %lt3A_2246 = vector.broadcast %sub3A_193 : i32 to vector<16xi32>
    %lt3A_2247 = arith.cmpi slt, %add3A_2238, %lt3A_2246 : vector<16xi32>
    %jit3A_2248 = arith.constant -1.000000e+09 : f32
    %broadcast_in_dim3A_2249 = vector.broadcast %jit3A_2248 : f32 to vector<16xf32>
    %select_n3A_2250 = arith.select %lt3A_2247, %get3A_2245, %broadcast_in_dim3A_2249 : vector<16xi1>, vector<16xf32>
    %swap3A_2251 = arith.constant 3 : i32
    %swap3A_2252 = arith.index_cast %swap3A_2251 : i32 to index
    %swap3A_2253 = arith.constant 0 : index
    %swap3A_2254 = tpu.vector_load %arg7[%swap3A_2252, %swap3A_2253] {strides = array<i32>} : memref<4x512xf32, #tpu.memory_space<vmem>>, vector<1x16xf32>,
    %swap3A_2255 = vector.shape_cast %swap3A_2254 : vector<1x16xf32> to vector<16xf32>
    %swap3A_2256 = vector.shape_cast %select_n3A_2250 : vector<16xf32> to vector<1x16xf32>
    tpu.vector_store %arg7[%swap3A_2252, %swap3A_2253], %swap3A_2256 {strides = array<i32>} : memref<4x512xf32, #tpu.memory_space<vmem>>, vector<1x16xf32>,
    %add3A_2257 = arith.constant 16 : i32
    %add3A_2258 = vector.broadcast %add3A_2257 : i32 to vector<16xi32>
    %add3A_2259 = arith.addi %iota3A, %add3A_2258 : vector<16xi32>
    %add3A_2260 = arith.constant 1584 : i32
    %add3A_2261 = arith.addi %add3A_2260, %sub3A_192 : i32
    %add3A_2262 = arith.constant 16 : i32
    %add3A_2263 = arith.addi %add3A_2261, %add3A_2262 : i32
    %get3A_2264 = arith.index_cast %add3A_2263 : i32 to index
    %get3A_2265 = tpu.vector_load %arg6[%get3A_2264] {strides = array<i32>} : memref<2112xf32, #tpu.memory_space<vmem>>, vector<16xf32>,
    %get3A_2266 = vector.shape_cast %get3A_2265 : vector<16xf32> to vector<16xf32>
    %lt3A_2267 = vector.broadcast %sub3A_193 : i32 to vector<16xi32>
    %lt3A_2268 = arith.cmpi slt, %add3A_2259, %lt3A_2267 : vector<16xi32>
    %jit3A_2269 = arith.constant -1.000000e+09 : f32
    %broadcast_in_dim3A_2270 = vector.broadcast %jit3A_2269 : f32 to vector<16xf32>
    %select_n3A_2271 = arith.select %lt3A_2268, %get3A_2266, %broadcast_in_dim3A_2270 : vector<16xi1>, vector<16xf32>
    %swap3A_2272 = arith.constant 3 : i32
    %swap3A_2273 = arith.index_cast %swap3A_2272 : i32 to index
    %swap3A_2274 = arith.constant 16 : index
    %swap3A_2275 = tpu.vector_load %arg7[%swap3A_2273, %swap3A_2274] {strides = array<i32>} : memref<4x512xf32, #tpu.memory_space<vmem>>, vector<1x16xf32>,
    %swap3A_2276 = vector.shape_cast %swap3A_2275 : vector<1x16xf32> to vector<16xf32>
    %swap3A_2277 = vector.shape_cast %select_n3A_2271 : vector<16xf32> to vector<1x16xf32>
    tpu.vector_store %arg7[%swap3A_2273, %swap3A_2274], %swap3A_2277 {strides = array<i32>} : memref<4x512xf32, #tpu.memory_space<vmem>>, vector<1x16xf32>,
    %add3A_2278 = arith.constant 32 : i32
    %add3A_2279 = vector.broadcast %add3A_2278 : i32 to vector<16xi32>
    %add3A_2280 = arith.addi %iota3A, %add3A_2279 : vector<16xi32>
    %add3A_2281 = arith.constant 1584 : i32
    %add3A_2282 = arith.addi %add3A_2281, %sub3A_192 : i32
    %add3A_2283 = arith.constant 32 : i32
    %add3A_2284 = arith.addi %add3A_2282, %add3A_2283 : i32
    %get3A_2285 = arith.index_cast %add3A_2284 : i32 to index
    %get3A_2286 = tpu.vector_load %arg6[%get3A_2285] {strides = array<i32>} : memref<2112xf32, #tpu.memory_space<vmem>>, vector<16xf32>,
    %get3A_2287 = vector.shape_cast %get3A_2286 : vector<16xf32> to vector<16xf32>
    %lt3A_2288 = vector.broadcast %sub3A_193 : i32 to vector<16xi32>
    %lt3A_2289 = arith.cmpi slt, %add3A_2280, %lt3A_2288 : vector<16xi32>
    %jit3A_2290 = arith.constant -1.000000e+09 : f32
    %broadcast_in_dim3A_2291 = vector.broadcast %jit3A_2290 : f32 to vector<16xf32>
    %select_n3A_2292 = arith.select %lt3A_2289, %get3A_2287, %broadcast_in_dim3A_2291 : vector<16xi1>, vector<16xf32>
    %swap3A_2293 = arith.constant 3 : i32
    %swap3A_2294 = arith.index_cast %swap3A_2293 : i32 to index
    %swap3A_2295 = arith.constant 32 : index
    %swap3A_2296 = tpu.vector_load %arg7[%swap3A_2294, %swap3A_2295] {strides = array<i32>} : memref<4x512xf32, #tpu.memory_space<vmem>>, vector<1x16xf32>,
    %swap3A_2297 = vector.shape_cast %swap3A_2296 : vector<1x16xf32> to vector<16xf32>
    %swap3A_2298 = vector.shape_cast %select_n3A_2292 : vector<16xf32> to vector<1x16xf32>
    tpu.vector_store %arg7[%swap3A_2294, %swap3A_2295], %swap3A_2298 {strides = array<i32>} : memref<4x512xf32, #tpu.memory_space<vmem>>, vector<1x16xf32>,
    %add3A_2299 = arith.constant 48 : i32
    %add3A_2300 = vector.broadcast %add3A_2299 : i32 to vector<16xi32>
    %add3A_2301 = arith.addi %iota3A, %add3A_2300 : vector<16xi32>
    %add3A_2302 = arith.constant 1584 : i32
    %add3A_2303 = arith.addi %add3A_2302, %sub3A_192 : i32
    %add3A_2304 = arith.constant 48 : i32
    %add3A_2305 = arith.addi %add3A_2303, %add3A_2304 : i32
    %get3A_2306 = arith.index_cast %add3A_2305 : i32 to index
    %get3A_2307 = tpu.vector_load %arg6[%get3A_2306] {strides = array<i32>} : memref<2112xf32, #tpu.memory_space<vmem>>, vector<16xf32>,
    %get3A_2308 = vector.shape_cast %get3A_2307 : vector<16xf32> to vector<16xf32>
    %lt3A_2309 = vector.broadcast %sub3A_193 : i32 to vector<16xi32>
    %lt3A_2310 = arith.cmpi slt, %add3A_2301, %lt3A_2309 : vector<16xi32>
    %jit3A_2311 = arith.constant -1.000000e+09 : f32
    %broadcast_in_dim3A_2312 = vector.broadcast %jit3A_2311 : f32 to vector<16xf32>
    %select_n3A_2313 = arith.select %lt3A_2310, %get3A_2308, %broadcast_in_dim3A_2312 : vector<16xi1>, vector<16xf32>
    %swap3A_2314 = arith.constant 3 : i32
    %swap3A_2315 = arith.index_cast %swap3A_2314 : i32 to index
    %swap3A_2316 = arith.constant 48 : index
    %swap3A_2317 = tpu.vector_load %arg7[%swap3A_2315, %swap3A_2316] {strides = array<i32>} : memref<4x512xf32, #tpu.memory_space<vmem>>, vector<1x16xf32>,
    %swap3A_2318 = vector.shape_cast %swap3A_2317 : vector<1x16xf32> to vector<16xf32>
    %swap3A_2319 = vector.shape_cast %select_n3A_2313 : vector<16xf32> to vector<1x16xf32>
    tpu.vector_store %arg7[%swap3A_2315, %swap3A_2316], %swap3A_2319 {strides = array<i32>} : memref<4x512xf32, #tpu.memory_space<vmem>>, vector<1x16xf32>,
    %add3A_2320 = arith.constant 64 : i32
    %add3A_2321 = vector.broadcast %add3A_2320 : i32 to vector<16xi32>
    %add3A_2322 = arith.addi %iota3A, %add3A_2321 : vector<16xi32>
    %add3A_2323 = arith.constant 1584 : i32
    %add3A_2324 = arith.addi %add3A_2323, %sub3A_192 : i32
    %add3A_2325 = arith.constant 64 : i32
    %add3A_2326 = arith.addi %add3A_2324, %add3A_2325 : i32
    %get3A_2327 = arith.index_cast %add3A_2326 : i32 to index
    %get3A_2328 = tpu.vector_load %arg6[%get3A_2327] {strides = array<i32>} : memref<2112xf32, #tpu.memory_space<vmem>>, vector<16xf32>,
    %get3A_2329 = vector.shape_cast %get3A_2328 : vector<16xf32> to vector<16xf32>
    %lt3A_2330 = vector.broadcast %sub3A_193 : i32 to vector<16xi32>
    %lt3A_2331 = arith.cmpi slt, %add3A_2322, %lt3A_2330 : vector<16xi32>
    %jit3A_2332 = arith.constant -1.000000e+09 : f32
    %broadcast_in_dim3A_2333 = vector.broadcast %jit3A_2332 : f32 to vector<16xf32>
    %select_n3A_2334 = arith.select %lt3A_2331, %get3A_2329, %broadcast_in_dim3A_2333 : vector<16xi1>, vector<16xf32>
    %swap3A_2335 = arith.constant 3 : i32
    %swap3A_2336 = arith.index_cast %swap3A_2335 : i32 to index
    %swap3A_2337 = arith.constant 64 : index
    %swap3A_2338 = tpu.vector_load %arg7[%swap3A_2336, %swap3A_2337] {strides = array<i32>} : memref<4x512xf32, #tpu.memory_space<vmem>>, vector<1x16xf32>,
    %swap3A_2339 = vector.shape_cast %swap3A_2338 : vector<1x16xf32> to vector<16xf32>
    %swap3A_2340 = vector.shape_cast %select_n3A_2334 : vector<16xf32> to vector<1x16xf32>
    tpu.vector_store %arg7[%swap3A_2336, %swap3A_2337], %swap3A_2340 {strides = array<i32>} : memref<4x512xf32, #tpu.memory_space<vmem>>, vector<1x16xf32>,
    %add3A_2341 = arith.constant 80 : i32
    %add3A_2342 = vector.broadcast %add3A_2341 : i32 to vector<16xi32>
    %add3A_2343 = arith.addi %iota3A, %add3A_2342 : vector<16xi32>
    %add3A_2344 = arith.constant 1584 : i32
    %add3A_2345 = arith.addi %add3A_2344, %sub3A_192 : i32
    %add3A_2346 = arith.constant 80 : i32
    %add3A_2347 = arith.addi %add3A_2345, %add3A_2346 : i32
    %get3A_2348 = arith.index_cast %add3A_2347 : i32 to index
    %get3A_2349 = tpu.vector_load %arg6[%get3A_2348] {strides = array<i32>} : memref<2112xf32, #tpu.memory_space<vmem>>, vector<16xf32>,
    %get3A_2350 = vector.shape_cast %get3A_2349 : vector<16xf32> to vector<16xf32>
    %lt3A_2351 = vector.broadcast %sub3A_193 : i32 to vector<16xi32>
    %lt3A_2352 = arith.cmpi slt, %add3A_2343, %lt3A_2351 : vector<16xi32>
    %jit3A_2353 = arith.constant -1.000000e+09 : f32
    %broadcast_in_dim3A_2354 = vector.broadcast %jit3A_2353 : f32 to vector<16xf32>
    %select_n3A_2355 = arith.select %lt3A_2352, %get3A_2350, %broadcast_in_dim3A_2354 : vector<16xi1>, vector<16xf32>
    %swap3A_2356 = arith.constant 3 : i32
    %swap3A_2357 = arith.index_cast %swap3A_2356 : i32 to index
    %swap3A_2358 = arith.constant 80 : index
    %swap3A_2359 = tpu.vector_load %arg7[%swap3A_2357, %swap3A_2358] {strides = array<i32>} : memref<4x512xf32, #tpu.memory_space<vmem>>, vector<1x16xf32>,
    %swap3A_2360 = vector.shape_cast %swap3A_2359 : vector<1x16xf32> to vector<16xf32>
    %swap3A_2361 = vector.shape_cast %select_n3A_2355 : vector<16xf32> to vector<1x16xf32>
    tpu.vector_store %arg7[%swap3A_2357, %swap3A_2358], %swap3A_2361 {strides = array<i32>} : memref<4x512xf32, #tpu.memory_space<vmem>>, vector<1x16xf32>,
    %add3A_2362 = arith.constant 96 : i32
    %add3A_2363 = vector.broadcast %add3A_2362 : i32 to vector<16xi32>
    %add3A_2364 = arith.addi %iota3A, %add3A_2363 : vector<16xi32>
    %add3A_2365 = arith.constant 1584 : i32
    %add3A_2366 = arith.addi %add3A_2365, %sub3A_192 : i32
    %add3A_2367 = arith.constant 96 : i32
    %add3A_2368 = arith.addi %add3A_2366, %add3A_2367 : i32
    %get3A_2369 = arith.index_cast %add3A_2368 : i32 to index
    %get3A_2370 = tpu.vector_load %arg6[%get3A_2369] {strides = array<i32>} : memref<2112xf32, #tpu.memory_space<vmem>>, vector<16xf32>,
    %get3A_2371 = vector.shape_cast %get3A_2370 : vector<16xf32> to vector<16xf32>
    %lt3A_2372 = vector.broadcast %sub3A_193 : i32 to vector<16xi32>
    %lt3A_2373 = arith.cmpi slt, %add3A_2364, %lt3A_2372 : vector<16xi32>
    %jit3A_2374 = arith.constant -1.000000e+09 : f32
    %broadcast_in_dim3A_2375 = vector.broadcast %jit3A_2374 : f32 to vector<16xf32>
    %select_n3A_2376 = arith.select %lt3A_2373, %get3A_2371, %broadcast_in_dim3A_2375 : vector<16xi1>, vector<16xf32>
    %swap3A_2377 = arith.constant 3 : i32
    %swap3A_2378 = arith.index_cast %swap3A_2377 : i32 to index
    %swap3A_2379 = arith.constant 96 : index
    %swap3A_2380 = tpu.vector_load %arg7[%swap3A_2378, %swap3A_2379] {strides = array<i32>} : memref<4x512xf32, #tpu.memory_space<vmem>>, vector<1x16xf32>,
    %swap3A_2381 = vector.shape_cast %swap3A_2380 : vector<1x16xf32> to vector<16xf32>
    %swap3A_2382 = vector.shape_cast %select_n3A_2376 : vector<16xf32> to vector<1x16xf32>
    tpu.vector_store %arg7[%swap3A_2378, %swap3A_2379], %swap3A_2382 {strides = array<i32>} : memref<4x512xf32, #tpu.memory_space<vmem>>, vector<1x16xf32>,
    %add3A_2383 = arith.constant 112 : i32
    %add3A_2384 = vector.broadcast %add3A_2383 : i32 to vector<16xi32>
    %add3A_2385 = arith.addi %iota3A, %add3A_2384 : vector<16xi32>
    %add3A_2386 = arith.constant 1584 : i32
    %add3A_2387 = arith.addi %add3A_2386, %sub3A_192 : i32
    %add3A_2388 = arith.constant 112 : i32
    %add3A_2389 = arith.addi %add3A_2387, %add3A_2388 : i32
    %get3A_2390 = arith.index_cast %add3A_2389 : i32 to index
    %get3A_2391 = tpu.vector_load %arg6[%get3A_2390] {strides = array<i32>} : memref<2112xf32, #tpu.memory_space<vmem>>, vector<16xf32>,
    %get3A_2392 = vector.shape_cast %get3A_2391 : vector<16xf32> to vector<16xf32>
    %lt3A_2393 = vector.broadcast %sub3A_193 : i32 to vector<16xi32>
    %lt3A_2394 = arith.cmpi slt, %add3A_2385, %lt3A_2393 : vector<16xi32>
    %jit3A_2395 = arith.constant -1.000000e+09 : f32
    %broadcast_in_dim3A_2396 = vector.broadcast %jit3A_2395 : f32 to vector<16xf32>
    %select_n3A_2397 = arith.select %lt3A_2394, %get3A_2392, %broadcast_in_dim3A_2396 : vector<16xi1>, vector<16xf32>
    %swap3A_2398 = arith.constant 3 : i32
    %swap3A_2399 = arith.index_cast %swap3A_2398 : i32 to index
    %swap3A_2400 = arith.constant 112 : index
    %swap3A_2401 = tpu.vector_load %arg7[%swap3A_2399, %swap3A_2400] {strides = array<i32>} : memref<4x512xf32, #tpu.memory_space<vmem>>, vector<1x16xf32>,
    %swap3A_2402 = vector.shape_cast %swap3A_2401 : vector<1x16xf32> to vector<16xf32>
    %swap3A_2403 = vector.shape_cast %select_n3A_2397 : vector<16xf32> to vector<1x16xf32>
    tpu.vector_store %arg7[%swap3A_2399, %swap3A_2400], %swap3A_2403 {strides = array<i32>} : memref<4x512xf32, #tpu.memory_space<vmem>>, vector<1x16xf32>,
    %add3A_2404 = arith.constant 128 : i32
    %add3A_2405 = vector.broadcast %add3A_2404 : i32 to vector<16xi32>
    %add3A_2406 = arith.addi %iota3A, %add3A_2405 : vector<16xi32>
    %add3A_2407 = arith.constant 1584 : i32
    %add3A_2408 = arith.addi %add3A_2407, %sub3A_192 : i32
    %add3A_2409 = arith.constant 128 : i32
    %add3A_2410 = arith.addi %add3A_2408, %add3A_2409 : i32
    %get3A_2411 = arith.index_cast %add3A_2410 : i32 to index
    %get3A_2412 = tpu.vector_load %arg6[%get3A_2411] {strides = array<i32>} : memref<2112xf32, #tpu.memory_space<vmem>>, vector<16xf32>,
    %get3A_2413 = vector.shape_cast %get3A_2412 : vector<16xf32> to vector<16xf32>
    %lt3A_2414 = vector.broadcast %sub3A_193 : i32 to vector<16xi32>
    %lt3A_2415 = arith.cmpi slt, %add3A_2406, %lt3A_2414 : vector<16xi32>
    %jit3A_2416 = arith.constant -1.000000e+09 : f32
    %broadcast_in_dim3A_2417 = vector.broadcast %jit3A_2416 : f32 to vector<16xf32>
    %select_n3A_2418 = arith.select %lt3A_2415, %get3A_2413, %broadcast_in_dim3A_2417 : vector<16xi1>, vector<16xf32>
    %swap3A_2419 = arith.constant 3 : i32
    %swap3A_2420 = arith.index_cast %swap3A_2419 : i32 to index
    %swap3A_2421 = arith.constant 128 : index
    %swap3A_2422 = tpu.vector_load %arg7[%swap3A_2420, %swap3A_2421] {strides = array<i32>} : memref<4x512xf32, #tpu.memory_space<vmem>>, vector<1x16xf32>,
    %swap3A_2423 = vector.shape_cast %swap3A_2422 : vector<1x16xf32> to vector<16xf32>
    %swap3A_2424 = vector.shape_cast %select_n3A_2418 : vector<16xf32> to vector<1x16xf32>
    tpu.vector_store %arg7[%swap3A_2420, %swap3A_2421], %swap3A_2424 {strides = array<i32>} : memref<4x512xf32, #tpu.memory_space<vmem>>, vector<1x16xf32>,
    %add3A_2425 = arith.constant 144 : i32
    %add3A_2426 = vector.broadcast %add3A_2425 : i32 to vector<16xi32>
    %add3A_2427 = arith.addi %iota3A, %add3A_2426 : vector<16xi32>
    %add3A_2428 = arith.constant 1584 : i32
    %add3A_2429 = arith.addi %add3A_2428, %sub3A_192 : i32
    %add3A_2430 = arith.constant 144 : i32
    %add3A_2431 = arith.addi %add3A_2429, %add3A_2430 : i32
    %get3A_2432 = arith.index_cast %add3A_2431 : i32 to index
    %get3A_2433 = tpu.vector_load %arg6[%get3A_2432] {strides = array<i32>} : memref<2112xf32, #tpu.memory_space<vmem>>, vector<16xf32>,
    %get3A_2434 = vector.shape_cast %get3A_2433 : vector<16xf32> to vector<16xf32>
    %lt3A_2435 = vector.broadcast %sub3A_193 : i32 to vector<16xi32>
    %lt3A_2436 = arith.cmpi slt, %add3A_2427, %lt3A_2435 : vector<16xi32>
    %jit3A_2437 = arith.constant -1.000000e+09 : f32
    %broadcast_in_dim3A_2438 = vector.broadcast %jit3A_2437 : f32 to vector<16xf32>
    %select_n3A_2439 = arith.select %lt3A_2436, %get3A_2434, %broadcast_in_dim3A_2438 : vector<16xi1>, vector<16xf32>
    %swap3A_2440 = arith.constant 3 : i32
    %swap3A_2441 = arith.index_cast %swap3A_2440 : i32 to index
    %swap3A_2442 = arith.constant 144 : index
    %swap3A_2443 = tpu.vector_load %arg7[%swap3A_2441, %swap3A_2442] {strides = array<i32>} : memref<4x512xf32, #tpu.memory_space<vmem>>, vector<1x16xf32>,
    %swap3A_2444 = vector.shape_cast %swap3A_2443 : vector<1x16xf32> to vector<16xf32>
    %swap3A_2445 = vector.shape_cast %select_n3A_2439 : vector<16xf32> to vector<1x16xf32>
    tpu.vector_store %arg7[%swap3A_2441, %swap3A_2442], %swap3A_2445 {strides = array<i32>} : memref<4x512xf32, #tpu.memory_space<vmem>>, vector<1x16xf32>,
    %add3A_2446 = arith.constant 160 : i32
    %add3A_2447 = vector.broadcast %add3A_2446 : i32 to vector<16xi32>
    %add3A_2448 = arith.addi %iota3A, %add3A_2447 : vector<16xi32>
    %add3A_2449 = arith.constant 1584 : i32
    %add3A_2450 = arith.addi %add3A_2449, %sub3A_192 : i32
    %add3A_2451 = arith.constant 160 : i32
    %add3A_2452 = arith.addi %add3A_2450, %add3A_2451 : i32
    %get3A_2453 = arith.index_cast %add3A_2452 : i32 to index
    %get3A_2454 = tpu.vector_load %arg6[%get3A_2453] {strides = array<i32>} : memref<2112xf32, #tpu.memory_space<vmem>>, vector<16xf32>,
    %get3A_2455 = vector.shape_cast %get3A_2454 : vector<16xf32> to vector<16xf32>
    %lt3A_2456 = vector.broadcast %sub3A_193 : i32 to vector<16xi32>
    %lt3A_2457 = arith.cmpi slt, %add3A_2448, %lt3A_2456 : vector<16xi32>
    %jit3A_2458 = arith.constant -1.000000e+09 : f32
    %broadcast_in_dim3A_2459 = vector.broadcast %jit3A_2458 : f32 to vector<16xf32>
    %select_n3A_2460 = arith.select %lt3A_2457, %get3A_2455, %broadcast_in_dim3A_2459 : vector<16xi1>, vector<16xf32>
    %swap3A_2461 = arith.constant 3 : i32
    %swap3A_2462 = arith.index_cast %swap3A_2461 : i32 to index
    %swap3A_2463 = arith.constant 160 : index
    %swap3A_2464 = tpu.vector_load %arg7[%swap3A_2462, %swap3A_2463] {strides = array<i32>} : memref<4x512xf32, #tpu.memory_space<vmem>>, vector<1x16xf32>,
    %swap3A_2465 = vector.shape_cast %swap3A_2464 : vector<1x16xf32> to vector<16xf32>
    %swap3A_2466 = vector.shape_cast %select_n3A_2460 : vector<16xf32> to vector<1x16xf32>
    tpu.vector_store %arg7[%swap3A_2462, %swap3A_2463], %swap3A_2466 {strides = array<i32>} : memref<4x512xf32, #tpu.memory_space<vmem>>, vector<1x16xf32>,
    %add3A_2467 = arith.constant 176 : i32
    %add3A_2468 = vector.broadcast %add3A_2467 : i32 to vector<16xi32>
    %add3A_2469 = arith.addi %iota3A, %add3A_2468 : vector<16xi32>
    %add3A_2470 = arith.constant 1584 : i32
    %add3A_2471 = arith.addi %add3A_2470, %sub3A_192 : i32
    %add3A_2472 = arith.constant 176 : i32
    %add3A_2473 = arith.addi %add3A_2471, %add3A_2472 : i32
    %get3A_2474 = arith.index_cast %add3A_2473 : i32 to index
    %get3A_2475 = tpu.vector_load %arg6[%get3A_2474] {strides = array<i32>} : memref<2112xf32, #tpu.memory_space<vmem>>, vector<16xf32>,
    %get3A_2476 = vector.shape_cast %get3A_2475 : vector<16xf32> to vector<16xf32>
    %lt3A_2477 = vector.broadcast %sub3A_193 : i32 to vector<16xi32>
    %lt3A_2478 = arith.cmpi slt, %add3A_2469, %lt3A_2477 : vector<16xi32>
    %jit3A_2479 = arith.constant -1.000000e+09 : f32
    %broadcast_in_dim3A_2480 = vector.broadcast %jit3A_2479 : f32 to vector<16xf32>
    %select_n3A_2481 = arith.select %lt3A_2478, %get3A_2476, %broadcast_in_dim3A_2480 : vector<16xi1>, vector<16xf32>
    %swap3A_2482 = arith.constant 3 : i32
    %swap3A_2483 = arith.index_cast %swap3A_2482 : i32 to index
    %swap3A_2484 = arith.constant 176 : index
    %swap3A_2485 = tpu.vector_load %arg7[%swap3A_2483, %swap3A_2484] {strides = array<i32>} : memref<4x512xf32, #tpu.memory_space<vmem>>, vector<1x16xf32>,
    %swap3A_2486 = vector.shape_cast %swap3A_2485 : vector<1x16xf32> to vector<16xf32>
    %swap3A_2487 = vector.shape_cast %select_n3A_2481 : vector<16xf32> to vector<1x16xf32>
    tpu.vector_store %arg7[%swap3A_2483, %swap3A_2484], %swap3A_2487 {strides = array<i32>} : memref<4x512xf32, #tpu.memory_space<vmem>>, vector<1x16xf32>,
    %add3A_2488 = arith.constant 192 : i32
    %add3A_2489 = vector.broadcast %add3A_2488 : i32 to vector<16xi32>
    %add3A_2490 = arith.addi %iota3A, %add3A_2489 : vector<16xi32>
    %add3A_2491 = arith.constant 1584 : i32
    %add3A_2492 = arith.addi %add3A_2491, %sub3A_192 : i32
    %add3A_2493 = arith.constant 192 : i32
    %add3A_2494 = arith.addi %add3A_2492, %add3A_2493 : i32
    %get3A_2495 = arith.index_cast %add3A_2494 : i32 to index
    %get3A_2496 = tpu.vector_load %arg6[%get3A_2495] {strides = array<i32>} : memref<2112xf32, #tpu.memory_space<vmem>>, vector<16xf32>,
    %get3A_2497 = vector.shape_cast %get3A_2496 : vector<16xf32> to vector<16xf32>
    %lt3A_2498 = vector.broadcast %sub3A_193 : i32 to vector<16xi32>
    %lt3A_2499 = arith.cmpi slt, %add3A_2490, %lt3A_2498 : vector<16xi32>
    %jit3A_2500 = arith.constant -1.000000e+09 : f32
    %broadcast_in_dim3A_2501 = vector.broadcast %jit3A_2500 : f32 to vector<16xf32>
    %select_n3A_2502 = arith.select %lt3A_2499, %get3A_2497, %broadcast_in_dim3A_2501 : vector<16xi1>, vector<16xf32>
    %swap3A_2503 = arith.constant 3 : i32
    %swap3A_2504 = arith.index_cast %swap3A_2503 : i32 to index
    %swap3A_2505 = arith.constant 192 : index
    %swap3A_2506 = tpu.vector_load %arg7[%swap3A_2504, %swap3A_2505] {strides = array<i32>} : memref<4x512xf32, #tpu.memory_space<vmem>>, vector<1x16xf32>,
    %swap3A_2507 = vector.shape_cast %swap3A_2506 : vector<1x16xf32> to vector<16xf32>
    %swap3A_2508 = vector.shape_cast %select_n3A_2502 : vector<16xf32> to vector<1x16xf32>
    tpu.vector_store %arg7[%swap3A_2504, %swap3A_2505], %swap3A_2508 {strides = array<i32>} : memref<4x512xf32, #tpu.memory_space<vmem>>, vector<1x16xf32>,
    %add3A_2509 = arith.constant 208 : i32
    %add3A_2510 = vector.broadcast %add3A_2509 : i32 to vector<16xi32>
    %add3A_2511 = arith.addi %iota3A, %add3A_2510 : vector<16xi32>
    %add3A_2512 = arith.constant 1584 : i32
    %add3A_2513 = arith.addi %add3A_2512, %sub3A_192 : i32
    %add3A_2514 = arith.constant 208 : i32
    %add3A_2515 = arith.addi %add3A_2513, %add3A_2514 : i32
    %get3A_2516 = arith.index_cast %add3A_2515 : i32 to index
    %get3A_2517 = tpu.vector_load %arg6[%get3A_2516] {strides = array<i32>} : memref<2112xf32, #tpu.memory_space<vmem>>, vector<16xf32>,
    %get3A_2518 = vector.shape_cast %get3A_2517 : vector<16xf32> to vector<16xf32>
    %lt3A_2519 = vector.broadcast %sub3A_193 : i32 to vector<16xi32>
    %lt3A_2520 = arith.cmpi slt, %add3A_2511, %lt3A_2519 : vector<16xi32>
    %jit3A_2521 = arith.constant -1.000000e+09 : f32
    %broadcast_in_dim3A_2522 = vector.broadcast %jit3A_2521 : f32 to vector<16xf32>
    %select_n3A_2523 = arith.select %lt3A_2520, %get3A_2518, %broadcast_in_dim3A_2522 : vector<16xi1>, vector<16xf32>
    %swap3A_2524 = arith.constant 3 : i32
    %swap3A_2525 = arith.index_cast %swap3A_2524 : i32 to index
    %swap3A_2526 = arith.constant 208 : index
    %swap3A_2527 = tpu.vector_load %arg7[%swap3A_2525, %swap3A_2526] {strides = array<i32>} : memref<4x512xf32, #tpu.memory_space<vmem>>, vector<1x16xf32>,
    %swap3A_2528 = vector.shape_cast %swap3A_2527 : vector<1x16xf32> to vector<16xf32>
    %swap3A_2529 = vector.shape_cast %select_n3A_2523 : vector<16xf32> to vector<1x16xf32>
    tpu.vector_store %arg7[%swap3A_2525, %swap3A_2526], %swap3A_2529 {strides = array<i32>} : memref<4x512xf32, #tpu.memory_space<vmem>>, vector<1x16xf32>,
    %add3A_2530 = arith.constant 224 : i32
    %add3A_2531 = vector.broadcast %add3A_2530 : i32 to vector<16xi32>
    %add3A_2532 = arith.addi %iota3A, %add3A_2531 : vector<16xi32>
    %add3A_2533 = arith.constant 1584 : i32
    %add3A_2534 = arith.addi %add3A_2533, %sub3A_192 : i32
    %add3A_2535 = arith.constant 224 : i32
    %add3A_2536 = arith.addi %add3A_2534, %add3A_2535 : i32
    %get3A_2537 = arith.index_cast %add3A_2536 : i32 to index
    %get3A_2538 = tpu.vector_load %arg6[%get3A_2537] {strides = array<i32>} : memref<2112xf32, #tpu.memory_space<vmem>>, vector<16xf32>,
    %get3A_2539 = vector.shape_cast %get3A_2538 : vector<16xf32> to vector<16xf32>
    %lt3A_2540 = vector.broadcast %sub3A_193 : i32 to vector<16xi32>
    %lt3A_2541 = arith.cmpi slt, %add3A_2532, %lt3A_2540 : vector<16xi32>
    %jit3A_2542 = arith.constant -1.000000e+09 : f32
    %broadcast_in_dim3A_2543 = vector.broadcast %jit3A_2542 : f32 to vector<16xf32>
    %select_n3A_2544 = arith.select %lt3A_2541, %get3A_2539, %broadcast_in_dim3A_2543 : vector<16xi1>, vector<16xf32>
    %swap3A_2545 = arith.constant 3 : i32
    %swap3A_2546 = arith.index_cast %swap3A_2545 : i32 to index
    %swap3A_2547 = arith.constant 224 : index
    %swap3A_2548 = tpu.vector_load %arg7[%swap3A_2546, %swap3A_2547] {strides = array<i32>} : memref<4x512xf32, #tpu.memory_space<vmem>>, vector<1x16xf32>,
    %swap3A_2549 = vector.shape_cast %swap3A_2548 : vector<1x16xf32> to vector<16xf32>
    %swap3A_2550 = vector.shape_cast %select_n3A_2544 : vector<16xf32> to vector<1x16xf32>
    tpu.vector_store %arg7[%swap3A_2546, %swap3A_2547], %swap3A_2550 {strides = array<i32>} : memref<4x512xf32, #tpu.memory_space<vmem>>, vector<1x16xf32>,
    %add3A_2551 = arith.constant 240 : i32
    %add3A_2552 = vector.broadcast %add3A_2551 : i32 to vector<16xi32>
    %add3A_2553 = arith.addi %iota3A, %add3A_2552 : vector<16xi32>
    %add3A_2554 = arith.constant 1584 : i32
    %add3A_2555 = arith.addi %add3A_2554, %sub3A_192 : i32
    %add3A_2556 = arith.constant 240 : i32
    %add3A_2557 = arith.addi %add3A_2555, %add3A_2556 : i32
    %get3A_2558 = arith.index_cast %add3A_2557 : i32 to index
    %get3A_2559 = tpu.vector_load %arg6[%get3A_2558] {strides = array<i32>} : memref<2112xf32, #tpu.memory_space<vmem>>, vector<16xf32>,
    %get3A_2560 = vector.shape_cast %get3A_2559 : vector<16xf32> to vector<16xf32>
    %lt3A_2561 = vector.broadcast %sub3A_193 : i32 to vector<16xi32>
    %lt3A_2562 = arith.cmpi slt, %add3A_2553, %lt3A_2561 : vector<16xi32>
    %jit3A_2563 = arith.constant -1.000000e+09 : f32
    %broadcast_in_dim3A_2564 = vector.broadcast %jit3A_2563 : f32 to vector<16xf32>
    %select_n3A_2565 = arith.select %lt3A_2562, %get3A_2560, %broadcast_in_dim3A_2564 : vector<16xi1>, vector<16xf32>
    %swap3A_2566 = arith.constant 3 : i32
    %swap3A_2567 = arith.index_cast %swap3A_2566 : i32 to index
    %swap3A_2568 = arith.constant 240 : index
    %swap3A_2569 = tpu.vector_load %arg7[%swap3A_2567, %swap3A_2568] {strides = array<i32>} : memref<4x512xf32, #tpu.memory_space<vmem>>, vector<1x16xf32>,
    %swap3A_2570 = vector.shape_cast %swap3A_2569 : vector<1x16xf32> to vector<16xf32>
    %swap3A_2571 = vector.shape_cast %select_n3A_2565 : vector<16xf32> to vector<1x16xf32>
    tpu.vector_store %arg7[%swap3A_2567, %swap3A_2568], %swap3A_2571 {strides = array<i32>} : memref<4x512xf32, #tpu.memory_space<vmem>>, vector<1x16xf32>,
    %add3A_2572 = arith.constant 256 : i32
    %add3A_2573 = vector.broadcast %add3A_2572 : i32 to vector<16xi32>
    %add3A_2574 = arith.addi %iota3A, %add3A_2573 : vector<16xi32>
    %add3A_2575 = arith.constant 1584 : i32
    %add3A_2576 = arith.addi %add3A_2575, %sub3A_192 : i32
    %add3A_2577 = arith.constant 256 : i32
    %add3A_2578 = arith.addi %add3A_2576, %add3A_2577 : i32
    %get3A_2579 = arith.index_cast %add3A_2578 : i32 to index
    %get3A_2580 = tpu.vector_load %arg6[%get3A_2579] {strides = array<i32>} : memref<2112xf32, #tpu.memory_space<vmem>>, vector<16xf32>,
    %get3A_2581 = vector.shape_cast %get3A_2580 : vector<16xf32> to vector<16xf32>
    %lt3A_2582 = vector.broadcast %sub3A_193 : i32 to vector<16xi32>
    %lt3A_2583 = arith.cmpi slt, %add3A_2574, %lt3A_2582 : vector<16xi32>
    %jit3A_2584 = arith.constant -1.000000e+09 : f32
    %broadcast_in_dim3A_2585 = vector.broadcast %jit3A_2584 : f32 to vector<16xf32>
    %select_n3A_2586 = arith.select %lt3A_2583, %get3A_2581, %broadcast_in_dim3A_2585 : vector<16xi1>, vector<16xf32>
    %swap3A_2587 = arith.constant 3 : i32
    %swap3A_2588 = arith.index_cast %swap3A_2587 : i32 to index
    %swap3A_2589 = arith.constant 256 : index
    %swap3A_2590 = tpu.vector_load %arg7[%swap3A_2588, %swap3A_2589] {strides = array<i32>} : memref<4x512xf32, #tpu.memory_space<vmem>>, vector<1x16xf32>,
    %swap3A_2591 = vector.shape_cast %swap3A_2590 : vector<1x16xf32> to vector<16xf32>
    %swap3A_2592 = vector.shape_cast %select_n3A_2586 : vector<16xf32> to vector<1x16xf32>
    tpu.vector_store %arg7[%swap3A_2588, %swap3A_2589], %swap3A_2592 {strides = array<i32>} : memref<4x512xf32, #tpu.memory_space<vmem>>, vector<1x16xf32>,
    %add3A_2593 = arith.constant 272 : i32
    %add3A_2594 = vector.broadcast %add3A_2593 : i32 to vector<16xi32>
    %add3A_2595 = arith.addi %iota3A, %add3A_2594 : vector<16xi32>
    %add3A_2596 = arith.constant 1584 : i32
    %add3A_2597 = arith.addi %add3A_2596, %sub3A_192 : i32
    %add3A_2598 = arith.constant 272 : i32
    %add3A_2599 = arith.addi %add3A_2597, %add3A_2598 : i32
    %get3A_2600 = arith.index_cast %add3A_2599 : i32 to index
    %get3A_2601 = tpu.vector_load %arg6[%get3A_2600] {strides = array<i32>} : memref<2112xf32, #tpu.memory_space<vmem>>, vector<16xf32>,
    %get3A_2602 = vector.shape_cast %get3A_2601 : vector<16xf32> to vector<16xf32>
    %lt3A_2603 = vector.broadcast %sub3A_193 : i32 to vector<16xi32>
    %lt3A_2604 = arith.cmpi slt, %add3A_2595, %lt3A_2603 : vector<16xi32>
    %jit3A_2605 = arith.constant -1.000000e+09 : f32
    %broadcast_in_dim3A_2606 = vector.broadcast %jit3A_2605 : f32 to vector<16xf32>
    %select_n3A_2607 = arith.select %lt3A_2604, %get3A_2602, %broadcast_in_dim3A_2606 : vector<16xi1>, vector<16xf32>
    %swap3A_2608 = arith.constant 3 : i32
    %swap3A_2609 = arith.index_cast %swap3A_2608 : i32 to index
    %swap3A_2610 = arith.constant 272 : index
    %swap3A_2611 = tpu.vector_load %arg7[%swap3A_2609, %swap3A_2610] {strides = array<i32>} : memref<4x512xf32, #tpu.memory_space<vmem>>, vector<1x16xf32>,
    %swap3A_2612 = vector.shape_cast %swap3A_2611 : vector<1x16xf32> to vector<16xf32>
    %swap3A_2613 = vector.shape_cast %select_n3A_2607 : vector<16xf32> to vector<1x16xf32>
    tpu.vector_store %arg7[%swap3A_2609, %swap3A_2610], %swap3A_2613 {strides = array<i32>} : memref<4x512xf32, #tpu.memory_space<vmem>>, vector<1x16xf32>,
    %add3A_2614 = arith.constant 288 : i32
    %add3A_2615 = vector.broadcast %add3A_2614 : i32 to vector<16xi32>
    %add3A_2616 = arith.addi %iota3A, %add3A_2615 : vector<16xi32>
    %add3A_2617 = arith.constant 1584 : i32
    %add3A_2618 = arith.addi %add3A_2617, %sub3A_192 : i32
    %add3A_2619 = arith.constant 288 : i32
    %add3A_2620 = arith.addi %add3A_2618, %add3A_2619 : i32
    %get3A_2621 = arith.index_cast %add3A_2620 : i32 to index
    %get3A_2622 = tpu.vector_load %arg6[%get3A_2621] {strides = array<i32>} : memref<2112xf32, #tpu.memory_space<vmem>>, vector<16xf32>,
    %get3A_2623 = vector.shape_cast %get3A_2622 : vector<16xf32> to vector<16xf32>
    %lt3A_2624 = vector.broadcast %sub3A_193 : i32 to vector<16xi32>
    %lt3A_2625 = arith.cmpi slt, %add3A_2616, %lt3A_2624 : vector<16xi32>
    %jit3A_2626 = arith.constant -1.000000e+09 : f32
    %broadcast_in_dim3A_2627 = vector.broadcast %jit3A_2626 : f32 to vector<16xf32>
    %select_n3A_2628 = arith.select %lt3A_2625, %get3A_2623, %broadcast_in_dim3A_2627 : vector<16xi1>, vector<16xf32>
    %swap3A_2629 = arith.constant 3 : i32
    %swap3A_2630 = arith.index_cast %swap3A_2629 : i32 to index
    %swap3A_2631 = arith.constant 288 : index
    %swap3A_2632 = tpu.vector_load %arg7[%swap3A_2630, %swap3A_2631] {strides = array<i32>} : memref<4x512xf32, #tpu.memory_space<vmem>>, vector<1x16xf32>,
    %swap3A_2633 = vector.shape_cast %swap3A_2632 : vector<1x16xf32> to vector<16xf32>
    %swap3A_2634 = vector.shape_cast %select_n3A_2628 : vector<16xf32> to vector<1x16xf32>
    tpu.vector_store %arg7[%swap3A_2630, %swap3A_2631], %swap3A_2634 {strides = array<i32>} : memref<4x512xf32, #tpu.memory_space<vmem>>, vector<1x16xf32>,
    %add3A_2635 = arith.constant 304 : i32
    %add3A_2636 = vector.broadcast %add3A_2635 : i32 to vector<16xi32>
    %add3A_2637 = arith.addi %iota3A, %add3A_2636 : vector<16xi32>
    %add3A_2638 = arith.constant 1584 : i32
    %add3A_2639 = arith.addi %add3A_2638, %sub3A_192 : i32
    %add3A_2640 = arith.constant 304 : i32
    %add3A_2641 = arith.addi %add3A_2639, %add3A_2640 : i32
    %get3A_2642 = arith.index_cast %add3A_2641 : i32 to index
    %get3A_2643 = tpu.vector_load %arg6[%get3A_2642] {strides = array<i32>} : memref<2112xf32, #tpu.memory_space<vmem>>, vector<16xf32>,
    %get3A_2644 = vector.shape_cast %get3A_2643 : vector<16xf32> to vector<16xf32>
    %lt3A_2645 = vector.broadcast %sub3A_193 : i32 to vector<16xi32>
    %lt3A_2646 = arith.cmpi slt, %add3A_2637, %lt3A_2645 : vector<16xi32>
    %jit3A_2647 = arith.constant -1.000000e+09 : f32
    %broadcast_in_dim3A_2648 = vector.broadcast %jit3A_2647 : f32 to vector<16xf32>
    %select_n3A_2649 = arith.select %lt3A_2646, %get3A_2644, %broadcast_in_dim3A_2648 : vector<16xi1>, vector<16xf32>
    %swap3A_2650 = arith.constant 3 : i32
    %swap3A_2651 = arith.index_cast %swap3A_2650 : i32 to index
    %swap3A_2652 = arith.constant 304 : index
    %swap3A_2653 = tpu.vector_load %arg7[%swap3A_2651, %swap3A_2652] {strides = array<i32>} : memref<4x512xf32, #tpu.memory_space<vmem>>, vector<1x16xf32>,
    %swap3A_2654 = vector.shape_cast %swap3A_2653 : vector<1x16xf32> to vector<16xf32>
    %swap3A_2655 = vector.shape_cast %select_n3A_2649 : vector<16xf32> to vector<1x16xf32>
    tpu.vector_store %arg7[%swap3A_2651, %swap3A_2652], %swap3A_2655 {strides = array<i32>} : memref<4x512xf32, #tpu.memory_space<vmem>>, vector<1x16xf32>,
    %add3A_2656 = arith.constant 320 : i32
    %add3A_2657 = vector.broadcast %add3A_2656 : i32 to vector<16xi32>
    %add3A_2658 = arith.addi %iota3A, %add3A_2657 : vector<16xi32>
    %add3A_2659 = arith.constant 1584 : i32
    %add3A_2660 = arith.addi %add3A_2659, %sub3A_192 : i32
    %add3A_2661 = arith.constant 320 : i32
    %add3A_2662 = arith.addi %add3A_2660, %add3A_2661 : i32
    %get3A_2663 = arith.index_cast %add3A_2662 : i32 to index
    %get3A_2664 = tpu.vector_load %arg6[%get3A_2663] {strides = array<i32>} : memref<2112xf32, #tpu.memory_space<vmem>>, vector<16xf32>,
    %get3A_2665 = vector.shape_cast %get3A_2664 : vector<16xf32> to vector<16xf32>
    %lt3A_2666 = vector.broadcast %sub3A_193 : i32 to vector<16xi32>
    %lt3A_2667 = arith.cmpi slt, %add3A_2658, %lt3A_2666 : vector<16xi32>
    %jit3A_2668 = arith.constant -1.000000e+09 : f32
    %broadcast_in_dim3A_2669 = vector.broadcast %jit3A_2668 : f32 to vector<16xf32>
    %select_n3A_2670 = arith.select %lt3A_2667, %get3A_2665, %broadcast_in_dim3A_2669 : vector<16xi1>, vector<16xf32>
    %swap3A_2671 = arith.constant 3 : i32
    %swap3A_2672 = arith.index_cast %swap3A_2671 : i32 to index
    %swap3A_2673 = arith.constant 320 : index
    %swap3A_2674 = tpu.vector_load %arg7[%swap3A_2672, %swap3A_2673] {strides = array<i32>} : memref<4x512xf32, #tpu.memory_space<vmem>>, vector<1x16xf32>,
    %swap3A_2675 = vector.shape_cast %swap3A_2674 : vector<1x16xf32> to vector<16xf32>
    %swap3A_2676 = vector.shape_cast %select_n3A_2670 : vector<16xf32> to vector<1x16xf32>
    tpu.vector_store %arg7[%swap3A_2672, %swap3A_2673], %swap3A_2676 {strides = array<i32>} : memref<4x512xf32, #tpu.memory_space<vmem>>, vector<1x16xf32>,
    %add3A_2677 = arith.constant 336 : i32
    %add3A_2678 = vector.broadcast %add3A_2677 : i32 to vector<16xi32>
    %add3A_2679 = arith.addi %iota3A, %add3A_2678 : vector<16xi32>
    %add3A_2680 = arith.constant 1584 : i32
    %add3A_2681 = arith.addi %add3A_2680, %sub3A_192 : i32
    %add3A_2682 = arith.constant 336 : i32
    %add3A_2683 = arith.addi %add3A_2681, %add3A_2682 : i32
    %get3A_2684 = arith.index_cast %add3A_2683 : i32 to index
    %get3A_2685 = tpu.vector_load %arg6[%get3A_2684] {strides = array<i32>} : memref<2112xf32, #tpu.memory_space<vmem>>, vector<16xf32>,
    %get3A_2686 = vector.shape_cast %get3A_2685 : vector<16xf32> to vector<16xf32>
    %lt3A_2687 = vector.broadcast %sub3A_193 : i32 to vector<16xi32>
    %lt3A_2688 = arith.cmpi slt, %add3A_2679, %lt3A_2687 : vector<16xi32>
    %jit3A_2689 = arith.constant -1.000000e+09 : f32
    %broadcast_in_dim3A_2690 = vector.broadcast %jit3A_2689 : f32 to vector<16xf32>
    %select_n3A_2691 = arith.select %lt3A_2688, %get3A_2686, %broadcast_in_dim3A_2690 : vector<16xi1>, vector<16xf32>
    %swap3A_2692 = arith.constant 3 : i32
    %swap3A_2693 = arith.index_cast %swap3A_2692 : i32 to index
    %swap3A_2694 = arith.constant 336 : index
    %swap3A_2695 = tpu.vector_load %arg7[%swap3A_2693, %swap3A_2694] {strides = array<i32>} : memref<4x512xf32, #tpu.memory_space<vmem>>, vector<1x16xf32>,
    %swap3A_2696 = vector.shape_cast %swap3A_2695 : vector<1x16xf32> to vector<16xf32>
    %swap3A_2697 = vector.shape_cast %select_n3A_2691 : vector<16xf32> to vector<1x16xf32>
    tpu.vector_store %arg7[%swap3A_2693, %swap3A_2694], %swap3A_2697 {strides = array<i32>} : memref<4x512xf32, #tpu.memory_space<vmem>>, vector<1x16xf32>,
    %add3A_2698 = arith.constant 352 : i32
    %add3A_2699 = vector.broadcast %add3A_2698 : i32 to vector<16xi32>
    %add3A_2700 = arith.addi %iota3A, %add3A_2699 : vector<16xi32>
    %add3A_2701 = arith.constant 1584 : i32
    %add3A_2702 = arith.addi %add3A_2701, %sub3A_192 : i32
    %add3A_2703 = arith.constant 352 : i32
    %add3A_2704 = arith.addi %add3A_2702, %add3A_2703 : i32
    %get3A_2705 = arith.index_cast %add3A_2704 : i32 to index
    %get3A_2706 = tpu.vector_load %arg6[%get3A_2705] {strides = array<i32>} : memref<2112xf32, #tpu.memory_space<vmem>>, vector<16xf32>,
    %get3A_2707 = vector.shape_cast %get3A_2706 : vector<16xf32> to vector<16xf32>
    %lt3A_2708 = vector.broadcast %sub3A_193 : i32 to vector<16xi32>
    %lt3A_2709 = arith.cmpi slt, %add3A_2700, %lt3A_2708 : vector<16xi32>
    %jit3A_2710 = arith.constant -1.000000e+09 : f32
    %broadcast_in_dim3A_2711 = vector.broadcast %jit3A_2710 : f32 to vector<16xf32>
    %select_n3A_2712 = arith.select %lt3A_2709, %get3A_2707, %broadcast_in_dim3A_2711 : vector<16xi1>, vector<16xf32>
    %swap3A_2713 = arith.constant 3 : i32
    %swap3A_2714 = arith.index_cast %swap3A_2713 : i32 to index
    %swap3A_2715 = arith.constant 352 : index
    %swap3A_2716 = tpu.vector_load %arg7[%swap3A_2714, %swap3A_2715] {strides = array<i32>} : memref<4x512xf32, #tpu.memory_space<vmem>>, vector<1x16xf32>,
    %swap3A_2717 = vector.shape_cast %swap3A_2716 : vector<1x16xf32> to vector<16xf32>
    %swap3A_2718 = vector.shape_cast %select_n3A_2712 : vector<16xf32> to vector<1x16xf32>
    tpu.vector_store %arg7[%swap3A_2714, %swap3A_2715], %swap3A_2718 {strides = array<i32>} : memref<4x512xf32, #tpu.memory_space<vmem>>, vector<1x16xf32>,
    %add3A_2719 = arith.constant 368 : i32
    %add3A_2720 = vector.broadcast %add3A_2719 : i32 to vector<16xi32>
    %add3A_2721 = arith.addi %iota3A, %add3A_2720 : vector<16xi32>
    %add3A_2722 = arith.constant 1584 : i32
    %add3A_2723 = arith.addi %add3A_2722, %sub3A_192 : i32
    %add3A_2724 = arith.constant 368 : i32
    %add3A_2725 = arith.addi %add3A_2723, %add3A_2724 : i32
    %get3A_2726 = arith.index_cast %add3A_2725 : i32 to index
    %get3A_2727 = tpu.vector_load %arg6[%get3A_2726] {strides = array<i32>} : memref<2112xf32, #tpu.memory_space<vmem>>, vector<16xf32>,
    %get3A_2728 = vector.shape_cast %get3A_2727 : vector<16xf32> to vector<16xf32>
    %lt3A_2729 = vector.broadcast %sub3A_193 : i32 to vector<16xi32>
    %lt3A_2730 = arith.cmpi slt, %add3A_2721, %lt3A_2729 : vector<16xi32>
    %jit3A_2731 = arith.constant -1.000000e+09 : f32
    %broadcast_in_dim3A_2732 = vector.broadcast %jit3A_2731 : f32 to vector<16xf32>
    %select_n3A_2733 = arith.select %lt3A_2730, %get3A_2728, %broadcast_in_dim3A_2732 : vector<16xi1>, vector<16xf32>
    %swap3A_2734 = arith.constant 3 : i32
    %swap3A_2735 = arith.index_cast %swap3A_2734 : i32 to index
    %swap3A_2736 = arith.constant 368 : index
    %swap3A_2737 = tpu.vector_load %arg7[%swap3A_2735, %swap3A_2736] {strides = array<i32>} : memref<4x512xf32, #tpu.memory_space<vmem>>, vector<1x16xf32>,
    %swap3A_2738 = vector.shape_cast %swap3A_2737 : vector<1x16xf32> to vector<16xf32>
    %swap3A_2739 = vector.shape_cast %select_n3A_2733 : vector<16xf32> to vector<1x16xf32>
    tpu.vector_store %arg7[%swap3A_2735, %swap3A_2736], %swap3A_2739 {strides = array<i32>} : memref<4x512xf32, #tpu.memory_space<vmem>>, vector<1x16xf32>,
    %add3A_2740 = arith.constant 384 : i32
    %add3A_2741 = vector.broadcast %add3A_2740 : i32 to vector<16xi32>
    %add3A_2742 = arith.addi %iota3A, %add3A_2741 : vector<16xi32>
    %add3A_2743 = arith.constant 1584 : i32
    %add3A_2744 = arith.addi %add3A_2743, %sub3A_192 : i32
    %add3A_2745 = arith.constant 384 : i32
    %add3A_2746 = arith.addi %add3A_2744, %add3A_2745 : i32
    %get3A_2747 = arith.index_cast %add3A_2746 : i32 to index
    %get3A_2748 = tpu.vector_load %arg6[%get3A_2747] {strides = array<i32>} : memref<2112xf32, #tpu.memory_space<vmem>>, vector<16xf32>,
    %get3A_2749 = vector.shape_cast %get3A_2748 : vector<16xf32> to vector<16xf32>
    %lt3A_2750 = vector.broadcast %sub3A_193 : i32 to vector<16xi32>
    %lt3A_2751 = arith.cmpi slt, %add3A_2742, %lt3A_2750 : vector<16xi32>
    %jit3A_2752 = arith.constant -1.000000e+09 : f32
    %broadcast_in_dim3A_2753 = vector.broadcast %jit3A_2752 : f32 to vector<16xf32>
    %select_n3A_2754 = arith.select %lt3A_2751, %get3A_2749, %broadcast_in_dim3A_2753 : vector<16xi1>, vector<16xf32>
    %swap3A_2755 = arith.constant 3 : i32
    %swap3A_2756 = arith.index_cast %swap3A_2755 : i32 to index
    %swap3A_2757 = arith.constant 384 : index
    %swap3A_2758 = tpu.vector_load %arg7[%swap3A_2756, %swap3A_2757] {strides = array<i32>} : memref<4x512xf32, #tpu.memory_space<vmem>>, vector<1x16xf32>,
    %swap3A_2759 = vector.shape_cast %swap3A_2758 : vector<1x16xf32> to vector<16xf32>
    %swap3A_2760 = vector.shape_cast %select_n3A_2754 : vector<16xf32> to vector<1x16xf32>
    tpu.vector_store %arg7[%swap3A_2756, %swap3A_2757], %swap3A_2760 {strides = array<i32>} : memref<4x512xf32, #tpu.memory_space<vmem>>, vector<1x16xf32>,
    %add3A_2761 = arith.constant 400 : i32
    %add3A_2762 = vector.broadcast %add3A_2761 : i32 to vector<16xi32>
    %add3A_2763 = arith.addi %iota3A, %add3A_2762 : vector<16xi32>
    %add3A_2764 = arith.constant 1584 : i32
    %add3A_2765 = arith.addi %add3A_2764, %sub3A_192 : i32
    %add3A_2766 = arith.constant 400 : i32
    %add3A_2767 = arith.addi %add3A_2765, %add3A_2766 : i32
    %get3A_2768 = arith.index_cast %add3A_2767 : i32 to index
    %get3A_2769 = tpu.vector_load %arg6[%get3A_2768] {strides = array<i32>} : memref<2112xf32, #tpu.memory_space<vmem>>, vector<16xf32>,
    %get3A_2770 = vector.shape_cast %get3A_2769 : vector<16xf32> to vector<16xf32>
    %lt3A_2771 = vector.broadcast %sub3A_193 : i32 to vector<16xi32>
    %lt3A_2772 = arith.cmpi slt, %add3A_2763, %lt3A_2771 : vector<16xi32>
    %jit3A_2773 = arith.constant -1.000000e+09 : f32
    %broadcast_in_dim3A_2774 = vector.broadcast %jit3A_2773 : f32 to vector<16xf32>
    %select_n3A_2775 = arith.select %lt3A_2772, %get3A_2770, %broadcast_in_dim3A_2774 : vector<16xi1>, vector<16xf32>
    %swap3A_2776 = arith.constant 3 : i32
    %swap3A_2777 = arith.index_cast %swap3A_2776 : i32 to index
    %swap3A_2778 = arith.constant 400 : index
    %swap3A_2779 = tpu.vector_load %arg7[%swap3A_2777, %swap3A_2778] {strides = array<i32>} : memref<4x512xf32, #tpu.memory_space<vmem>>, vector<1x16xf32>,
    %swap3A_2780 = vector.shape_cast %swap3A_2779 : vector<1x16xf32> to vector<16xf32>
    %swap3A_2781 = vector.shape_cast %select_n3A_2775 : vector<16xf32> to vector<1x16xf32>
    tpu.vector_store %arg7[%swap3A_2777, %swap3A_2778], %swap3A_2781 {strides = array<i32>} : memref<4x512xf32, #tpu.memory_space<vmem>>, vector<1x16xf32>,
    %add3A_2782 = arith.constant 416 : i32
    %add3A_2783 = vector.broadcast %add3A_2782 : i32 to vector<16xi32>
    %add3A_2784 = arith.addi %iota3A, %add3A_2783 : vector<16xi32>
    %add3A_2785 = arith.constant 1584 : i32
    %add3A_2786 = arith.addi %add3A_2785, %sub3A_192 : i32
    %add3A_2787 = arith.constant 416 : i32
    %add3A_2788 = arith.addi %add3A_2786, %add3A_2787 : i32
    %get3A_2789 = arith.index_cast %add3A_2788 : i32 to index
    %get3A_2790 = tpu.vector_load %arg6[%get3A_2789] {strides = array<i32>} : memref<2112xf32, #tpu.memory_space<vmem>>, vector<16xf32>,
    %get3A_2791 = vector.shape_cast %get3A_2790 : vector<16xf32> to vector<16xf32>
    %lt3A_2792 = vector.broadcast %sub3A_193 : i32 to vector<16xi32>
    %lt3A_2793 = arith.cmpi slt, %add3A_2784, %lt3A_2792 : vector<16xi32>
    %jit3A_2794 = arith.constant -1.000000e+09 : f32
    %broadcast_in_dim3A_2795 = vector.broadcast %jit3A_2794 : f32 to vector<16xf32>
    %select_n3A_2796 = arith.select %lt3A_2793, %get3A_2791, %broadcast_in_dim3A_2795 : vector<16xi1>, vector<16xf32>
    %swap3A_2797 = arith.constant 3 : i32
    %swap3A_2798 = arith.index_cast %swap3A_2797 : i32 to index
    %swap3A_2799 = arith.constant 416 : index
    %swap3A_2800 = tpu.vector_load %arg7[%swap3A_2798, %swap3A_2799] {strides = array<i32>} : memref<4x512xf32, #tpu.memory_space<vmem>>, vector<1x16xf32>,
    %swap3A_2801 = vector.shape_cast %swap3A_2800 : vector<1x16xf32> to vector<16xf32>
    %swap3A_2802 = vector.shape_cast %select_n3A_2796 : vector<16xf32> to vector<1x16xf32>
    tpu.vector_store %arg7[%swap3A_2798, %swap3A_2799], %swap3A_2802 {strides = array<i32>} : memref<4x512xf32, #tpu.memory_space<vmem>>, vector<1x16xf32>,
    %add3A_2803 = arith.constant 432 : i32
    %add3A_2804 = vector.broadcast %add3A_2803 : i32 to vector<16xi32>
    %add3A_2805 = arith.addi %iota3A, %add3A_2804 : vector<16xi32>
    %add3A_2806 = arith.constant 1584 : i32
    %add3A_2807 = arith.addi %add3A_2806, %sub3A_192 : i32
    %add3A_2808 = arith.constant 432 : i32
    %add3A_2809 = arith.addi %add3A_2807, %add3A_2808 : i32
    %get3A_2810 = arith.index_cast %add3A_2809 : i32 to index
    %get3A_2811 = tpu.vector_load %arg6[%get3A_2810] {strides = array<i32>} : memref<2112xf32, #tpu.memory_space<vmem>>, vector<16xf32>,
    %get3A_2812 = vector.shape_cast %get3A_2811 : vector<16xf32> to vector<16xf32>
    %lt3A_2813 = vector.broadcast %sub3A_193 : i32 to vector<16xi32>
    %lt3A_2814 = arith.cmpi slt, %add3A_2805, %lt3A_2813 : vector<16xi32>
    %jit3A_2815 = arith.constant -1.000000e+09 : f32
    %broadcast_in_dim3A_2816 = vector.broadcast %jit3A_2815 : f32 to vector<16xf32>
    %select_n3A_2817 = arith.select %lt3A_2814, %get3A_2812, %broadcast_in_dim3A_2816 : vector<16xi1>, vector<16xf32>
    %swap3A_2818 = arith.constant 3 : i32
    %swap3A_2819 = arith.index_cast %swap3A_2818 : i32 to index
    %swap3A_2820 = arith.constant 432 : index
    %swap3A_2821 = tpu.vector_load %arg7[%swap3A_2819, %swap3A_2820] {strides = array<i32>} : memref<4x512xf32, #tpu.memory_space<vmem>>, vector<1x16xf32>,
    %swap3A_2822 = vector.shape_cast %swap3A_2821 : vector<1x16xf32> to vector<16xf32>
    %swap3A_2823 = vector.shape_cast %select_n3A_2817 : vector<16xf32> to vector<1x16xf32>
    tpu.vector_store %arg7[%swap3A_2819, %swap3A_2820], %swap3A_2823 {strides = array<i32>} : memref<4x512xf32, #tpu.memory_space<vmem>>, vector<1x16xf32>,
    %add3A_2824 = arith.constant 448 : i32
    %add3A_2825 = vector.broadcast %add3A_2824 : i32 to vector<16xi32>
    %add3A_2826 = arith.addi %iota3A, %add3A_2825 : vector<16xi32>
    %add3A_2827 = arith.constant 1584 : i32
    %add3A_2828 = arith.addi %add3A_2827, %sub3A_192 : i32
    %add3A_2829 = arith.constant 448 : i32
    %add3A_2830 = arith.addi %add3A_2828, %add3A_2829 : i32
    %get3A_2831 = arith.index_cast %add3A_2830 : i32 to index
    %get3A_2832 = tpu.vector_load %arg6[%get3A_2831] {strides = array<i32>} : memref<2112xf32, #tpu.memory_space<vmem>>, vector<16xf32>,
    %get3A_2833 = vector.shape_cast %get3A_2832 : vector<16xf32> to vector<16xf32>
    %lt3A_2834 = vector.broadcast %sub3A_193 : i32 to vector<16xi32>
    %lt3A_2835 = arith.cmpi slt, %add3A_2826, %lt3A_2834 : vector<16xi32>
    %jit3A_2836 = arith.constant -1.000000e+09 : f32
    %broadcast_in_dim3A_2837 = vector.broadcast %jit3A_2836 : f32 to vector<16xf32>
    %select_n3A_2838 = arith.select %lt3A_2835, %get3A_2833, %broadcast_in_dim3A_2837 : vector<16xi1>, vector<16xf32>
    %swap3A_2839 = arith.constant 3 : i32
    %swap3A_2840 = arith.index_cast %swap3A_2839 : i32 to index
    %swap3A_2841 = arith.constant 448 : index
    %swap3A_2842 = tpu.vector_load %arg7[%swap3A_2840, %swap3A_2841] {strides = array<i32>} : memref<4x512xf32, #tpu.memory_space<vmem>>, vector<1x16xf32>,
    %swap3A_2843 = vector.shape_cast %swap3A_2842 : vector<1x16xf32> to vector<16xf32>
    %swap3A_2844 = vector.shape_cast %select_n3A_2838 : vector<16xf32> to vector<1x16xf32>
    tpu.vector_store %arg7[%swap3A_2840, %swap3A_2841], %swap3A_2844 {strides = array<i32>} : memref<4x512xf32, #tpu.memory_space<vmem>>, vector<1x16xf32>,
    %add3A_2845 = arith.constant 464 : i32
    %add3A_2846 = vector.broadcast %add3A_2845 : i32 to vector<16xi32>
    %add3A_2847 = arith.addi %iota3A, %add3A_2846 : vector<16xi32>
    %add3A_2848 = arith.constant 1584 : i32
    %add3A_2849 = arith.addi %add3A_2848, %sub3A_192 : i32
    %add3A_2850 = arith.constant 464 : i32
    %add3A_2851 = arith.addi %add3A_2849, %add3A_2850 : i32
    %get3A_2852 = arith.index_cast %add3A_2851 : i32 to index
    %get3A_2853 = tpu.vector_load %arg6[%get3A_2852] {strides = array<i32>} : memref<2112xf32, #tpu.memory_space<vmem>>, vector<16xf32>,
    %get3A_2854 = vector.shape_cast %get3A_2853 : vector<16xf32> to vector<16xf32>
    %lt3A_2855 = vector.broadcast %sub3A_193 : i32 to vector<16xi32>
    %lt3A_2856 = arith.cmpi slt, %add3A_2847, %lt3A_2855 : vector<16xi32>
    %jit3A_2857 = arith.constant -1.000000e+09 : f32
    %broadcast_in_dim3A_2858 = vector.broadcast %jit3A_2857 : f32 to vector<16xf32>
    %select_n3A_2859 = arith.select %lt3A_2856, %get3A_2854, %broadcast_in_dim3A_2858 : vector<16xi1>, vector<16xf32>
    %swap3A_2860 = arith.constant 3 : i32
    %swap3A_2861 = arith.index_cast %swap3A_2860 : i32 to index
    %swap3A_2862 = arith.constant 464 : index
    %swap3A_2863 = tpu.vector_load %arg7[%swap3A_2861, %swap3A_2862] {strides = array<i32>} : memref<4x512xf32, #tpu.memory_space<vmem>>, vector<1x16xf32>,
    %swap3A_2864 = vector.shape_cast %swap3A_2863 : vector<1x16xf32> to vector<16xf32>
    %swap3A_2865 = vector.shape_cast %select_n3A_2859 : vector<16xf32> to vector<1x16xf32>
    tpu.vector_store %arg7[%swap3A_2861, %swap3A_2862], %swap3A_2865 {strides = array<i32>} : memref<4x512xf32, #tpu.memory_space<vmem>>, vector<1x16xf32>,
    %add3A_2866 = arith.constant 480 : i32
    %add3A_2867 = vector.broadcast %add3A_2866 : i32 to vector<16xi32>
    %add3A_2868 = arith.addi %iota3A, %add3A_2867 : vector<16xi32>
    %add3A_2869 = arith.constant 1584 : i32
    %add3A_2870 = arith.addi %add3A_2869, %sub3A_192 : i32
    %add3A_2871 = arith.constant 480 : i32
    %add3A_2872 = arith.addi %add3A_2870, %add3A_2871 : i32
    %get3A_2873 = arith.index_cast %add3A_2872 : i32 to index
    %get3A_2874 = tpu.vector_load %arg6[%get3A_2873] {strides = array<i32>} : memref<2112xf32, #tpu.memory_space<vmem>>, vector<16xf32>,
    %get3A_2875 = vector.shape_cast %get3A_2874 : vector<16xf32> to vector<16xf32>
    %lt3A_2876 = vector.broadcast %sub3A_193 : i32 to vector<16xi32>
    %lt3A_2877 = arith.cmpi slt, %add3A_2868, %lt3A_2876 : vector<16xi32>
    %jit3A_2878 = arith.constant -1.000000e+09 : f32
    %broadcast_in_dim3A_2879 = vector.broadcast %jit3A_2878 : f32 to vector<16xf32>
    %select_n3A_2880 = arith.select %lt3A_2877, %get3A_2875, %broadcast_in_dim3A_2879 : vector<16xi1>, vector<16xf32>
    %swap3A_2881 = arith.constant 3 : i32
    %swap3A_2882 = arith.index_cast %swap3A_2881 : i32 to index
    %swap3A_2883 = arith.constant 480 : index
    %swap3A_2884 = tpu.vector_load %arg7[%swap3A_2882, %swap3A_2883] {strides = array<i32>} : memref<4x512xf32, #tpu.memory_space<vmem>>, vector<1x16xf32>,
    %swap3A_2885 = vector.shape_cast %swap3A_2884 : vector<1x16xf32> to vector<16xf32>
    %swap3A_2886 = vector.shape_cast %select_n3A_2880 : vector<16xf32> to vector<1x16xf32>
    tpu.vector_store %arg7[%swap3A_2882, %swap3A_2883], %swap3A_2886 {strides = array<i32>} : memref<4x512xf32, #tpu.memory_space<vmem>>, vector<1x16xf32>,
    %add3A_2887 = arith.constant 496 : i32
    %add3A_2888 = vector.broadcast %add3A_2887 : i32 to vector<16xi32>
    %add3A_2889 = arith.addi %iota3A, %add3A_2888 : vector<16xi32>
    %add3A_2890 = arith.constant 1584 : i32
    %add3A_2891 = arith.addi %add3A_2890, %sub3A_192 : i32
    %add3A_2892 = arith.constant 496 : i32
    %add3A_2893 = arith.addi %add3A_2891, %add3A_2892 : i32
    %get3A_2894 = arith.index_cast %add3A_2893 : i32 to index
    %get3A_2895 = tpu.vector_load %arg6[%get3A_2894] {strides = array<i32>} : memref<2112xf32, #tpu.memory_space<vmem>>, vector<16xf32>,
    %get3A_2896 = vector.shape_cast %get3A_2895 : vector<16xf32> to vector<16xf32>
    %lt3A_2897 = vector.broadcast %sub3A_193 : i32 to vector<16xi32>
    %lt3A_2898 = arith.cmpi slt, %add3A_2889, %lt3A_2897 : vector<16xi32>
    %jit3A_2899 = arith.constant -1.000000e+09 : f32
    %broadcast_in_dim3A_2900 = vector.broadcast %jit3A_2899 : f32 to vector<16xf32>
    %select_n3A_2901 = arith.select %lt3A_2898, %get3A_2896, %broadcast_in_dim3A_2900 : vector<16xi1>, vector<16xf32>
    %swap3A_2902 = arith.constant 3 : i32
    %swap3A_2903 = arith.index_cast %swap3A_2902 : i32 to index
    %swap3A_2904 = arith.constant 496 : index
    %swap3A_2905 = tpu.vector_load %arg7[%swap3A_2903, %swap3A_2904] {strides = array<i32>} : memref<4x512xf32, #tpu.memory_space<vmem>>, vector<1x16xf32>,
    %swap3A_2906 = vector.shape_cast %swap3A_2905 : vector<1x16xf32> to vector<16xf32>
    %swap3A_2907 = vector.shape_cast %select_n3A_2901 : vector<16xf32> to vector<1x16xf32>
    tpu.vector_store %arg7[%swap3A_2903, %swap3A_2904], %swap3A_2907 {strides = array<i32>} : memref<4x512xf32, #tpu.memory_space<vmem>>, vector<1x16xf32>,
    %add3A_2908 = arith.constant 0 : i32
    %add3A_2909 = arith.addi %add3A_4, %add3A_2908 : i32
    %mul3A_2910 = arith.constant 512 : i32
    %mul3A_2911 = arith.muli %add3A_2909, %mul3A_2910 : i32
    %run_scoped3A = arith.constant 0 : i32
    "tpu.region"() ({
      %run_scoped3A_2925 = tpu.sem_alloc : memref<!tpu.dma_semaphore, #tpu.memory_space<semaphore_mem>>
      %dma_start3A_2926 = arith.constant 0 : i32
      %dma_start3A_2927 = tpu.memref_slice %arg7[%run_scoped3A, %dma_start3A_2926] : memref<4x512xf32, #tpu.memory_space<vmem>> -> memref<1x512xf32, #tpu.memory_space<vmem>>
      %dma_start3A_2928 = tpu.memref_squeeze %dma_start3A_2927 : memref<1x512xf32, #tpu.memory_space<vmem>> -> memref<512xf32, #tpu.memory_space<vmem>>
      %dma_start3A_2929 = tpu.memref_slice %arg4[%mul3A_2911] : memref<51200xf32, #tpu.memory_space<hbm>> -> memref<512xf32, #tpu.memory_space<hbm>>
      %dma_start3A_2930 = tpu.memref_slice %arg4[%mul3A_2911] : memref<51200xf32, #tpu.memory_space<hbm>> -> memref<512xf32, #tpu.memory_space<hbm>>
      %dma_start3A_2931 = arith.constant 0 : i32
      %dma_start3A_2932 = tpu.memref_slice %arg7[%run_scoped3A, %dma_start3A_2931] : memref<4x512xf32, #tpu.memory_space<vmem>> -> memref<1x512xf32, #tpu.memory_space<vmem>>
      %dma_start3A_2933 = tpu.memref_squeeze %dma_start3A_2932 : memref<1x512xf32, #tpu.memory_space<vmem>> -> memref<512xf32, #tpu.memory_space<vmem>>
      tpu.enqueue_dma source(%dma_start3A_2933 : memref<512xf32, #tpu.memory_space<vmem>>) target(%dma_start3A_2930 : memref<512xf32, #tpu.memory_space<hbm>>) target_semaphore(%run_scoped3A_2925 : memref<!tpu.dma_semaphore, #tpu.memory_space<semaphore_mem>>)
      %dma_wait3A_2934 = arith.constant 0 : i32
      %dma_wait3A_2935 = tpu.memref_slice %arg7[%run_scoped3A, %dma_wait3A_2934] : memref<4x512xf32, #tpu.memory_space<vmem>> -> memref<1x512xf32, #tpu.memory_space<vmem>>
      %dma_wait3A_2936 = tpu.memref_squeeze %dma_wait3A_2935 : memref<1x512xf32, #tpu.memory_space<vmem>> -> memref<512xf32, #tpu.memory_space<vmem>>
      %dma_wait3A_2937 = tpu.memref_slice %arg4[%mul3A_2911] : memref<51200xf32, #tpu.memory_space<hbm>> -> memref<512xf32, #tpu.memory_space<hbm>>
      %dma_wait3A_2938 = tpu.memref_slice %arg4[%mul3A_2911] : memref<51200xf32, #tpu.memory_space<hbm>> -> memref<512xf32, #tpu.memory_space<hbm>>
      %dma_wait3A_2939 = arith.constant 0 : i32
      %dma_wait3A_2940 = tpu.memref_slice %arg7[%run_scoped3A, %dma_wait3A_2939] : memref<4x512xf32, #tpu.memory_space<vmem>> -> memref<1x512xf32, #tpu.memory_space<vmem>>
      %dma_wait3A_2941 = tpu.memref_squeeze %dma_wait3A_2940 : memref<1x512xf32, #tpu.memory_space<vmem>> -> memref<512xf32, #tpu.memory_space<vmem>>
      tpu.wait_dma2 semaphore(%run_scoped3A_2925 : memref<!tpu.dma_semaphore, #tpu.memory_space<semaphore_mem>>) src(%dma_wait3A_2941 : memref<512xf32, #tpu.memory_space<vmem>>) dst(%dma_wait3A_2938 : memref<512xf32, #tpu.memory_space<hbm>>)
      tpu.yield
    }) : () -> ()
    %add3A_2912 = arith.constant 1 : i32
    %add3A_2913 = arith.addi %add3A_4, %add3A_2912 : i32
    %mul3A_2914 = arith.constant 512 : i32
    %mul3A_2915 = arith.muli %add3A_2913, %mul3A_2914 : i32
    %run_scoped3A_2916 = arith.constant 1 : i32
    "tpu.region"() ({
      %run_scoped3A_2925 = tpu.sem_alloc : memref<!tpu.dma_semaphore, #tpu.memory_space<semaphore_mem>>
      %dma_start3A_2926 = arith.constant 0 : i32
      %dma_start3A_2927 = tpu.memref_slice %arg7[%run_scoped3A_2916, %dma_start3A_2926] : memref<4x512xf32, #tpu.memory_space<vmem>> -> memref<1x512xf32, #tpu.memory_space<vmem>>
      %dma_start3A_2928 = tpu.memref_squeeze %dma_start3A_2927 : memref<1x512xf32, #tpu.memory_space<vmem>> -> memref<512xf32, #tpu.memory_space<vmem>>
      %dma_start3A_2929 = tpu.memref_slice %arg4[%mul3A_2915] : memref<51200xf32, #tpu.memory_space<hbm>> -> memref<512xf32, #tpu.memory_space<hbm>>
      %dma_start3A_2930 = tpu.memref_slice %arg4[%mul3A_2915] : memref<51200xf32, #tpu.memory_space<hbm>> -> memref<512xf32, #tpu.memory_space<hbm>>
      %dma_start3A_2931 = arith.constant 0 : i32
      %dma_start3A_2932 = tpu.memref_slice %arg7[%run_scoped3A_2916, %dma_start3A_2931] : memref<4x512xf32, #tpu.memory_space<vmem>> -> memref<1x512xf32, #tpu.memory_space<vmem>>
      %dma_start3A_2933 = tpu.memref_squeeze %dma_start3A_2932 : memref<1x512xf32, #tpu.memory_space<vmem>> -> memref<512xf32, #tpu.memory_space<vmem>>
      tpu.enqueue_dma source(%dma_start3A_2933 : memref<512xf32, #tpu.memory_space<vmem>>) target(%dma_start3A_2930 : memref<512xf32, #tpu.memory_space<hbm>>) target_semaphore(%run_scoped3A_2925 : memref<!tpu.dma_semaphore, #tpu.memory_space<semaphore_mem>>)
      %dma_wait3A_2934 = arith.constant 0 : i32
      %dma_wait3A_2935 = tpu.memref_slice %arg7[%run_scoped3A_2916, %dma_wait3A_2934] : memref<4x512xf32, #tpu.memory_space<vmem>> -> memref<1x512xf32, #tpu.memory_space<vmem>>
      %dma_wait3A_2936 = tpu.memref_squeeze %dma_wait3A_2935 : memref<1x512xf32, #tpu.memory_space<vmem>> -> memref<512xf32, #tpu.memory_space<vmem>>
      %dma_wait3A_2937 = tpu.memref_slice %arg4[%mul3A_2915] : memref<51200xf32, #tpu.memory_space<hbm>> -> memref<512xf32, #tpu.memory_space<hbm>>
      %dma_wait3A_2938 = tpu.memref_slice %arg4[%mul3A_2915] : memref<51200xf32, #tpu.memory_space<hbm>> -> memref<512xf32, #tpu.memory_space<hbm>>
      %dma_wait3A_2939 = arith.constant 0 : i32
      %dma_wait3A_2940 = tpu.memref_slice %arg7[%run_scoped3A_2916, %dma_wait3A_2939] : memref<4x512xf32, #tpu.memory_space<vmem>> -> memref<1x512xf32, #tpu.memory_space<vmem>>
      %dma_wait3A_2941 = tpu.memref_squeeze %dma_wait3A_2940 : memref<1x512xf32, #tpu.memory_space<vmem>> -> memref<512xf32, #tpu.memory_space<vmem>>
      tpu.wait_dma2 semaphore(%run_scoped3A_2925 : memref<!tpu.dma_semaphore, #tpu.memory_space<semaphore_mem>>) src(%dma_wait3A_2941 : memref<512xf32, #tpu.memory_space<vmem>>) dst(%dma_wait3A_2938 : memref<512xf32, #tpu.memory_space<hbm>>)
      tpu.yield
    }) : () -> ()
    %add3A_2917 = arith.constant 2 : i32
    %add3A_2918 = arith.addi %add3A_4, %add3A_2917 : i32
    %mul3A_2919 = arith.constant 512 : i32
    %mul3A_2920 = arith.muli %add3A_2918, %mul3A_2919 : i32
    %run_scoped3A_2921 = arith.constant 2 : i32
    "tpu.region"() ({
      %run_scoped3A_2925 = tpu.sem_alloc : memref<!tpu.dma_semaphore, #tpu.memory_space<semaphore_mem>>
      %dma_start3A_2926 = arith.constant 0 : i32
      %dma_start3A_2927 = tpu.memref_slice %arg7[%run_scoped3A_2921, %dma_start3A_2926] : memref<4x512xf32, #tpu.memory_space<vmem>> -> memref<1x512xf32, #tpu.memory_space<vmem>>
      %dma_start3A_2928 = tpu.memref_squeeze %dma_start3A_2927 : memref<1x512xf32, #tpu.memory_space<vmem>> -> memref<512xf32, #tpu.memory_space<vmem>>
      %dma_start3A_2929 = tpu.memref_slice %arg4[%mul3A_2920] : memref<51200xf32, #tpu.memory_space<hbm>> -> memref<512xf32, #tpu.memory_space<hbm>>
      %dma_start3A_2930 = tpu.memref_slice %arg4[%mul3A_2920] : memref<51200xf32, #tpu.memory_space<hbm>> -> memref<512xf32, #tpu.memory_space<hbm>>
      %dma_start3A_2931 = arith.constant 0 : i32
      %dma_start3A_2932 = tpu.memref_slice %arg7[%run_scoped3A_2921, %dma_start3A_2931] : memref<4x512xf32, #tpu.memory_space<vmem>> -> memref<1x512xf32, #tpu.memory_space<vmem>>
      %dma_start3A_2933 = tpu.memref_squeeze %dma_start3A_2932 : memref<1x512xf32, #tpu.memory_space<vmem>> -> memref<512xf32, #tpu.memory_space<vmem>>
      tpu.enqueue_dma source(%dma_start3A_2933 : memref<512xf32, #tpu.memory_space<vmem>>) target(%dma_start3A_2930 : memref<512xf32, #tpu.memory_space<hbm>>) target_semaphore(%run_scoped3A_2925 : memref<!tpu.dma_semaphore, #tpu.memory_space<semaphore_mem>>)
      %dma_wait3A_2934 = arith.constant 0 : i32
      %dma_wait3A_2935 = tpu.memref_slice %arg7[%run_scoped3A_2921, %dma_wait3A_2934] : memref<4x512xf32, #tpu.memory_space<vmem>> -> memref<1x512xf32, #tpu.memory_space<vmem>>
      %dma_wait3A_2936 = tpu.memref_squeeze %dma_wait3A_2935 : memref<1x512xf32, #tpu.memory_space<vmem>> -> memref<512xf32, #tpu.memory_space<vmem>>
      %dma_wait3A_2937 = tpu.memref_slice %arg4[%mul3A_2920] : memref<51200xf32, #tpu.memory_space<hbm>> -> memref<512xf32, #tpu.memory_space<hbm>>
      %dma_wait3A_2938 = tpu.memref_slice %arg4[%mul3A_2920] : memref<51200xf32, #tpu.memory_space<hbm>> -> memref<512xf32, #tpu.memory_space<hbm>>
      %dma_wait3A_2939 = arith.constant 0 : i32
      %dma_wait3A_2940 = tpu.memref_slice %arg7[%run_scoped3A_2921, %dma_wait3A_2939] : memref<4x512xf32, #tpu.memory_space<vmem>> -> memref<1x512xf32, #tpu.memory_space<vmem>>
      %dma_wait3A_2941 = tpu.memref_squeeze %dma_wait3A_2940 : memref<1x512xf32, #tpu.memory_space<vmem>> -> memref<512xf32, #tpu.memory_space<vmem>>
      tpu.wait_dma2 semaphore(%run_scoped3A_2925 : memref<!tpu.dma_semaphore, #tpu.memory_space<semaphore_mem>>) src(%dma_wait3A_2941 : memref<512xf32, #tpu.memory_space<vmem>>) dst(%dma_wait3A_2938 : memref<512xf32, #tpu.memory_space<hbm>>)
      tpu.yield
    }) : () -> ()
    %lt3A_2922 = arith.constant 4 : i32
    %lt3A_2923 = arith.cmpi slt, %add3A, %lt3A_2922 : i32
    %convert_element_type3A = arith.extui %lt3A_2923 : i1 to i32
    %cond3A = arith.constant 0 : i32
    %cond3A_2924 = arith.cmpi ne, %convert_element_type3A, %cond3A : i32
    scf.if %cond3A_2924 {
      %add3A_2925 = arith.constant 3 : i32
      %add3A_2926 = arith.addi %add3A_4, %add3A_2925 : i32
      %mul3A_2927 = arith.constant 512 : i32
      %mul3A_2928 = arith.muli %add3A_2926, %mul3A_2927 : i32
      %run_scoped3A_2929 = arith.constant 3 : i32
      "tpu.region"() ({
        %run_scoped3A_2930 = tpu.sem_alloc : memref<!tpu.dma_semaphore, #tpu.memory_space<semaphore_mem>>
        %dma_start3A_2931 = arith.constant 0 : i32
        %dma_start3A_2932 = tpu.memref_slice %arg7[%run_scoped3A_2929, %dma_start3A_2931] : memref<4x512xf32, #tpu.memory_space<vmem>> -> memref<1x512xf32, #tpu.memory_space<vmem>>
        %dma_start3A_2933 = tpu.memref_squeeze %dma_start3A_2932 : memref<1x512xf32, #tpu.memory_space<vmem>> -> memref<512xf32, #tpu.memory_space<vmem>>
        %dma_start3A_2934 = tpu.memref_slice %arg4[%mul3A_2928] : memref<51200xf32, #tpu.memory_space<hbm>> -> memref<512xf32, #tpu.memory_space<hbm>>
        %dma_start3A_2935 = tpu.memref_slice %arg4[%mul3A_2928] : memref<51200xf32, #tpu.memory_space<hbm>> -> memref<512xf32, #tpu.memory_space<hbm>>
        %dma_start3A_2936 = arith.constant 0 : i32
        %dma_start3A_2937 = tpu.memref_slice %arg7[%run_scoped3A_2929, %dma_start3A_2936] : memref<4x512xf32, #tpu.memory_space<vmem>> -> memref<1x512xf32, #tpu.memory_space<vmem>>
        %dma_start3A_2938 = tpu.memref_squeeze %dma_start3A_2937 : memref<1x512xf32, #tpu.memory_space<vmem>> -> memref<512xf32, #tpu.memory_space<vmem>>
        tpu.enqueue_dma source(%dma_start3A_2938 : memref<512xf32, #tpu.memory_space<vmem>>) target(%dma_start3A_2935 : memref<512xf32, #tpu.memory_space<hbm>>) target_semaphore(%run_scoped3A_2930 : memref<!tpu.dma_semaphore, #tpu.memory_space<semaphore_mem>>)
        %dma_wait3A_2939 = arith.constant 0 : i32
        %dma_wait3A_2940 = tpu.memref_slice %arg7[%run_scoped3A_2929, %dma_wait3A_2939] : memref<4x512xf32, #tpu.memory_space<vmem>> -> memref<1x512xf32, #tpu.memory_space<vmem>>
        %dma_wait3A_2941 = tpu.memref_squeeze %dma_wait3A_2940 : memref<1x512xf32, #tpu.memory_space<vmem>> -> memref<512xf32, #tpu.memory_space<vmem>>
        %dma_wait3A_2942 = tpu.memref_slice %arg4[%mul3A_2928] : memref<51200xf32, #tpu.memory_space<hbm>> -> memref<512xf32, #tpu.memory_space<hbm>>
        %dma_wait3A_2943 = tpu.memref_slice %arg4[%mul3A_2928] : memref<51200xf32, #tpu.memory_space<hbm>> -> memref<512xf32, #tpu.memory_space<hbm>>
        %dma_wait3A_2944 = arith.constant 0 : i32
        %dma_wait3A_2945 = tpu.memref_slice %arg7[%run_scoped3A_2929, %dma_wait3A_2944] : memref<4x512xf32, #tpu.memory_space<vmem>> -> memref<1x512xf32, #tpu.memory_space<vmem>>
        %dma_wait3A_2946 = tpu.memref_squeeze %dma_wait3A_2945 : memref<1x512xf32, #tpu.memory_space<vmem>> -> memref<512xf32, #tpu.memory_space<vmem>>
        tpu.wait_dma2 semaphore(%run_scoped3A_2930 : memref<!tpu.dma_semaphore, #tpu.memory_space<semaphore_mem>>) src(%dma_wait3A_2946 : memref<512xf32, #tpu.memory_space<vmem>>) dst(%dma_wait3A_2943 : memref<512xf32, #tpu.memory_space<hbm>>)
        tpu.yield
      }) : () -> ()
    } else {
    }
    return
  }
}

module attributes {stable_mosaic.version = 14 : i64} {
  func.func @_tc_body(%arg0: i32, %arg1: memref<5120xi32, #tpu.memory_space<vmem>>, %arg2: memref<5120x512xf32, #tpu.memory_space<vmem>>, %arg3: memref<100x512xf32, #tpu.memory_space<vmem>>, %arg4: memref<512x512xf32, #tpu.memory_space<vmem>>, %arg5: memref<1x512xf32, #tpu.memory_space<vmem>>, %arg6: memref<512x512xf32, #tpu.memory_space<vmem>>, %arg7: memref<1x512xf32, #tpu.memory_space<vmem>>, %arg8: memref<1x1xf32, #tpu.memory_space<vmem>>, %arg9: memref<5120xf32, #tpu.memory_space<vmem>>, %arg10: memref<128x128xi32, #tpu.memory_space<vmem>>, %arg11: memref<128x512xf32, #tpu.memory_space<vmem>>, %arg12: memref<128x128xf32, #tpu.memory_space<vmem>>, %arg13: memref<128x128xf32, #tpu.memory_space<vmem>>) attributes {dimension_semantics = [#tpu.dimension_semantics<arbitrary>], iteration_bounds = array<i64: 10>, scalar_prefetch = 0 : i64, scratch_operands = 3 : i64, tpu.core_type = #tpu.core_type<tc>, window_params = [{transform_indices = @transform_0, window_bounds = array<i64: 5120>}, {transform_indices = @transform_1, window_bounds = array<i64: 5120, 512>}, {pipeline_mode = #tpu.pipeline_mode<synchronous>, transform_indices = @transform_2, window_bounds = array<i64: 100, 512>}, {pipeline_mode = #tpu.pipeline_mode<synchronous>, transform_indices = @transform_3, window_bounds = array<i64: 512, 512>}, {pipeline_mode = #tpu.pipeline_mode<synchronous>, transform_indices = @transform_4, window_bounds = array<i64: 1, 512>}, {pipeline_mode = #tpu.pipeline_mode<synchronous>, transform_indices = @transform_5, window_bounds = array<i64: 512, 512>}, {pipeline_mode = #tpu.pipeline_mode<synchronous>, transform_indices = @transform_6, window_bounds = array<i64: 1, 512>}, {pipeline_mode = #tpu.pipeline_mode<synchronous>, transform_indices = @transform_7, window_bounds = array<i64: 1, 1>}, {transform_indices = @transform_8, window_bounds = array<i64: 5120>}, {pipeline_mode = #tpu.pipeline_mode<synchronous>, transform_indices = @transform_9, window_bounds = array<i64: 128, 128>}]} {
    %eq3A = arith.constant 0 : i32
    %eq3A_0 = arith.cmpi eq, %arg0, %eq3A : i32
    %convert_element_type3A = arith.extui %eq3A_0 : i1 to i32
    %cond3A = arith.constant 0 : i32
    %cond3A_1 = arith.cmpi ne, %convert_element_type3A, %cond3A : i32
    scf.if %cond3A_1 {
      %get3A_67 = arith.constant 0 : index
      %get3A_68 = arith.constant 0 : index
      %get3A_69 = vector.load %arg3[%get3A_67, %get3A_68] : memref<100x512xf32, #tpu.memory_space<vmem>>, vector<100x512xf32>
      %get3A_70 = arith.constant 0 : index
      %get3A_71 = arith.constant 0 : index
      %get3A_72 = vector.load %arg4[%get3A_70, %get3A_71] : memref<512x512xf32, #tpu.memory_space<vmem>>, vector<512x512xf32>
      %dot_general3A_73 = arith.constant dense<0.000000e+00> : vector<100x512xf32>
      %dot_general3A_74 = tpu.matmul %get3A_69, %get3A_72, %dot_general3A_73 {dimension_numbers = #tpu.dot_dimension_numbers<[1], [1], [0], [0], [0, 0, 1, 0], [], []>, precision = #tpu.contract_precision<fp32>, transpose_lhs_hint = false} : vector<100x512xf32>, vector<512x512xf32>, vector<100x512xf32> -> vector<100x512xf32>
      %get3A_75 = arith.constant 0 : index
      %get3A_76 = arith.constant 0 : index
      %get3A_77 = vector.load %arg5[%get3A_75, %get3A_76] : memref<1x512xf32, #tpu.memory_space<vmem>>, vector<1x512xf32>
      %add3A_78 = vector.broadcast %get3A_77 : vector<1x512xf32> to vector<100x512xf32>
      %add3A_79 = arith.addf %dot_general3A_74, %add3A_78 : vector<100x512xf32>
      %max3A_80 = arith.constant 0.000000e+00 : f32
      %max3A_81 = vector.broadcast %max3A_80 : f32 to vector<100x512xf32>
      %max3A_82 = arith.maximumf %add3A_79, %max3A_81 : vector<100x512xf32>
      %get3A_83 = arith.constant 0 : index
      %get3A_84 = arith.constant 0 : index
      %get3A_85 = vector.load %arg6[%get3A_83, %get3A_84] : memref<512x512xf32, #tpu.memory_space<vmem>>, vector<512x512xf32>
      %dot_general3A_86 = arith.constant dense<0.000000e+00> : vector<100x512xf32>
      %dot_general3A_87 = tpu.matmul %max3A_82, %get3A_85, %dot_general3A_86 {dimension_numbers = #tpu.dot_dimension_numbers<[1], [1], [0], [0], [0, 0, 1, 0], [], []>, precision = #tpu.contract_precision<fp32>, transpose_lhs_hint = false} : vector<100x512xf32>, vector<512x512xf32>, vector<100x512xf32> -> vector<100x512xf32>
      %get3A_88 = arith.constant 0 : index
      %get3A_89 = arith.constant 0 : index
      %get3A_90 = vector.load %arg7[%get3A_88, %get3A_89] : memref<1x512xf32, #tpu.memory_space<vmem>>, vector<1x512xf32>
      %add3A_91 = vector.broadcast %get3A_90 : vector<1x512xf32> to vector<100x512xf32>
      %add3A_92 = arith.addf %dot_general3A_87, %add3A_91 : vector<100x512xf32>
      %swap3A_93 = arith.constant 0 : index
      %swap3A_94 = arith.constant 0 : index
      %swap3A_95 = vector.load %arg11[%swap3A_93, %swap3A_94] : memref<128x512xf32, #tpu.memory_space<vmem>>, vector<100x512xf32>
      tpu.vector_store %arg11[%swap3A_93, %swap3A_94], %add3A_92 {strides = array<i32>} : memref<128x512xf32, #tpu.memory_space<vmem>>, vector<100x512xf32>,
      %mul3A_96 = arith.mulf %add3A_92, %add3A_92 : vector<100x512xf32>
      %reduce_sum3A_97 = arith.constant dense<0.000000e+00> : vector<100xf32>
      %reduce_sum3A_98 = vector.multi_reduction <add>, %mul3A_96, %reduce_sum3A_97 [1] : vector<100x512xf32> to vector<100xf32>
      %broadcast_in_dim3A_99 = vector.shape_cast %reduce_sum3A_98 : vector<100xf32> to vector<100x1xf32>
      %jit3A_100 = arith.constant 0 : i32
      %convert_element_type3A_101 = arith.sitofp %jit3A_100 : i32 to f32
      %pad3A = vector.broadcast %convert_element_type3A_101 : f32 to vector<28x1xf32>
      %pad3A_102 = tpu.concatenate %broadcast_in_dim3A_99, %pad3A in 0 : vector<100x1xf32>, vector<28x1xf32> -> vector<128x1xf32>
      %broadcast_in_dim3A_103 = vector.shape_cast %pad3A_102 : vector<128x1xf32> to vector<128x1xf32>
      %broadcast_in_dim3A_104 = vector.broadcast %broadcast_in_dim3A_103 : vector<128x1xf32> to vector<128x128xf32>
      %swap3A_105 = arith.constant 0 : index
      %swap3A_106 = arith.constant 0 : index
      %swap3A_107 = vector.load %arg12[%swap3A_105, %swap3A_106] : memref<128x128xf32, #tpu.memory_space<vmem>>, vector<128x128xf32>
      tpu.vector_store %arg12[%swap3A_105, %swap3A_106], %broadcast_in_dim3A_104 {strides = array<i32>} : memref<128x128xf32, #tpu.memory_space<vmem>>, vector<128x128xf32>,
      %broadcast_in_dim3A_108 = arith.constant 0.000000e+00 : f32
      %broadcast_in_dim3A_109 = vector.broadcast %broadcast_in_dim3A_108 : f32 to vector<128x128xf32>
      %swap3A_110 = arith.constant 0 : index
      %swap3A_111 = arith.constant 0 : index
      %swap3A_112 = vector.load %arg13[%swap3A_110, %swap3A_111] : memref<128x128xf32, #tpu.memory_space<vmem>>, vector<128x128xf32>
      tpu.vector_store %arg13[%swap3A_110, %swap3A_111], %broadcast_in_dim3A_109 {strides = array<i32>} : memref<128x128xf32, #tpu.memory_space<vmem>>, vector<128x128xf32>,
    } else {
    }
    %get3A = arith.constant 0 : index
    %get3A_2 = arith.constant 0 : index
    %get3A_3 = vector.load %arg2[%get3A, %get3A_2] : memref<5120x512xf32, #tpu.memory_space<vmem>>, vector<5120x512xf32>
    %get3A_4 = arith.constant 0 : index
    %get3A_5 = vector.load %arg1[%get3A_4] : memref<5120xi32, #tpu.memory_space<vmem>>, vector<5120xi32>
    %reshape3A = vector.shape_cast %get3A_5 : vector<5120xi32> to vector<1x5120xi32>
    %convert_element_type3A_6 = arith.truncf %get3A_3 : vector<5120x512xf32> to vector<5120x512xbf16>
    %get3A_7 = arith.constant 0 : index
    %get3A_8 = arith.constant 0 : index
    %get3A_9 = vector.load %arg11[%get3A_7, %get3A_8] : memref<128x512xf32, #tpu.memory_space<vmem>>, vector<128x512xf32>
    %convert_element_type3A_10 = arith.truncf %get3A_9 : vector<128x512xf32> to vector<128x512xbf16>
    %dot_general3A = arith.constant dense<0.000000e+00> : vector<128x5120xf32>
    %dot_general3A_11 = tpu.matmul %convert_element_type3A_10, %convert_element_type3A_6, %dot_general3A {dimension_numbers = #tpu.dot_dimension_numbers<[1], [1], [0], [0], [0, 0, 1, 0], [], []>, transpose_lhs_hint = false} : vector<128x512xbf16>, vector<5120x512xbf16>, vector<128x5120xf32> -> vector<128x5120xf32>
    %broadcast_in_dim3A = arith.constant 1.000000e+00 : bf16
    %broadcast_in_dim3A_12 = vector.broadcast %broadcast_in_dim3A : bf16 to vector<1x512xbf16>
    %mul3A = arith.mulf %convert_element_type3A_6, %convert_element_type3A_6 : vector<5120x512xbf16>
    %dot_general3A_13 = arith.constant dense<0.000000e+00> : vector<1x5120xf32>
    %dot_general3A_14 = tpu.matmul %broadcast_in_dim3A_12, %mul3A, %dot_general3A_13 {dimension_numbers = #tpu.dot_dimension_numbers<[1], [1], [0], [0], [0, 0, 1, 0], [], []>, transpose_lhs_hint = false} : vector<1x512xbf16>, vector<5120x512xbf16>, vector<1x5120xf32> -> vector<1x5120xf32>
    %iota3A = tpu.iota {dimensions = array<i32: 0>} : vector<128x5120xi32>
    %iota3A_15 = tpu.iota {dimensions = array<i32: 1>} : vector<1x5120xi32>
    %mul3A_16 = arith.constant 5120 : i32
    %mul3A_17 = arith.muli %arg0, %mul3A_16 : i32
    %add3A = vector.broadcast %mul3A_17 : i32 to vector<1x5120xi32>
    %add3A_18 = arith.addi %iota3A_15, %add3A : vector<1x5120xi32>
    %eq3A_19 = vector.broadcast %reshape3A : vector<1x5120xi32> to vector<128x5120xi32>
    %eq3A_20 = arith.cmpi eq, %iota3A, %eq3A_19 : vector<128x5120xi32>
    %lt3A = arith.constant 50000 : i32
    %lt3A_21 = vector.broadcast %lt3A : i32 to vector<1x5120xi32>
    %lt3A_22 = arith.cmpi slt, %add3A_18, %lt3A_21 : vector<1x5120xi32>
    %and3A = vector.broadcast %lt3A_22 : vector<1x5120xi1> to vector<128x5120xi1>
    %and3A_23 = arith.andi %eq3A_20, %and3A : vector<128x5120xi1>
    %get3A_24 = arith.constant 0 : index
    %get3A_25 = arith.constant 0 : index
    %get3A_26 = vector.load %arg12[%get3A_24, %get3A_25] : memref<128x128xf32, #tpu.memory_space<vmem>>, vector<128x1xf32>
    %mul3A_27 = arith.constant 2.000000e+00 : f32
    %mul3A_28 = vector.broadcast %mul3A_27 : f32 to vector<128x5120xf32>
    %mul3A_29 = arith.mulf %mul3A_28, %dot_general3A_11 : vector<128x5120xf32>
    %sub3A = vector.broadcast %get3A_26 : vector<128x1xf32> to vector<128x5120xf32>
    %sub3A_30 = arith.subf %sub3A, %mul3A_29 : vector<128x5120xf32>
    %jit3A = arith.constant 0.000000e+00 : f32
    %broadcast_in_dim3A_31 = vector.broadcast %jit3A : f32 to vector<128x5120xf32>
    %select_n3A = arith.select %and3A_23, %sub3A_30, %broadcast_in_dim3A_31 : vector<128x5120xi1>, vector<128x5120xf32>
    %reduce_sum3A = arith.constant dense<0.000000e+00> : vector<5120xf32>
    %reduce_sum3A_32 = vector.multi_reduction <add>, %select_n3A, %reduce_sum3A [0] : vector<128x5120xf32> to vector<5120xf32>
    %broadcast_in_dim3A_33 = vector.shape_cast %reduce_sum3A_32 : vector<5120xf32> to vector<1x5120xf32>
    %add3A_34 = arith.addf %dot_general3A_14, %broadcast_in_dim3A_33 : vector<1x5120xf32>
    %get3A_35 = arith.constant 0 : index
    %get3A_36 = arith.constant 0 : index
    %get3A_37 = vector.load %arg8[%get3A_35, %get3A_36] : memref<1x1xf32, #tpu.memory_space<vmem>>, vector<1x1xf32>
    %get3A_38 = vector.extract %get3A_37[0, 0] : f32 from vector<1x1xf32>
    %div3A = arith.constant 1.000000e+00 : f32
    %div3A_39 = arith.divf %div3A, %get3A_38 : f32
    %max3A = arith.constant 0.000000e+00 : f32
    %max3A_40 = vector.broadcast %max3A : f32 to vector<1x5120xf32>
    %max3A_41 = arith.maximumf %add3A_34, %max3A_40 : vector<1x5120xf32>
    %sqrt3A = math.sqrt %max3A_41 : vector<1x5120xf32>
    %neg3A = arith.constant 0.000000e+00 : f32
    %neg3A_42 = vector.broadcast %neg3A : f32 to vector<1x5120xf32>
    %neg3A_43 = arith.subf %neg3A_42, %sqrt3A : vector<1x5120xf32>
    %mul3A_44 = vector.broadcast %div3A_39 : f32 to vector<1x5120xf32>
    %mul3A_45 = arith.mulf %neg3A_43, %mul3A_44 : vector<1x5120xf32>
    %reshape3A_46 = vector.shape_cast %mul3A_45 : vector<1x5120xf32> to vector<5120xf32>
    %swap3A = arith.constant 0 : index
    %swap3A_47 = vector.load %arg9[%swap3A] : memref<5120xf32, #tpu.memory_space<vmem>>, vector<5120xf32>
    tpu.vector_store %arg9[%swap3A], %reshape3A_46 {strides = array<i32>} : memref<5120xf32, #tpu.memory_space<vmem>>, vector<5120xf32>,
    %get3A_48 = arith.constant 0 : index
    %get3A_49 = arith.constant 0 : index
    %get3A_50 = vector.load %arg13[%get3A_48, %get3A_49] : memref<128x128xf32, #tpu.memory_space<vmem>>, vector<128x128xf32>
    %convert_element_type3A_51 = arith.extui %and3A_23 : vector<128x5120xi1> to vector<128x5120xi32>
    %convert_element_type3A_52 = arith.sitofp %convert_element_type3A_51 : vector<128x5120xi32> to vector<128x5120xf32>
    %reduce_sum3A_53 = arith.constant dense<0.000000e+00> : vector<128xf32>
    %reduce_sum3A_54 = vector.multi_reduction <add>, %convert_element_type3A_52, %reduce_sum3A_53 [1] : vector<128x5120xf32> to vector<128xf32>
    %broadcast_in_dim3A_55 = vector.shape_cast %reduce_sum3A_54 : vector<128xf32> to vector<128x1xf32>
    %broadcast_in_dim3A_56 = vector.shape_cast %broadcast_in_dim3A_55 : vector<128x1xf32> to vector<128x1xf32>
    %broadcast_in_dim3A_57 = vector.broadcast %broadcast_in_dim3A_56 : vector<128x1xf32> to vector<128x128xf32>
    %add3A_58 = arith.addf %get3A_50, %broadcast_in_dim3A_57 : vector<128x128xf32>
    %swap3A_59 = arith.constant 0 : index
    %swap3A_60 = arith.constant 0 : index
    %swap3A_61 = vector.load %arg13[%swap3A_59, %swap3A_60] : memref<128x128xf32, #tpu.memory_space<vmem>>, vector<128x128xf32>
    tpu.vector_store %arg13[%swap3A_59, %swap3A_60], %add3A_58 {strides = array<i32>} : memref<128x128xf32, #tpu.memory_space<vmem>>, vector<128x128xf32>,
    %eq3A_62 = arith.constant 9 : i32
    %eq3A_63 = arith.cmpi eq, %arg0, %eq3A_62 : i32
    %convert_element_type3A_64 = arith.extui %eq3A_63 : i1 to i32
    %cond3A_65 = arith.constant 0 : i32
    %cond3A_66 = arith.cmpi ne, %convert_element_type3A_64, %cond3A_65 : i32
    scf.if %cond3A_66 {
      %iota3A_67 = tpu.iota {dimensions = array<i32: 0>} : vector<128x128xi32>
      %iota3A_68 = tpu.iota {dimensions = array<i32: 1>} : vector<128x128xi32>
      %lt3A_69 = arith.cmpi slt, %iota3A_68, %iota3A_67 : vector<128x128xi32>
      %convert_element_type3A_70 = arith.extui %lt3A_69 : vector<128x128xi1> to vector<128x128xi32>
      %convert_element_type3A_71 = arith.sitofp %convert_element_type3A_70 : vector<128x128xi32> to vector<128x128xf32>
      %get3A_72 = arith.constant 0 : index
      %get3A_73 = arith.constant 0 : index
      %get3A_74 = vector.load %arg13[%get3A_72, %get3A_73] : memref<128x128xf32, #tpu.memory_space<vmem>>, vector<128x128xf32>
      %dot_general3A_75 = arith.constant dense<0.000000e+00> : vector<128x128xf32>
      %dot_general3A_76 = tpu.matmul %convert_element_type3A_71, %get3A_74, %dot_general3A_75 {dimension_numbers = #tpu.dot_dimension_numbers<[1], [0], [0], [1], [0, 0, 1, 1], [], []>, precision = #tpu.contract_precision<fp32>, transpose_lhs_hint = false} : vector<128x128xf32>, vector<128x128xf32>, vector<128x128xf32> -> vector<128x128xf32>
      %round3A = math.roundeven %dot_general3A_76 : vector<128x128xf32>
      %convert_element_type3A_77 = arith.fptosi %round3A : vector<128x128xf32> to vector<128x128xi32>
      %swap3A_78 = arith.constant 0 : index
      %swap3A_79 = arith.constant 0 : index
      %swap3A_80 = vector.load %arg10[%swap3A_78, %swap3A_79] : memref<128x128xi32, #tpu.memory_space<vmem>>, vector<128x128xi32>
      tpu.vector_store %arg10[%swap3A_78, %swap3A_79], %convert_element_type3A_77 {strides = array<i32>} : memref<128x128xi32, #tpu.memory_space<vmem>>, vector<128x128xi32>,
    } else {
    }
    return
  }
  func.func @transform_0(%arg0: i32) -> i32 {
    %c0_i32 = arith.constant 0 : i32
    return %arg0 : i32
  }
  func.func @transform_1(%arg0: i32) -> (i32, i32) {
    %c0_i32 = arith.constant 0 : i32
    %c0_i32_0 = arith.constant 0 : i32
    return %arg0, %c0_i32 : i32, i32
  }
  func.func @transform_2(%arg0: i32) -> (i32, i32) {
    %c0_i32 = arith.constant 0 : i32
    %c0_i32_0 = arith.constant 0 : i32
    %c0_i32_1 = arith.constant 0 : i32
    return %c0_i32, %c0_i32_0 : i32, i32
  }
  func.func @transform_3(%arg0: i32) -> (i32, i32) {
    %c0_i32 = arith.constant 0 : i32
    %c0_i32_0 = arith.constant 0 : i32
    %c0_i32_1 = arith.constant 0 : i32
    return %c0_i32, %c0_i32_0 : i32, i32
  }
  func.func @transform_4(%arg0: i32) -> (i32, i32) {
    %c0_i32 = arith.constant 0 : i32
    %c0_i32_0 = arith.constant 0 : i32
    %c0_i32_1 = arith.constant 0 : i32
    return %c0_i32, %c0_i32_0 : i32, i32
  }
  func.func @transform_5(%arg0: i32) -> (i32, i32) {
    %c0_i32 = arith.constant 0 : i32
    %c0_i32_0 = arith.constant 0 : i32
    %c0_i32_1 = arith.constant 0 : i32
    return %c0_i32, %c0_i32_0 : i32, i32
  }
  func.func @transform_6(%arg0: i32) -> (i32, i32) {
    %c0_i32 = arith.constant 0 : i32
    %c0_i32_0 = arith.constant 0 : i32
    %c0_i32_1 = arith.constant 0 : i32
    return %c0_i32, %c0_i32_0 : i32, i32
  }
  func.func @transform_7(%arg0: i32) -> (i32, i32) {
    %c0_i32 = arith.constant 0 : i32
    %c0_i32_0 = arith.constant 0 : i32
    %c0_i32_1 = arith.constant 0 : i32
    return %c0_i32, %c0_i32_0 : i32, i32
  }
  func.func @transform_8(%arg0: i32) -> i32 {
    %c0_i32 = arith.constant 0 : i32
    return %arg0 : i32
  }
  func.func @transform_9(%arg0: i32) -> (i32, i32) {
    %c0_i32 = arith.constant 0 : i32
    %c0_i32_0 = arith.constant 0 : i32
    %c0_i32_1 = arith.constant 0 : i32
    return %c0_i32, %c0_i32_0 : i32, i32
  }
}

</mosaic_0001>

<sc_bundles>
// kernel: kernel.4.cloned.1.call-start
scs
__scs_entry_jumppad:
0x0: {  	(pc) =	sbr.rel $0x88, $3  }
0x1: {  	(tag) =	ssettag $0x0;
	lr =	simm.s32 $0x1  }
0x2: {  	[smem:$0x3F99] =	sst lr;
	_ =	strace $0xD0000000  }
0x3: {  	_ = 	snop  }
0x4: {  	_ = 	snop  }
0x5: {  	_ = 	snop  }
0x6: {  	_ = 	snop  }
0x7: {  	_ = 	snop  }
__scs_overlays_trampoline_lowered:
0x8: {  	[smem:$0x3FA8] =	sst s0  }
0x9: {  	[smem:$0x3FA9] =	sst s1  }
0xa: {  	[smem:$0x3FAA] =	sst s2  }
0xb: {  	[smem:$0x3FAB] =	sst s3  }
0xc: {  	[smem:$0x3FAC] =	sst s4  }
0xd: {  	[smem:$0x3FAD] =	sst s5  }
0xe: {  	[smem:$0x3FAE] =	sst s6  }
0xf: {  	[smem:$0x3FAF] =	sst s7  }
0x10: {  	[smem:$0x3FB0] =	sst s8  }
0x11: {  	[smem:$0x3FB1] =	sst s9;
	s0 =	simm.s32 @!p0 $0x0  }
0x12: {  	s1 =	sld [smem:$0x3F97];
	s0 =	simm.s32 @p0 $0x1  }
0x13: {  	[smem:$0x3FB2] =	sst s0;
	s0 =	simm.s32 @!p1 $0x0  }
0x14: {  	s2 =	sld [smem:$0x3F96];
	s0 =	simm.s32 @p1 $0x1  }
0x15: {  	[smem:$0x3FB3] =	sst s0;
	s0 =	simm.s32 @!p2 $0x0  }
0x16: {  	s3 =	sld [smem:$0x3FDB];
	s0 =	simm.s32 @p2 $0x1  }
0x17: {  	s4 =	simm.s32 $0x1BF5;
	[smem:$0x3FB5] =	sst s0  }
0x18: {  	s0 =	sld [smem:$0x3F98];
	_ =	swait.ge [sflag:s4], $0x0  }
0x19: {  	s7 =	sld [smem:$0x3F99]  }
0x1a: {  	s8 =	sadd.s32 $0xFFFFE003, lr  }
0x1b: {  	s9 =	sadd.s32 $0xFFFFFEF7, lr;
	s5 =	simm.s32 $0xFFFFFFFF;
	p2 =	slt.u32 s8, $0xFFFFF086  }
0x1c: {  	p1 =	slt.u32 s9, $0xF7A;
	s5 =	simm.s32 @!p2 $0x0  }
0x1d: {  	s5 =	simm.s32 @p1 $0x1;
	p0 =	seq.s32 s7, s2  }
0x1e: {  	s7 =	smul.u32 @!p0 $0xF7A, s2;
	p2 =	seq.s32 @!p0 s5, $0x0  }
0x1f: {  	s9 =	smul.u32 $0xF7A, s1;
	s8 =	simm.s32 @!p0 $0x1BF5;
	p2 =	por !p2, p0  }
0x20: {  	[sflag:s8] =	ssyncset.s32 @!p0 $0xFFFFF086;
	s6 =	sadd.s32 @!p0 s3, s7;
	s7 =	simm.s32 @!p0 $0x108  }
0x21: {  	s3 =	sadd.s32 s3, s9;
	s6 =	sadd.s32 @!p0 $0x88, s6;
	s7 =	simm.s32 @p2 $0x1082  }
0x22: {  	[simem:s7], [sflag:s8] =	dma.local @!p0 [hbm:s6], $0xF7A  }
0x23: {  	s9 =	sor.u32 $0xD0000000, s2;
	s6 =	simm.s32 $0x108;
	_ =	swait.ge @!p0 [sflag:s8], $0x0  }
0x24: {  	s3 =	sadd.s32 $0x88, s3;
	s6 =	simm.s32 @!p1 $0x1082;
	[sflag:s4] =	ssyncset.s32 $0xFFFFF086  }
0x25: {  	[simem:s6], [sflag:s4] =	dma.local [hbm:s3], $0xF7A  }
0x26: {  	[smem:$0x3F99] =	sst s1;
	(tag) =	ssettag s2;
	_ =	strace s9  }
0x27: {  	s1 =	sld [smem:$0x3FA9]  }
0x28: {  	s2 =	sld [smem:$0x3FAA]  }
0x29: {  	s4 =	sld [smem:$0x3FAC]  }
0x2a: {  	p0 =	seq.s32 s5, $0x0;
	s5 =	sld [smem:$0x3FAD]  }
0x2b: {  	s6 =	sld [smem:$0x3FAE]  }
0x2c: {  	s7 =	sld [smem:$0x3FAF]  }
0x2d: {  	s3 =	simm.s32 $0x108;
	s8 =	sld [smem:$0x3FB0]  }
0x2e: {  	s3 =	simm.s32 @!p0 $0x1082;
	s9 =	sld [smem:$0x3FB1]  }
0x2f: {  	lr =	sadd.s32 s0, s3;
	s0 =	sld [smem:$0x3FA8]  }
0x30: {  	s3 =	sld [smem:$0x3FAB]  }
0x31: {  	[smem:$0x3FB4] =	sst s10  }
0x32: {  	s10 =	sld [smem:$0x3FB2];
	_ =	sdelay $0x3  }
0x33: {  	p0 =	seq.s32 s10, $0x1;
	s10 =	sld [smem:$0x3FB4];
	_ =	sdelay $0x3  }
0x34: {  	[smem:$0x3FB4] =	sst s10  }
0x35: {  	s10 =	sld [smem:$0x3FB3];
	_ =	sdelay $0x3  }
0x36: {  	p1 =	seq.s32 s10, $0x1;
	s10 =	sld [smem:$0x3FB4];
	_ =	sdelay $0x3  }
0x37: {  	[smem:$0x3FB4] =	sst s10  }
0x38: {  	s10 =	sld [smem:$0x3FB5]  }
0x39: {  	_ = 	snop;
	(pc) =	sbr.ind lr, $3  }
0x3a: {  	_ = 	snop  }
0x3b: {  	_ = 	snop  }
0x3c: {  	p2 =	seq.s32 s10, $0x1;
	s10 =	sld [smem:$0x3FB4]  }
0x3d: {  	_ =	shalt  }
0x3e: {  	_ =	shalt  }
0x3f: {  	_ =	shalt  }
0x40: {  	_ =	shalt  }
0x41: {  	_ =	shalt  }
0x42: {  	_ =	shalt  }
0x43: {  	_ =	shalt  }
0x44: {  	_ =	shalt  }
0x45: {  	_ =	shalt  }
0x46: {  	_ =	shalt  }
0x47: {  	_ =	shalt  }
0x48: {  	_ =	shalt  }
0x49: {  	_ =	shalt  }
0x4a: {  	_ =	shalt  }
0x4b: {  	_ =	shalt  }
0x4c: {  	_ =	shalt  }
0x4d: {  	_ =	shalt  }
0x4e: {  	_ =	shalt  }
0x4f: {  	_ =	shalt  }
0x50: {  	_ =	shalt  }
0x51: {  	_ =	shalt  }
0x52: {  	_ =	shalt  }
0x53: {  	_ =	shalt  }
0x54: {  	_ =	shalt  }
0x55: {  	_ =	shalt  }
0x56: {  	_ =	shalt  }
0x57: {  	_ =	shalt  }
0x58: {  	_ =	shalt  }
0x59: {  	_ =	shalt  }
0x5a: {  	_ =	shalt  }
0x5b: {  	_ =	shalt  }
0x5c: {  	_ =	shalt  }
0x5d: {  	_ =	shalt  }
0x5e: {  	_ =	shalt  }
0x5f: {  	_ =	shalt  }
0x60: {  	_ =	shalt  }
0x61: {  	_ =	shalt  }
0x62: {  	_ =	shalt  }
0x63: {  	_ =	shalt  }
0x64: {  	_ =	shalt  }
0x65: {  	_ =	shalt  }
0x66: {  	_ =	shalt  }
0x67: {  	_ =	shalt  }
0x68: {  	_ =	shalt  }
0x69: {  	_ =	shalt  }
0x6a: {  	_ =	shalt  }
0x6b: {  	_ =	shalt  }
0x6c: {  	_ =	shalt  }
0x6d: {  	_ =	shalt  }
0x6e: {  	_ =	shalt  }
0x6f: {  	_ =	shalt  }
0x70: {  	_ =	shalt  }
0x71: {  	_ =	shalt  }
0x72: {  	_ =	shalt  }
0x73: {  	_ =	shalt  }
0x74: {  	_ =	shalt  }
0x75: {  	_ =	shalt  }
0x76: {  	_ =	shalt  }
0x77: {  	_ =	shalt  }
0x78: {  	_ =	shalt  }
0x79: {  	_ =	shalt  }
0x7a: {  	_ =	shalt  }
0x7b: {  	_ =	shalt  }
0x7c: {  	_ =	shalt  }
0x7d: {  	_ =	shalt  }
0x7e: {  	_ =	shalt  }
0x7f: {  	_ =	shalt  }
0x80: {  	_ =	shalt  }
0x81: {  	_ =	shalt  }
0x82: {  	_ =	shalt  }
0x83: {  	_ =	shalt  }
0x84: {  	_ =	shalt  }
0x85: {  	_ =	shalt  }
0x86: {  	_ =	shalt  }
0x87: {  	_ =	shalt  }
.Lfunc_end0:
.L_simem_size_0:
called_computation_lowered:
.L_overlay_start_0:
0x88: {  	s2 =	sld [smem:$0x3FD9]  }
0x89: {  	s3 =	sld [smem:$0x3FFE];
	_ =	sdelay $0x1  }
0x8a: {  	s1 =	srdreg.scid  }
0x8b: {  	s0 =	sand.u32 $0x1, s1  }
0x8c: {  	s17 =	sshll.u32 s0, $0xA;
	s2 =	sadd.s32 s3, s2  }
0x8d: {  	s2 =	sadd.s32 s2, s17  }
0x8e: {  	[smem:$0x3FC0] =	sst s2  }
0x8f: {  	_ = 	snop  }
0x90: {  	s2 =	sld [smem:$0x3FD0];
	(tm) =	ssettm $0x1  }
0x91: {  	s18 =	sld [smem:$0x3FFB];
	_ =	sdelay $0x3  }
0x92: {  	_ =	strace s18  }
0x93: {  	s3 =	sld [smem:$0x3FFC];
	_ =	sdelay $0x3  }
0x94: {  	_ =	strace s3  }
0x95: {  	s3 =	sld [smem:$0x3FFD];
	_ =	sdelay $0x3  }
0x96: {  	_ =	strace s3  }
0x97: {  	_ =	strace $0x8FFFFFFF  }
0x98: {  	s19 =	sld [smem:$0x3FDB];
	_ =	sdelay $0x1  }
0x99: {  	s4 =	simm.s32 $_scs_section_size  }
0x9a: {  	s5 =	simm.s32 $_size__tile_overlayer_lowered;
	s6 =	simm.s32 $_tile_overlayer_lowered  }
0x9b: {  	s22 =	simm.s32 $0x1BFF;
	s21 =	sshll.u32 s6, $0x1;
	s3 =	sadd.s32 s4, s19  }
0x9c: {  	s7 =	simm.s32 $0x0;
	s20 =	sshll.u32 s5, $0x1;
	s5 =	sadd.s32 s21, s3  }
0x9d: {  	[timem:s7], [sflag:s22] =	dma.local [hbm:s5], s20  }
0x9e: {  	_ =	swait.ge [sflag:s22], s20  }
0x9f: {  	s4 =	ssub.s32 $0x0, s20;
	[sflag:s22] =	ssyncset.done $0x0  }
0xa0: {  	[sflag:s22] =	ssyncadd.s32 s4;
	_ =	sdelay $0x1  }
0xa1: {  	s23 =	simm.s32 $0x1B8B  }
0xa2: {  	_ =	swait.ge [sflag:s23], $0x1  }
0xa3: {  	[sflag:s23] =	ssyncset.done $0x0  }
0xa4: {  	s25 =	simm.s32 $0x1B8E;
	s24 =	sld [smem:$0x3FFE];
	[sflag:s23] =	ssyncadd.s32 $0xFFFFFFFF  }
0xa5: {  	s26 =	simm.s32 $execute0_lowered;
	[smem:$0x3FD2] =	sst s25  }
0xa6: {  	s5 =	sshll.u32 s26, $0x1;
	_ =	strace $0x80000046;
	[dreg:$0x1] =	wrdreg $0xFFFFFFFF  }
0xa7: {  	s28 =	simm.s32 $_size_execute0_lowered;
	s3 =	sadd.s32 s3, s5;
	[dreg:$0x0] =	wrdreg $0x0  }
0xa8: {  	s5 =	sshll.u32 s28, $0x1;
	[dreg:$0x2] =	wrdreg s3  }
0xa9: {  	[dreg:$0x3] =	wrdreg s5  }
0xaa: {  	[dreg:$0x4] =	wrdreg $0xC0  }
0xab: {  	_ =	task [dreg:s7], $0x5FFFF  }
0xac: {  	[dreg:$0x1] =	wrdreg $0xFFFFFFFF  }
0xad: {  	[dreg:$0x0] =	wrdreg $0x60  }
0xae: {  	[dreg:$0x2] =	wrdreg s24  }
0xaf: {  	[dreg:$0x3] =	wrdreg s2  }
0xb0: {  	[dreg:$0x4] =	wrdreg $0x9  }
0xb1: {  	_ =	task.clear_ibuf [dreg:s7], $0x5FFFF;
	_ =	strace $0x90000046  }
0xb2: {  	s29 =	simm.s32 $0x9;
	_ =	strace $0x80000048  }
0xb3: {  	_ =	swait.ge [sflag:s29], $0x1  }
0xb4: {  	[sflag:s29] =	ssyncadd.s32 $0xFFFFFFFF  }
0xb5: {  	_ =	strace $0x90000048  }
0xb6: {  	_ =	sfence  }
0xb7: {  	s30 =	sld [smem:$0x0];
	_ =	sdelay $0x2  }
0xb8: {  	s31 =	sshll.u32 s1, $0xD;
	s1 =	sshrl.u32 s1, $0x2  }
0xb9: {  	s3 =	sand.u32 $0x4000, s31;
	s1 =	sadd.s32 s1, s30  }
0xba: {  	s0 =	sor.u32 s3, s0;
	s1 =	sshll.u32 s1, $0x11  }
0xbb: {  	s0 =	sor.u32 s1, s0  }
0xbc: {  	s0 =	sadd.s32 $0x8F2B, s0  }
0xbd: {  	[sflag:s0] =	ssyncadd.remote.s32 $0x1  }
0xbe: {  	_ =	sfence.sel $0xFFFF  }
0xbf: {  	[dreg:$0x0] =	wrdreg $0xFFFFFFFF;
	(pc) =	sbr.abs _section_cstart, $3  }
0xc0: {  	[dreg:$0x1] =	wrdreg $0xFFFFFFFF  }
0xc1: {  	_ =	task.clear_ibuf [dreg:s7], $0x2FFFF;
	_ =	strace $0x9FFFFFFF  }
0xc2: {  	(tm) =	ssettm $0x7FFFFFFF  }
0xc3: {  	_ =	shalt  }
tec
execute0_lowered:
.L_overlay_start_1:
0x0: {  	(tag) =	ssettag $0x1  }
0x1: {  	s1 =	srdreg.scid;
	s0 =	stileid.u32  }
0x2: {  	s5 =	sand.u32 $0x1, s1;
	s11 =	sshll.u32 s0, $0x1  }
0x3: {  	s1 =	sor.u32 s5, s11  }
0x4: {  	s4 =	rddreg [dreg:$0x0];
	s2 =	smul.u32 $0x3, s1  }
0x5: {  	s3 =	rddreg [dreg:$0x1];
	s1 =	smin.u32 s1, $0x4  }
0x6: {  	s6 =	sadd.s32 s1, s2;
	s1 =	rddreg [dreg:$0x2];
	s2 =	simm.s32 $0x0  }
0x7: {  	s12 =	simm.s32 $0x800;
	[smem:$0x7FF] =	sst s2  }
0x8: {  	s13 =	simm.s32 $0xA10;
	_ =	strace $0x80000047;
	[dreg:$0x4] =	wrdreg s12  }
0x9: {  	s14 =	simm.s32 $0xC20;
	[dreg:$0x5] =	wrdreg s13  }
0xa: {  	s15 =	simm.s32 $0xE30;
	[dreg:$0x6] =	wrdreg s14  }
0xb: {  	s16 =	simm.s32 $0x1080;
	[dreg:$0x7] =	wrdreg s15  }
0xc: {  	s18 =	simm.s32 $0x1280;
	s20 =	simm.s32 $0x1480;
	[dreg:$0x8] =	wrdreg s16  }
0xd: {  	s23 =	simm.s32 $0x1680;
	s24 =	simm.s32 $0x1100;
	[dreg:$0xa] =	wrdreg s18  }
0xe: {  	s26 =	simm.s32 $0x1300;
	s28 =	simm.s32 $0x1500;
	[dreg:$0xc] =	wrdreg s20  }
0xf: {  	s29 =	simm.s32 $0x1700;
	s10 =	simm.s32 $0x1180;
	[dreg:$0xe] =	wrdreg s23  }
0x10: {  	s30 =	simm.s32 $0x1380;
	s22 =	ssub.s32 $0x2, s5;
	[dreg:$0xf] =	wrdreg s24  }
0x11: {  	v0 =	vlaneseq.u32;
	s31 =	simm.s32 $0x1580;
	s9 =	sshrl.u32 s22, $0x1;
	[dreg:$0x11] =	wrdreg s26  }
0x12: {  	v1 =	vor.u32 $0x10, v0;
	p0 =	sgt.u32 s0, $0x1;
	s9 =	ssub.s32 s22, s9;
	[dreg:$0x12] =	wrdreg s28  }
0x13: {  	v2 =	vor.u32 $0x20, v0;
	v3 =	vor.u32 $0x30, v0;
	v4 =	vor.u32 $0x40, v0;
	s11 =	simm.s32 $0x1;
	s9 =	smax.u32 s9, $0x1;
	[dreg:$0x13] =	wrdreg s29  }
0x14: {  	v5 =	vor.u32 $0x50, v0;
	v6 =	vor.u32 $0x60, v0;
	v7 =	vor.u32 $0x70, v0;
	s7 =	sshll.u32 s6, $0x4;
	s8 =	sshll.u32 s6, $0x6;
	[dreg:$0x14] =	wrdreg s10  }
0x15: {  	v8 =	vor.u32 $0x80, v0;
	v9 =	vor.u32 $0x90, v0;
	v10 =	vor.u32 $0xA0, v0;
	s6 =	sshll.u32 s6, $0x7;
	s7 =	sand.u32 $0xF80, s7;
	[dreg:$0x15] =	wrdreg s30  }
0x16: {  	v11 =	vor.u32 $0xB0, v0;
	v12 =	vor.u32 $0xC0, v0;
	v13 =	vor.u32 $0xD0, v0;
	s3 =	sadd.s32 s3, s8;
	[dreg:$0x16] =	wrdreg s31;
	s12 =	simm.s32 $0x1780  }
0x17: {  	v14 =	vor.u32 $0xE0, v0;
	v15 =	vor.u32 $0xF0, v0;
	v16 =	vor.u32 $0x100, v0;
	s6 =	sand.u32 $0x380, s6;
	s17 =	sadd.s32 $0x10, s3;
	[dreg:$0x17] =	wrdreg s12  }
0x18: {  	v17 =	vor.u32 $0x110, v0;
	v18 =	vor.u32 $0x120, v0;
	v19 =	vor.u32 $0x130, v0;
	s10 =	simm.s32 $0x2;
	s19 =	sadd.s32 $0x20, s3;
	[dreg:$0x9] =	wrdreg s17  }
0x19: {  	v20 =	vor.u32 $0x140, v0;
	v21 =	vor.u32 $0x150, v0;
	v22 =	vor.u32 $0x160, v0;
	s7 =	sadd.s32 s7, s4;
	s21 =	sadd.s32 $0x30, s3;
	[dreg:$0xb] =	wrdreg s19  }
0x1a: {  	v23 =	vor.u32 $0x170, v0;
	v24 =	vor.u32 $0x180, v0;
	v25 =	vor.u32 $0x190, v0;
	s5 =	sadd.s32 $0x40, s3;
	s7 =	sadd.s32 $0x3000, s7;
	[dreg:$0xd] =	wrdreg s21  }
0x1b: {  	v26 =	vor.u32 $0x1A0, v0;
	v27 =	vor.u32 $0x1B0, v0;
	v28 =	vor.u32 $0x1C0, v0;
	s4 =	sadd.s32 $0x1600, s4;
	s25 =	sadd.s32 $0x10, s5;
	[dreg:$0x3] =	wrdreg s7  }
0x1c: {  	v29 =	vor.u32 $0x1D0, v0;
	v30 =	vor.u32 $0x1E0, v0;
	v31 =	vor.u32 $0x1F0, v0;
	s8 =	sadd.s32 $0xC0, s3;
	[dreg:$0x10] =	wrdreg s25;
	s7 =	sadd.s32 $0x80, s3  }
.LBB2_1:
0x1d: {  	s12 =	rddreg [dreg:$0x3]  }
0x1e: {  	[tilespmem:s2], [sflag:$0x2] =	stream.linear.gather [hbm4b:s12+s2], $0x800, $0x38;
	[tilespmem:$0x1880] =	vst v63  }
0x1f: {  	_ =	swait.ge [sflag:s10], $0x800  }
0x20: {  	[sflag:s10] =	ssyncset.done $0x0  }
0x21: {  	[sflag:s10] =	ssyncadd.s32 $0xFFFFF800  }
0x22: {  	v32 =	vld [tilespmem:s6+$0x0];
	_ =	sdelay $0x4  }
0x23: {  	(v2sf) =	vpush v32, $0x0  }
0x24: {  	v56 =	vld [tilespmem:s6+$0x80];
	_ =	sdelay $0x4  }
0x25: {  	(v2sf) =	vpush v56, $0x0;
	_ =	sdelay $0x4  }
0x26: {  	v57 =	vld [tilespmem:s6+$0x100];
	_ =	sdelay $0x3  }
0x27: {  	s20 =	spop (v2sf)  }
0x28: {  	(v2sf) =	vpush v57, $0x0;
	s22 =	sand.u32 $0xF, s20  }
0x29: {  	s13 =	sshra.s32 s20, $0x1F;
	p1 =	slt.s32 s20, $0x1;
	p2 =	sne.s32 s22, $0x0  }
0x2a: {  	v58 =	vld [tilespmem:s6+$0x180];
	s23 =	sshrl.u32 s13, $0x1C;
	p1 =	por !p1, !p2  }
0x2b: {  	s13 =	simm.s32 $0x1;
	s12 =	sadd.s32 s23, s20;
	p1 =	por !p1, !p1  }
0x2c: {  	s12 =	sshrl.u32 s12, $0x4;
	s13 =	simm.s32 @!p1 $0x0  }
0x2d: {  	s24 =	rddreg [dreg:$0x4];
	s17 =	spop (v2sf);
	s12 =	ssub.s32 s12, s13  }
0x2e: {  	s26 =	sand.u32 $0xF, s17;
	s28 =	sshra.s32 s17, $0x1F;
	s19 =	sshll.u32 s12, $0x4  }
0x2f: {  	(v2sf) =	vpush v58, $0x0;
	p5 =	slt.s32 s17, $0x1;
	p6 =	sne.s32 s26, $0x0;
	s25 =	sshrl.u32 s19, $0x3  }
0x30: {  	s29 =	sshrl.u32 s28, $0x1C;
	p1 =	por !p5, !p6;
	s13 =	sadd.s32 s4, s25  }
0x31: {  	v33 =	vld [tilespmem:s6+$0x200];
	[tilespmem:s24], [sflag:$0x1] =	stream.linear.gather [hbm4b:s13+s2], $0x210, $0x38  }
0x32: {  	p1 =	por !p1, !p1;
	s12 =	sadd.s32 s29, s17;
	s13 =	simm.s32 $0x1  }
0x33: {  	s12 =	sshrl.u32 s12, $0x4;
	s13 =	simm.s32 @!p1 $0x0  }
0x34: {  	s12 =	ssub.s32 s12, s13  }
0x35: {  	s18 =	sshll.u32 s12, $0x4  }
0x36: {  	s31 =	sshrl.u32 s18, $0x3  }
0x37: {  	s30 =	rddreg [dreg:$0x5];
	s15 =	spop (v2sf);
	s13 =	sadd.s32 s4, s31  }
0x38: {  	[tilespmem:s30], [sflag:$0x1] =	stream.linear.gather [hbm4b:s13+s2], $0x210, $0x38;
	[tilespmem:$0x1880] =	vst v63  }
0x39: {  	(v2sf) =	vpush v33, $0x0;
	s13 =	sand.u32 $0xF, s15  }
0x3a: {  	s14 =	sshra.s32 s15, $0x1F;
	p3 =	slt.s32 s15, $0x1;
	p4 =	sne.s32 s13, $0x0  }
0x3b: {  	s16 =	sshrl.u32 s14, $0x1C;
	p1 =	por !p3, !p4  }
0x3c: {  	s13 =	simm.s32 $0x1;
	s12 =	sadd.s32 s16, s15;
	p1 =	por !p1, !p1  }
0x3d: {  	s12 =	sshrl.u32 s12, $0x4;
	s13 =	simm.s32 @!p1 $0x0  }
0x3e: {  	s21 =	rddreg [dreg:$0x6];
	s22 =	spop (v2sf);
	s12 =	ssub.s32 s12, s13  }
0x3f: {  	s23 =	sand.u32 $0xF, s22;
	s24 =	sshra.s32 s22, $0x1F;
	s16 =	sshll.u32 s12, $0x4  }
0x40: {  	p5 =	slt.s32 s22, $0x1;
	p6 =	sne.s32 s23, $0x0;
	s14 =	sshrl.u32 s16, $0x3  }
0x41: {  	s25 =	sshrl.u32 s24, $0x1C;
	p1 =	por !p5, !p6;
	s14 =	sadd.s32 s4, s14  }
0x42: {  	[tilespmem:s21], [sflag:$0x1] =	stream.linear.gather [hbm4b:s14+s2], $0x210, $0x38;
	[tilespmem:$0x1880] =	vst v63  }
0x43: {  	s13 =	sadd.s32 s25, s22;
	p1 =	por !p1, !p1;
	s14 =	simm.s32 $0x1  }
0x44: {  	s13 =	sshrl.u32 s13, $0x4;
	s14 =	simm.s32 @!p1 $0x0  }
0x45: {  	s13 =	ssub.s32 s13, s14  }
0x46: {  	s13 =	sshll.u32 s13, $0x4  }
0x47: {  	s21 =	sshrl.u32 s13, $0x3  }
0x48: {  	s26 =	rddreg [dreg:$0x7];
	s21 =	sadd.s32 s4, s21;
	s28 =	spop (v2sf)  }
0x49: {  	[tilespmem:s26], [sflag:$0x1] =	stream.linear.gather [hbm4b:s21+s2], $0x210, $0x38;
	[tilespmem:$0x1880] =	vst v63  }
0x4a: {  	_ =	swait.ge [sflag:s11], $0x210  }
0x4b: {  	[sflag:s11] =	ssyncset.done $0x0  }
0x4c: {  	[sflag:s11] =	ssyncadd.s32 $0xFFFFFDF0  }
0x4d: {  	_ =	swait.ge [sflag:s11], $0x210  }
0x4e: {  	[sflag:s11] =	ssyncset.done $0x0  }
0x4f: {  	[sflag:s11] =	ssyncadd.s32 $0xFFFFFDF0  }
0x50: {  	_ =	swait.ge [sflag:s11], $0x210  }
0x51: {  	[sflag:s11] =	ssyncset.done $0x0  }
0x52: {  	[sflag:s11] =	ssyncadd.s32 $0xFFFFFDF0  }
0x53: {  	_ =	swait.ge [sflag:s11], $0x210  }
0x54: {  	[sflag:s11] =	ssyncset.done $0x0  }
0x55: {  	s19 =	ssub.s32 s20, s19;
	[sflag:s11] =	ssyncadd.s32 $0xFFFFFDF0  }
0x56: {  	v59 =	vld [tilespmem:s19+$0x800];
	_ =	sdelay $0x1  }
0x57: {  	s20 =	ssub.s32 s17, s20  }
0x58: {  	v60 =	vmov s20  }
0x59: {  	vm0 =	vgt.s32 v60, v0  }
0x5a: {  	v32 =	vnsel vm0, $0xCE6E6B28, v59  }
0x5b: {  	[tilespmem:$0x1080] =	vst v32  }
0x5c: {  	v32 =	vld [tilespmem:s19+$0x810];
	_ =	sdelay $0x3  }
0x5d: {  	vm9 =	vgt.s32 v60, v1  }
0x5e: {  	v32 =	vnsel vm9, $0xCE6E6B28, v32  }
0x5f: {  	[tilespmem:$0x1090] =	vst v32  }
0x60: {  	v32 =	vld [tilespmem:s19+$0x820];
	_ =	sdelay $0x3  }
0x61: {  	vm10 =	vgt.s32 v60, v2  }
0x62: {  	v32 =	vnsel vm10, $0xCE6E6B28, v32  }
0x63: {  	[tilespmem:$0x10A0] =	vst v32  }
0x64: {  	v32 =	vld [tilespmem:s19+$0x830];
	_ =	sdelay $0x3  }
0x65: {  	vm11 =	vgt.s32 v60, v3  }
0x66: {  	v32 =	vnsel vm11, $0xCE6E6B28, v32  }
0x67: {  	[tilespmem:$0x10B0] =	vst v32  }
0x68: {  	v32 =	vld [tilespmem:s19+$0x840];
	_ =	sdelay $0x3  }
0x69: {  	vm12 =	vgt.s32 v60, v4  }
0x6a: {  	v32 =	vnsel vm12, $0xCE6E6B28, v32  }
0x6b: {  	[tilespmem:$0x10C0] =	vst v32  }
0x6c: {  	v32 =	vld [tilespmem:s19+$0x850];
	_ =	sdelay $0x3  }
0x6d: {  	vm13 =	vgt.s32 v60, v5  }
0x6e: {  	v32 =	vnsel vm13, $0xCE6E6B28, v32  }
0x6f: {  	[tilespmem:$0x10D0] =	vst v32  }
0x70: {  	v32 =	vld [tilespmem:s19+$0x860];
	_ =	sdelay $0x3  }
0x71: {  	vm14 =	vgt.s32 v60, v6  }
0x72: {  	v32 =	vnsel vm14, $0xCE6E6B28, v32  }
0x73: {  	[tilespmem:$0x10E0] =	vst v32  }
0x74: {  	v32 =	vld [tilespmem:s19+$0x870];
	_ =	sdelay $0x3  }
0x75: {  	vm15 =	vgt.s32 v60, v7  }
0x76: {  	v32 =	vnsel vm15, $0xCE6E6B28, v32  }
0x77: {  	[tilespmem:$0x10F0] =	vst v32  }
0x78: {  	v32 =	vld [tilespmem:s19+$0x880];
	_ =	sdelay $0x3  }
0x79: {  	vm4 =	vgt.s32 v60, v8  }
0x7a: {  	v32 =	vnsel vm4, $0xCE6E6B28, v32  }
0x7b: {  	[tilespmem:$0x1280] =	vst v32  }
0x7c: {  	v32 =	vld [tilespmem:s19+$0x890];
	_ =	sdelay $0x3  }
0x7d: {  	vm5 =	vgt.s32 v60, v9  }
0x7e: {  	v32 =	vnsel vm5, $0xCE6E6B28, v32  }
0x7f: {  	[tilespmem:$0x1290] =	vst v32  }
0x80: {  	v32 =	vld [tilespmem:s19+$0x8A0];
	_ =	sdelay $0x3  }
0x81: {  	vm6 =	vgt.s32 v60, v10  }
0x82: {  	v32 =	vnsel vm6, $0xCE6E6B28, v32  }
0x83: {  	[tilespmem:$0x12A0] =	vst v32  }
0x84: {  	v32 =	vld [tilespmem:s19+$0x8B0];
	_ =	sdelay $0x3  }
0x85: {  	vm7 =	vgt.s32 v60, v11  }
0x86: {  	v32 =	vnsel vm7, $0xCE6E6B28, v32  }
0x87: {  	[tilespmem:$0x12B0] =	vst v32  }
0x88: {  	v32 =	vld [tilespmem:s19+$0x8C0];
	_ =	sdelay $0x3  }
0x89: {  	vm8 =	vgt.s32 v60, v12  }
0x8a: {  	v32 =	vnsel vm8, $0xCE6E6B28, v32  }
0x8b: {  	[tilespmem:$0x12C0] =	vst v32  }
0x8c: {  	v32 =	vld [tilespmem:s19+$0x8D0];
	_ =	sdelay $0x3  }
0x8d: {  	vm9 =	vgt.s32 v60, v13  }
0x8e: {  	v32 =	vnsel vm9, $0xCE6E6B28, v32  }
0x8f: {  	[tilespmem:$0x12D0] =	vst v32  }
0x90: {  	v32 =	vld [tilespmem:s19+$0x8E0];
	_ =	sdelay $0x3  }
0x91: {  	vm10 =	vgt.s32 v60, v14  }
0x92: {  	v32 =	vnsel vm10, $0xCE6E6B28, v32  }
0x93: {  	[tilespmem:$0x12E0] =	vst v32  }
0x94: {  	v32 =	vld [tilespmem:s19+$0x8F0];
	_ =	sdelay $0x3  }
0x95: {  	vm11 =	vgt.s32 v60, v15  }
0x96: {  	v32 =	vnsel vm11, $0xCE6E6B28, v32  }
0x97: {  	[tilespmem:$0x12F0] =	vst v32  }
0x98: {  	v32 =	vld [tilespmem:s19+$0x900];
	_ =	sdelay $0x3  }
0x99: {  	vm12 =	vgt.s32 v60, v16  }
0x9a: {  	v32 =	vnsel vm12, $0xCE6E6B28, v32  }
0x9b: {  	[tilespmem:$0x1480] =	vst v32  }
0x9c: {  	v32 =	vld [tilespmem:s19+$0x910];
	_ =	sdelay $0x3  }
0x9d: {  	vm13 =	vgt.s32 v60, v17  }
0x9e: {  	v32 =	vnsel vm13, $0xCE6E6B28, v32  }
0x9f: {  	[tilespmem:$0x1490] =	vst v32  }
0xa0: {  	v32 =	vld [tilespmem:s19+$0x920];
	_ =	sdelay $0x3  }
0xa1: {  	vm14 =	vgt.s32 v60, v18  }
0xa2: {  	v32 =	vnsel vm14, $0xCE6E6B28, v32  }
0xa3: {  	[tilespmem:$0x14A0] =	vst v32  }
0xa4: {  	v32 =	vld [tilespmem:s19+$0x930];
	_ =	sdelay $0x3  }
0xa5: {  	vm15 =	vgt.s32 v60, v19  }
0xa6: {  	v32 =	vnsel vm15, $0xCE6E6B28, v32  }
0xa7: {  	[tilespmem:$0x14B0] =	vst v32  }
0xa8: {  	v32 =	vld [tilespmem:s19+$0x940];
	_ =	sdelay $0x3  }
0xa9: {  	vm4 =	vgt.s32 v60, v20  }
0xaa: {  	v32 =	vnsel vm4, $0xCE6E6B28, v32  }
0xab: {  	[tilespmem:$0x14C0] =	vst v32  }
0xac: {  	v32 =	vld [tilespmem:s19+$0x950];
	_ =	sdelay $0x3  }
0xad: {  	vm5 =	vgt.s32 v60, v21  }
0xae: {  	v32 =	vnsel vm5, $0xCE6E6B28, v32  }
0xaf: {  	[tilespmem:$0x14D0] =	vst v32  }
0xb0: {  	v32 =	vld [tilespmem:s19+$0x960];
	_ =	sdelay $0x3  }
0xb1: {  	vm6 =	vgt.s32 v60, v22  }
0xb2: {  	v32 =	vnsel vm6, $0xCE6E6B28, v32  }
0xb3: {  	[tilespmem:$0x14E0] =	vst v32  }
0xb4: {  	v32 =	vld [tilespmem:s19+$0x970];
	_ =	sdelay $0x3  }
0xb5: {  	vm7 =	vgt.s32 v60, v23  }
0xb6: {  	v32 =	vnsel vm7, $0xCE6E6B28, v32  }
0xb7: {  	[tilespmem:$0x14F0] =	vst v32  }
0xb8: {  	v32 =	vld [tilespmem:s19+$0x980];
	_ =	sdelay $0x3  }
0xb9: {  	vm8 =	vgt.s32 v60, v24  }
0xba: {  	v32 =	vnsel vm8, $0xCE6E6B28, v32  }
0xbb: {  	[tilespmem:$0x1680] =	vst v32  }
0xbc: {  	v32 =	vld [tilespmem:s19+$0x990];
	_ =	sdelay $0x3  }
0xbd: {  	vm9 =	vgt.s32 v60, v25  }
0xbe: {  	v32 =	vnsel vm9, $0xCE6E6B28, v32  }
0xbf: {  	[tilespmem:$0x1690] =	vst v32  }
0xc0: {  	v32 =	vld [tilespmem:s19+$0x9A0];
	_ =	sdelay $0x3  }
0xc1: {  	vm10 =	vgt.s32 v60, v26  }
0xc2: {  	v32 =	vnsel vm10, $0xCE6E6B28, v32  }
0xc3: {  	[tilespmem:$0x16A0] =	vst v32  }
0xc4: {  	v32 =	vld [tilespmem:s19+$0x9B0];
	_ =	sdelay $0x3  }
0xc5: {  	vm11 =	vgt.s32 v60, v27  }
0xc6: {  	v32 =	vnsel vm11, $0xCE6E6B28, v32  }
0xc7: {  	[tilespmem:$0x16B0] =	vst v32  }
0xc8: {  	v32 =	vld [tilespmem:s19+$0x9C0];
	_ =	sdelay $0x3  }
0xc9: {  	vm12 =	vgt.s32 v60, v28  }
0xca: {  	v32 =	vnsel vm12, $0xCE6E6B28, v32  }
0xcb: {  	[tilespmem:$0x16C0] =	vst v32  }
0xcc: {  	v32 =	vld [tilespmem:s19+$0x9D0];
	_ =	sdelay $0x3  }
0xcd: {  	vm13 =	vgt.s32 v60, v29  }
0xce: {  	v32 =	vnsel vm13, $0xCE6E6B28, v32  }
0xcf: {  	[tilespmem:$0x16D0] =	vst v32  }
0xd0: {  	v32 =	vld [tilespmem:s19+$0x9E0];
	_ =	sdelay $0x3  }
0xd1: {  	vm14 =	vgt.s32 v60, v30  }
0xd2: {  	v32 =	vnsel vm14, $0xCE6E6B28, v32  }
0xd3: {  	[tilespmem:$0x16E0] =	vst v32  }
0xd4: {  	v32 =	vld [tilespmem:s19+$0x9F0];
	_ =	sdelay $0x3  }
0xd5: {  	vm15 =	vgt.s32 v60, v31  }
0xd6: {  	v32 =	vnsel vm15, $0xCE6E6B28, v32  }
0xd7: {  	s18 =	ssub.s32 s17, s18;
	[tilespmem:$0x16F0] =	vst v32  }
0xd8: {  	v32 =	vld [tilespmem:s18+$0xA10];
	_ =	sdelay $0x1  }
0xd9: {  	s17 =	ssub.s32 s15, s17  }
0xda: {  	v61 =	vmov s17  }
0xdb: {  	vm4 =	vgt.s32 v61, v0  }
0xdc: {  	v32 =	vnsel vm4, $0xCE6E6B28, v32  }
0xdd: {  	[tilespmem:$0x1100] =	vst v32  }
0xde: {  	v32 =	vld [tilespmem:s18+$0xA20];
	_ =	sdelay $0x3  }
0xdf: {  	vm5 =	vgt.s32 v61, v1  }
0xe0: {  	v32 =	vnsel vm5, $0xCE6E6B28, v32  }
0xe1: {  	[tilespmem:$0x1110] =	vst v32  }
0xe2: {  	v32 =	vld [tilespmem:s18+$0xA30];
	_ =	sdelay $0x3  }
0xe3: {  	vm6 =	vgt.s32 v61, v2  }
0xe4: {  	v32 =	vnsel vm6, $0xCE6E6B28, v32  }
0xe5: {  	[tilespmem:$0x1120] =	vst v32  }
0xe6: {  	v32 =	vld [tilespmem:s18+$0xA40];
	_ =	sdelay $0x3  }
0xe7: {  	vm7 =	vgt.s32 v61, v3  }
0xe8: {  	v32 =	vnsel vm7, $0xCE6E6B28, v32  }
0xe9: {  	[tilespmem:$0x1130] =	vst v32  }
0xea: {  	v32 =	vld [tilespmem:s18+$0xA50];
	_ =	sdelay $0x3  }
0xeb: {  	vm8 =	vgt.s32 v61, v4  }
0xec: {  	v32 =	vnsel vm8, $0xCE6E6B28, v32  }
0xed: {  	[tilespmem:$0x1140] =	vst v32  }
0xee: {  	v32 =	vld [tilespmem:s18+$0xA60];
	_ =	sdelay $0x3  }
0xef: {  	vm9 =	vgt.s32 v61, v5  }
0xf0: {  	v32 =	vnsel vm9, $0xCE6E6B28, v32  }
0xf1: {  	[tilespmem:$0x1150] =	vst v32  }
0xf2: {  	v32 =	vld [tilespmem:s18+$0xA70];
	_ =	sdelay $0x3  }
0xf3: {  	vm10 =	vgt.s32 v61, v6  }
0xf4: {  	v32 =	vnsel vm10, $0xCE6E6B28, v32  }
0xf5: {  	[tilespmem:$0x1160] =	vst v32  }
0xf6: {  	v32 =	vld [tilespmem:s18+$0xA80];
	_ =	sdelay $0x3  }
0xf7: {  	vm11 =	vgt.s32 v61, v7  }
0xf8: {  	v32 =	vnsel vm11, $0xCE6E6B28, v32  }
0xf9: {  	[tilespmem:$0x1170] =	vst v32  }
0xfa: {  	v32 =	vld [tilespmem:s18+$0xA90];
	_ =	sdelay $0x3  }
0xfb: {  	vm12 =	vgt.s32 v61, v8  }
0xfc: {  	v32 =	vnsel vm12, $0xCE6E6B28, v32  }
0xfd: {  	[tilespmem:$0x1300] =	vst v32  }
0xfe: {  	v32 =	vld [tilespmem:s18+$0xAA0];
	_ =	sdelay $0x3  }
0xff: {  	vm13 =	vgt.s32 v61, v9  }
0x100: {  	v32 =	vnsel vm13, $0xCE6E6B28, v32  }
0x101: {  	[tilespmem:$0x1310] =	vst v32  }
0x102: {  	v32 =	vld [tilespmem:s18+$0xAB0];
	_ =	sdelay $0x3  }
0x103: {  	vm14 =	vgt.s32 v61, v10  }
0x104: {  	v32 =	vnsel vm14, $0xCE6E6B28, v32  }
0x105: {  	[tilespmem:$0x1320] =	vst v32  }
0x106: {  	v32 =	vld [tilespmem:s18+$0xAC0];
	_ =	sdelay $0x3  }
0x107: {  	vm15 =	vgt.s32 v61, v11  }
0x108: {  	v32 =	vnsel vm15, $0xCE6E6B28, v32  }
0x109: {  	[tilespmem:$0x1330] =	vst v32  }
0x10a: {  	v32 =	vld [tilespmem:s18+$0xAD0];
	_ =	sdelay $0x3  }
0x10b: {  	vm4 =	vgt.s32 v61, v12  }
0x10c: {  	v32 =	vnsel vm4, $0xCE6E6B28, v32  }
0x10d: {  	[tilespmem:$0x1340] =	vst v32  }
0x10e: {  	v32 =	vld [tilespmem:s18+$0xAE0];
	_ =	sdelay $0x3  }
0x10f: {  	vm5 =	vgt.s32 v61, v13  }
0x110: {  	v32 =	vnsel vm5, $0xCE6E6B28, v32  }
0x111: {  	[tilespmem:$0x1350] =	vst v32  }
0x112: {  	v32 =	vld [tilespmem:s18+$0xAF0];
	_ =	sdelay $0x3  }
0x113: {  	vm6 =	vgt.s32 v61, v14  }
0x114: {  	v32 =	vnsel vm6, $0xCE6E6B28, v32  }
0x115: {  	[tilespmem:$0x1360] =	vst v32  }
0x116: {  	v32 =	vld [tilespmem:s18+$0xB00];
	_ =	sdelay $0x3  }
0x117: {  	vm7 =	vgt.s32 v61, v15  }
0x118: {  	v32 =	vnsel vm7, $0xCE6E6B28, v32  }
0x119: {  	[tilespmem:$0x1370] =	vst v32  }
0x11a: {  	v32 =	vld [tilespmem:s18+$0xB10];
	_ =	sdelay $0x3  }
0x11b: {  	vm8 =	vgt.s32 v61, v16  }
0x11c: {  	v32 =	vnsel vm8, $0xCE6E6B28, v32  }
0x11d: {  	[tilespmem:$0x1500] =	vst v32  }
0x11e: {  	v32 =	vld [tilespmem:s18+$0xB20];
	_ =	sdelay $0x3  }
0x11f: {  	vm9 =	vgt.s32 v61, v17  }
0x120: {  	v32 =	vnsel vm9, $0xCE6E6B28, v32  }
0x121: {  	[tilespmem:$0x1510] =	vst v32  }
0x122: {  	v32 =	vld [tilespmem:s18+$0xB30];
	_ =	sdelay $0x3  }
0x123: {  	vm10 =	vgt.s32 v61, v18  }
0x124: {  	v32 =	vnsel vm10, $0xCE6E6B28, v32  }
0x125: {  	[tilespmem:$0x1520] =	vst v32  }
0x126: {  	v32 =	vld [tilespmem:s18+$0xB40];
	_ =	sdelay $0x3  }
0x127: {  	vm11 =	vgt.s32 v61, v19  }
0x128: {  	v32 =	vnsel vm11, $0xCE6E6B28, v32  }
0x129: {  	[tilespmem:$0x1530] =	vst v32  }
0x12a: {  	v32 =	vld [tilespmem:s18+$0xB50];
	_ =	sdelay $0x3  }
0x12b: {  	vm12 =	vgt.s32 v61, v20  }
0x12c: {  	v32 =	vnsel vm12, $0xCE6E6B28, v32  }
0x12d: {  	[tilespmem:$0x1540] =	vst v32  }
0x12e: {  	v32 =	vld [tilespmem:s18+$0xB60];
	_ =	sdelay $0x3  }
0x12f: {  	vm13 =	vgt.s32 v61, v21  }
0x130: {  	v32 =	vnsel vm13, $0xCE6E6B28, v32  }
0x131: {  	[tilespmem:$0x1550] =	vst v32  }
0x132: {  	v32 =	vld [tilespmem:s18+$0xB70];
	_ =	sdelay $0x3  }
0x133: {  	vm14 =	vgt.s32 v61, v22  }
0x134: {  	v32 =	vnsel vm14, $0xCE6E6B28, v32  }
0x135: {  	[tilespmem:$0x1560] =	vst v32  }
0x136: {  	v32 =	vld [tilespmem:s18+$0xB80];
	_ =	sdelay $0x3  }
0x137: {  	vm15 =	vgt.s32 v61, v23  }
0x138: {  	v32 =	vnsel vm15, $0xCE6E6B28, v32  }
0x139: {  	[tilespmem:$0x1570] =	vst v32  }
0x13a: {  	v32 =	vld [tilespmem:s18+$0xB90];
	_ =	sdelay $0x3  }
0x13b: {  	vm4 =	vgt.s32 v61, v24  }
0x13c: {  	v32 =	vnsel vm4, $0xCE6E6B28, v32  }
0x13d: {  	[tilespmem:$0x1700] =	vst v32  }
0x13e: {  	v32 =	vld [tilespmem:s18+$0xBA0];
	_ =	sdelay $0x3  }
0x13f: {  	vm5 =	vgt.s32 v61, v25  }
0x140: {  	v32 =	vnsel vm5, $0xCE6E6B28, v32  }
0x141: {  	[tilespmem:$0x1710] =	vst v32  }
0x142: {  	v32 =	vld [tilespmem:s18+$0xBB0];
	_ =	sdelay $0x3  }
0x143: {  	vm6 =	vgt.s32 v61, v26  }
0x144: {  	v32 =	vnsel vm6, $0xCE6E6B28, v32  }
0x145: {  	[tilespmem:$0x1720] =	vst v32  }
0x146: {  	v32 =	vld [tilespmem:s18+$0xBC0];
	_ =	sdelay $0x3  }
0x147: {  	vm7 =	vgt.s32 v61, v27  }
0x148: {  	v32 =	vnsel vm7, $0xCE6E6B28, v32  }
0x149: {  	[tilespmem:$0x1730] =	vst v32  }
0x14a: {  	v32 =	vld [tilespmem:s18+$0xBD0];
	_ =	sdelay $0x3  }
0x14b: {  	vm8 =	vgt.s32 v61, v28  }
0x14c: {  	v32 =	vnsel vm8, $0xCE6E6B28, v32  }
0x14d: {  	[tilespmem:$0x1740] =	vst v32  }
0x14e: {  	v32 =	vld [tilespmem:s18+$0xBE0];
	_ =	sdelay $0x3  }
0x14f: {  	vm9 =	vgt.s32 v61, v29  }
0x150: {  	v32 =	vnsel vm9, $0xCE6E6B28, v32  }
0x151: {  	[tilespmem:$0x1750] =	vst v32  }
0x152: {  	v32 =	vld [tilespmem:s18+$0xBF0];
	_ =	sdelay $0x3  }
0x153: {  	vm10 =	vgt.s32 v61, v30  }
0x154: {  	v32 =	vnsel vm10, $0xCE6E6B28, v32  }
0x155: {  	[tilespmem:$0x1760] =	vst v32  }
0x156: {  	v32 =	vld [tilespmem:s18+$0xC00];
	_ =	sdelay $0x3  }
0x157: {  	vm11 =	vgt.s32 v61, v31  }
0x158: {  	v32 =	vnsel vm11, $0xCE6E6B28, v32  }
0x159: {  	s16 =	ssub.s32 s15, s16;
	[tilespmem:$0x1770] =	vst v32  }
0x15a: {  	v32 =	vld [tilespmem:s16+$0xC20];
	_ =	sdelay $0x1  }
0x15b: {  	s15 =	ssub.s32 s22, s15  }
0x15c: {  	v62 =	vmov s15  }
0x15d: {  	vm12 =	vgt.s32 v62, v0  }
0x15e: {  	v32 =	vnsel vm12, $0xCE6E6B28, v32  }
0x15f: {  	[tilespmem:$0x1180] =	vst v32  }
0x160: {  	v32 =	vld [tilespmem:s16+$0xC30];
	_ =	sdelay $0x3  }
0x161: {  	vm13 =	vgt.s32 v62, v1  }
0x162: {  	v32 =	vnsel vm13, $0xCE6E6B28, v32  }
0x163: {  	[tilespmem:$0x1190] =	vst v32  }
0x164: {  	v32 =	vld [tilespmem:s16+$0xC40];
	_ =	sdelay $0x3  }
0x165: {  	vm14 =	vgt.s32 v62, v2  }
0x166: {  	v32 =	vnsel vm14, $0xCE6E6B28, v32  }
0x167: {  	[tilespmem:$0x11A0] =	vst v32  }
0x168: {  	v32 =	vld [tilespmem:s16+$0xC50];
	_ =	sdelay $0x3  }
0x169: {  	vm15 =	vgt.s32 v62, v3  }
0x16a: {  	v32 =	vnsel vm15, $0xCE6E6B28, v32  }
0x16b: {  	[tilespmem:$0x11B0] =	vst v32  }
0x16c: {  	v32 =	vld [tilespmem:s16+$0xC60];
	_ =	sdelay $0x3  }
0x16d: {  	vm4 =	vgt.s32 v62, v4  }
0x16e: {  	v32 =	vnsel vm4, $0xCE6E6B28, v32  }
0x16f: {  	[tilespmem:$0x11C0] =	vst v32  }
0x170: {  	v32 =	vld [tilespmem:s16+$0xC70];
	_ =	sdelay $0x3  }
0x171: {  	vm5 =	vgt.s32 v62, v5  }
0x172: {  	v32 =	vnsel vm5, $0xCE6E6B28, v32  }
0x173: {  	[tilespmem:$0x11D0] =	vst v32  }
0x174: {  	v32 =	vld [tilespmem:s16+$0xC80];
	_ =	sdelay $0x3  }
0x175: {  	vm6 =	vgt.s32 v62, v6  }
0x176: {  	v32 =	vnsel vm6, $0xCE6E6B28, v32  }
0x177: {  	[tilespmem:$0x11E0] =	vst v32  }
0x178: {  	v32 =	vld [tilespmem:s16+$0xC90];
	_ =	sdelay $0x3  }
0x179: {  	vm7 =	vgt.s32 v62, v7  }
0x17a: {  	v32 =	vnsel vm7, $0xCE6E6B28, v32  }
0x17b: {  	[tilespmem:$0x11F0] =	vst v32  }
0x17c: {  	v32 =	vld [tilespmem:s16+$0xCA0];
	_ =	sdelay $0x3  }
0x17d: {  	vm8 =	vgt.s32 v62, v8  }
0x17e: {  	v32 =	vnsel vm8, $0xCE6E6B28, v32  }
0x17f: {  	[tilespmem:$0x1380] =	vst v32  }
0x180: {  	v32 =	vld [tilespmem:s16+$0xCB0];
	_ =	sdelay $0x3  }
0x181: {  	vm9 =	vgt.s32 v62, v9  }
0x182: {  	v32 =	vnsel vm9, $0xCE6E6B28, v32  }
0x183: {  	[tilespmem:$0x1390] =	vst v32  }
0x184: {  	v32 =	vld [tilespmem:s16+$0xCC0];
	_ =	sdelay $0x3  }
0x185: {  	vm10 =	vgt.s32 v62, v10  }
0x186: {  	v32 =	vnsel vm10, $0xCE6E6B28, v32  }
0x187: {  	[tilespmem:$0x13A0] =	vst v32  }
0x188: {  	v32 =	vld [tilespmem:s16+$0xCD0];
	_ =	sdelay $0x3  }
0x189: {  	vm11 =	vgt.s32 v62, v11  }
0x18a: {  	v32 =	vnsel vm11, $0xCE6E6B28, v32  }
0x18b: {  	[tilespmem:$0x13B0] =	vst v32  }
0x18c: {  	v32 =	vld [tilespmem:s16+$0xCE0];
	_ =	sdelay $0x3  }
0x18d: {  	vm12 =	vgt.s32 v62, v12  }
0x18e: {  	v32 =	vnsel vm12, $0xCE6E6B28, v32  }
0x18f: {  	[tilespmem:$0x13C0] =	vst v32  }
0x190: {  	v32 =	vld [tilespmem:s16+$0xCF0];
	_ =	sdelay $0x3  }
0x191: {  	vm13 =	vgt.s32 v62, v13  }
0x192: {  	v32 =	vnsel vm13, $0xCE6E6B28, v32  }
0x193: {  	[tilespmem:$0x13D0] =	vst v32  }
0x194: {  	v32 =	vld [tilespmem:s16+$0xD00];
	_ =	sdelay $0x3  }
0x195: {  	vm14 =	vgt.s32 v62, v14  }
0x196: {  	v32 =	vnsel vm14, $0xCE6E6B28, v32  }
0x197: {  	[tilespmem:$0x13E0] =	vst v32  }
0x198: {  	v32 =	vld [tilespmem:s16+$0xD10];
	_ =	sdelay $0x3  }
0x199: {  	vm15 =	vgt.s32 v62, v15  }
0x19a: {  	v32 =	vnsel vm15, $0xCE6E6B28, v32  }
0x19b: {  	[tilespmem:$0x13F0] =	vst v32  }
0x19c: {  	v32 =	vld [tilespmem:s16+$0xD20];
	_ =	sdelay $0x3  }
0x19d: {  	vm4 =	vgt.s32 v62, v16  }
0x19e: {  	v32 =	vnsel vm4, $0xCE6E6B28, v32  }
0x19f: {  	[tilespmem:$0x1580] =	vst v32  }
0x1a0: {  	v32 =	vld [tilespmem:s16+$0xD30];
	_ =	sdelay $0x3  }
0x1a1: {  	vm5 =	vgt.s32 v62, v17  }
0x1a2: {  	v32 =	vnsel vm5, $0xCE6E6B28, v32  }
0x1a3: {  	[tilespmem:$0x1590] =	vst v32  }
0x1a4: {  	v32 =	vld [tilespmem:s16+$0xD40];
	_ =	sdelay $0x3  }
0x1a5: {  	vm6 =	vgt.s32 v62, v18  }
0x1a6: {  	v32 =	vnsel vm6, $0xCE6E6B28, v32  }
0x1a7: {  	[tilespmem:$0x15A0] =	vst v32  }
0x1a8: {  	v32 =	vld [tilespmem:s16+$0xD50];
	_ =	sdelay $0x3  }
0x1a9: {  	vm7 =	vgt.s32 v62, v19  }
0x1aa: {  	v32 =	vnsel vm7, $0xCE6E6B28, v32  }
0x1ab: {  	[tilespmem:$0x15B0] =	vst v32  }
0x1ac: {  	v32 =	vld [tilespmem:s16+$0xD60];
	_ =	sdelay $0x3  }
0x1ad: {  	vm8 =	vgt.s32 v62, v20  }
0x1ae: {  	v32 =	vnsel vm8, $0xCE6E6B28, v32  }
0x1af: {  	[tilespmem:$0x15C0] =	vst v32  }
0x1b0: {  	v32 =	vld [tilespmem:s16+$0xD70];
	_ =	sdelay $0x3  }
0x1b1: {  	vm9 =	vgt.s32 v62, v21  }
0x1b2: {  	v32 =	vnsel vm9, $0xCE6E6B28, v32  }
0x1b3: {  	[tilespmem:$0x15D0] =	vst v32  }
0x1b4: {  	v32 =	vld [tilespmem:s16+$0xD80];
	_ =	sdelay $0x3  }
0x1b5: {  	vm10 =	vgt.s32 v62, v22  }
0x1b6: {  	v32 =	vnsel vm10, $0xCE6E6B28, v32  }
0x1b7: {  	[tilespmem:$0x15E0] =	vst v32  }
0x1b8: {  	v32 =	vld [tilespmem:s16+$0xD90];
	_ =	sdelay $0x3  }
0x1b9: {  	vm11 =	vgt.s32 v62, v23  }
0x1ba: {  	v32 =	vnsel vm11, $0xCE6E6B28, v32  }
0x1bb: {  	[tilespmem:$0x15F0] =	vst v32  }
0x1bc: {  	v32 =	vld [tilespmem:s16+$0xDA0];
	_ =	sdelay $0x3  }
0x1bd: {  	vm12 =	vgt.s32 v62, v24  }
0x1be: {  	v32 =	vnsel vm12, $0xCE6E6B28, v32  }
0x1bf: {  	[tilespmem:$0x1780] =	vst v32  }
0x1c0: {  	v32 =	vld [tilespmem:s16+$0xDB0];
	_ =	sdelay $0x3  }
0x1c1: {  	vm13 =	vgt.s32 v62, v25  }
0x1c2: {  	v32 =	vnsel vm13, $0xCE6E6B28, v32  }
0x1c3: {  	[tilespmem:$0x1790] =	vst v32  }
0x1c4: {  	v32 =	vld [tilespmem:s16+$0xDC0];
	_ =	sdelay $0x3  }
0x1c5: {  	vm14 =	vgt.s32 v62, v26  }
0x1c6: {  	v32 =	vnsel vm14, $0xCE6E6B28, v32  }
0x1c7: {  	[tilespmem:$0x17A0] =	vst v32  }
0x1c8: {  	v32 =	vld [tilespmem:s16+$0xDD0];
	_ =	sdelay $0x3  }
0x1c9: {  	vm15 =	vgt.s32 v62, v27  }
0x1ca: {  	v32 =	vnsel vm15, $0xCE6E6B28, v32  }
0x1cb: {  	[tilespmem:$0x17B0] =	vst v32  }
0x1cc: {  	v32 =	vld [tilespmem:s16+$0xDE0];
	_ =	sdelay $0x3  }
0x1cd: {  	vm4 =	vgt.s32 v62, v28  }
0x1ce: {  	v32 =	vnsel vm4, $0xCE6E6B28, v32  }
0x1cf: {  	[tilespmem:$0x17C0] =	vst v32  }
0x1d0: {  	v32 =	vld [tilespmem:s16+$0xDF0];
	_ =	sdelay $0x3  }
0x1d1: {  	vm5 =	vgt.s32 v62, v29  }
0x1d2: {  	v32 =	vnsel vm5, $0xCE6E6B28, v32  }
0x1d3: {  	[tilespmem:$0x17D0] =	vst v32  }
0x1d4: {  	v32 =	vld [tilespmem:s16+$0xE00];
	_ =	sdelay $0x3  }
0x1d5: {  	vm6 =	vgt.s32 v62, v30  }
0x1d6: {  	v32 =	vnsel vm6, $0xCE6E6B28, v32  }
0x1d7: {  	[tilespmem:$0x17E0] =	vst v32  }
0x1d8: {  	v32 =	vld [tilespmem:s16+$0xE10];
	_ =	sdelay $0x3  }
0x1d9: {  	vm7 =	vgt.s32 v62, v31  }
0x1da: {  	v32 =	vnsel vm7, $0xCE6E6B28, v32  }
0x1db: {  	s13 =	ssub.s32 s22, s13;
	[tilespmem:$0x17F0] =	vst v32  }
0x1dc: {  	v32 =	vld [tilespmem:s13+$0xE30];
	_ =	sdelay $0x1  }
0x1dd: {  	s12 =	ssub.s32 s28, s22  }
0x1de: {  	v63 =	vmov s12  }
0x1df: {  	vm8 =	vgt.s32 v63, v0  }
0x1e0: {  	v32 =	vnsel vm8, $0xCE6E6B28, v32  }
0x1e1: {  	[tilespmem:$0x1200] =	vst v32  }
0x1e2: {  	v32 =	vld [tilespmem:s13+$0xE40];
	_ =	sdelay $0x3  }
0x1e3: {  	vm9 =	vgt.s32 v63, v1  }
0x1e4: {  	v32 =	vnsel vm9, $0xCE6E6B28, v32  }
0x1e5: {  	[tilespmem:$0x1210] =	vst v32  }
0x1e6: {  	v32 =	vld [tilespmem:s13+$0xE50];
	_ =	sdelay $0x3  }
0x1e7: {  	vm10 =	vgt.s32 v63, v2  }
0x1e8: {  	v32 =	vnsel vm10, $0xCE6E6B28, v32  }
0x1e9: {  	[tilespmem:$0x1220] =	vst v32  }
0x1ea: {  	v32 =	vld [tilespmem:s13+$0xE60];
	_ =	sdelay $0x3  }
0x1eb: {  	vm11 =	vgt.s32 v63, v3  }
0x1ec: {  	v32 =	vnsel vm11, $0xCE6E6B28, v32  }
0x1ed: {  	[tilespmem:$0x1230] =	vst v32  }
0x1ee: {  	v32 =	vld [tilespmem:s13+$0xE70];
	_ =	sdelay $0x3  }
0x1ef: {  	vm12 =	vgt.s32 v63, v4  }
0x1f0: {  	v32 =	vnsel vm12, $0xCE6E6B28, v32  }
0x1f1: {  	[tilespmem:$0x1240] =	vst v32  }
0x1f2: {  	v32 =	vld [tilespmem:s13+$0xE80];
	_ =	sdelay $0x3  }
0x1f3: {  	vm13 =	vgt.s32 v63, v5  }
0x1f4: {  	v32 =	vnsel vm13, $0xCE6E6B28, v32  }
0x1f5: {  	[tilespmem:$0x1250] =	vst v32  }
0x1f6: {  	v32 =	vld [tilespmem:s13+$0xE90];
	_ =	sdelay $0x3  }
0x1f7: {  	vm14 =	vgt.s32 v63, v6  }
0x1f8: {  	v32 =	vnsel vm14, $0xCE6E6B28, v32  }
0x1f9: {  	[tilespmem:$0x1260] =	vst v32  }
0x1fa: {  	v32 =	vld [tilespmem:s13+$0xEA0];
	_ =	sdelay $0x3  }
0x1fb: {  	vm15 =	vgt.s32 v63, v7  }
0x1fc: {  	v32 =	vnsel vm15, $0xCE6E6B28, v32  }
0x1fd: {  	[tilespmem:$0x1270] =	vst v32  }
0x1fe: {  	v32 =	vld [tilespmem:s13+$0xEB0];
	_ =	sdelay $0x3  }
0x1ff: {  	vm4 =	vgt.s32 v63, v8  }
0x200: {  	v32 =	vnsel vm4, $0xCE6E6B28, v32  }
0x201: {  	[tilespmem:$0x1400] =	vst v32  }
0x202: {  	v32 =	vld [tilespmem:s13+$0xEC0];
	_ =	sdelay $0x3  }
0x203: {  	vm5 =	vgt.s32 v63, v9  }
0x204: {  	v32 =	vnsel vm5, $0xCE6E6B28, v32  }
0x205: {  	[tilespmem:$0x1410] =	vst v32  }
0x206: {  	v32 =	vld [tilespmem:s13+$0xED0];
	_ =	sdelay $0x3  }
0x207: {  	vm6 =	vgt.s32 v63, v10  }
0x208: {  	v32 =	vnsel vm6, $0xCE6E6B28, v32  }
0x209: {  	[tilespmem:$0x1420] =	vst v32  }
0x20a: {  	v32 =	vld [tilespmem:s13+$0xEE0];
	_ =	sdelay $0x3  }
0x20b: {  	vm7 =	vgt.s32 v63, v11  }
0x20c: {  	v32 =	vnsel vm7, $0xCE6E6B28, v32  }
0x20d: {  	[tilespmem:$0x1430] =	vst v32  }
0x20e: {  	v32 =	vld [tilespmem:s13+$0xEF0];
	_ =	sdelay $0x3  }
0x20f: {  	vm8 =	vgt.s32 v63, v12  }
0x210: {  	v32 =	vnsel vm8, $0xCE6E6B28, v32  }
0x211: {  	[tilespmem:$0x1440] =	vst v32  }
0x212: {  	v32 =	vld [tilespmem:s13+$0xF00];
	_ =	sdelay $0x3  }
0x213: {  	vm9 =	vgt.s32 v63, v13  }
0x214: {  	v32 =	vnsel vm9, $0xCE6E6B28, v32  }
0x215: {  	[tilespmem:$0x1450] =	vst v32  }
0x216: {  	v32 =	vld [tilespmem:s13+$0xF10];
	_ =	sdelay $0x3  }
0x217: {  	vm10 =	vgt.s32 v63, v14  }
0x218: {  	v32 =	vnsel vm10, $0xCE6E6B28, v32  }
0x219: {  	[tilespmem:$0x1460] =	vst v32  }
0x21a: {  	v32 =	vld [tilespmem:s13+$0xF20];
	_ =	sdelay $0x3  }
0x21b: {  	vm11 =	vgt.s32 v63, v15  }
0x21c: {  	v32 =	vnsel vm11, $0xCE6E6B28, v32  }
0x21d: {  	[tilespmem:$0x1470] =	vst v32  }
0x21e: {  	v32 =	vld [tilespmem:s13+$0xF30];
	_ =	sdelay $0x3  }
0x21f: {  	vm12 =	vgt.s32 v63, v16  }
0x220: {  	v32 =	vnsel vm12, $0xCE6E6B28, v32  }
0x221: {  	[tilespmem:$0x1600] =	vst v32  }
0x222: {  	v32 =	vld [tilespmem:s13+$0xF40];
	_ =	sdelay $0x3  }
0x223: {  	vm13 =	vgt.s32 v63, v17  }
0x224: {  	v32 =	vnsel vm13, $0xCE6E6B28, v32  }
0x225: {  	[tilespmem:$0x1610] =	vst v32  }
0x226: {  	v32 =	vld [tilespmem:s13+$0xF50];
	_ =	sdelay $0x3  }
0x227: {  	vm14 =	vgt.s32 v63, v18  }
0x228: {  	v32 =	vnsel vm14, $0xCE6E6B28, v32  }
0x229: {  	[tilespmem:$0x1620] =	vst v32  }
0x22a: {  	v32 =	vld [tilespmem:s13+$0xF60];
	_ =	sdelay $0x3  }
0x22b: {  	vm15 =	vgt.s32 v63, v19  }
0x22c: {  	v32 =	vnsel vm15, $0xCE6E6B28, v32  }
0x22d: {  	[tilespmem:$0x1630] =	vst v32  }
0x22e: {  	v32 =	vld [tilespmem:s13+$0xF70];
	_ =	sdelay $0x3  }
0x22f: {  	vm4 =	vgt.s32 v63, v20  }
0x230: {  	v32 =	vnsel vm4, $0xCE6E6B28, v32  }
0x231: {  	[tilespmem:$0x1640] =	vst v32  }
0x232: {  	v32 =	vld [tilespmem:s13+$0xF80];
	_ =	sdelay $0x3  }
0x233: {  	vm5 =	vgt.s32 v63, v21  }
0x234: {  	v32 =	vnsel vm5, $0xCE6E6B28, v32  }
0x235: {  	[tilespmem:$0x1650] =	vst v32  }
0x236: {  	v32 =	vld [tilespmem:s13+$0xF90];
	_ =	sdelay $0x3  }
0x237: {  	vm6 =	vgt.s32 v63, v22  }
0x238: {  	v32 =	vnsel vm6, $0xCE6E6B28, v32  }
0x239: {  	[tilespmem:$0x1660] =	vst v32  }
0x23a: {  	v32 =	vld [tilespmem:s13+$0xFA0];
	_ =	sdelay $0x3  }
0x23b: {  	vm7 =	vgt.s32 v63, v23  }
0x23c: {  	v32 =	vnsel vm7, $0xCE6E6B28, v32  }
0x23d: {  	[tilespmem:$0x1670] =	vst v32  }
0x23e: {  	v32 =	vld [tilespmem:s13+$0xFB0];
	_ =	sdelay $0x3  }
0x23f: {  	vm8 =	vgt.s32 v63, v24  }
0x240: {  	v32 =	vnsel vm8, $0xCE6E6B28, v32  }
0x241: {  	[tilespmem:$0x1800] =	vst v32  }
0x242: {  	v32 =	vld [tilespmem:s13+$0xFC0];
	_ =	sdelay $0x3  }
0x243: {  	vm9 =	vgt.s32 v63, v25  }
0x244: {  	v32 =	vnsel vm9, $0xCE6E6B28, v32  }
0x245: {  	[tilespmem:$0x1810] =	vst v32  }
0x246: {  	v32 =	vld [tilespmem:s13+$0xFD0];
	_ =	sdelay $0x3  }
0x247: {  	vm10 =	vgt.s32 v63, v26  }
0x248: {  	v32 =	vnsel vm10, $0xCE6E6B28, v32  }
0x249: {  	[tilespmem:$0x1820] =	vst v32  }
0x24a: {  	v32 =	vld [tilespmem:s13+$0xFE0];
	_ =	sdelay $0x3  }
0x24b: {  	vm11 =	vgt.s32 v63, v27  }
0x24c: {  	v32 =	vnsel vm11, $0xCE6E6B28, v32  }
0x24d: {  	[tilespmem:$0x1830] =	vst v32  }
0x24e: {  	v32 =	vld [tilespmem:s13+$0xFF0];
	_ =	sdelay $0x3  }
0x24f: {  	vm12 =	vgt.s32 v63, v28  }
0x250: {  	v32 =	vnsel vm12, $0xCE6E6B28, v32  }
0x251: {  	[tilespmem:$0x1840] =	vst v32  }
0x252: {  	v32 =	vld [tilespmem:s13+$0x1000];
	_ =	sdelay $0x3  }
0x253: {  	vm13 =	vgt.s32 v63, v29  }
0x254: {  	v32 =	vnsel vm13, $0xCE6E6B28, v32  }
0x255: {  	[tilespmem:$0x1850] =	vst v32  }
0x256: {  	v32 =	vld [tilespmem:s13+$0x1010];
	_ =	sdelay $0x3  }
0x257: {  	vm14 =	vgt.s32 v63, v30  }
0x258: {  	v32 =	vnsel vm14, $0xCE6E6B28, v32  }
0x259: {  	[tilespmem:$0x1860] =	vst v32  }
0x25a: {  	v32 =	vld [tilespmem:s13+$0x1020];
	_ =	sdelay $0x2  }
0x25b: {  	s29 =	rddreg [dreg:$0x8]  }
0x25c: {  	s30 =	rddreg [dreg:$0x9];
	vm15 =	vgt.s32 v63, v31  }
0x25d: {  	s31 =	rddreg [dreg:$0xa];
	v32 =	vnsel vm15, $0xCE6E6B28, v32  }
0x25e: {  	s14 =	rddreg [dreg:$0xc];
	[tilespmem:$0x1870] =	vst v32  }
0x25f: {  	[hbm4b:s3+s2] =	stream.linear.scatter [tilespmem:s29], [sflag:$0x2], $0x80, $0x38;
	[tilespmem:$0x1880] =	vst v63  }
0x260: {  	s15 =	rddreg [dreg:$0xd]  }
0x261: {  	[hbm4b:s30+s2] =	stream.linear.scatter [tilespmem:s31], [sflag:$0x2], $0x80, $0x38;
	[tilespmem:$0x1880] =	vst v63  }
0x262: {  	s13 =	rddreg [dreg:$0xb]  }
0x263: {  	[hbm4b:s13+s2] =	stream.linear.scatter [tilespmem:s14], [sflag:$0x2], $0x80, $0x38;
	[tilespmem:$0x1880] =	vst v63  }
0x264: {  	s16 =	rddreg [dreg:$0xe]  }
0x265: {  	[hbm4b:s15+s2] =	stream.linear.scatter [tilespmem:s16], [sflag:$0x2], $0x80, $0x38;
	[tilespmem:$0x1880] =	vst v63  }
0x266: {  	_ =	swait.ge [sflag:s10], $0x200  }
0x267: {  	s17 =	rddreg [dreg:$0xf];
	[sflag:s10] =	ssyncset.done $0x0  }
0x268: {  	s18 =	rddreg [dreg:$0x10];
	[sflag:s10] =	ssyncadd.s32 $0xFFFFFE00  }
0x269: {  	[hbm4b:s5+s2] =	stream.linear.scatter [tilespmem:s17], [sflag:$0x2], $0x80, $0x38;
	[tilespmem:$0x1880] =	vst v63  }
0x26a: {  	s19 =	rddreg [dreg:$0x11]  }
0x26b: {  	[hbm4b:s18+s2] =	stream.linear.scatter [tilespmem:s19], [sflag:$0x2], $0x80, $0x38;
	[tilespmem:$0x1880] =	vst v63  }
0x26c: {  	s21 =	sadd.s32 $0x20, s5;
	s20 =	rddreg [dreg:$0x12]  }
0x26d: {  	[hbm4b:s21+s2] =	stream.linear.scatter [tilespmem:s20], [sflag:$0x2], $0x80, $0x38;
	[tilespmem:$0x1880] =	vst v63  }
0x26e: {  	s23 =	sadd.s32 $0x30, s5;
	s22 =	rddreg [dreg:$0x13]  }
0x26f: {  	[hbm4b:s23+s2] =	stream.linear.scatter [tilespmem:s22], [sflag:$0x2], $0x80, $0x38;
	[tilespmem:$0x1880] =	vst v63  }
0x270: {  	_ =	swait.ge [sflag:s10], $0x200  }
0x271: {  	[sflag:s10] =	ssyncset.done $0x0  }
0x272: {  	s24 =	rddreg [dreg:$0x14];
	[sflag:s10] =	ssyncadd.s32 $0xFFFFFE00  }
0x273: {  	[hbm4b:s7+s2] =	stream.linear.scatter [tilespmem:s24], [sflag:$0x2], $0x80, $0x38;
	[tilespmem:$0x1880] =	vst v63  }
0x274: {  	s26 =	sadd.s32 $0x10, s7;
	s25 =	rddreg [dreg:$0x15]  }
0x275: {  	[hbm4b:s26+s2] =	stream.linear.scatter [tilespmem:s25], [sflag:$0x2], $0x80, $0x38;
	[tilespmem:$0x1880] =	vst v63  }
0x276: {  	s29 =	sadd.s32 $0x20, s7;
	s28 =	rddreg [dreg:$0x16]  }
0x277: {  	[hbm4b:s29+s2] =	stream.linear.scatter [tilespmem:s28], [sflag:$0x2], $0x80, $0x38;
	[tilespmem:$0x1880] =	vst v63  }
0x278: {  	s31 =	sadd.s32 $0x30, s7;
	s30 =	rddreg [dreg:$0x17]  }
0x279: {  	[hbm4b:s31+s2] =	stream.linear.scatter [tilespmem:s30], [sflag:$0x2], $0x80, $0x38;
	[tilespmem:$0x1880] =	vst v63  }
0x27a: {  	_ =	swait.ge [sflag:s10], $0x200  }
0x27b: {  	[sflag:s10] =	ssyncset.done $0x0  }
0x27c: {  	s12 =	simm.s32 @!p0 $0x0;
	s13 =	simm.s32 @!p0 $0x1200;
	[sflag:s10] =	ssyncadd.s32 $0xFFFFFE00  }
0x27d: {  	[hbm4b:s8+s12] =	stream.linear.scatter @!p0 [tilespmem:s13], [sflag:$0x2], $0x80, $0x38;
	[tilespmem:$0x1880] =	vst v63  }
0x27e: {  	s14 =	simm.s32 @!p0 $0x1400;
	s13 =	sadd.s32 @!p0 $0x10, s8  }
0x27f: {  	[hbm4b:s13+s12] =	stream.linear.scatter @!p0 [tilespmem:s14], [sflag:$0x2], $0x80, $0x38;
	[tilespmem:$0x1880] =	vst v63  }
0x280: {  	s9 =	sadd.s32 $0xFFFFFFFF, s9;
	s13 =	sadd.s32 @!p0 $0x20, s8;
	s14 =	simm.s32 @!p0 $0x1600  }
0x281: {  	[hbm4b:s13+s12] =	stream.linear.scatter @!p0 [tilespmem:s14], [sflag:$0x2], $0x80, $0x38;
	[tilespmem:$0x1880] =	vst v63  }
0x282: {  	p1 =	sne.s32 s9, $0x0;
	s13 =	sadd.s32 @!p0 $0x30, s8;
	s14 =	simm.s32 @!p0 $0x1800  }
0x283: {  	[hbm4b:s13+s12] =	stream.linear.scatter @!p0 [tilespmem:s14], [sflag:$0x2], $0x80, $0x38;
	[tilespmem:$0x1880] =	vst v63  }
.Ltmp0:
0x284: {  	_ = 	snop;
	(pc) =	sbr.rel @p1 .LBB2_1-.Ltmp0, $4  }
0x285: {  	s12 =	simm.s32 @!p0 $0x2  }
0x286: {  	_ =	swait.ge @!p0 [sflag:s12], $0x200  }
0x287: {  	[sflag:s12] =	ssyncset.done @!p0 $0x0  }
0x288: {  	[sflag:s12] =	ssyncadd.s32 @!p0 $0xFFFFFE00  }
0x289: {  	_ =	sfence.sel $0x180000  }
0x28a: {  	[bflag:$0x0] =	sbarrier.arrive $0xFFFF  }
0x28b: {  	p0 =	sne.s32 s0, $0x0;
	_ =	strace $0x90000047  }
0x28c: {  	s0 =	sadd.s32 @!p0 $0x100000, s1;
	[bflag:$0x2] =	sbarrier.arrive $0xFFFF  }
0x28d: {  	[sflag:s0] =	ssyncadd.tile.s32 @!p0 $0x1;
	_ =	shalt  }
.Lfunc_end2:
_tile_overlayer_lowered:
.L_overlay_start_2:
0x28e: {  	(tag) =	ssettag $0x2  }
0x28f: {  	s0 =	rddreg [dreg:$0x0];
	s2 =	stileid.u32  }
0x290: {  	s1 =	rddreg [dreg:$0x1];
	p0 =	sne.s32 s2, $0x0  }
0x291: {  	s3 =	rddreg [dreg:$0x2];
	[bflag:$0x3] =	sbarrier.arrive $0xFFFF;
	s2 =	simm.s32 @!p0 $0x1C02  }
0x292: {  	[timem:s3], [sflag:s2] =	dma.local @!p0 [hbm:s0], s1  }
0x293: {  	s0 =	simm.s32 @!p0 $0x2  }
0x294: {  	_ =	swait.ge @!p0 [sflag:s0], s1  }
0x295: {  	s1 =	ssub.s32 @!p0 $0x0, s1;
	[sflag:s0] =	ssyncset.done @!p0 $0x0  }
0x296: {  	[sflag:s0] =	ssyncadd.s32 @!p0 s1  }
0x297: {  	[bflag:$0x3] =	sbarrier.arrive $0xFFFF  }
0x298: {  	_ =	shalt  }

</sc_bundles>
